<compile_context>
chip_gen: v7x
topology: tpu7x:2x2x1
jax: 0.10.2.dev20260603
libtpu: 0.0.44.dev20260713+nightly
codegen_flags: <defaults>
</compile_context>

<pallas_src>
import functools
import math

import jax
import jax.numpy as jnp
from jax import lax
from jax.experimental import pallas as pl
from jax.experimental.pallas import tpu as pltpu
from jax.experimental.pallas import tpu_sc as plsc

D_MODEL = 1024
BATCH = 4
SEQ_LEN = 2048
N_ROWS = BATCH * SEQ_LEN
SCALE = math.sqrt(D_MODEL)
LANES = 16

NUM_CORES = 2
NUM_SUBCORES = 16
NUM_WORKERS = NUM_CORES * NUM_SUBCORES
SPW = SEQ_LEN // NUM_WORKERS
CS = 8
CROWS = CS * BATCH
NCHUNKS = SPW // CS
RPW = SPW * BATCH
UNROLL = 8


def _sc_embed(table, idx1d, pe2d):
    mesh = plsc.VectorSubcoreMesh(core_axis_name="core", subcore_axis_name="subcore")

    @functools.partial(
        pl.kernel,
        out_type=jax.ShapeDtypeStruct((N_ROWS, D_MODEL), jnp.float32),
        mesh=mesh,
        scratch_types=[
            pltpu.VMEM((RPW,), jnp.int32),
            pltpu.VMEM((CROWS, D_MODEL), jnp.float32),
            pltpu.VMEM((CROWS, D_MODEL), jnp.float32),
            pltpu.VMEM((CROWS, D_MODEL), jnp.float32),
            pltpu.VMEM((CS, D_MODEL), jnp.float32),
            pltpu.VMEM((CS, D_MODEL), jnp.float32),
            pltpu.VMEM((CS, D_MODEL), jnp.float32),
            pltpu.SemaphoreType.DMA((3,)),
            pltpu.SemaphoreType.DMA((3,)),
            pltpu.SemaphoreType.DMA((3,)),
        ],
    )
    def kern(table_hbm, idx_hbm, pe_hbm, out_hbm,
             idx_v, rows0, rows1, rows2, pe0, pe1, pe2, gsem, psem, ssem):
        wid = lax.axis_index("core") * NUM_SUBCORES + lax.axis_index("subcore")
        base = wid * RPW
        s_lo = wid * SPW
        pltpu.sync_copy(idx_hbm.at[pl.ds(base, RPW)], idx_v)

        rows = (rows0, rows1, rows2)
        pes = (pe0, pe1, pe2)

        def issue(k):
            b = k % 3
            g = pltpu.async_copy(
                table_hbm.at[idx_v.at[pl.ds(k * CROWS, CROWS)]], rows[b],
                gsem.at[b])
            p = pltpu.async_copy(
                pe_hbm.at[pl.ds(s_lo + k * CS, CS)], pes[b], psem.at[b])
            return g, p

        def compute(rbuf, pbuf):
            @pl.loop(0, CS)
            def _row(t):
                @plsc.parallel_loop(0, D_MODEL, step=LANES, unroll=UNROLL)
                def _col(c):
                    sl = pl.ds(c, LANES)
                    pv = pbuf[t, sl]
                    for bb in range(BATCH):
                        r = bb * CS + t
                        rbuf[r, sl] = rbuf[r, sl] * SCALE + pv

        in_flight = {0: issue(0), 1: issue(1)}
        stores = {}
        for k in range(NCHUNKS):
            b = k % 3
            g, p = in_flight.pop(k)
            g.wait()
            p.wait()
            compute(rows[b], pes[b])
            stores[k] = [
                pltpu.async_copy(
                    rows[b].at[pl.ds(bb * CS, CS)],
                    out_hbm.at[pl.ds(bb * SEQ_LEN + s_lo + k * CS, CS)],
                    ssem.at[b])
                for bb in range(BATCH)
            ]
            if k + 2 < NCHUNKS:
                if k >= 1:
                    for h in stores[k - 1]:
                        h.wait()
                in_flight[k + 2] = issue(k + 2)
        for k in (NCHUNKS - 2, NCHUNKS - 1):
            for h in stores[k]:
                h.wait()

    return kern(table, idx1d, pe2d)


def kernel(encoded_words, embed_table, pe):
    idx1d = (encoded_words.astype(jnp.int32)
             .reshape(BATCH, NUM_WORKERS, NCHUNKS, CS)
             .transpose(1, 2, 0, 3)
             .reshape(N_ROWS))
    pe2d = pe.reshape(SEQ_LEN, D_MODEL)
    out = _sc_embed(embed_table, idx1d, pe2d)
    return out.reshape(BATCH, SEQ_LEN, D_MODEL)

# --- scband reference (transcript-rebuilt; emitter-appended) ---
"""Pipeline reference for scband-embeddings-9045201125398 (READ-ONLY COPY).

The authoritative reference and input builder live on the scoring server;
editing this copy changes nothing except your own understanding.
"""

import jax, jax.numpy as jnp
import numpy as np
import math

VOCAB_SIZE = 50000
D_MODEL = 1024
MAX_LEN = 2048
BATCH = 4
SEQ_LEN = 2048


def _make_pe(max_len, d_model):
    # Faithful vectorization of the original double loop:
    #   pe[pos, i]   = sin(pos / 10000 ** (i / d_model))        for even i
    #   pe[pos, i+1] = cos(pos / 10000 ** ((i + 1) / d_model))
    pos = np.arange(max_len, dtype=np.float64)[:, None]
    i_even = np.arange(0, d_model, 2, dtype=np.float64)[None, :]
    pe = np.zeros((max_len, d_model), dtype=np.float32)
    pe[:, 0::2] = np.sin(pos / np.power(10000.0, i_even / d_model)).astype(np.float32)
    pe[:, 1::2] = np.cos(pos / np.power(10000.0, (i_even + 1.0) / d_model)).astype(np.float32)
    return jnp.asarray(pe)[None, :, :]  # [1, max_len, d_model]


def setup_inputs(seed: int = 0) -> dict:
    key = jax.random.key(seed)
    k1, k2 = jax.random.split(key)
    encoded_words = jax.random.randint(k1, (BATCH, SEQ_LEN), 0, VOCAB_SIZE)
    embed_table = jax.random.normal(k2, (VOCAB_SIZE, D_MODEL), dtype=jnp.float32)
    pe = _make_pe(MAX_LEN, D_MODEL)
    return {"encoded_words": encoded_words, "embed_table": embed_table, "pe": pe}


def reference(encoded_words, embed_table, pe):
    # embedding = self.embed(encoded_words) * sqrt(d_model)
    embedding = jnp.take(embed_table, encoded_words, axis=0) * jnp.float32(math.sqrt(D_MODEL))
    # embedding += self.pe[:, :embedding.size(1)]
    embedding = embedding + pe[:, : embedding.shape[1]]
    return embedding

if __name__ == "__main__":
    import jax
    _d = setup_inputs()
    print(jax.jit(kernel)(*tuple(_d.values())))

</pallas_src>

<mosaic_0001>
#map = affine_map<(d0, d1) -> (0, 0)>
#map1 = affine_map<(d0, d1) -> (0)>
module attributes {stable_mosaic.version = 14 : i64} {
  func.func @kern(%arg0: i32, %arg1: i32, %arg2: memref<50000x1024xf32, #tpu.memory_space<hbm>>, %arg3: memref<8192xi32, #tpu.memory_space<hbm>>, %arg4: memref<2048x1024xf32, #tpu.memory_space<hbm>>, %arg5: memref<8192x1024xf32, #tpu.memory_space<hbm>>, %arg6: memref<256xi32, #tpu.memory_space<vmem>>, %arg7: memref<32x1024xf32, #tpu.memory_space<vmem>>, %arg8: memref<32x1024xf32, #tpu.memory_space<vmem>>, %arg9: memref<32x1024xf32, #tpu.memory_space<vmem>>, %arg10: memref<8x1024xf32, #tpu.memory_space<vmem>>, %arg11: memref<8x1024xf32, #tpu.memory_space<vmem>>, %arg12: memref<8x1024xf32, #tpu.memory_space<vmem>>, %arg13: memref<3x!tpu.dma_semaphore, #tpu.memory_space<semaphore_mem>>, %arg14: memref<3x!tpu.dma_semaphore, #tpu.memory_space<semaphore_mem>>, %arg15: memref<3x!tpu.dma_semaphore, #tpu.memory_space<semaphore_mem>>) attributes {dimension_semantics = [#tpu.dimension_semantics<core_parallel>, #tpu.dimension_semantics<subcore_parallel>], iteration_bounds = array<i64: 2, 16>, scalar_prefetch = 0 : i64, scratch_operands = 10 : i64, tpu.core_type = #tpu.core_type<sc_vector_subcore>, window_params = [{transform_indices = #map}, {transform_indices = #map1}, {transform_indices = #map}, {transform_indices = #map}]} {
    %mul3A = arith.constant 16 : i32
    %mul3A_0 = arith.muli %arg0, %mul3A : i32
    %add3A = arith.addi %mul3A_0, %arg1 : i32
    %mul3A_1 = arith.constant 256 : i32
    %mul3A_2 = arith.muli %add3A, %mul3A_1 : i32
    %mul3A_3 = arith.constant 64 : i32
    %mul3A_4 = arith.muli %add3A, %mul3A_3 : i32
    "tpu.region"() ({
      %run_scoped3A = tpu.sem_alloc : memref<!tpu.dma_semaphore, #tpu.memory_space<semaphore_mem>>
      %dma_start3A_1206 = tpu.memref_slice %arg3[%mul3A_2] : memref<8192xi32, #tpu.memory_space<hbm>> -> memref<256xi32, #tpu.memory_space<hbm>>
      %dma_start3A_1207 = tpu.memref_slice %arg3[%mul3A_2] : memref<8192xi32, #tpu.memory_space<hbm>> -> memref<256xi32, #tpu.memory_space<hbm>>
      tpu.enqueue_dma source(%dma_start3A_1207 : memref<256xi32, #tpu.memory_space<hbm>>) target(%arg6 : memref<256xi32, #tpu.memory_space<vmem>>) target_semaphore(%run_scoped3A : memref<!tpu.dma_semaphore, #tpu.memory_space<semaphore_mem>>)
      %dma_wait3A_1208 = tpu.memref_slice %arg3[%mul3A_2] : memref<8192xi32, #tpu.memory_space<hbm>> -> memref<256xi32, #tpu.memory_space<hbm>>
      %dma_wait3A_1209 = tpu.memref_slice %arg3[%mul3A_2] : memref<8192xi32, #tpu.memory_space<hbm>> -> memref<256xi32, #tpu.memory_space<hbm>>
      tpu.wait_dma2 semaphore(%run_scoped3A : memref<!tpu.dma_semaphore, #tpu.memory_space<semaphore_mem>>) src(%dma_wait3A_1209 : memref<256xi32, #tpu.memory_space<hbm>>) dst(%arg6 : memref<256xi32, #tpu.memory_space<vmem>>)
      tpu.yield
    }) : () -> ()
    %dma_start3A = arith.constant 0 : i32
    %dma_start3A_5 = arith.constant 0 : i32
    %dma_start3A_6 = tpu.memref_slice %arg6[%dma_start3A_5] : memref<256xi32, #tpu.memory_space<vmem>> -> memref<32xi32, #tpu.memory_space<vmem>>
    %dma_start3A_7 = arith.constant 0 : i32
    %dma_start3A_8 = arith.constant 0 : i32
    %dma_start3A_9 = tpu.memref_slice %arg2[%dma_start3A_7, %dma_start3A_8] : memref<50000x1024xf32, #tpu.memory_space<hbm>> -> memref<50000x1024xf32, #tpu.memory_space<hbm>>
    %dma_start3A_10 = tpu.memref_slice %arg13[%dma_start3A] : memref<3x!tpu.dma_semaphore, #tpu.memory_space<semaphore_mem>> -> memref<1x!tpu.dma_semaphore, #tpu.memory_space<semaphore_mem>>
    %dma_start3A_11 = tpu.memref_squeeze %dma_start3A_10 : memref<1x!tpu.dma_semaphore, #tpu.memory_space<semaphore_mem>> -> memref<!tpu.dma_semaphore, #tpu.memory_space<semaphore_mem>>
    tpu.enqueue_indirect_dma source(%dma_start3A_9 : memref<50000x1024xf32, #tpu.memory_space<hbm>>) target(%arg7 : memref<32x1024xf32, #tpu.memory_space<vmem>>) offsets(%dma_start3A_6 : memref<32xi32, #tpu.memory_space<vmem>>) semaphore(%dma_start3A_11 : memref<!tpu.dma_semaphore, #tpu.memory_space<semaphore_mem>>)
    %add3A_12 = arith.constant 0 : i32
    %add3A_13 = arith.addi %mul3A_4, %add3A_12 : i32
    %dma_start3A_14 = arith.constant 0 : i32
    %dma_start3A_15 = arith.constant 0 : i32
    %dma_start3A_16 = tpu.memref_slice %arg4[%add3A_13, %dma_start3A_15] : memref<2048x1024xf32, #tpu.memory_space<hbm>> -> memref<8x1024xf32, #tpu.memory_space<hbm>>
    %dma_start3A_17 = tpu.memref_slice %arg14[%dma_start3A_14] : memref<3x!tpu.dma_semaphore, #tpu.memory_space<semaphore_mem>> -> memref<1x!tpu.dma_semaphore, #tpu.memory_space<semaphore_mem>>
    %dma_start3A_18 = tpu.memref_squeeze %dma_start3A_17 : memref<1x!tpu.dma_semaphore, #tpu.memory_space<semaphore_mem>> -> memref<!tpu.dma_semaphore, #tpu.memory_space<semaphore_mem>>
    %dma_start3A_19 = arith.constant 0 : i32
    %dma_start3A_20 = tpu.memref_slice %arg4[%add3A_13, %dma_start3A_19] : memref<2048x1024xf32, #tpu.memory_space<hbm>> -> memref<8x1024xf32, #tpu.memory_space<hbm>>
    tpu.enqueue_dma source(%dma_start3A_20 : memref<8x1024xf32, #tpu.memory_space<hbm>>) target(%arg10 : memref<8x1024xf32, #tpu.memory_space<vmem>>) target_semaphore(%dma_start3A_18 : memref<!tpu.dma_semaphore, #tpu.memory_space<semaphore_mem>>)
    %dma_start3A_21 = arith.constant 1 : i32
    %dma_start3A_22 = arith.constant 32 : i32
    %dma_start3A_23 = tpu.memref_slice %arg6[%dma_start3A_22] : memref<256xi32, #tpu.memory_space<vmem>> -> memref<32xi32, #tpu.memory_space<vmem>>
    %dma_start3A_24 = arith.constant 0 : i32
    %dma_start3A_25 = arith.constant 0 : i32
    %dma_start3A_26 = tpu.memref_slice %arg2[%dma_start3A_24, %dma_start3A_25] : memref<50000x1024xf32, #tpu.memory_space<hbm>> -> memref<50000x1024xf32, #tpu.memory_space<hbm>>
    %dma_start3A_27 = tpu.memref_slice %arg13[%dma_start3A_21] : memref<3x!tpu.dma_semaphore, #tpu.memory_space<semaphore_mem>> -> memref<1x!tpu.dma_semaphore, #tpu.memory_space<semaphore_mem>>
    %dma_start3A_28 = tpu.memref_squeeze %dma_start3A_27 : memref<1x!tpu.dma_semaphore, #tpu.memory_space<semaphore_mem>> -> memref<!tpu.dma_semaphore, #tpu.memory_space<semaphore_mem>>
    tpu.enqueue_indirect_dma source(%dma_start3A_26 : memref<50000x1024xf32, #tpu.memory_space<hbm>>) target(%arg8 : memref<32x1024xf32, #tpu.memory_space<vmem>>) offsets(%dma_start3A_23 : memref<32xi32, #tpu.memory_space<vmem>>) semaphore(%dma_start3A_28 : memref<!tpu.dma_semaphore, #tpu.memory_space<semaphore_mem>>)
    %add3A_29 = arith.constant 8 : i32
    %add3A_30 = arith.addi %mul3A_4, %add3A_29 : i32
    %dma_start3A_31 = arith.constant 1 : i32
    %dma_start3A_32 = arith.constant 0 : i32
    %dma_start3A_33 = tpu.memref_slice %arg4[%add3A_30, %dma_start3A_32] : memref<2048x1024xf32, #tpu.memory_space<hbm>> -> memref<8x1024xf32, #tpu.memory_space<hbm>>
    %dma_start3A_34 = tpu.memref_slice %arg14[%dma_start3A_31] : memref<3x!tpu.dma_semaphore, #tpu.memory_space<semaphore_mem>> -> memref<1x!tpu.dma_semaphore, #tpu.memory_space<semaphore_mem>>
    %dma_start3A_35 = tpu.memref_squeeze %dma_start3A_34 : memref<1x!tpu.dma_semaphore, #tpu.memory_space<semaphore_mem>> -> memref<!tpu.dma_semaphore, #tpu.memory_space<semaphore_mem>>
    %dma_start3A_36 = arith.constant 0 : i32
    %dma_start3A_37 = tpu.memref_slice %arg4[%add3A_30, %dma_start3A_36] : memref<2048x1024xf32, #tpu.memory_space<hbm>> -> memref<8x1024xf32, #tpu.memory_space<hbm>>
    tpu.enqueue_dma source(%dma_start3A_37 : memref<8x1024xf32, #tpu.memory_space<hbm>>) target(%arg11 : memref<8x1024xf32, #tpu.memory_space<vmem>>) target_semaphore(%dma_start3A_35 : memref<!tpu.dma_semaphore, #tpu.memory_space<semaphore_mem>>)
    %dma_wait3A = arith.constant 0 : i32
    %dma_wait3A_38 = arith.constant 0 : i32
    %dma_wait3A_39 = tpu.memref_slice %arg6[%dma_wait3A_38] : memref<256xi32, #tpu.memory_space<vmem>> -> memref<32xi32, #tpu.memory_space<vmem>>
    %dma_wait3A_40 = arith.constant 0 : i32
    %dma_wait3A_41 = arith.constant 0 : i32
    %dma_wait3A_42 = tpu.memref_slice %arg2[%dma_wait3A_40, %dma_wait3A_41] : memref<50000x1024xf32, #tpu.memory_space<hbm>> -> memref<50000x1024xf32, #tpu.memory_space<hbm>>
    %dma_wait3A_43 = tpu.memref_slice %arg13[%dma_wait3A] : memref<3x!tpu.dma_semaphore, #tpu.memory_space<semaphore_mem>> -> memref<1x!tpu.dma_semaphore, #tpu.memory_space<semaphore_mem>>
    %dma_wait3A_44 = tpu.memref_squeeze %dma_wait3A_43 : memref<1x!tpu.dma_semaphore, #tpu.memory_space<semaphore_mem>> -> memref<!tpu.dma_semaphore, #tpu.memory_space<semaphore_mem>>
    tpu.wait_indirect_dma semaphore(%dma_wait3A_44 : memref<!tpu.dma_semaphore, #tpu.memory_space<semaphore_mem>>) src(%dma_wait3A_42 : memref<50000x1024xf32, #tpu.memory_space<hbm>>) dst(%arg7 : memref<32x1024xf32, #tpu.memory_space<vmem>>)
    %dma_wait3A_45 = arith.constant 0 : i32
    %dma_wait3A_46 = arith.constant 0 : i32
    %dma_wait3A_47 = tpu.memref_slice %arg4[%add3A_13, %dma_wait3A_46] : memref<2048x1024xf32, #tpu.memory_space<hbm>> -> memref<8x1024xf32, #tpu.memory_space<hbm>>
    %dma_wait3A_48 = tpu.memref_slice %arg14[%dma_wait3A_45] : memref<3x!tpu.dma_semaphore, #tpu.memory_space<semaphore_mem>> -> memref<1x!tpu.dma_semaphore, #tpu.memory_space<semaphore_mem>>
    %dma_wait3A_49 = tpu.memref_squeeze %dma_wait3A_48 : memref<1x!tpu.dma_semaphore, #tpu.memory_space<semaphore_mem>> -> memref<!tpu.dma_semaphore, #tpu.memory_space<semaphore_mem>>
    %dma_wait3A_50 = arith.constant 0 : i32
    %dma_wait3A_51 = tpu.memref_slice %arg4[%add3A_13, %dma_wait3A_50] : memref<2048x1024xf32, #tpu.memory_space<hbm>> -> memref<8x1024xf32, #tpu.memory_space<hbm>>
    tpu.wait_dma2 semaphore(%dma_wait3A_49 : memref<!tpu.dma_semaphore, #tpu.memory_space<semaphore_mem>>) src(%dma_wait3A_51 : memref<8x1024xf32, #tpu.memory_space<hbm>>) dst(%arg10 : memref<8x1024xf32, #tpu.memory_space<vmem>>)
    %scan3A = arith.constant 0 : i32
    %scan3A_52 = arith.constant 8 : i32
    %scan3A_53 = arith.addi %scan3A, %scan3A_52 : i32
    %scan3A_54 = arith.constant 1 : i32
    scf.for %scan3A_1206 = %scan3A to %scan3A_53 step %scan3A_54  : i32 {
      %mul3A_1207 = arith.constant 1 : i32
      %mul3A_1208 = arith.muli %scan3A_1206, %mul3A_1207 : i32
      %add3A_1209 = arith.constant 0 : i32
      %add3A_1210 = arith.addi %add3A_1209, %mul3A_1208 : i32
      %parallel_loop3A = arith.constant 0 : i32
      %parallel_loop3A_1211 = arith.constant 1024 : i32
      %parallel_loop3A_1212 = arith.constant 16 : i32
      scf.for %parallel_loop3A_1213 = %parallel_loop3A to %parallel_loop3A_1211 step %parallel_loop3A_1212  : i32 {
        %parallel_loop3A_1214 = arith.index_cast %add3A_1210 : i32 to index
        %parallel_loop3A_1215 = arith.index_cast %parallel_loop3A_1213 : i32 to index
        %parallel_loop3A_1216 = tpu.vector_load %arg10[%parallel_loop3A_1214, %parallel_loop3A_1215] {strides = array<i32>} : memref<8x1024xf32, #tpu.memory_space<vmem>>, vector<1x16xf32>,
        %parallel_loop3A_1217 = vector.shape_cast %parallel_loop3A_1216 : vector<1x16xf32> to vector<16xf32>
        %parallel_loop3A_1218 = arith.constant 0 : i32
        %parallel_loop3A_1219 = arith.addi %parallel_loop3A_1218, %add3A_1210 : i32
        %parallel_loop3A_1220 = arith.index_cast %parallel_loop3A_1219 : i32 to index
        %parallel_loop3A_1221 = arith.index_cast %parallel_loop3A_1213 : i32 to index
        %parallel_loop3A_1222 = tpu.vector_load %arg7[%parallel_loop3A_1220, %parallel_loop3A_1221] {strides = array<i32>} : memref<32x1024xf32, #tpu.memory_space<vmem>>, vector<1x16xf32>,
        %parallel_loop3A_1223 = vector.shape_cast %parallel_loop3A_1222 : vector<1x16xf32> to vector<16xf32>
        %parallel_loop3A_1224 = arith.constant 3.200000e+01 : f32
        %parallel_loop3A_1225 = vector.broadcast %parallel_loop3A_1224 : f32 to vector<16xf32>
        %parallel_loop3A_1226 = arith.mulf %parallel_loop3A_1223, %parallel_loop3A_1225 : vector<16xf32>
        %parallel_loop3A_1227 = arith.addf %parallel_loop3A_1226, %parallel_loop3A_1217 : vector<16xf32>
        %parallel_loop3A_1228 = arith.index_cast %parallel_loop3A_1219 : i32 to index
        %parallel_loop3A_1229 = arith.index_cast %parallel_loop3A_1213 : i32 to index
        %parallel_loop3A_1230 = tpu.vector_load %arg7[%parallel_loop3A_1228, %parallel_loop3A_1229] {strides = array<i32>} : memref<32x1024xf32, #tpu.memory_space<vmem>>, vector<1x16xf32>,
        %parallel_loop3A_1231 = vector.shape_cast %parallel_loop3A_1230 : vector<1x16xf32> to vector<16xf32>
        %parallel_loop3A_1232 = vector.shape_cast %parallel_loop3A_1227 : vector<16xf32> to vector<1x16xf32>
        tpu.vector_store %arg7[%parallel_loop3A_1228, %parallel_loop3A_1229], %parallel_loop3A_1232 {strides = array<i32>} : memref<32x1024xf32, #tpu.memory_space<vmem>>, vector<1x16xf32>,
        %parallel_loop3A_1233 = arith.constant 8 : i32
        %parallel_loop3A_1234 = arith.addi %parallel_loop3A_1233, %add3A_1210 : i32
        %parallel_loop3A_1235 = arith.index_cast %parallel_loop3A_1234 : i32 to index
        %parallel_loop3A_1236 = arith.index_cast %parallel_loop3A_1213 : i32 to index
        %parallel_loop3A_1237 = tpu.vector_load %arg7[%parallel_loop3A_1235, %parallel_loop3A_1236] {strides = array<i32>} : memref<32x1024xf32, #tpu.memory_space<vmem>>, vector<1x16xf32>,
        %parallel_loop3A_1238 = vector.shape_cast %parallel_loop3A_1237 : vector<1x16xf32> to vector<16xf32>
        %parallel_loop3A_1239 = arith.constant 3.200000e+01 : f32
        %parallel_loop3A_1240 = vector.broadcast %parallel_loop3A_1239 : f32 to vector<16xf32>
        %parallel_loop3A_1241 = arith.mulf %parallel_loop3A_1238, %parallel_loop3A_1240 : vector<16xf32>
        %parallel_loop3A_1242 = arith.addf %parallel_loop3A_1241, %parallel_loop3A_1217 : vector<16xf32>
        %parallel_loop3A_1243 = arith.index_cast %parallel_loop3A_1234 : i32 to index
        %parallel_loop3A_1244 = arith.index_cast %parallel_loop3A_1213 : i32 to index
        %parallel_loop3A_1245 = tpu.vector_load %arg7[%parallel_loop3A_1243, %parallel_loop3A_1244] {strides = array<i32>} : memref<32x1024xf32, #tpu.memory_space<vmem>>, vector<1x16xf32>,
        %parallel_loop3A_1246 = vector.shape_cast %parallel_loop3A_1245 : vector<1x16xf32> to vector<16xf32>
        %parallel_loop3A_1247 = vector.shape_cast %parallel_loop3A_1242 : vector<16xf32> to vector<1x16xf32>
        tpu.vector_store %arg7[%parallel_loop3A_1243, %parallel_loop3A_1244], %parallel_loop3A_1247 {strides = array<i32>} : memref<32x1024xf32, #tpu.memory_space<vmem>>, vector<1x16xf32>,
        %parallel_loop3A_1248 = arith.constant 16 : i32
        %parallel_loop3A_1249 = arith.addi %parallel_loop3A_1248, %add3A_1210 : i32
        %parallel_loop3A_1250 = arith.index_cast %parallel_loop3A_1249 : i32 to index
        %parallel_loop3A_1251 = arith.index_cast %parallel_loop3A_1213 : i32 to index
        %parallel_loop3A_1252 = tpu.vector_load %arg7[%parallel_loop3A_1250, %parallel_loop3A_1251] {strides = array<i32>} : memref<32x1024xf32, #tpu.memory_space<vmem>>, vector<1x16xf32>,
        %parallel_loop3A_1253 = vector.shape_cast %parallel_loop3A_1252 : vector<1x16xf32> to vector<16xf32>
        %parallel_loop3A_1254 = arith.constant 3.200000e+01 : f32
        %parallel_loop3A_1255 = vector.broadcast %parallel_loop3A_1254 : f32 to vector<16xf32>
        %parallel_loop3A_1256 = arith.mulf %parallel_loop3A_1253, %parallel_loop3A_1255 : vector<16xf32>
        %parallel_loop3A_1257 = arith.addf %parallel_loop3A_1256, %parallel_loop3A_1217 : vector<16xf32>
        %parallel_loop3A_1258 = arith.index_cast %parallel_loop3A_1249 : i32 to index
        %parallel_loop3A_1259 = arith.index_cast %parallel_loop3A_1213 : i32 to index
        %parallel_loop3A_1260 = tpu.vector_load %arg7[%parallel_loop3A_1258, %parallel_loop3A_1259] {strides = array<i32>} : memref<32x1024xf32, #tpu.memory_space<vmem>>, vector<1x16xf32>,
        %parallel_loop3A_1261 = vector.shape_cast %parallel_loop3A_1260 : vector<1x16xf32> to vector<16xf32>
        %parallel_loop3A_1262 = vector.shape_cast %parallel_loop3A_1257 : vector<16xf32> to vector<1x16xf32>
        tpu.vector_store %arg7[%parallel_loop3A_1258, %parallel_loop3A_1259], %parallel_loop3A_1262 {strides = array<i32>} : memref<32x1024xf32, #tpu.memory_space<vmem>>, vector<1x16xf32>,
        %parallel_loop3A_1263 = arith.constant 24 : i32
        %parallel_loop3A_1264 = arith.addi %parallel_loop3A_1263, %add3A_1210 : i32
        %parallel_loop3A_1265 = arith.index_cast %parallel_loop3A_1264 : i32 to index
        %parallel_loop3A_1266 = arith.index_cast %parallel_loop3A_1213 : i32 to index
        %parallel_loop3A_1267 = tpu.vector_load %arg7[%parallel_loop3A_1265, %parallel_loop3A_1266] {strides = array<i32>} : memref<32x1024xf32, #tpu.memory_space<vmem>>, vector<1x16xf32>,
        %parallel_loop3A_1268 = vector.shape_cast %parallel_loop3A_1267 : vector<1x16xf32> to vector<16xf32>
        %parallel_loop3A_1269 = arith.constant 3.200000e+01 : f32
        %parallel_loop3A_1270 = vector.broadcast %parallel_loop3A_1269 : f32 to vector<16xf32>
        %parallel_loop3A_1271 = arith.mulf %parallel_loop3A_1268, %parallel_loop3A_1270 : vector<16xf32>
        %parallel_loop3A_1272 = arith.addf %parallel_loop3A_1271, %parallel_loop3A_1217 : vector<16xf32>
        %parallel_loop3A_1273 = arith.index_cast %parallel_loop3A_1264 : i32 to index
        %parallel_loop3A_1274 = arith.index_cast %parallel_loop3A_1213 : i32 to index
        %parallel_loop3A_1275 = tpu.vector_load %arg7[%parallel_loop3A_1273, %parallel_loop3A_1274] {strides = array<i32>} : memref<32x1024xf32, #tpu.memory_space<vmem>>, vector<1x16xf32>,
        %parallel_loop3A_1276 = vector.shape_cast %parallel_loop3A_1275 : vector<1x16xf32> to vector<16xf32>
        %parallel_loop3A_1277 = vector.shape_cast %parallel_loop3A_1272 : vector<16xf32> to vector<1x16xf32>
        tpu.vector_store %arg7[%parallel_loop3A_1273, %parallel_loop3A_1274], %parallel_loop3A_1277 {strides = array<i32>} : memref<32x1024xf32, #tpu.memory_space<vmem>>, vector<1x16xf32>,
      } {sc.loop_unroll_factor = 8 : i64, sc.parallel_access}
    }
    %scan3A_55 = arith.constant 8 : i32
    %add3A_56 = arith.constant 0 : i32
    %add3A_57 = arith.addi %add3A_56, %mul3A_4 : i32
    %add3A_58 = arith.constant 0 : i32
    %add3A_59 = arith.addi %add3A_57, %add3A_58 : i32
    %dma_start3A_60 = arith.constant 0 : i32
    %dma_start3A_61 = arith.constant 0 : i32
    %dma_start3A_62 = arith.constant 0 : i32
    %dma_start3A_63 = tpu.memref_slice %arg7[%dma_start3A_61, %dma_start3A_62] : memref<32x1024xf32, #tpu.memory_space<vmem>> -> memref<8x1024xf32, #tpu.memory_space<vmem>>
    %dma_start3A_64 = arith.constant 0 : i32
    %dma_start3A_65 = tpu.memref_slice %arg5[%add3A_59, %dma_start3A_64] : memref<8192x1024xf32, #tpu.memory_space<hbm>> -> memref<8x1024xf32, #tpu.memory_space<hbm>>
    %dma_start3A_66 = tpu.memref_slice %arg15[%dma_start3A_60] : memref<3x!tpu.dma_semaphore, #tpu.memory_space<semaphore_mem>> -> memref<1x!tpu.dma_semaphore, #tpu.memory_space<semaphore_mem>>
    %dma_start3A_67 = tpu.memref_squeeze %dma_start3A_66 : memref<1x!tpu.dma_semaphore, #tpu.memory_space<semaphore_mem>> -> memref<!tpu.dma_semaphore, #tpu.memory_space<semaphore_mem>>
    %dma_start3A_68 = arith.constant 0 : i32
    %dma_start3A_69 = tpu.memref_slice %arg5[%add3A_59, %dma_start3A_68] : memref<8192x1024xf32, #tpu.memory_space<hbm>> -> memref<8x1024xf32, #tpu.memory_space<hbm>>
    %dma_start3A_70 = arith.constant 0 : i32
    %dma_start3A_71 = arith.constant 0 : i32
    %dma_start3A_72 = tpu.memref_slice %arg7[%dma_start3A_70, %dma_start3A_71] : memref<32x1024xf32, #tpu.memory_space<vmem>> -> memref<8x1024xf32, #tpu.memory_space<vmem>>
    tpu.enqueue_dma source(%dma_start3A_72 : memref<8x1024xf32, #tpu.memory_space<vmem>>) target(%dma_start3A_69 : memref<8x1024xf32, #tpu.memory_space<hbm>>) target_semaphore(%dma_start3A_67 : memref<!tpu.dma_semaphore, #tpu.memory_space<semaphore_mem>>)
    %add3A_73 = arith.constant 2048 : i32
    %add3A_74 = arith.addi %add3A_73, %mul3A_4 : i32
    %add3A_75 = arith.constant 0 : i32
    %add3A_76 = arith.addi %add3A_74, %add3A_75 : i32
    %dma_start3A_77 = arith.constant 0 : i32
    %dma_start3A_78 = arith.constant 8 : i32
    %dma_start3A_79 = arith.constant 0 : i32
    %dma_start3A_80 = tpu.memref_slice %arg7[%dma_start3A_78, %dma_start3A_79] : memref<32x1024xf32, #tpu.memory_space<vmem>> -> memref<8x1024xf32, #tpu.memory_space<vmem>>
    %dma_start3A_81 = arith.constant 0 : i32
    %dma_start3A_82 = tpu.memref_slice %arg5[%add3A_76, %dma_start3A_81] : memref<8192x1024xf32, #tpu.memory_space<hbm>> -> memref<8x1024xf32, #tpu.memory_space<hbm>>
    %dma_start3A_83 = tpu.memref_slice %arg15[%dma_start3A_77] : memref<3x!tpu.dma_semaphore, #tpu.memory_space<semaphore_mem>> -> memref<1x!tpu.dma_semaphore, #tpu.memory_space<semaphore_mem>>
    %dma_start3A_84 = tpu.memref_squeeze %dma_start3A_83 : memref<1x!tpu.dma_semaphore, #tpu.memory_space<semaphore_mem>> -> memref<!tpu.dma_semaphore, #tpu.memory_space<semaphore_mem>>
    %dma_start3A_85 = arith.constant 0 : i32
    %dma_start3A_86 = tpu.memref_slice %arg5[%add3A_76, %dma_start3A_85] : memref<8192x1024xf32, #tpu.memory_space<hbm>> -> memref<8x1024xf32, #tpu.memory_space<hbm>>
    %dma_start3A_87 = arith.constant 8 : i32
    %dma_start3A_88 = arith.constant 0 : i32
    %dma_start3A_89 = tpu.memref_slice %arg7[%dma_start3A_87, %dma_start3A_88] : memref<32x1024xf32, #tpu.memory_space<vmem>> -> memref<8x1024xf32, #tpu.memory_space<vmem>>
    tpu.enqueue_dma source(%dma_start3A_89 : memref<8x1024xf32, #tpu.memory_space<vmem>>) target(%dma_start3A_86 : memref<8x1024xf32, #tpu.memory_space<hbm>>) target_semaphore(%dma_start3A_84 : memref<!tpu.dma_semaphore, #tpu.memory_space<semaphore_mem>>)
    %add3A_90 = arith.constant 4096 : i32
    %add3A_91 = arith.addi %add3A_90, %mul3A_4 : i32
    %add3A_92 = arith.constant 0 : i32
    %add3A_93 = arith.addi %add3A_91, %add3A_92 : i32
    %dma_start3A_94 = arith.constant 0 : i32
    %dma_start3A_95 = arith.constant 16 : i32
    %dma_start3A_96 = arith.constant 0 : i32
    %dma_start3A_97 = tpu.memref_slice %arg7[%dma_start3A_95, %dma_start3A_96] : memref<32x1024xf32, #tpu.memory_space<vmem>> -> memref<8x1024xf32, #tpu.memory_space<vmem>>
    %dma_start3A_98 = arith.constant 0 : i32
    %dma_start3A_99 = tpu.memref_slice %arg5[%add3A_93, %dma_start3A_98] : memref<8192x1024xf32, #tpu.memory_space<hbm>> -> memref<8x1024xf32, #tpu.memory_space<hbm>>
    %dma_start3A_100 = tpu.memref_slice %arg15[%dma_start3A_94] : memref<3x!tpu.dma_semaphore, #tpu.memory_space<semaphore_mem>> -> memref<1x!tpu.dma_semaphore, #tpu.memory_space<semaphore_mem>>
    %dma_start3A_101 = tpu.memref_squeeze %dma_start3A_100 : memref<1x!tpu.dma_semaphore, #tpu.memory_space<semaphore_mem>> -> memref<!tpu.dma_semaphore, #tpu.memory_space<semaphore_mem>>
    %dma_start3A_102 = arith.constant 0 : i32
    %dma_start3A_103 = tpu.memref_slice %arg5[%add3A_93, %dma_start3A_102] : memref<8192x1024xf32, #tpu.memory_space<hbm>> -> memref<8x1024xf32, #tpu.memory_space<hbm>>
    %dma_start3A_104 = arith.constant 16 : i32
    %dma_start3A_105 = arith.constant 0 : i32
    %dma_start3A_106 = tpu.memref_slice %arg7[%dma_start3A_104, %dma_start3A_105] : memref<32x1024xf32, #tpu.memory_space<vmem>> -> memref<8x1024xf32, #tpu.memory_space<vmem>>
    tpu.enqueue_dma source(%dma_start3A_106 : memref<8x1024xf32, #tpu.memory_space<vmem>>) target(%dma_start3A_103 : memref<8x1024xf32, #tpu.memory_space<hbm>>) target_semaphore(%dma_start3A_101 : memref<!tpu.dma_semaphore, #tpu.memory_space<semaphore_mem>>)
    %add3A_107 = arith.constant 6144 : i32
    %add3A_108 = arith.addi %add3A_107, %mul3A_4 : i32
    %add3A_109 = arith.constant 0 : i32
    %add3A_110 = arith.addi %add3A_108, %add3A_109 : i32
    %dma_start3A_111 = arith.constant 0 : i32
    %dma_start3A_112 = arith.constant 24 : i32
    %dma_start3A_113 = arith.constant 0 : i32
    %dma_start3A_114 = tpu.memref_slice %arg7[%dma_start3A_112, %dma_start3A_113] : memref<32x1024xf32, #tpu.memory_space<vmem>> -> memref<8x1024xf32, #tpu.memory_space<vmem>>
    %dma_start3A_115 = arith.constant 0 : i32
    %dma_start3A_116 = tpu.memref_slice %arg5[%add3A_110, %dma_start3A_115] : memref<8192x1024xf32, #tpu.memory_space<hbm>> -> memref<8x1024xf32, #tpu.memory_space<hbm>>
    %dma_start3A_117 = tpu.memref_slice %arg15[%dma_start3A_111] : memref<3x!tpu.dma_semaphore, #tpu.memory_space<semaphore_mem>> -> memref<1x!tpu.dma_semaphore, #tpu.memory_space<semaphore_mem>>
    %dma_start3A_118 = tpu.memref_squeeze %dma_start3A_117 : memref<1x!tpu.dma_semaphore, #tpu.memory_space<semaphore_mem>> -> memref<!tpu.dma_semaphore, #tpu.memory_space<semaphore_mem>>
    %dma_start3A_119 = arith.constant 0 : i32
    %dma_start3A_120 = tpu.memref_slice %arg5[%add3A_110, %dma_start3A_119] : memref<8192x1024xf32, #tpu.memory_space<hbm>> -> memref<8x1024xf32, #tpu.memory_space<hbm>>
    %dma_start3A_121 = arith.constant 24 : i32
    %dma_start3A_122 = arith.constant 0 : i32
    %dma_start3A_123 = tpu.memref_slice %arg7[%dma_start3A_121, %dma_start3A_122] : memref<32x1024xf32, #tpu.memory_space<vmem>> -> memref<8x1024xf32, #tpu.memory_space<vmem>>
    tpu.enqueue_dma source(%dma_start3A_123 : memref<8x1024xf32, #tpu.memory_space<vmem>>) target(%dma_start3A_120 : memref<8x1024xf32, #tpu.memory_space<hbm>>) target_semaphore(%dma_start3A_118 : memref<!tpu.dma_semaphore, #tpu.memory_space<semaphore_mem>>)
    %dma_start3A_124 = arith.constant 2 : i32
    %dma_start3A_125 = arith.constant 64 : i32
    %dma_start3A_126 = tpu.memref_slice %arg6[%dma_start3A_125] : memref<256xi32, #tpu.memory_space<vmem>> -> memref<32xi32, #tpu.memory_space<vmem>>
    %dma_start3A_127 = arith.constant 0 : i32
    %dma_start3A_128 = arith.constant 0 : i32
    %dma_start3A_129 = tpu.memref_slice %arg2[%dma_start3A_127, %dma_start3A_128] : memref<50000x1024xf32, #tpu.memory_space<hbm>> -> memref<50000x1024xf32, #tpu.memory_space<hbm>>
    %dma_start3A_130 = tpu.memref_slice %arg13[%dma_start3A_124] : memref<3x!tpu.dma_semaphore, #tpu.memory_space<semaphore_mem>> -> memref<1x!tpu.dma_semaphore, #tpu.memory_space<semaphore_mem>>
    %dma_start3A_131 = tpu.memref_squeeze %dma_start3A_130 : memref<1x!tpu.dma_semaphore, #tpu.memory_space<semaphore_mem>> -> memref<!tpu.dma_semaphore, #tpu.memory_space<semaphore_mem>>
    tpu.enqueue_indirect_dma source(%dma_start3A_129 : memref<50000x1024xf32, #tpu.memory_space<hbm>>) target(%arg9 : memref<32x1024xf32, #tpu.memory_space<vmem>>) offsets(%dma_start3A_126 : memref<32xi32, #tpu.memory_space<vmem>>) semaphore(%dma_start3A_131 : memref<!tpu.dma_semaphore, #tpu.memory_space<semaphore_mem>>)
    %add3A_132 = arith.constant 16 : i32
    %add3A_133 = arith.addi %mul3A_4, %add3A_132 : i32
    %dma_start3A_134 = arith.constant 2 : i32
    %dma_start3A_135 = arith.constant 0 : i32
    %dma_start3A_136 = tpu.memref_slice %arg4[%add3A_133, %dma_start3A_135] : memref<2048x1024xf32, #tpu.memory_space<hbm>> -> memref<8x1024xf32, #tpu.memory_space<hbm>>
    %dma_start3A_137 = tpu.memref_slice %arg14[%dma_start3A_134] : memref<3x!tpu.dma_semaphore, #tpu.memory_space<semaphore_mem>> -> memref<1x!tpu.dma_semaphore, #tpu.memory_space<semaphore_mem>>
    %dma_start3A_138 = tpu.memref_squeeze %dma_start3A_137 : memref<1x!tpu.dma_semaphore, #tpu.memory_space<semaphore_mem>> -> memref<!tpu.dma_semaphore, #tpu.memory_space<semaphore_mem>>
    %dma_start3A_139 = arith.constant 0 : i32
    %dma_start3A_140 = tpu.memref_slice %arg4[%add3A_133, %dma_start3A_139] : memref<2048x1024xf32, #tpu.memory_space<hbm>> -> memref<8x1024xf32, #tpu.memory_space<hbm>>
    tpu.enqueue_dma source(%dma_start3A_140 : memref<8x1024xf32, #tpu.memory_space<hbm>>) target(%arg12 : memref<8x1024xf32, #tpu.memory_space<vmem>>) target_semaphore(%dma_start3A_138 : memref<!tpu.dma_semaphore, #tpu.memory_space<semaphore_mem>>)
    %dma_wait3A_141 = arith.constant 1 : i32
    %dma_wait3A_142 = arith.constant 32 : i32
    %dma_wait3A_143 = tpu.memref_slice %arg6[%dma_wait3A_142] : memref<256xi32, #tpu.memory_space<vmem>> -> memref<32xi32, #tpu.memory_space<vmem>>
    %dma_wait3A_144 = arith.constant 0 : i32
    %dma_wait3A_145 = arith.constant 0 : i32
    %dma_wait3A_146 = tpu.memref_slice %arg2[%dma_wait3A_144, %dma_wait3A_145] : memref<50000x1024xf32, #tpu.memory_space<hbm>> -> memref<50000x1024xf32, #tpu.memory_space<hbm>>
    %dma_wait3A_147 = tpu.memref_slice %arg13[%dma_wait3A_141] : memref<3x!tpu.dma_semaphore, #tpu.memory_space<semaphore_mem>> -> memref<1x!tpu.dma_semaphore, #tpu.memory_space<semaphore_mem>>
    %dma_wait3A_148 = tpu.memref_squeeze %dma_wait3A_147 : memref<1x!tpu.dma_semaphore, #tpu.memory_space<semaphore_mem>> -> memref<!tpu.dma_semaphore, #tpu.memory_space<semaphore_mem>>
    tpu.wait_indirect_dma semaphore(%dma_wait3A_148 : memref<!tpu.dma_semaphore, #tpu.memory_space<semaphore_mem>>) src(%dma_wait3A_146 : memref<50000x1024xf32, #tpu.memory_space<hbm>>) dst(%arg8 : memref<32x1024xf32, #tpu.memory_space<vmem>>)
    %dma_wait3A_149 = arith.constant 1 : i32
    %dma_wait3A_150 = arith.constant 0 : i32
    %dma_wait3A_151 = tpu.memref_slice %arg4[%add3A_30, %dma_wait3A_150] : memref<2048x1024xf32, #tpu.memory_space<hbm>> -> memref<8x1024xf32, #tpu.memory_space<hbm>>
    %dma_wait3A_152 = tpu.memref_slice %arg14[%dma_wait3A_149] : memref<3x!tpu.dma_semaphore, #tpu.memory_space<semaphore_mem>> -> memref<1x!tpu.dma_semaphore, #tpu.memory_space<semaphore_mem>>
    %dma_wait3A_153 = tpu.memref_squeeze %dma_wait3A_152 : memref<1x!tpu.dma_semaphore, #tpu.memory_space<semaphore_mem>> -> memref<!tpu.dma_semaphore, #tpu.memory_space<semaphore_mem>>
    %dma_wait3A_154 = arith.constant 0 : i32
    %dma_wait3A_155 = tpu.memref_slice %arg4[%add3A_30, %dma_wait3A_154] : memref<2048x1024xf32, #tpu.memory_space<hbm>> -> memref<8x1024xf32, #tpu.memory_space<hbm>>
    tpu.wait_dma2 semaphore(%dma_wait3A_153 : memref<!tpu.dma_semaphore, #tpu.memory_space<semaphore_mem>>) src(%dma_wait3A_155 : memref<8x1024xf32, #tpu.memory_space<hbm>>) dst(%arg11 : memref<8x1024xf32, #tpu.memory_space<vmem>>)
    %scan3A_156 = arith.constant 0 : i32
    %scan3A_157 = arith.constant 8 : i32
    %scan3A_158 = arith.addi %scan3A_156, %scan3A_157 : i32
    %scan3A_159 = arith.constant 1 : i32
    scf.for %scan3A_1206 = %scan3A_156 to %scan3A_158 step %scan3A_159  : i32 {
      %mul3A_1207 = arith.constant 1 : i32
      %mul3A_1208 = arith.muli %scan3A_1206, %mul3A_1207 : i32
      %add3A_1209 = arith.constant 0 : i32
      %add3A_1210 = arith.addi %add3A_1209, %mul3A_1208 : i32
      %parallel_loop3A = arith.constant 0 : i32
      %parallel_loop3A_1211 = arith.constant 1024 : i32
      %parallel_loop3A_1212 = arith.constant 16 : i32
      scf.for %parallel_loop3A_1213 = %parallel_loop3A to %parallel_loop3A_1211 step %parallel_loop3A_1212  : i32 {
        %parallel_loop3A_1214 = arith.index_cast %add3A_1210 : i32 to index
        %parallel_loop3A_1215 = arith.index_cast %parallel_loop3A_1213 : i32 to index
        %parallel_loop3A_1216 = tpu.vector_load %arg11[%parallel_loop3A_1214, %parallel_loop3A_1215] {strides = array<i32>} : memref<8x1024xf32, #tpu.memory_space<vmem>>, vector<1x16xf32>,
        %parallel_loop3A_1217 = vector.shape_cast %parallel_loop3A_1216 : vector<1x16xf32> to vector<16xf32>
        %parallel_loop3A_1218 = arith.constant 0 : i32
        %parallel_loop3A_1219 = arith.addi %parallel_loop3A_1218, %add3A_1210 : i32
        %parallel_loop3A_1220 = arith.index_cast %parallel_loop3A_1219 : i32 to index
        %parallel_loop3A_1221 = arith.index_cast %parallel_loop3A_1213 : i32 to index
        %parallel_loop3A_1222 = tpu.vector_load %arg8[%parallel_loop3A_1220, %parallel_loop3A_1221] {strides = array<i32>} : memref<32x1024xf32, #tpu.memory_space<vmem>>, vector<1x16xf32>,
        %parallel_loop3A_1223 = vector.shape_cast %parallel_loop3A_1222 : vector<1x16xf32> to vector<16xf32>
        %parallel_loop3A_1224 = arith.constant 3.200000e+01 : f32
        %parallel_loop3A_1225 = vector.broadcast %parallel_loop3A_1224 : f32 to vector<16xf32>
        %parallel_loop3A_1226 = arith.mulf %parallel_loop3A_1223, %parallel_loop3A_1225 : vector<16xf32>
        %parallel_loop3A_1227 = arith.addf %parallel_loop3A_1226, %parallel_loop3A_1217 : vector<16xf32>
        %parallel_loop3A_1228 = arith.index_cast %parallel_loop3A_1219 : i32 to index
        %parallel_loop3A_1229 = arith.index_cast %parallel_loop3A_1213 : i32 to index
        %parallel_loop3A_1230 = tpu.vector_load %arg8[%parallel_loop3A_1228, %parallel_loop3A_1229] {strides = array<i32>} : memref<32x1024xf32, #tpu.memory_space<vmem>>, vector<1x16xf32>,
        %parallel_loop3A_1231 = vector.shape_cast %parallel_loop3A_1230 : vector<1x16xf32> to vector<16xf32>
        %parallel_loop3A_1232 = vector.shape_cast %parallel_loop3A_1227 : vector<16xf32> to vector<1x16xf32>
        tpu.vector_store %arg8[%parallel_loop3A_1228, %parallel_loop3A_1229], %parallel_loop3A_1232 {strides = array<i32>} : memref<32x1024xf32, #tpu.memory_space<vmem>>, vector<1x16xf32>,
        %parallel_loop3A_1233 = arith.constant 8 : i32
        %parallel_loop3A_1234 = arith.addi %parallel_loop3A_1233, %add3A_1210 : i32
        %parallel_loop3A_1235 = arith.index_cast %parallel_loop3A_1234 : i32 to index
        %parallel_loop3A_1236 = arith.index_cast %parallel_loop3A_1213 : i32 to index
        %parallel_loop3A_1237 = tpu.vector_load %arg8[%parallel_loop3A_1235, %parallel_loop3A_1236] {strides = array<i32>} : memref<32x1024xf32, #tpu.memory_space<vmem>>, vector<1x16xf32>,
        %parallel_loop3A_1238 = vector.shape_cast %parallel_loop3A_1237 : vector<1x16xf32> to vector<16xf32>
        %parallel_loop3A_1239 = arith.constant 3.200000e+01 : f32
        %parallel_loop3A_1240 = vector.broadcast %parallel_loop3A_1239 : f32 to vector<16xf32>
        %parallel_loop3A_1241 = arith.mulf %parallel_loop3A_1238, %parallel_loop3A_1240 : vector<16xf32>
        %parallel_loop3A_1242 = arith.addf %parallel_loop3A_1241, %parallel_loop3A_1217 : vector<16xf32>
        %parallel_loop3A_1243 = arith.index_cast %parallel_loop3A_1234 : i32 to index
        %parallel_loop3A_1244 = arith.index_cast %parallel_loop3A_1213 : i32 to index
        %parallel_loop3A_1245 = tpu.vector_load %arg8[%parallel_loop3A_1243, %parallel_loop3A_1244] {strides = array<i32>} : memref<32x1024xf32, #tpu.memory_space<vmem>>, vector<1x16xf32>,
        %parallel_loop3A_1246 = vector.shape_cast %parallel_loop3A_1245 : vector<1x16xf32> to vector<16xf32>
        %parallel_loop3A_1247 = vector.shape_cast %parallel_loop3A_1242 : vector<16xf32> to vector<1x16xf32>
        tpu.vector_store %arg8[%parallel_loop3A_1243, %parallel_loop3A_1244], %parallel_loop3A_1247 {strides = array<i32>} : memref<32x1024xf32, #tpu.memory_space<vmem>>, vector<1x16xf32>,
        %parallel_loop3A_1248 = arith.constant 16 : i32
        %parallel_loop3A_1249 = arith.addi %parallel_loop3A_1248, %add3A_1210 : i32
        %parallel_loop3A_1250 = arith.index_cast %parallel_loop3A_1249 : i32 to index
        %parallel_loop3A_1251 = arith.index_cast %parallel_loop3A_1213 : i32 to index
        %parallel_loop3A_1252 = tpu.vector_load %arg8[%parallel_loop3A_1250, %parallel_loop3A_1251] {strides = array<i32>} : memref<32x1024xf32, #tpu.memory_space<vmem>>, vector<1x16xf32>,
        %parallel_loop3A_1253 = vector.shape_cast %parallel_loop3A_1252 : vector<1x16xf32> to vector<16xf32>
        %parallel_loop3A_1254 = arith.constant 3.200000e+01 : f32
        %parallel_loop3A_1255 = vector.broadcast %parallel_loop3A_1254 : f32 to vector<16xf32>
        %parallel_loop3A_1256 = arith.mulf %parallel_loop3A_1253, %parallel_loop3A_1255 : vector<16xf32>
        %parallel_loop3A_1257 = arith.addf %parallel_loop3A_1256, %parallel_loop3A_1217 : vector<16xf32>
        %parallel_loop3A_1258 = arith.index_cast %parallel_loop3A_1249 : i32 to index
        %parallel_loop3A_1259 = arith.index_cast %parallel_loop3A_1213 : i32 to index
        %parallel_loop3A_1260 = tpu.vector_load %arg8[%parallel_loop3A_1258, %parallel_loop3A_1259] {strides = array<i32>} : memref<32x1024xf32, #tpu.memory_space<vmem>>, vector<1x16xf32>,
        %parallel_loop3A_1261 = vector.shape_cast %parallel_loop3A_1260 : vector<1x16xf32> to vector<16xf32>
        %parallel_loop3A_1262 = vector.shape_cast %parallel_loop3A_1257 : vector<16xf32> to vector<1x16xf32>
        tpu.vector_store %arg8[%parallel_loop3A_1258, %parallel_loop3A_1259], %parallel_loop3A_1262 {strides = array<i32>} : memref<32x1024xf32, #tpu.memory_space<vmem>>, vector<1x16xf32>,
        %parallel_loop3A_1263 = arith.constant 24 : i32
        %parallel_loop3A_1264 = arith.addi %parallel_loop3A_1263, %add3A_1210 : i32
        %parallel_loop3A_1265 = arith.index_cast %parallel_loop3A_1264 : i32 to index
        %parallel_loop3A_1266 = arith.index_cast %parallel_loop3A_1213 : i32 to index
        %parallel_loop3A_1267 = tpu.vector_load %arg8[%parallel_loop3A_1265, %parallel_loop3A_1266] {strides = array<i32>} : memref<32x1024xf32, #tpu.memory_space<vmem>>, vector<1x16xf32>,
        %parallel_loop3A_1268 = vector.shape_cast %parallel_loop3A_1267 : vector<1x16xf32> to vector<16xf32>
        %parallel_loop3A_1269 = arith.constant 3.200000e+01 : f32
        %parallel_loop3A_1270 = vector.broadcast %parallel_loop3A_1269 : f32 to vector<16xf32>
        %parallel_loop3A_1271 = arith.mulf %parallel_loop3A_1268, %parallel_loop3A_1270 : vector<16xf32>
        %parallel_loop3A_1272 = arith.addf %parallel_loop3A_1271, %parallel_loop3A_1217 : vector<16xf32>
        %parallel_loop3A_1273 = arith.index_cast %parallel_loop3A_1264 : i32 to index
        %parallel_loop3A_1274 = arith.index_cast %parallel_loop3A_1213 : i32 to index
        %parallel_loop3A_1275 = tpu.vector_load %arg8[%parallel_loop3A_1273, %parallel_loop3A_1274] {strides = array<i32>} : memref<32x1024xf32, #tpu.memory_space<vmem>>, vector<1x16xf32>,
        %parallel_loop3A_1276 = vector.shape_cast %parallel_loop3A_1275 : vector<1x16xf32> to vector<16xf32>
        %parallel_loop3A_1277 = vector.shape_cast %parallel_loop3A_1272 : vector<16xf32> to vector<1x16xf32>
        tpu.vector_store %arg8[%parallel_loop3A_1273, %parallel_loop3A_1274], %parallel_loop3A_1277 {strides = array<i32>} : memref<32x1024xf32, #tpu.memory_space<vmem>>, vector<1x16xf32>,
      } {sc.loop_unroll_factor = 8 : i64, sc.parallel_access}
    }
    %scan3A_160 = arith.constant 8 : i32
    %add3A_161 = arith.constant 0 : i32
    %add3A_162 = arith.addi %add3A_161, %mul3A_4 : i32
    %add3A_163 = arith.constant 8 : i32
    %add3A_164 = arith.addi %add3A_162, %add3A_163 : i32
    %dma_start3A_165 = arith.constant 1 : i32
    %dma_start3A_166 = arith.constant 0 : i32
    %dma_start3A_167 = arith.constant 0 : i32
    %dma_start3A_168 = tpu.memref_slice %arg8[%dma_start3A_166, %dma_start3A_167] : memref<32x1024xf32, #tpu.memory_space<vmem>> -> memref<8x1024xf32, #tpu.memory_space<vmem>>
    %dma_start3A_169 = arith.constant 0 : i32
    %dma_start3A_170 = tpu.memref_slice %arg5[%add3A_164, %dma_start3A_169] : memref<8192x1024xf32, #tpu.memory_space<hbm>> -> memref<8x1024xf32, #tpu.memory_space<hbm>>
    %dma_start3A_171 = tpu.memref_slice %arg15[%dma_start3A_165] : memref<3x!tpu.dma_semaphore, #tpu.memory_space<semaphore_mem>> -> memref<1x!tpu.dma_semaphore, #tpu.memory_space<semaphore_mem>>
    %dma_start3A_172 = tpu.memref_squeeze %dma_start3A_171 : memref<1x!tpu.dma_semaphore, #tpu.memory_space<semaphore_mem>> -> memref<!tpu.dma_semaphore, #tpu.memory_space<semaphore_mem>>
    %dma_start3A_173 = arith.constant 0 : i32
    %dma_start3A_174 = tpu.memref_slice %arg5[%add3A_164, %dma_start3A_173] : memref<8192x1024xf32, #tpu.memory_space<hbm>> -> memref<8x1024xf32, #tpu.memory_space<hbm>>
    %dma_start3A_175 = arith.constant 0 : i32
    %dma_start3A_176 = arith.constant 0 : i32
    %dma_start3A_177 = tpu.memref_slice %arg8[%dma_start3A_175, %dma_start3A_176] : memref<32x1024xf32, #tpu.memory_space<vmem>> -> memref<8x1024xf32, #tpu.memory_space<vmem>>
    tpu.enqueue_dma source(%dma_start3A_177 : memref<8x1024xf32, #tpu.memory_space<vmem>>) target(%dma_start3A_174 : memref<8x1024xf32, #tpu.memory_space<hbm>>) target_semaphore(%dma_start3A_172 : memref<!tpu.dma_semaphore, #tpu.memory_space<semaphore_mem>>)
    %add3A_178 = arith.constant 2048 : i32
    %add3A_179 = arith.addi %add3A_178, %mul3A_4 : i32
    %add3A_180 = arith.constant 8 : i32
    %add3A_181 = arith.addi %add3A_179, %add3A_180 : i32
    %dma_start3A_182 = arith.constant 1 : i32
    %dma_start3A_183 = arith.constant 8 : i32
    %dma_start3A_184 = arith.constant 0 : i32
    %dma_start3A_185 = tpu.memref_slice %arg8[%dma_start3A_183, %dma_start3A_184] : memref<32x1024xf32, #tpu.memory_space<vmem>> -> memref<8x1024xf32, #tpu.memory_space<vmem>>
    %dma_start3A_186 = arith.constant 0 : i32
    %dma_start3A_187 = tpu.memref_slice %arg5[%add3A_181, %dma_start3A_186] : memref<8192x1024xf32, #tpu.memory_space<hbm>> -> memref<8x1024xf32, #tpu.memory_space<hbm>>
    %dma_start3A_188 = tpu.memref_slice %arg15[%dma_start3A_182] : memref<3x!tpu.dma_semaphore, #tpu.memory_space<semaphore_mem>> -> memref<1x!tpu.dma_semaphore, #tpu.memory_space<semaphore_mem>>
    %dma_start3A_189 = tpu.memref_squeeze %dma_start3A_188 : memref<1x!tpu.dma_semaphore, #tpu.memory_space<semaphore_mem>> -> memref<!tpu.dma_semaphore, #tpu.memory_space<semaphore_mem>>
    %dma_start3A_190 = arith.constant 0 : i32
    %dma_start3A_191 = tpu.memref_slice %arg5[%add3A_181, %dma_start3A_190] : memref<8192x1024xf32, #tpu.memory_space<hbm>> -> memref<8x1024xf32, #tpu.memory_space<hbm>>
    %dma_start3A_192 = arith.constant 8 : i32
    %dma_start3A_193 = arith.constant 0 : i32
    %dma_start3A_194 = tpu.memref_slice %arg8[%dma_start3A_192, %dma_start3A_193] : memref<32x1024xf32, #tpu.memory_space<vmem>> -> memref<8x1024xf32, #tpu.memory_space<vmem>>
    tpu.enqueue_dma source(%dma_start3A_194 : memref<8x1024xf32, #tpu.memory_space<vmem>>) target(%dma_start3A_191 : memref<8x1024xf32, #tpu.memory_space<hbm>>) target_semaphore(%dma_start3A_189 : memref<!tpu.dma_semaphore, #tpu.memory_space<semaphore_mem>>)
    %add3A_195 = arith.constant 4096 : i32
    %add3A_196 = arith.addi %add3A_195, %mul3A_4 : i32
    %add3A_197 = arith.constant 8 : i32
    %add3A_198 = arith.addi %add3A_196, %add3A_197 : i32
    %dma_start3A_199 = arith.constant 1 : i32
    %dma_start3A_200 = arith.constant 16 : i32
    %dma_start3A_201 = arith.constant 0 : i32
    %dma_start3A_202 = tpu.memref_slice %arg8[%dma_start3A_200, %dma_start3A_201] : memref<32x1024xf32, #tpu.memory_space<vmem>> -> memref<8x1024xf32, #tpu.memory_space<vmem>>
    %dma_start3A_203 = arith.constant 0 : i32
    %dma_start3A_204 = tpu.memref_slice %arg5[%add3A_198, %dma_start3A_203] : memref<8192x1024xf32, #tpu.memory_space<hbm>> -> memref<8x1024xf32, #tpu.memory_space<hbm>>
    %dma_start3A_205 = tpu.memref_slice %arg15[%dma_start3A_199] : memref<3x!tpu.dma_semaphore, #tpu.memory_space<semaphore_mem>> -> memref<1x!tpu.dma_semaphore, #tpu.memory_space<semaphore_mem>>
    %dma_start3A_206 = tpu.memref_squeeze %dma_start3A_205 : memref<1x!tpu.dma_semaphore, #tpu.memory_space<semaphore_mem>> -> memref<!tpu.dma_semaphore, #tpu.memory_space<semaphore_mem>>
    %dma_start3A_207 = arith.constant 0 : i32
    %dma_start3A_208 = tpu.memref_slice %arg5[%add3A_198, %dma_start3A_207] : memref<8192x1024xf32, #tpu.memory_space<hbm>> -> memref<8x1024xf32, #tpu.memory_space<hbm>>
    %dma_start3A_209 = arith.constant 16 : i32
    %dma_start3A_210 = arith.constant 0 : i32
    %dma_start3A_211 = tpu.memref_slice %arg8[%dma_start3A_209, %dma_start3A_210] : memref<32x1024xf32, #tpu.memory_space<vmem>> -> memref<8x1024xf32, #tpu.memory_space<vmem>>
    tpu.enqueue_dma source(%dma_start3A_211 : memref<8x1024xf32, #tpu.memory_space<vmem>>) target(%dma_start3A_208 : memref<8x1024xf32, #tpu.memory_space<hbm>>) target_semaphore(%dma_start3A_206 : memref<!tpu.dma_semaphore, #tpu.memory_space<semaphore_mem>>)
    %add3A_212 = arith.constant 6144 : i32
    %add3A_213 = arith.addi %add3A_212, %mul3A_4 : i32
    %add3A_214 = arith.constant 8 : i32
    %add3A_215 = arith.addi %add3A_213, %add3A_214 : i32
    %dma_start3A_216 = arith.constant 1 : i32
    %dma_start3A_217 = arith.constant 24 : i32
    %dma_start3A_218 = arith.constant 0 : i32
    %dma_start3A_219 = tpu.memref_slice %arg8[%dma_start3A_217, %dma_start3A_218] : memref<32x1024xf32, #tpu.memory_space<vmem>> -> memref<8x1024xf32, #tpu.memory_space<vmem>>
    %dma_start3A_220 = arith.constant 0 : i32
    %dma_start3A_221 = tpu.memref_slice %arg5[%add3A_215, %dma_start3A_220] : memref<8192x1024xf32, #tpu.memory_space<hbm>> -> memref<8x1024xf32, #tpu.memory_space<hbm>>
    %dma_start3A_222 = tpu.memref_slice %arg15[%dma_start3A_216] : memref<3x!tpu.dma_semaphore, #tpu.memory_space<semaphore_mem>> -> memref<1x!tpu.dma_semaphore, #tpu.memory_space<semaphore_mem>>
    %dma_start3A_223 = tpu.memref_squeeze %dma_start3A_222 : memref<1x!tpu.dma_semaphore, #tpu.memory_space<semaphore_mem>> -> memref<!tpu.dma_semaphore, #tpu.memory_space<semaphore_mem>>
    %dma_start3A_224 = arith.constant 0 : i32
    %dma_start3A_225 = tpu.memref_slice %arg5[%add3A_215, %dma_start3A_224] : memref<8192x1024xf32, #tpu.memory_space<hbm>> -> memref<8x1024xf32, #tpu.memory_space<hbm>>
    %dma_start3A_226 = arith.constant 24 : i32
    %dma_start3A_227 = arith.constant 0 : i32
    %dma_start3A_228 = tpu.memref_slice %arg8[%dma_start3A_226, %dma_start3A_227] : memref<32x1024xf32, #tpu.memory_space<vmem>> -> memref<8x1024xf32, #tpu.memory_space<vmem>>
    tpu.enqueue_dma source(%dma_start3A_228 : memref<8x1024xf32, #tpu.memory_space<vmem>>) target(%dma_start3A_225 : memref<8x1024xf32, #tpu.memory_space<hbm>>) target_semaphore(%dma_start3A_223 : memref<!tpu.dma_semaphore, #tpu.memory_space<semaphore_mem>>)
    %dma_wait3A_229 = arith.constant 0 : i32
    %dma_wait3A_230 = arith.constant 0 : i32
    %dma_wait3A_231 = arith.constant 0 : i32
    %dma_wait3A_232 = tpu.memref_slice %arg7[%dma_wait3A_230, %dma_wait3A_231] : memref<32x1024xf32, #tpu.memory_space<vmem>> -> memref<8x1024xf32, #tpu.memory_space<vmem>>
    %dma_wait3A_233 = arith.constant 0 : i32
    %dma_wait3A_234 = tpu.memref_slice %arg5[%add3A_59, %dma_wait3A_233] : memref<8192x1024xf32, #tpu.memory_space<hbm>> -> memref<8x1024xf32, #tpu.memory_space<hbm>>
    %dma_wait3A_235 = tpu.memref_slice %arg15[%dma_wait3A_229] : memref<3x!tpu.dma_semaphore, #tpu.memory_space<semaphore_mem>> -> memref<1x!tpu.dma_semaphore, #tpu.memory_space<semaphore_mem>>
    %dma_wait3A_236 = tpu.memref_squeeze %dma_wait3A_235 : memref<1x!tpu.dma_semaphore, #tpu.memory_space<semaphore_mem>> -> memref<!tpu.dma_semaphore, #tpu.memory_space<semaphore_mem>>
    %dma_wait3A_237 = arith.constant 0 : i32
    %dma_wait3A_238 = tpu.memref_slice %arg5[%add3A_59, %dma_wait3A_237] : memref<8192x1024xf32, #tpu.memory_space<hbm>> -> memref<8x1024xf32, #tpu.memory_space<hbm>>
    %dma_wait3A_239 = arith.constant 0 : i32
    %dma_wait3A_240 = arith.constant 0 : i32
    %dma_wait3A_241 = tpu.memref_slice %arg7[%dma_wait3A_239, %dma_wait3A_240] : memref<32x1024xf32, #tpu.memory_space<vmem>> -> memref<8x1024xf32, #tpu.memory_space<vmem>>
    tpu.wait_dma2 semaphore(%dma_wait3A_236 : memref<!tpu.dma_semaphore, #tpu.memory_space<semaphore_mem>>) src(%dma_wait3A_241 : memref<8x1024xf32, #tpu.memory_space<vmem>>) dst(%dma_wait3A_238 : memref<8x1024xf32, #tpu.memory_space<hbm>>)
    %dma_wait3A_242 = arith.constant 0 : i32
    %dma_wait3A_243 = arith.constant 8 : i32
    %dma_wait3A_244 = arith.constant 0 : i32
    %dma_wait3A_245 = tpu.memref_slice %arg7[%dma_wait3A_243, %dma_wait3A_244] : memref<32x1024xf32, #tpu.memory_space<vmem>> -> memref<8x1024xf32, #tpu.memory_space<vmem>>
    %dma_wait3A_246 = arith.constant 0 : i32
    %dma_wait3A_247 = tpu.memref_slice %arg5[%add3A_76, %dma_wait3A_246] : memref<8192x1024xf32, #tpu.memory_space<hbm>> -> memref<8x1024xf32, #tpu.memory_space<hbm>>
    %dma_wait3A_248 = tpu.memref_slice %arg15[%dma_wait3A_242] : memref<3x!tpu.dma_semaphore, #tpu.memory_space<semaphore_mem>> -> memref<1x!tpu.dma_semaphore, #tpu.memory_space<semaphore_mem>>
    %dma_wait3A_249 = tpu.memref_squeeze %dma_wait3A_248 : memref<1x!tpu.dma_semaphore, #tpu.memory_space<semaphore_mem>> -> memref<!tpu.dma_semaphore, #tpu.memory_space<semaphore_mem>>
    %dma_wait3A_250 = arith.constant 0 : i32
    %dma_wait3A_251 = tpu.memref_slice %arg5[%add3A_76, %dma_wait3A_250] : memref<8192x1024xf32, #tpu.memory_space<hbm>> -> memref<8x1024xf32, #tpu.memory_space<hbm>>
    %dma_wait3A_252 = arith.constant 8 : i32
    %dma_wait3A_253 = arith.constant 0 : i32
    %dma_wait3A_254 = tpu.memref_slice %arg7[%dma_wait3A_252, %dma_wait3A_253] : memref<32x1024xf32, #tpu.memory_space<vmem>> -> memref<8x1024xf32, #tpu.memory_space<vmem>>
    tpu.wait_dma2 semaphore(%dma_wait3A_249 : memref<!tpu.dma_semaphore, #tpu.memory_space<semaphore_mem>>) src(%dma_wait3A_254 : memref<8x1024xf32, #tpu.memory_space<vmem>>) dst(%dma_wait3A_251 : memref<8x1024xf32, #tpu.memory_space<hbm>>)
    %dma_wait3A_255 = arith.constant 0 : i32
    %dma_wait3A_256 = arith.constant 16 : i32
    %dma_wait3A_257 = arith.constant 0 : i32
    %dma_wait3A_258 = tpu.memref_slice %arg7[%dma_wait3A_256, %dma_wait3A_257] : memref<32x1024xf32, #tpu.memory_space<vmem>> -> memref<8x1024xf32, #tpu.memory_space<vmem>>
    %dma_wait3A_259 = arith.constant 0 : i32
    %dma_wait3A_260 = tpu.memref_slice %arg5[%add3A_93, %dma_wait3A_259] : memref<8192x1024xf32, #tpu.memory_space<hbm>> -> memref<8x1024xf32, #tpu.memory_space<hbm>>
    %dma_wait3A_261 = tpu.memref_slice %arg15[%dma_wait3A_255] : memref<3x!tpu.dma_semaphore, #tpu.memory_space<semaphore_mem>> -> memref<1x!tpu.dma_semaphore, #tpu.memory_space<semaphore_mem>>
    %dma_wait3A_262 = tpu.memref_squeeze %dma_wait3A_261 : memref<1x!tpu.dma_semaphore, #tpu.memory_space<semaphore_mem>> -> memref<!tpu.dma_semaphore, #tpu.memory_space<semaphore_mem>>
    %dma_wait3A_263 = arith.constant 0 : i32
    %dma_wait3A_264 = tpu.memref_slice %arg5[%add3A_93, %dma_wait3A_263] : memref<8192x1024xf32, #tpu.memory_space<hbm>> -> memref<8x1024xf32, #tpu.memory_space<hbm>>
    %dma_wait3A_265 = arith.constant 16 : i32
    %dma_wait3A_266 = arith.constant 0 : i32
    %dma_wait3A_267 = tpu.memref_slice %arg7[%dma_wait3A_265, %dma_wait3A_266] : memref<32x1024xf32, #tpu.memory_space<vmem>> -> memref<8x1024xf32, #tpu.memory_space<vmem>>
    tpu.wait_dma2 semaphore(%dma_wait3A_262 : memref<!tpu.dma_semaphore, #tpu.memory_space<semaphore_mem>>) src(%dma_wait3A_267 : memref<8x1024xf32, #tpu.memory_space<vmem>>) dst(%dma_wait3A_264 : memref<8x1024xf32, #tpu.memory_space<hbm>>)
    %dma_wait3A_268 = arith.constant 0 : i32
    %dma_wait3A_269 = arith.constant 24 : i32
    %dma_wait3A_270 = arith.constant 0 : i32
    %dma_wait3A_271 = tpu.memref_slice %arg7[%dma_wait3A_269, %dma_wait3A_270] : memref<32x1024xf32, #tpu.memory_space<vmem>> -> memref<8x1024xf32, #tpu.memory_space<vmem>>
    %dma_wait3A_272 = arith.constant 0 : i32
    %dma_wait3A_273 = tpu.memref_slice %arg5[%add3A_110, %dma_wait3A_272] : memref<8192x1024xf32, #tpu.memory_space<hbm>> -> memref<8x1024xf32, #tpu.memory_space<hbm>>
    %dma_wait3A_274 = tpu.memref_slice %arg15[%dma_wait3A_268] : memref<3x!tpu.dma_semaphore, #tpu.memory_space<semaphore_mem>> -> memref<1x!tpu.dma_semaphore, #tpu.memory_space<semaphore_mem>>
    %dma_wait3A_275 = tpu.memref_squeeze %dma_wait3A_274 : memref<1x!tpu.dma_semaphore, #tpu.memory_space<semaphore_mem>> -> memref<!tpu.dma_semaphore, #tpu.memory_space<semaphore_mem>>
    %dma_wait3A_276 = arith.constant 0 : i32
    %dma_wait3A_277 = tpu.memref_slice %arg5[%add3A_110, %dma_wait3A_276] : memref<8192x1024xf32, #tpu.memory_space<hbm>> -> memref<8x1024xf32, #tpu.memory_space<hbm>>
    %dma_wait3A_278 = arith.constant 24 : i32
    %dma_wait3A_279 = arith.constant 0 : i32
    %dma_wait3A_280 = tpu.memref_slice %arg7[%dma_wait3A_278, %dma_wait3A_279] : memref<32x1024xf32, #tpu.memory_space<vmem>> -> memref<8x1024xf32, #tpu.memory_space<vmem>>
    tpu.wait_dma2 semaphore(%dma_wait3A_275 : memref<!tpu.dma_semaphore, #tpu.memory_space<semaphore_mem>>) src(%dma_wait3A_280 : memref<8x1024xf32, #tpu.memory_space<vmem>>) dst(%dma_wait3A_277 : memref<8x1024xf32, #tpu.memory_space<hbm>>)
    %dma_start3A_281 = arith.constant 0 : i32
    %dma_start3A_282 = arith.constant 96 : i32
    %dma_start3A_283 = tpu.memref_slice %arg6[%dma_start3A_282] : memref<256xi32, #tpu.memory_space<vmem>> -> memref<32xi32, #tpu.memory_space<vmem>>
    %dma_start3A_284 = arith.constant 0 : i32
    %dma_start3A_285 = arith.constant 0 : i32
    %dma_start3A_286 = tpu.memref_slice %arg2[%dma_start3A_284, %dma_start3A_285] : memref<50000x1024xf32, #tpu.memory_space<hbm>> -> memref<50000x1024xf32, #tpu.memory_space<hbm>>
    %dma_start3A_287 = tpu.memref_slice %arg13[%dma_start3A_281] : memref<3x!tpu.dma_semaphore, #tpu.memory_space<semaphore_mem>> -> memref<1x!tpu.dma_semaphore, #tpu.memory_space<semaphore_mem>>
    %dma_start3A_288 = tpu.memref_squeeze %dma_start3A_287 : memref<1x!tpu.dma_semaphore, #tpu.memory_space<semaphore_mem>> -> memref<!tpu.dma_semaphore, #tpu.memory_space<semaphore_mem>>
    tpu.enqueue_indirect_dma source(%dma_start3A_286 : memref<50000x1024xf32, #tpu.memory_space<hbm>>) target(%arg7 : memref<32x1024xf32, #tpu.memory_space<vmem>>) offsets(%dma_start3A_283 : memref<32xi32, #tpu.memory_space<vmem>>) semaphore(%dma_start3A_288 : memref<!tpu.dma_semaphore, #tpu.memory_space<semaphore_mem>>)
    %add3A_289 = arith.constant 24 : i32
    %add3A_290 = arith.addi %mul3A_4, %add3A_289 : i32
    %dma_start3A_291 = arith.constant 0 : i32
    %dma_start3A_292 = arith.constant 0 : i32
    %dma_start3A_293 = tpu.memref_slice %arg4[%add3A_290, %dma_start3A_292] : memref<2048x1024xf32, #tpu.memory_space<hbm>> -> memref<8x1024xf32, #tpu.memory_space<hbm>>
    %dma_start3A_294 = tpu.memref_slice %arg14[%dma_start3A_291] : memref<3x!tpu.dma_semaphore, #tpu.memory_space<semaphore_mem>> -> memref<1x!tpu.dma_semaphore, #tpu.memory_space<semaphore_mem>>
    %dma_start3A_295 = tpu.memref_squeeze %dma_start3A_294 : memref<1x!tpu.dma_semaphore, #tpu.memory_space<semaphore_mem>> -> memref<!tpu.dma_semaphore, #tpu.memory_space<semaphore_mem>>
    %dma_start3A_296 = arith.constant 0 : i32
    %dma_start3A_297 = tpu.memref_slice %arg4[%add3A_290, %dma_start3A_296] : memref<2048x1024xf32, #tpu.memory_space<hbm>> -> memref<8x1024xf32, #tpu.memory_space<hbm>>
    tpu.enqueue_dma source(%dma_start3A_297 : memref<8x1024xf32, #tpu.memory_space<hbm>>) target(%arg10 : memref<8x1024xf32, #tpu.memory_space<vmem>>) target_semaphore(%dma_start3A_295 : memref<!tpu.dma_semaphore, #tpu.memory_space<semaphore_mem>>)
    %dma_wait3A_298 = arith.constant 2 : i32
    %dma_wait3A_299 = arith.constant 64 : i32
    %dma_wait3A_300 = tpu.memref_slice %arg6[%dma_wait3A_299] : memref<256xi32, #tpu.memory_space<vmem>> -> memref<32xi32, #tpu.memory_space<vmem>>
    %dma_wait3A_301 = arith.constant 0 : i32
    %dma_wait3A_302 = arith.constant 0 : i32
    %dma_wait3A_303 = tpu.memref_slice %arg2[%dma_wait3A_301, %dma_wait3A_302] : memref<50000x1024xf32, #tpu.memory_space<hbm>> -> memref<50000x1024xf32, #tpu.memory_space<hbm>>
    %dma_wait3A_304 = tpu.memref_slice %arg13[%dma_wait3A_298] : memref<3x!tpu.dma_semaphore, #tpu.memory_space<semaphore_mem>> -> memref<1x!tpu.dma_semaphore, #tpu.memory_space<semaphore_mem>>
    %dma_wait3A_305 = tpu.memref_squeeze %dma_wait3A_304 : memref<1x!tpu.dma_semaphore, #tpu.memory_space<semaphore_mem>> -> memref<!tpu.dma_semaphore, #tpu.memory_space<semaphore_mem>>
    tpu.wait_indirect_dma semaphore(%dma_wait3A_305 : memref<!tpu.dma_semaphore, #tpu.memory_space<semaphore_mem>>) src(%dma_wait3A_303 : memref<50000x1024xf32, #tpu.memory_space<hbm>>) dst(%arg9 : memref<32x1024xf32, #tpu.memory_space<vmem>>)
    %dma_wait3A_306 = arith.constant 2 : i32
    %dma_wait3A_307 = arith.constant 0 : i32
    %dma_wait3A_308 = tpu.memref_slice %arg4[%add3A_133, %dma_wait3A_307] : memref<2048x1024xf32, #tpu.memory_space<hbm>> -> memref<8x1024xf32, #tpu.memory_space<hbm>>
    %dma_wait3A_309 = tpu.memref_slice %arg14[%dma_wait3A_306] : memref<3x!tpu.dma_semaphore, #tpu.memory_space<semaphore_mem>> -> memref<1x!tpu.dma_semaphore, #tpu.memory_space<semaphore_mem>>
    %dma_wait3A_310 = tpu.memref_squeeze %dma_wait3A_309 : memref<1x!tpu.dma_semaphore, #tpu.memory_space<semaphore_mem>> -> memref<!tpu.dma_semaphore, #tpu.memory_space<semaphore_mem>>
    %dma_wait3A_311 = arith.constant 0 : i32
    %dma_wait3A_312 = tpu.memref_slice %arg4[%add3A_133, %dma_wait3A_311] : memref<2048x1024xf32, #tpu.memory_space<hbm>> -> memref<8x1024xf32, #tpu.memory_space<hbm>>
    tpu.wait_dma2 semaphore(%dma_wait3A_310 : memref<!tpu.dma_semaphore, #tpu.memory_space<semaphore_mem>>) src(%dma_wait3A_312 : memref<8x1024xf32, #tpu.memory_space<hbm>>) dst(%arg12 : memref<8x1024xf32, #tpu.memory_space<vmem>>)
    %scan3A_313 = arith.constant 0 : i32
    %scan3A_314 = arith.constant 8 : i32
    %scan3A_315 = arith.addi %scan3A_313, %scan3A_314 : i32
    %scan3A_316 = arith.constant 1 : i32
    scf.for %scan3A_1206 = %scan3A_313 to %scan3A_315 step %scan3A_316  : i32 {
      %mul3A_1207 = arith.constant 1 : i32
      %mul3A_1208 = arith.muli %scan3A_1206, %mul3A_1207 : i32
      %add3A_1209 = arith.constant 0 : i32
      %add3A_1210 = arith.addi %add3A_1209, %mul3A_1208 : i32
      %parallel_loop3A = arith.constant 0 : i32
      %parallel_loop3A_1211 = arith.constant 1024 : i32
      %parallel_loop3A_1212 = arith.constant 16 : i32
      scf.for %parallel_loop3A_1213 = %parallel_loop3A to %parallel_loop3A_1211 step %parallel_loop3A_1212  : i32 {
        %parallel_loop3A_1214 = arith.index_cast %add3A_1210 : i32 to index
        %parallel_loop3A_1215 = arith.index_cast %parallel_loop3A_1213 : i32 to index
        %parallel_loop3A_1216 = tpu.vector_load %arg12[%parallel_loop3A_1214, %parallel_loop3A_1215] {strides = array<i32>} : memref<8x1024xf32, #tpu.memory_space<vmem>>, vector<1x16xf32>,
        %parallel_loop3A_1217 = vector.shape_cast %parallel_loop3A_1216 : vector<1x16xf32> to vector<16xf32>
        %parallel_loop3A_1218 = arith.constant 0 : i32
        %parallel_loop3A_1219 = arith.addi %parallel_loop3A_1218, %add3A_1210 : i32
        %parallel_loop3A_1220 = arith.index_cast %parallel_loop3A_1219 : i32 to index
        %parallel_loop3A_1221 = arith.index_cast %parallel_loop3A_1213 : i32 to index
        %parallel_loop3A_1222 = tpu.vector_load %arg9[%parallel_loop3A_1220, %parallel_loop3A_1221] {strides = array<i32>} : memref<32x1024xf32, #tpu.memory_space<vmem>>, vector<1x16xf32>,
        %parallel_loop3A_1223 = vector.shape_cast %parallel_loop3A_1222 : vector<1x16xf32> to vector<16xf32>
        %parallel_loop3A_1224 = arith.constant 3.200000e+01 : f32
        %parallel_loop3A_1225 = vector.broadcast %parallel_loop3A_1224 : f32 to vector<16xf32>
        %parallel_loop3A_1226 = arith.mulf %parallel_loop3A_1223, %parallel_loop3A_1225 : vector<16xf32>
        %parallel_loop3A_1227 = arith.addf %parallel_loop3A_1226, %parallel_loop3A_1217 : vector<16xf32>
        %parallel_loop3A_1228 = arith.index_cast %parallel_loop3A_1219 : i32 to index
        %parallel_loop3A_1229 = arith.index_cast %parallel_loop3A_1213 : i32 to index
        %parallel_loop3A_1230 = tpu.vector_load %arg9[%parallel_loop3A_1228, %parallel_loop3A_1229] {strides = array<i32>} : memref<32x1024xf32, #tpu.memory_space<vmem>>, vector<1x16xf32>,
        %parallel_loop3A_1231 = vector.shape_cast %parallel_loop3A_1230 : vector<1x16xf32> to vector<16xf32>
        %parallel_loop3A_1232 = vector.shape_cast %parallel_loop3A_1227 : vector<16xf32> to vector<1x16xf32>
        tpu.vector_store %arg9[%parallel_loop3A_1228, %parallel_loop3A_1229], %parallel_loop3A_1232 {strides = array<i32>} : memref<32x1024xf32, #tpu.memory_space<vmem>>, vector<1x16xf32>,
        %parallel_loop3A_1233 = arith.constant 8 : i32
        %parallel_loop3A_1234 = arith.addi %parallel_loop3A_1233, %add3A_1210 : i32
        %parallel_loop3A_1235 = arith.index_cast %parallel_loop3A_1234 : i32 to index
        %parallel_loop3A_1236 = arith.index_cast %parallel_loop3A_1213 : i32 to index
        %parallel_loop3A_1237 = tpu.vector_load %arg9[%parallel_loop3A_1235, %parallel_loop3A_1236] {strides = array<i32>} : memref<32x1024xf32, #tpu.memory_space<vmem>>, vector<1x16xf32>,
        %parallel_loop3A_1238 = vector.shape_cast %parallel_loop3A_1237 : vector<1x16xf32> to vector<16xf32>
        %parallel_loop3A_1239 = arith.constant 3.200000e+01 : f32
        %parallel_loop3A_1240 = vector.broadcast %parallel_loop3A_1239 : f32 to vector<16xf32>
        %parallel_loop3A_1241 = arith.mulf %parallel_loop3A_1238, %parallel_loop3A_1240 : vector<16xf32>
        %parallel_loop3A_1242 = arith.addf %parallel_loop3A_1241, %parallel_loop3A_1217 : vector<16xf32>
        %parallel_loop3A_1243 = arith.index_cast %parallel_loop3A_1234 : i32 to index
        %parallel_loop3A_1244 = arith.index_cast %parallel_loop3A_1213 : i32 to index
        %parallel_loop3A_1245 = tpu.vector_load %arg9[%parallel_loop3A_1243, %parallel_loop3A_1244] {strides = array<i32>} : memref<32x1024xf32, #tpu.memory_space<vmem>>, vector<1x16xf32>,
        %parallel_loop3A_1246 = vector.shape_cast %parallel_loop3A_1245 : vector<1x16xf32> to vector<16xf32>
        %parallel_loop3A_1247 = vector.shape_cast %parallel_loop3A_1242 : vector<16xf32> to vector<1x16xf32>
        tpu.vector_store %arg9[%parallel_loop3A_1243, %parallel_loop3A_1244], %parallel_loop3A_1247 {strides = array<i32>} : memref<32x1024xf32, #tpu.memory_space<vmem>>, vector<1x16xf32>,
        %parallel_loop3A_1248 = arith.constant 16 : i32
        %parallel_loop3A_1249 = arith.addi %parallel_loop3A_1248, %add3A_1210 : i32
        %parallel_loop3A_1250 = arith.index_cast %parallel_loop3A_1249 : i32 to index
        %parallel_loop3A_1251 = arith.index_cast %parallel_loop3A_1213 : i32 to index
        %parallel_loop3A_1252 = tpu.vector_load %arg9[%parallel_loop3A_1250, %parallel_loop3A_1251] {strides = array<i32>} : memref<32x1024xf32, #tpu.memory_space<vmem>>, vector<1x16xf32>,
        %parallel_loop3A_1253 = vector.shape_cast %parallel_loop3A_1252 : vector<1x16xf32> to vector<16xf32>
        %parallel_loop3A_1254 = arith.constant 3.200000e+01 : f32
        %parallel_loop3A_1255 = vector.broadcast %parallel_loop3A_1254 : f32 to vector<16xf32>
        %parallel_loop3A_1256 = arith.mulf %parallel_loop3A_1253, %parallel_loop3A_1255 : vector<16xf32>
        %parallel_loop3A_1257 = arith.addf %parallel_loop3A_1256, %parallel_loop3A_1217 : vector<16xf32>
        %parallel_loop3A_1258 = arith.index_cast %parallel_loop3A_1249 : i32 to index
        %parallel_loop3A_1259 = arith.index_cast %parallel_loop3A_1213 : i32 to index
        %parallel_loop3A_1260 = tpu.vector_load %arg9[%parallel_loop3A_1258, %parallel_loop3A_1259] {strides = array<i32>} : memref<32x1024xf32, #tpu.memory_space<vmem>>, vector<1x16xf32>,
        %parallel_loop3A_1261 = vector.shape_cast %parallel_loop3A_1260 : vector<1x16xf32> to vector<16xf32>
        %parallel_loop3A_1262 = vector.shape_cast %parallel_loop3A_1257 : vector<16xf32> to vector<1x16xf32>
        tpu.vector_store %arg9[%parallel_loop3A_1258, %parallel_loop3A_1259], %parallel_loop3A_1262 {strides = array<i32>} : memref<32x1024xf32, #tpu.memory_space<vmem>>, vector<1x16xf32>,
        %parallel_loop3A_1263 = arith.constant 24 : i32
        %parallel_loop3A_1264 = arith.addi %parallel_loop3A_1263, %add3A_1210 : i32
        %parallel_loop3A_1265 = arith.index_cast %parallel_loop3A_1264 : i32 to index
        %parallel_loop3A_1266 = arith.index_cast %parallel_loop3A_1213 : i32 to index
        %parallel_loop3A_1267 = tpu.vector_load %arg9[%parallel_loop3A_1265, %parallel_loop3A_1266] {strides = array<i32>} : memref<32x1024xf32, #tpu.memory_space<vmem>>, vector<1x16xf32>,
        %parallel_loop3A_1268 = vector.shape_cast %parallel_loop3A_1267 : vector<1x16xf32> to vector<16xf32>
        %parallel_loop3A_1269 = arith.constant 3.200000e+01 : f32
        %parallel_loop3A_1270 = vector.broadcast %parallel_loop3A_1269 : f32 to vector<16xf32>
        %parallel_loop3A_1271 = arith.mulf %parallel_loop3A_1268, %parallel_loop3A_1270 : vector<16xf32>
        %parallel_loop3A_1272 = arith.addf %parallel_loop3A_1271, %parallel_loop3A_1217 : vector<16xf32>
        %parallel_loop3A_1273 = arith.index_cast %parallel_loop3A_1264 : i32 to index
        %parallel_loop3A_1274 = arith.index_cast %parallel_loop3A_1213 : i32 to index
        %parallel_loop3A_1275 = tpu.vector_load %arg9[%parallel_loop3A_1273, %parallel_loop3A_1274] {strides = array<i32>} : memref<32x1024xf32, #tpu.memory_space<vmem>>, vector<1x16xf32>,
        %parallel_loop3A_1276 = vector.shape_cast %parallel_loop3A_1275 : vector<1x16xf32> to vector<16xf32>
        %parallel_loop3A_1277 = vector.shape_cast %parallel_loop3A_1272 : vector<16xf32> to vector<1x16xf32>
        tpu.vector_store %arg9[%parallel_loop3A_1273, %parallel_loop3A_1274], %parallel_loop3A_1277 {strides = array<i32>} : memref<32x1024xf32, #tpu.memory_space<vmem>>, vector<1x16xf32>,
      } {sc.loop_unroll_factor = 8 : i64, sc.parallel_access}
    }
    %scan3A_317 = arith.constant 8 : i32
    %add3A_318 = arith.constant 0 : i32
    %add3A_319 = arith.addi %add3A_318, %mul3A_4 : i32
    %add3A_320 = arith.constant 16 : i32
    %add3A_321 = arith.addi %add3A_319, %add3A_320 : i32
    %dma_start3A_322 = arith.constant 2 : i32
    %dma_start3A_323 = arith.constant 0 : i32
    %dma_start3A_324 = arith.constant 0 : i32
    %dma_start3A_325 = tpu.memref_slice %arg9[%dma_start3A_323, %dma_start3A_324] : memref<32x1024xf32, #tpu.memory_space<vmem>> -> memref<8x1024xf32, #tpu.memory_space<vmem>>
    %dma_start3A_326 = arith.constant 0 : i32
    %dma_start3A_327 = tpu.memref_slice %arg5[%add3A_321, %dma_start3A_326] : memref<8192x1024xf32, #tpu.memory_space<hbm>> -> memref<8x1024xf32, #tpu.memory_space<hbm>>
    %dma_start3A_328 = tpu.memref_slice %arg15[%dma_start3A_322] : memref<3x!tpu.dma_semaphore, #tpu.memory_space<semaphore_mem>> -> memref<1x!tpu.dma_semaphore, #tpu.memory_space<semaphore_mem>>
    %dma_start3A_329 = tpu.memref_squeeze %dma_start3A_328 : memref<1x!tpu.dma_semaphore, #tpu.memory_space<semaphore_mem>> -> memref<!tpu.dma_semaphore, #tpu.memory_space<semaphore_mem>>
    %dma_start3A_330 = arith.constant 0 : i32
    %dma_start3A_331 = tpu.memref_slice %arg5[%add3A_321, %dma_start3A_330] : memref<8192x1024xf32, #tpu.memory_space<hbm>> -> memref<8x1024xf32, #tpu.memory_space<hbm>>
    %dma_start3A_332 = arith.constant 0 : i32
    %dma_start3A_333 = arith.constant 0 : i32
    %dma_start3A_334 = tpu.memref_slice %arg9[%dma_start3A_332, %dma_start3A_333] : memref<32x1024xf32, #tpu.memory_space<vmem>> -> memref<8x1024xf32, #tpu.memory_space<vmem>>
    tpu.enqueue_dma source(%dma_start3A_334 : memref<8x1024xf32, #tpu.memory_space<vmem>>) target(%dma_start3A_331 : memref<8x1024xf32, #tpu.memory_space<hbm>>) target_semaphore(%dma_start3A_329 : memref<!tpu.dma_semaphore, #tpu.memory_space<semaphore_mem>>)
    %add3A_335 = arith.constant 2048 : i32
    %add3A_336 = arith.addi %add3A_335, %mul3A_4 : i32
    %add3A_337 = arith.constant 16 : i32
    %add3A_338 = arith.addi %add3A_336, %add3A_337 : i32
    %dma_start3A_339 = arith.constant 2 : i32
    %dma_start3A_340 = arith.constant 8 : i32
    %dma_start3A_341 = arith.constant 0 : i32
    %dma_start3A_342 = tpu.memref_slice %arg9[%dma_start3A_340, %dma_start3A_341] : memref<32x1024xf32, #tpu.memory_space<vmem>> -> memref<8x1024xf32, #tpu.memory_space<vmem>>
    %dma_start3A_343 = arith.constant 0 : i32
    %dma_start3A_344 = tpu.memref_slice %arg5[%add3A_338, %dma_start3A_343] : memref<8192x1024xf32, #tpu.memory_space<hbm>> -> memref<8x1024xf32, #tpu.memory_space<hbm>>
    %dma_start3A_345 = tpu.memref_slice %arg15[%dma_start3A_339] : memref<3x!tpu.dma_semaphore, #tpu.memory_space<semaphore_mem>> -> memref<1x!tpu.dma_semaphore, #tpu.memory_space<semaphore_mem>>
    %dma_start3A_346 = tpu.memref_squeeze %dma_start3A_345 : memref<1x!tpu.dma_semaphore, #tpu.memory_space<semaphore_mem>> -> memref<!tpu.dma_semaphore, #tpu.memory_space<semaphore_mem>>
    %dma_start3A_347 = arith.constant 0 : i32
    %dma_start3A_348 = tpu.memref_slice %arg5[%add3A_338, %dma_start3A_347] : memref<8192x1024xf32, #tpu.memory_space<hbm>> -> memref<8x1024xf32, #tpu.memory_space<hbm>>
    %dma_start3A_349 = arith.constant 8 : i32
    %dma_start3A_350 = arith.constant 0 : i32
    %dma_start3A_351 = tpu.memref_slice %arg9[%dma_start3A_349, %dma_start3A_350] : memref<32x1024xf32, #tpu.memory_space<vmem>> -> memref<8x1024xf32, #tpu.memory_space<vmem>>
    tpu.enqueue_dma source(%dma_start3A_351 : memref<8x1024xf32, #tpu.memory_space<vmem>>) target(%dma_start3A_348 : memref<8x1024xf32, #tpu.memory_space<hbm>>) target_semaphore(%dma_start3A_346 : memref<!tpu.dma_semaphore, #tpu.memory_space<semaphore_mem>>)
    %add3A_352 = arith.constant 4096 : i32
    %add3A_353 = arith.addi %add3A_352, %mul3A_4 : i32
    %add3A_354 = arith.constant 16 : i32
    %add3A_355 = arith.addi %add3A_353, %add3A_354 : i32
    %dma_start3A_356 = arith.constant 2 : i32
    %dma_start3A_357 = arith.constant 16 : i32
    %dma_start3A_358 = arith.constant 0 : i32
    %dma_start3A_359 = tpu.memref_slice %arg9[%dma_start3A_357, %dma_start3A_358] : memref<32x1024xf32, #tpu.memory_space<vmem>> -> memref<8x1024xf32, #tpu.memory_space<vmem>>
    %dma_start3A_360 = arith.constant 0 : i32
    %dma_start3A_361 = tpu.memref_slice %arg5[%add3A_355, %dma_start3A_360] : memref<8192x1024xf32, #tpu.memory_space<hbm>> -> memref<8x1024xf32, #tpu.memory_space<hbm>>
    %dma_start3A_362 = tpu.memref_slice %arg15[%dma_start3A_356] : memref<3x!tpu.dma_semaphore, #tpu.memory_space<semaphore_mem>> -> memref<1x!tpu.dma_semaphore, #tpu.memory_space<semaphore_mem>>
    %dma_start3A_363 = tpu.memref_squeeze %dma_start3A_362 : memref<1x!tpu.dma_semaphore, #tpu.memory_space<semaphore_mem>> -> memref<!tpu.dma_semaphore, #tpu.memory_space<semaphore_mem>>
    %dma_start3A_364 = arith.constant 0 : i32
    %dma_start3A_365 = tpu.memref_slice %arg5[%add3A_355, %dma_start3A_364] : memref<8192x1024xf32, #tpu.memory_space<hbm>> -> memref<8x1024xf32, #tpu.memory_space<hbm>>
    %dma_start3A_366 = arith.constant 16 : i32
    %dma_start3A_367 = arith.constant 0 : i32
    %dma_start3A_368 = tpu.memref_slice %arg9[%dma_start3A_366, %dma_start3A_367] : memref<32x1024xf32, #tpu.memory_space<vmem>> -> memref<8x1024xf32, #tpu.memory_space<vmem>>
    tpu.enqueue_dma source(%dma_start3A_368 : memref<8x1024xf32, #tpu.memory_space<vmem>>) target(%dma_start3A_365 : memref<8x1024xf32, #tpu.memory_space<hbm>>) target_semaphore(%dma_start3A_363 : memref<!tpu.dma_semaphore, #tpu.memory_space<semaphore_mem>>)
    %add3A_369 = arith.constant 6144 : i32
    %add3A_370 = arith.addi %add3A_369, %mul3A_4 : i32
    %add3A_371 = arith.constant 16 : i32
    %add3A_372 = arith.addi %add3A_370, %add3A_371 : i32
    %dma_start3A_373 = arith.constant 2 : i32
    %dma_start3A_374 = arith.constant 24 : i32
    %dma_start3A_375 = arith.constant 0 : i32
    %dma_start3A_376 = tpu.memref_slice %arg9[%dma_start3A_374, %dma_start3A_375] : memref<32x1024xf32, #tpu.memory_space<vmem>> -> memref<8x1024xf32, #tpu.memory_space<vmem>>
    %dma_start3A_377 = arith.constant 0 : i32
    %dma_start3A_378 = tpu.memref_slice %arg5[%add3A_372, %dma_start3A_377] : memref<8192x1024xf32, #tpu.memory_space<hbm>> -> memref<8x1024xf32, #tpu.memory_space<hbm>>
    %dma_start3A_379 = tpu.memref_slice %arg15[%dma_start3A_373] : memref<3x!tpu.dma_semaphore, #tpu.memory_space<semaphore_mem>> -> memref<1x!tpu.dma_semaphore, #tpu.memory_space<semaphore_mem>>
    %dma_start3A_380 = tpu.memref_squeeze %dma_start3A_379 : memref<1x!tpu.dma_semaphore, #tpu.memory_space<semaphore_mem>> -> memref<!tpu.dma_semaphore, #tpu.memory_space<semaphore_mem>>
    %dma_start3A_381 = arith.constant 0 : i32
    %dma_start3A_382 = tpu.memref_slice %arg5[%add3A_372, %dma_start3A_381] : memref<8192x1024xf32, #tpu.memory_space<hbm>> -> memref<8x1024xf32, #tpu.memory_space<hbm>>
    %dma_start3A_383 = arith.constant 24 : i32
    %dma_start3A_384 = arith.constant 0 : i32
    %dma_start3A_385 = tpu.memref_slice %arg9[%dma_start3A_383, %dma_start3A_384] : memref<32x1024xf32, #tpu.memory_space<vmem>> -> memref<8x1024xf32, #tpu.memory_space<vmem>>
    tpu.enqueue_dma source(%dma_start3A_385 : memref<8x1024xf32, #tpu.memory_space<vmem>>) target(%dma_start3A_382 : memref<8x1024xf32, #tpu.memory_space<hbm>>) target_semaphore(%dma_start3A_380 : memref<!tpu.dma_semaphore, #tpu.memory_space<semaphore_mem>>)
    %dma_wait3A_386 = arith.constant 1 : i32
    %dma_wait3A_387 = arith.constant 0 : i32
    %dma_wait3A_388 = arith.constant 0 : i32
    %dma_wait3A_389 = tpu.memref_slice %arg8[%dma_wait3A_387, %dma_wait3A_388] : memref<32x1024xf32, #tpu.memory_space<vmem>> -> memref<8x1024xf32, #tpu.memory_space<vmem>>
    %dma_wait3A_390 = arith.constant 0 : i32
    %dma_wait3A_391 = tpu.memref_slice %arg5[%add3A_164, %dma_wait3A_390] : memref<8192x1024xf32, #tpu.memory_space<hbm>> -> memref<8x1024xf32, #tpu.memory_space<hbm>>
    %dma_wait3A_392 = tpu.memref_slice %arg15[%dma_wait3A_386] : memref<3x!tpu.dma_semaphore, #tpu.memory_space<semaphore_mem>> -> memref<1x!tpu.dma_semaphore, #tpu.memory_space<semaphore_mem>>
    %dma_wait3A_393 = tpu.memref_squeeze %dma_wait3A_392 : memref<1x!tpu.dma_semaphore, #tpu.memory_space<semaphore_mem>> -> memref<!tpu.dma_semaphore, #tpu.memory_space<semaphore_mem>>
    %dma_wait3A_394 = arith.constant 0 : i32
    %dma_wait3A_395 = tpu.memref_slice %arg5[%add3A_164, %dma_wait3A_394] : memref<8192x1024xf32, #tpu.memory_space<hbm>> -> memref<8x1024xf32, #tpu.memory_space<hbm>>
    %dma_wait3A_396 = arith.constant 0 : i32
    %dma_wait3A_397 = arith.constant 0 : i32
    %dma_wait3A_398 = tpu.memref_slice %arg8[%dma_wait3A_396, %dma_wait3A_397] : memref<32x1024xf32, #tpu.memory_space<vmem>> -> memref<8x1024xf32, #tpu.memory_space<vmem>>
    tpu.wait_dma2 semaphore(%dma_wait3A_393 : memref<!tpu.dma_semaphore, #tpu.memory_space<semaphore_mem>>) src(%dma_wait3A_398 : memref<8x1024xf32, #tpu.memory_space<vmem>>) dst(%dma_wait3A_395 : memref<8x1024xf32, #tpu.memory_space<hbm>>)
    %dma_wait3A_399 = arith.constant 1 : i32
    %dma_wait3A_400 = arith.constant 8 : i32
    %dma_wait3A_401 = arith.constant 0 : i32
    %dma_wait3A_402 = tpu.memref_slice %arg8[%dma_wait3A_400, %dma_wait3A_401] : memref<32x1024xf32, #tpu.memory_space<vmem>> -> memref<8x1024xf32, #tpu.memory_space<vmem>>
    %dma_wait3A_403 = arith.constant 0 : i32
    %dma_wait3A_404 = tpu.memref_slice %arg5[%add3A_181, %dma_wait3A_403] : memref<8192x1024xf32, #tpu.memory_space<hbm>> -> memref<8x1024xf32, #tpu.memory_space<hbm>>
    %dma_wait3A_405 = tpu.memref_slice %arg15[%dma_wait3A_399] : memref<3x!tpu.dma_semaphore, #tpu.memory_space<semaphore_mem>> -> memref<1x!tpu.dma_semaphore, #tpu.memory_space<semaphore_mem>>
    %dma_wait3A_406 = tpu.memref_squeeze %dma_wait3A_405 : memref<1x!tpu.dma_semaphore, #tpu.memory_space<semaphore_mem>> -> memref<!tpu.dma_semaphore, #tpu.memory_space<semaphore_mem>>
    %dma_wait3A_407 = arith.constant 0 : i32
    %dma_wait3A_408 = tpu.memref_slice %arg5[%add3A_181, %dma_wait3A_407] : memref<8192x1024xf32, #tpu.memory_space<hbm>> -> memref<8x1024xf32, #tpu.memory_space<hbm>>
    %dma_wait3A_409 = arith.constant 8 : i32
    %dma_wait3A_410 = arith.constant 0 : i32
    %dma_wait3A_411 = tpu.memref_slice %arg8[%dma_wait3A_409, %dma_wait3A_410] : memref<32x1024xf32, #tpu.memory_space<vmem>> -> memref<8x1024xf32, #tpu.memory_space<vmem>>
    tpu.wait_dma2 semaphore(%dma_wait3A_406 : memref<!tpu.dma_semaphore, #tpu.memory_space<semaphore_mem>>) src(%dma_wait3A_411 : memref<8x1024xf32, #tpu.memory_space<vmem>>) dst(%dma_wait3A_408 : memref<8x1024xf32, #tpu.memory_space<hbm>>)
    %dma_wait3A_412 = arith.constant 1 : i32
    %dma_wait3A_413 = arith.constant 16 : i32
    %dma_wait3A_414 = arith.constant 0 : i32
    %dma_wait3A_415 = tpu.memref_slice %arg8[%dma_wait3A_413, %dma_wait3A_414] : memref<32x1024xf32, #tpu.memory_space<vmem>> -> memref<8x1024xf32, #tpu.memory_space<vmem>>
    %dma_wait3A_416 = arith.constant 0 : i32
    %dma_wait3A_417 = tpu.memref_slice %arg5[%add3A_198, %dma_wait3A_416] : memref<8192x1024xf32, #tpu.memory_space<hbm>> -> memref<8x1024xf32, #tpu.memory_space<hbm>>
    %dma_wait3A_418 = tpu.memref_slice %arg15[%dma_wait3A_412] : memref<3x!tpu.dma_semaphore, #tpu.memory_space<semaphore_mem>> -> memref<1x!tpu.dma_semaphore, #tpu.memory_space<semaphore_mem>>
    %dma_wait3A_419 = tpu.memref_squeeze %dma_wait3A_418 : memref<1x!tpu.dma_semaphore, #tpu.memory_space<semaphore_mem>> -> memref<!tpu.dma_semaphore, #tpu.memory_space<semaphore_mem>>
    %dma_wait3A_420 = arith.constant 0 : i32
    %dma_wait3A_421 = tpu.memref_slice %arg5[%add3A_198, %dma_wait3A_420] : memref<8192x1024xf32, #tpu.memory_space<hbm>> -> memref<8x1024xf32, #tpu.memory_space<hbm>>
    %dma_wait3A_422 = arith.constant 16 : i32
    %dma_wait3A_423 = arith.constant 0 : i32
    %dma_wait3A_424 = tpu.memref_slice %arg8[%dma_wait3A_422, %dma_wait3A_423] : memref<32x1024xf32, #tpu.memory_space<vmem>> -> memref<8x1024xf32, #tpu.memory_space<vmem>>
    tpu.wait_dma2 semaphore(%dma_wait3A_419 : memref<!tpu.dma_semaphore, #tpu.memory_space<semaphore_mem>>) src(%dma_wait3A_424 : memref<8x1024xf32, #tpu.memory_space<vmem>>) dst(%dma_wait3A_421 : memref<8x1024xf32, #tpu.memory_space<hbm>>)
    %dma_wait3A_425 = arith.constant 1 : i32
    %dma_wait3A_426 = arith.constant 24 : i32
    %dma_wait3A_427 = arith.constant 0 : i32
    %dma_wait3A_428 = tpu.memref_slice %arg8[%dma_wait3A_426, %dma_wait3A_427] : memref<32x1024xf32, #tpu.memory_space<vmem>> -> memref<8x1024xf32, #tpu.memory_space<vmem>>
    %dma_wait3A_429 = arith.constant 0 : i32
    %dma_wait3A_430 = tpu.memref_slice %arg5[%add3A_215, %dma_wait3A_429] : memref<8192x1024xf32, #tpu.memory_space<hbm>> -> memref<8x1024xf32, #tpu.memory_space<hbm>>
    %dma_wait3A_431 = tpu.memref_slice %arg15[%dma_wait3A_425] : memref<3x!tpu.dma_semaphore, #tpu.memory_space<semaphore_mem>> -> memref<1x!tpu.dma_semaphore, #tpu.memory_space<semaphore_mem>>
    %dma_wait3A_432 = tpu.memref_squeeze %dma_wait3A_431 : memref<1x!tpu.dma_semaphore, #tpu.memory_space<semaphore_mem>> -> memref<!tpu.dma_semaphore, #tpu.memory_space<semaphore_mem>>
    %dma_wait3A_433 = arith.constant 0 : i32
    %dma_wait3A_434 = tpu.memref_slice %arg5[%add3A_215, %dma_wait3A_433] : memref<8192x1024xf32, #tpu.memory_space<hbm>> -> memref<8x1024xf32, #tpu.memory_space<hbm>>
    %dma_wait3A_435 = arith.constant 24 : i32
    %dma_wait3A_436 = arith.constant 0 : i32
    %dma_wait3A_437 = tpu.memref_slice %arg8[%dma_wait3A_435, %dma_wait3A_436] : memref<32x1024xf32, #tpu.memory_space<vmem>> -> memref<8x1024xf32, #tpu.memory_space<vmem>>
    tpu.wait_dma2 semaphore(%dma_wait3A_432 : memref<!tpu.dma_semaphore, #tpu.memory_space<semaphore_mem>>) src(%dma_wait3A_437 : memref<8x1024xf32, #tpu.memory_space<vmem>>) dst(%dma_wait3A_434 : memref<8x1024xf32, #tpu.memory_space<hbm>>)
    %dma_start3A_438 = arith.constant 1 : i32
    %dma_start3A_439 = arith.constant 128 : i32
    %dma_start3A_440 = tpu.memref_slice %arg6[%dma_start3A_439] : memref<256xi32, #tpu.memory_space<vmem>> -> memref<32xi32, #tpu.memory_space<vmem>>
    %dma_start3A_441 = arith.constant 0 : i32
    %dma_start3A_442 = arith.constant 0 : i32
    %dma_start3A_443 = tpu.memref_slice %arg2[%dma_start3A_441, %dma_start3A_442] : memref<50000x1024xf32, #tpu.memory_space<hbm>> -> memref<50000x1024xf32, #tpu.memory_space<hbm>>
    %dma_start3A_444 = tpu.memref_slice %arg13[%dma_start3A_438] : memref<3x!tpu.dma_semaphore, #tpu.memory_space<semaphore_mem>> -> memref<1x!tpu.dma_semaphore, #tpu.memory_space<semaphore_mem>>
    %dma_start3A_445 = tpu.memref_squeeze %dma_start3A_444 : memref<1x!tpu.dma_semaphore, #tpu.memory_space<semaphore_mem>> -> memref<!tpu.dma_semaphore, #tpu.memory_space<semaphore_mem>>
    tpu.enqueue_indirect_dma source(%dma_start3A_443 : memref<50000x1024xf32, #tpu.memory_space<hbm>>) target(%arg8 : memref<32x1024xf32, #tpu.memory_space<vmem>>) offsets(%dma_start3A_440 : memref<32xi32, #tpu.memory_space<vmem>>) semaphore(%dma_start3A_445 : memref<!tpu.dma_semaphore, #tpu.memory_space<semaphore_mem>>)
    %add3A_446 = arith.constant 32 : i32
    %add3A_447 = arith.addi %mul3A_4, %add3A_446 : i32
    %dma_start3A_448 = arith.constant 1 : i32
    %dma_start3A_449 = arith.constant 0 : i32
    %dma_start3A_450 = tpu.memref_slice %arg4[%add3A_447, %dma_start3A_449] : memref<2048x1024xf32, #tpu.memory_space<hbm>> -> memref<8x1024xf32, #tpu.memory_space<hbm>>
    %dma_start3A_451 = tpu.memref_slice %arg14[%dma_start3A_448] : memref<3x!tpu.dma_semaphore, #tpu.memory_space<semaphore_mem>> -> memref<1x!tpu.dma_semaphore, #tpu.memory_space<semaphore_mem>>
    %dma_start3A_452 = tpu.memref_squeeze %dma_start3A_451 : memref<1x!tpu.dma_semaphore, #tpu.memory_space<semaphore_mem>> -> memref<!tpu.dma_semaphore, #tpu.memory_space<semaphore_mem>>
    %dma_start3A_453 = arith.constant 0 : i32
    %dma_start3A_454 = tpu.memref_slice %arg4[%add3A_447, %dma_start3A_453] : memref<2048x1024xf32, #tpu.memory_space<hbm>> -> memref<8x1024xf32, #tpu.memory_space<hbm>>
    tpu.enqueue_dma source(%dma_start3A_454 : memref<8x1024xf32, #tpu.memory_space<hbm>>) target(%arg11 : memref<8x1024xf32, #tpu.memory_space<vmem>>) target_semaphore(%dma_start3A_452 : memref<!tpu.dma_semaphore, #tpu.memory_space<semaphore_mem>>)
    %dma_wait3A_455 = arith.constant 0 : i32
    %dma_wait3A_456 = arith.constant 96 : i32
    %dma_wait3A_457 = tpu.memref_slice %arg6[%dma_wait3A_456] : memref<256xi32, #tpu.memory_space<vmem>> -> memref<32xi32, #tpu.memory_space<vmem>>
    %dma_wait3A_458 = arith.constant 0 : i32
    %dma_wait3A_459 = arith.constant 0 : i32
    %dma_wait3A_460 = tpu.memref_slice %arg2[%dma_wait3A_458, %dma_wait3A_459] : memref<50000x1024xf32, #tpu.memory_space<hbm>> -> memref<50000x1024xf32, #tpu.memory_space<hbm>>
    %dma_wait3A_461 = tpu.memref_slice %arg13[%dma_wait3A_455] : memref<3x!tpu.dma_semaphore, #tpu.memory_space<semaphore_mem>> -> memref<1x!tpu.dma_semaphore, #tpu.memory_space<semaphore_mem>>
    %dma_wait3A_462 = tpu.memref_squeeze %dma_wait3A_461 : memref<1x!tpu.dma_semaphore, #tpu.memory_space<semaphore_mem>> -> memref<!tpu.dma_semaphore, #tpu.memory_space<semaphore_mem>>
    tpu.wait_indirect_dma semaphore(%dma_wait3A_462 : memref<!tpu.dma_semaphore, #tpu.memory_space<semaphore_mem>>) src(%dma_wait3A_460 : memref<50000x1024xf32, #tpu.memory_space<hbm>>) dst(%arg7 : memref<32x1024xf32, #tpu.memory_space<vmem>>)
    %dma_wait3A_463 = arith.constant 0 : i32
    %dma_wait3A_464 = arith.constant 0 : i32
    %dma_wait3A_465 = tpu.memref_slice %arg4[%add3A_290, %dma_wait3A_464] : memref<2048x1024xf32, #tpu.memory_space<hbm>> -> memref<8x1024xf32, #tpu.memory_space<hbm>>
    %dma_wait3A_466 = tpu.memref_slice %arg14[%dma_wait3A_463] : memref<3x!tpu.dma_semaphore, #tpu.memory_space<semaphore_mem>> -> memref<1x!tpu.dma_semaphore, #tpu.memory_space<semaphore_mem>>
    %dma_wait3A_467 = tpu.memref_squeeze %dma_wait3A_466 : memref<1x!tpu.dma_semaphore, #tpu.memory_space<semaphore_mem>> -> memref<!tpu.dma_semaphore, #tpu.memory_space<semaphore_mem>>
    %dma_wait3A_468 = arith.constant 0 : i32
    %dma_wait3A_469 = tpu.memref_slice %arg4[%add3A_290, %dma_wait3A_468] : memref<2048x1024xf32, #tpu.memory_space<hbm>> -> memref<8x1024xf32, #tpu.memory_space<hbm>>
    tpu.wait_dma2 semaphore(%dma_wait3A_467 : memref<!tpu.dma_semaphore, #tpu.memory_space<semaphore_mem>>) src(%dma_wait3A_469 : memref<8x1024xf32, #tpu.memory_space<hbm>>) dst(%arg10 : memref<8x1024xf32, #tpu.memory_space<vmem>>)
    %scan3A_470 = arith.constant 0 : i32
    %scan3A_471 = arith.constant 8 : i32
    %scan3A_472 = arith.addi %scan3A_470, %scan3A_471 : i32
    %scan3A_473 = arith.constant 1 : i32
    scf.for %scan3A_1206 = %scan3A_470 to %scan3A_472 step %scan3A_473  : i32 {
      %mul3A_1207 = arith.constant 1 : i32
      %mul3A_1208 = arith.muli %scan3A_1206, %mul3A_1207 : i32
      %add3A_1209 = arith.constant 0 : i32
      %add3A_1210 = arith.addi %add3A_1209, %mul3A_1208 : i32
      %parallel_loop3A = arith.constant 0 : i32
      %parallel_loop3A_1211 = arith.constant 1024 : i32
      %parallel_loop3A_1212 = arith.constant 16 : i32
      scf.for %parallel_loop3A_1213 = %parallel_loop3A to %parallel_loop3A_1211 step %parallel_loop3A_1212  : i32 {
        %parallel_loop3A_1214 = arith.index_cast %add3A_1210 : i32 to index
        %parallel_loop3A_1215 = arith.index_cast %parallel_loop3A_1213 : i32 to index
        %parallel_loop3A_1216 = tpu.vector_load %arg10[%parallel_loop3A_1214, %parallel_loop3A_1215] {strides = array<i32>} : memref<8x1024xf32, #tpu.memory_space<vmem>>, vector<1x16xf32>,
        %parallel_loop3A_1217 = vector.shape_cast %parallel_loop3A_1216 : vector<1x16xf32> to vector<16xf32>
        %parallel_loop3A_1218 = arith.constant 0 : i32
        %parallel_loop3A_1219 = arith.addi %parallel_loop3A_1218, %add3A_1210 : i32
        %parallel_loop3A_1220 = arith.index_cast %parallel_loop3A_1219 : i32 to index
        %parallel_loop3A_1221 = arith.index_cast %parallel_loop3A_1213 : i32 to index
        %parallel_loop3A_1222 = tpu.vector_load %arg7[%parallel_loop3A_1220, %parallel_loop3A_1221] {strides = array<i32>} : memref<32x1024xf32, #tpu.memory_space<vmem>>, vector<1x16xf32>,
        %parallel_loop3A_1223 = vector.shape_cast %parallel_loop3A_1222 : vector<1x16xf32> to vector<16xf32>
        %parallel_loop3A_1224 = arith.constant 3.200000e+01 : f32
        %parallel_loop3A_1225 = vector.broadcast %parallel_loop3A_1224 : f32 to vector<16xf32>
        %parallel_loop3A_1226 = arith.mulf %parallel_loop3A_1223, %parallel_loop3A_1225 : vector<16xf32>
        %parallel_loop3A_1227 = arith.addf %parallel_loop3A_1226, %parallel_loop3A_1217 : vector<16xf32>
        %parallel_loop3A_1228 = arith.index_cast %parallel_loop3A_1219 : i32 to index
        %parallel_loop3A_1229 = arith.index_cast %parallel_loop3A_1213 : i32 to index
        %parallel_loop3A_1230 = tpu.vector_load %arg7[%parallel_loop3A_1228, %parallel_loop3A_1229] {strides = array<i32>} : memref<32x1024xf32, #tpu.memory_space<vmem>>, vector<1x16xf32>,
        %parallel_loop3A_1231 = vector.shape_cast %parallel_loop3A_1230 : vector<1x16xf32> to vector<16xf32>
        %parallel_loop3A_1232 = vector.shape_cast %parallel_loop3A_1227 : vector<16xf32> to vector<1x16xf32>
        tpu.vector_store %arg7[%parallel_loop3A_1228, %parallel_loop3A_1229], %parallel_loop3A_1232 {strides = array<i32>} : memref<32x1024xf32, #tpu.memory_space<vmem>>, vector<1x16xf32>,
        %parallel_loop3A_1233 = arith.constant 8 : i32
        %parallel_loop3A_1234 = arith.addi %parallel_loop3A_1233, %add3A_1210 : i32
        %parallel_loop3A_1235 = arith.index_cast %parallel_loop3A_1234 : i32 to index
        %parallel_loop3A_1236 = arith.index_cast %parallel_loop3A_1213 : i32 to index
        %parallel_loop3A_1237 = tpu.vector_load %arg7[%parallel_loop3A_1235, %parallel_loop3A_1236] {strides = array<i32>} : memref<32x1024xf32, #tpu.memory_space<vmem>>, vector<1x16xf32>,
        %parallel_loop3A_1238 = vector.shape_cast %parallel_loop3A_1237 : vector<1x16xf32> to vector<16xf32>
        %parallel_loop3A_1239 = arith.constant 3.200000e+01 : f32
        %parallel_loop3A_1240 = vector.broadcast %parallel_loop3A_1239 : f32 to vector<16xf32>
        %parallel_loop3A_1241 = arith.mulf %parallel_loop3A_1238, %parallel_loop3A_1240 : vector<16xf32>
        %parallel_loop3A_1242 = arith.addf %parallel_loop3A_1241, %parallel_loop3A_1217 : vector<16xf32>
        %parallel_loop3A_1243 = arith.index_cast %parallel_loop3A_1234 : i32 to index
        %parallel_loop3A_1244 = arith.index_cast %parallel_loop3A_1213 : i32 to index
        %parallel_loop3A_1245 = tpu.vector_load %arg7[%parallel_loop3A_1243, %parallel_loop3A_1244] {strides = array<i32>} : memref<32x1024xf32, #tpu.memory_space<vmem>>, vector<1x16xf32>,
        %parallel_loop3A_1246 = vector.shape_cast %parallel_loop3A_1245 : vector<1x16xf32> to vector<16xf32>
        %parallel_loop3A_1247 = vector.shape_cast %parallel_loop3A_1242 : vector<16xf32> to vector<1x16xf32>
        tpu.vector_store %arg7[%parallel_loop3A_1243, %parallel_loop3A_1244], %parallel_loop3A_1247 {strides = array<i32>} : memref<32x1024xf32, #tpu.memory_space<vmem>>, vector<1x16xf32>,
        %parallel_loop3A_1248 = arith.constant 16 : i32
        %parallel_loop3A_1249 = arith.addi %parallel_loop3A_1248, %add3A_1210 : i32
        %parallel_loop3A_1250 = arith.index_cast %parallel_loop3A_1249 : i32 to index
        %parallel_loop3A_1251 = arith.index_cast %parallel_loop3A_1213 : i32 to index
        %parallel_loop3A_1252 = tpu.vector_load %arg7[%parallel_loop3A_1250, %parallel_loop3A_1251] {strides = array<i32>} : memref<32x1024xf32, #tpu.memory_space<vmem>>, vector<1x16xf32>,
        %parallel_loop3A_1253 = vector.shape_cast %parallel_loop3A_1252 : vector<1x16xf32> to vector<16xf32>
        %parallel_loop3A_1254 = arith.constant 3.200000e+01 : f32
        %parallel_loop3A_1255 = vector.broadcast %parallel_loop3A_1254 : f32 to vector<16xf32>
        %parallel_loop3A_1256 = arith.mulf %parallel_loop3A_1253, %parallel_loop3A_1255 : vector<16xf32>
        %parallel_loop3A_1257 = arith.addf %parallel_loop3A_1256, %parallel_loop3A_1217 : vector<16xf32>
        %parallel_loop3A_1258 = arith.index_cast %parallel_loop3A_1249 : i32 to index
        %parallel_loop3A_1259 = arith.index_cast %parallel_loop3A_1213 : i32 to index
        %parallel_loop3A_1260 = tpu.vector_load %arg7[%parallel_loop3A_1258, %parallel_loop3A_1259] {strides = array<i32>} : memref<32x1024xf32, #tpu.memory_space<vmem>>, vector<1x16xf32>,
        %parallel_loop3A_1261 = vector.shape_cast %parallel_loop3A_1260 : vector<1x16xf32> to vector<16xf32>
        %parallel_loop3A_1262 = vector.shape_cast %parallel_loop3A_1257 : vector<16xf32> to vector<1x16xf32>
        tpu.vector_store %arg7[%parallel_loop3A_1258, %parallel_loop3A_1259], %parallel_loop3A_1262 {strides = array<i32>} : memref<32x1024xf32, #tpu.memory_space<vmem>>, vector<1x16xf32>,
        %parallel_loop3A_1263 = arith.constant 24 : i32
        %parallel_loop3A_1264 = arith.addi %parallel_loop3A_1263, %add3A_1210 : i32
        %parallel_loop3A_1265 = arith.index_cast %parallel_loop3A_1264 : i32 to index
        %parallel_loop3A_1266 = arith.index_cast %parallel_loop3A_1213 : i32 to index
        %parallel_loop3A_1267 = tpu.vector_load %arg7[%parallel_loop3A_1265, %parallel_loop3A_1266] {strides = array<i32>} : memref<32x1024xf32, #tpu.memory_space<vmem>>, vector<1x16xf32>,
        %parallel_loop3A_1268 = vector.shape_cast %parallel_loop3A_1267 : vector<1x16xf32> to vector<16xf32>
        %parallel_loop3A_1269 = arith.constant 3.200000e+01 : f32
        %parallel_loop3A_1270 = vector.broadcast %parallel_loop3A_1269 : f32 to vector<16xf32>
        %parallel_loop3A_1271 = arith.mulf %parallel_loop3A_1268, %parallel_loop3A_1270 : vector<16xf32>
        %parallel_loop3A_1272 = arith.addf %parallel_loop3A_1271, %parallel_loop3A_1217 : vector<16xf32>
        %parallel_loop3A_1273 = arith.index_cast %parallel_loop3A_1264 : i32 to index
        %parallel_loop3A_1274 = arith.index_cast %parallel_loop3A_1213 : i32 to index
        %parallel_loop3A_1275 = tpu.vector_load %arg7[%parallel_loop3A_1273, %parallel_loop3A_1274] {strides = array<i32>} : memref<32x1024xf32, #tpu.memory_space<vmem>>, vector<1x16xf32>,
        %parallel_loop3A_1276 = vector.shape_cast %parallel_loop3A_1275 : vector<1x16xf32> to vector<16xf32>
        %parallel_loop3A_1277 = vector.shape_cast %parallel_loop3A_1272 : vector<16xf32> to vector<1x16xf32>
        tpu.vector_store %arg7[%parallel_loop3A_1273, %parallel_loop3A_1274], %parallel_loop3A_1277 {strides = array<i32>} : memref<32x1024xf32, #tpu.memory_space<vmem>>, vector<1x16xf32>,
      } {sc.loop_unroll_factor = 8 : i64, sc.parallel_access}
    }
    %scan3A_474 = arith.constant 8 : i32
    %add3A_475 = arith.constant 0 : i32
    %add3A_476 = arith.addi %add3A_475, %mul3A_4 : i32
    %add3A_477 = arith.constant 24 : i32
    %add3A_478 = arith.addi %add3A_476, %add3A_477 : i32
    %dma_start3A_479 = arith.constant 0 : i32
    %dma_start3A_480 = arith.constant 0 : i32
    %dma_start3A_481 = arith.constant 0 : i32
    %dma_start3A_482 = tpu.memref_slice %arg7[%dma_start3A_480, %dma_start3A_481] : memref<32x1024xf32, #tpu.memory_space<vmem>> -> memref<8x1024xf32, #tpu.memory_space<vmem>>
    %dma_start3A_483 = arith.constant 0 : i32
    %dma_start3A_484 = tpu.memref_slice %arg5[%add3A_478, %dma_start3A_483] : memref<8192x1024xf32, #tpu.memory_space<hbm>> -> memref<8x1024xf32, #tpu.memory_space<hbm>>
    %dma_start3A_485 = tpu.memref_slice %arg15[%dma_start3A_479] : memref<3x!tpu.dma_semaphore, #tpu.memory_space<semaphore_mem>> -> memref<1x!tpu.dma_semaphore, #tpu.memory_space<semaphore_mem>>
    %dma_start3A_486 = tpu.memref_squeeze %dma_start3A_485 : memref<1x!tpu.dma_semaphore, #tpu.memory_space<semaphore_mem>> -> memref<!tpu.dma_semaphore, #tpu.memory_space<semaphore_mem>>
    %dma_start3A_487 = arith.constant 0 : i32
    %dma_start3A_488 = tpu.memref_slice %arg5[%add3A_478, %dma_start3A_487] : memref<8192x1024xf32, #tpu.memory_space<hbm>> -> memref<8x1024xf32, #tpu.memory_space<hbm>>
    %dma_start3A_489 = arith.constant 0 : i32
    %dma_start3A_490 = arith.constant 0 : i32
    %dma_start3A_491 = tpu.memref_slice %arg7[%dma_start3A_489, %dma_start3A_490] : memref<32x1024xf32, #tpu.memory_space<vmem>> -> memref<8x1024xf32, #tpu.memory_space<vmem>>
    tpu.enqueue_dma source(%dma_start3A_491 : memref<8x1024xf32, #tpu.memory_space<vmem>>) target(%dma_start3A_488 : memref<8x1024xf32, #tpu.memory_space<hbm>>) target_semaphore(%dma_start3A_486 : memref<!tpu.dma_semaphore, #tpu.memory_space<semaphore_mem>>)
    %add3A_492 = arith.constant 2048 : i32
    %add3A_493 = arith.addi %add3A_492, %mul3A_4 : i32
    %add3A_494 = arith.constant 24 : i32
    %add3A_495 = arith.addi %add3A_493, %add3A_494 : i32
    %dma_start3A_496 = arith.constant 0 : i32
    %dma_start3A_497 = arith.constant 8 : i32
    %dma_start3A_498 = arith.constant 0 : i32
    %dma_start3A_499 = tpu.memref_slice %arg7[%dma_start3A_497, %dma_start3A_498] : memref<32x1024xf32, #tpu.memory_space<vmem>> -> memref<8x1024xf32, #tpu.memory_space<vmem>>
    %dma_start3A_500 = arith.constant 0 : i32
    %dma_start3A_501 = tpu.memref_slice %arg5[%add3A_495, %dma_start3A_500] : memref<8192x1024xf32, #tpu.memory_space<hbm>> -> memref<8x1024xf32, #tpu.memory_space<hbm>>
    %dma_start3A_502 = tpu.memref_slice %arg15[%dma_start3A_496] : memref<3x!tpu.dma_semaphore, #tpu.memory_space<semaphore_mem>> -> memref<1x!tpu.dma_semaphore, #tpu.memory_space<semaphore_mem>>
    %dma_start3A_503 = tpu.memref_squeeze %dma_start3A_502 : memref<1x!tpu.dma_semaphore, #tpu.memory_space<semaphore_mem>> -> memref<!tpu.dma_semaphore, #tpu.memory_space<semaphore_mem>>
    %dma_start3A_504 = arith.constant 0 : i32
    %dma_start3A_505 = tpu.memref_slice %arg5[%add3A_495, %dma_start3A_504] : memref<8192x1024xf32, #tpu.memory_space<hbm>> -> memref<8x1024xf32, #tpu.memory_space<hbm>>
    %dma_start3A_506 = arith.constant 8 : i32
    %dma_start3A_507 = arith.constant 0 : i32
    %dma_start3A_508 = tpu.memref_slice %arg7[%dma_start3A_506, %dma_start3A_507] : memref<32x1024xf32, #tpu.memory_space<vmem>> -> memref<8x1024xf32, #tpu.memory_space<vmem>>
    tpu.enqueue_dma source(%dma_start3A_508 : memref<8x1024xf32, #tpu.memory_space<vmem>>) target(%dma_start3A_505 : memref<8x1024xf32, #tpu.memory_space<hbm>>) target_semaphore(%dma_start3A_503 : memref<!tpu.dma_semaphore, #tpu.memory_space<semaphore_mem>>)
    %add3A_509 = arith.constant 4096 : i32
    %add3A_510 = arith.addi %add3A_509, %mul3A_4 : i32
    %add3A_511 = arith.constant 24 : i32
    %add3A_512 = arith.addi %add3A_510, %add3A_511 : i32
    %dma_start3A_513 = arith.constant 0 : i32
    %dma_start3A_514 = arith.constant 16 : i32
    %dma_start3A_515 = arith.constant 0 : i32
    %dma_start3A_516 = tpu.memref_slice %arg7[%dma_start3A_514, %dma_start3A_515] : memref<32x1024xf32, #tpu.memory_space<vmem>> -> memref<8x1024xf32, #tpu.memory_space<vmem>>
    %dma_start3A_517 = arith.constant 0 : i32
    %dma_start3A_518 = tpu.memref_slice %arg5[%add3A_512, %dma_start3A_517] : memref<8192x1024xf32, #tpu.memory_space<hbm>> -> memref<8x1024xf32, #tpu.memory_space<hbm>>
    %dma_start3A_519 = tpu.memref_slice %arg15[%dma_start3A_513] : memref<3x!tpu.dma_semaphore, #tpu.memory_space<semaphore_mem>> -> memref<1x!tpu.dma_semaphore, #tpu.memory_space<semaphore_mem>>
    %dma_start3A_520 = tpu.memref_squeeze %dma_start3A_519 : memref<1x!tpu.dma_semaphore, #tpu.memory_space<semaphore_mem>> -> memref<!tpu.dma_semaphore, #tpu.memory_space<semaphore_mem>>
    %dma_start3A_521 = arith.constant 0 : i32
    %dma_start3A_522 = tpu.memref_slice %arg5[%add3A_512, %dma_start3A_521] : memref<8192x1024xf32, #tpu.memory_space<hbm>> -> memref<8x1024xf32, #tpu.memory_space<hbm>>
    %dma_start3A_523 = arith.constant 16 : i32
    %dma_start3A_524 = arith.constant 0 : i32
    %dma_start3A_525 = tpu.memref_slice %arg7[%dma_start3A_523, %dma_start3A_524] : memref<32x1024xf32, #tpu.memory_space<vmem>> -> memref<8x1024xf32, #tpu.memory_space<vmem>>
    tpu.enqueue_dma source(%dma_start3A_525 : memref<8x1024xf32, #tpu.memory_space<vmem>>) target(%dma_start3A_522 : memref<8x1024xf32, #tpu.memory_space<hbm>>) target_semaphore(%dma_start3A_520 : memref<!tpu.dma_semaphore, #tpu.memory_space<semaphore_mem>>)
    %add3A_526 = arith.constant 6144 : i32
    %add3A_527 = arith.addi %add3A_526, %mul3A_4 : i32
    %add3A_528 = arith.constant 24 : i32
    %add3A_529 = arith.addi %add3A_527, %add3A_528 : i32
    %dma_start3A_530 = arith.constant 0 : i32
    %dma_start3A_531 = arith.constant 24 : i32
    %dma_start3A_532 = arith.constant 0 : i32
    %dma_start3A_533 = tpu.memref_slice %arg7[%dma_start3A_531, %dma_start3A_532] : memref<32x1024xf32, #tpu.memory_space<vmem>> -> memref<8x1024xf32, #tpu.memory_space<vmem>>
    %dma_start3A_534 = arith.constant 0 : i32
    %dma_start3A_535 = tpu.memref_slice %arg5[%add3A_529, %dma_start3A_534] : memref<8192x1024xf32, #tpu.memory_space<hbm>> -> memref<8x1024xf32, #tpu.memory_space<hbm>>
    %dma_start3A_536 = tpu.memref_slice %arg15[%dma_start3A_530] : memref<3x!tpu.dma_semaphore, #tpu.memory_space<semaphore_mem>> -> memref<1x!tpu.dma_semaphore, #tpu.memory_space<semaphore_mem>>
    %dma_start3A_537 = tpu.memref_squeeze %dma_start3A_536 : memref<1x!tpu.dma_semaphore, #tpu.memory_space<semaphore_mem>> -> memref<!tpu.dma_semaphore, #tpu.memory_space<semaphore_mem>>
    %dma_start3A_538 = arith.constant 0 : i32
    %dma_start3A_539 = tpu.memref_slice %arg5[%add3A_529, %dma_start3A_538] : memref<8192x1024xf32, #tpu.memory_space<hbm>> -> memref<8x1024xf32, #tpu.memory_space<hbm>>
    %dma_start3A_540 = arith.constant 24 : i32
    %dma_start3A_541 = arith.constant 0 : i32
    %dma_start3A_542 = tpu.memref_slice %arg7[%dma_start3A_540, %dma_start3A_541] : memref<32x1024xf32, #tpu.memory_space<vmem>> -> memref<8x1024xf32, #tpu.memory_space<vmem>>
    tpu.enqueue_dma source(%dma_start3A_542 : memref<8x1024xf32, #tpu.memory_space<vmem>>) target(%dma_start3A_539 : memref<8x1024xf32, #tpu.memory_space<hbm>>) target_semaphore(%dma_start3A_537 : memref<!tpu.dma_semaphore, #tpu.memory_space<semaphore_mem>>)
    %dma_wait3A_543 = arith.constant 2 : i32
    %dma_wait3A_544 = arith.constant 0 : i32
    %dma_wait3A_545 = arith.constant 0 : i32
    %dma_wait3A_546 = tpu.memref_slice %arg9[%dma_wait3A_544, %dma_wait3A_545] : memref<32x1024xf32, #tpu.memory_space<vmem>> -> memref<8x1024xf32, #tpu.memory_space<vmem>>
    %dma_wait3A_547 = arith.constant 0 : i32
    %dma_wait3A_548 = tpu.memref_slice %arg5[%add3A_321, %dma_wait3A_547] : memref<8192x1024xf32, #tpu.memory_space<hbm>> -> memref<8x1024xf32, #tpu.memory_space<hbm>>
    %dma_wait3A_549 = tpu.memref_slice %arg15[%dma_wait3A_543] : memref<3x!tpu.dma_semaphore, #tpu.memory_space<semaphore_mem>> -> memref<1x!tpu.dma_semaphore, #tpu.memory_space<semaphore_mem>>
    %dma_wait3A_550 = tpu.memref_squeeze %dma_wait3A_549 : memref<1x!tpu.dma_semaphore, #tpu.memory_space<semaphore_mem>> -> memref<!tpu.dma_semaphore, #tpu.memory_space<semaphore_mem>>
    %dma_wait3A_551 = arith.constant 0 : i32
    %dma_wait3A_552 = tpu.memref_slice %arg5[%add3A_321, %dma_wait3A_551] : memref<8192x1024xf32, #tpu.memory_space<hbm>> -> memref<8x1024xf32, #tpu.memory_space<hbm>>
    %dma_wait3A_553 = arith.constant 0 : i32
    %dma_wait3A_554 = arith.constant 0 : i32
    %dma_wait3A_555 = tpu.memref_slice %arg9[%dma_wait3A_553, %dma_wait3A_554] : memref<32x1024xf32, #tpu.memory_space<vmem>> -> memref<8x1024xf32, #tpu.memory_space<vmem>>
    tpu.wait_dma2 semaphore(%dma_wait3A_550 : memref<!tpu.dma_semaphore, #tpu.memory_space<semaphore_mem>>) src(%dma_wait3A_555 : memref<8x1024xf32, #tpu.memory_space<vmem>>) dst(%dma_wait3A_552 : memref<8x1024xf32, #tpu.memory_space<hbm>>)
    %dma_wait3A_556 = arith.constant 2 : i32
    %dma_wait3A_557 = arith.constant 8 : i32
    %dma_wait3A_558 = arith.constant 0 : i32
    %dma_wait3A_559 = tpu.memref_slice %arg9[%dma_wait3A_557, %dma_wait3A_558] : memref<32x1024xf32, #tpu.memory_space<vmem>> -> memref<8x1024xf32, #tpu.memory_space<vmem>>
    %dma_wait3A_560 = arith.constant 0 : i32
    %dma_wait3A_561 = tpu.memref_slice %arg5[%add3A_338, %dma_wait3A_560] : memref<8192x1024xf32, #tpu.memory_space<hbm>> -> memref<8x1024xf32, #tpu.memory_space<hbm>>
    %dma_wait3A_562 = tpu.memref_slice %arg15[%dma_wait3A_556] : memref<3x!tpu.dma_semaphore, #tpu.memory_space<semaphore_mem>> -> memref<1x!tpu.dma_semaphore, #tpu.memory_space<semaphore_mem>>
    %dma_wait3A_563 = tpu.memref_squeeze %dma_wait3A_562 : memref<1x!tpu.dma_semaphore, #tpu.memory_space<semaphore_mem>> -> memref<!tpu.dma_semaphore, #tpu.memory_space<semaphore_mem>>
    %dma_wait3A_564 = arith.constant 0 : i32
    %dma_wait3A_565 = tpu.memref_slice %arg5[%add3A_338, %dma_wait3A_564] : memref<8192x1024xf32, #tpu.memory_space<hbm>> -> memref<8x1024xf32, #tpu.memory_space<hbm>>
    %dma_wait3A_566 = arith.constant 8 : i32
    %dma_wait3A_567 = arith.constant 0 : i32
    %dma_wait3A_568 = tpu.memref_slice %arg9[%dma_wait3A_566, %dma_wait3A_567] : memref<32x1024xf32, #tpu.memory_space<vmem>> -> memref<8x1024xf32, #tpu.memory_space<vmem>>
    tpu.wait_dma2 semaphore(%dma_wait3A_563 : memref<!tpu.dma_semaphore, #tpu.memory_space<semaphore_mem>>) src(%dma_wait3A_568 : memref<8x1024xf32, #tpu.memory_space<vmem>>) dst(%dma_wait3A_565 : memref<8x1024xf32, #tpu.memory_space<hbm>>)
    %dma_wait3A_569 = arith.constant 2 : i32
    %dma_wait3A_570 = arith.constant 16 : i32
    %dma_wait3A_571 = arith.constant 0 : i32
    %dma_wait3A_572 = tpu.memref_slice %arg9[%dma_wait3A_570, %dma_wait3A_571] : memref<32x1024xf32, #tpu.memory_space<vmem>> -> memref<8x1024xf32, #tpu.memory_space<vmem>>
    %dma_wait3A_573 = arith.constant 0 : i32
    %dma_wait3A_574 = tpu.memref_slice %arg5[%add3A_355, %dma_wait3A_573] : memref<8192x1024xf32, #tpu.memory_space<hbm>> -> memref<8x1024xf32, #tpu.memory_space<hbm>>
    %dma_wait3A_575 = tpu.memref_slice %arg15[%dma_wait3A_569] : memref<3x!tpu.dma_semaphore, #tpu.memory_space<semaphore_mem>> -> memref<1x!tpu.dma_semaphore, #tpu.memory_space<semaphore_mem>>
    %dma_wait3A_576 = tpu.memref_squeeze %dma_wait3A_575 : memref<1x!tpu.dma_semaphore, #tpu.memory_space<semaphore_mem>> -> memref<!tpu.dma_semaphore, #tpu.memory_space<semaphore_mem>>
    %dma_wait3A_577 = arith.constant 0 : i32
    %dma_wait3A_578 = tpu.memref_slice %arg5[%add3A_355, %dma_wait3A_577] : memref<8192x1024xf32, #tpu.memory_space<hbm>> -> memref<8x1024xf32, #tpu.memory_space<hbm>>
    %dma_wait3A_579 = arith.constant 16 : i32
    %dma_wait3A_580 = arith.constant 0 : i32
    %dma_wait3A_581 = tpu.memref_slice %arg9[%dma_wait3A_579, %dma_wait3A_580] : memref<32x1024xf32, #tpu.memory_space<vmem>> -> memref<8x1024xf32, #tpu.memory_space<vmem>>
    tpu.wait_dma2 semaphore(%dma_wait3A_576 : memref<!tpu.dma_semaphore, #tpu.memory_space<semaphore_mem>>) src(%dma_wait3A_581 : memref<8x1024xf32, #tpu.memory_space<vmem>>) dst(%dma_wait3A_578 : memref<8x1024xf32, #tpu.memory_space<hbm>>)
    %dma_wait3A_582 = arith.constant 2 : i32
    %dma_wait3A_583 = arith.constant 24 : i32
    %dma_wait3A_584 = arith.constant 0 : i32
    %dma_wait3A_585 = tpu.memref_slice %arg9[%dma_wait3A_583, %dma_wait3A_584] : memref<32x1024xf32, #tpu.memory_space<vmem>> -> memref<8x1024xf32, #tpu.memory_space<vmem>>
    %dma_wait3A_586 = arith.constant 0 : i32
    %dma_wait3A_587 = tpu.memref_slice %arg5[%add3A_372, %dma_wait3A_586] : memref<8192x1024xf32, #tpu.memory_space<hbm>> -> memref<8x1024xf32, #tpu.memory_space<hbm>>
    %dma_wait3A_588 = tpu.memref_slice %arg15[%dma_wait3A_582] : memref<3x!tpu.dma_semaphore, #tpu.memory_space<semaphore_mem>> -> memref<1x!tpu.dma_semaphore, #tpu.memory_space<semaphore_mem>>
    %dma_wait3A_589 = tpu.memref_squeeze %dma_wait3A_588 : memref<1x!tpu.dma_semaphore, #tpu.memory_space<semaphore_mem>> -> memref<!tpu.dma_semaphore, #tpu.memory_space<semaphore_mem>>
    %dma_wait3A_590 = arith.constant 0 : i32
    %dma_wait3A_591 = tpu.memref_slice %arg5[%add3A_372, %dma_wait3A_590] : memref<8192x1024xf32, #tpu.memory_space<hbm>> -> memref<8x1024xf32, #tpu.memory_space<hbm>>
    %dma_wait3A_592 = arith.constant 24 : i32
    %dma_wait3A_593 = arith.constant 0 : i32
    %dma_wait3A_594 = tpu.memref_slice %arg9[%dma_wait3A_592, %dma_wait3A_593] : memref<32x1024xf32, #tpu.memory_space<vmem>> -> memref<8x1024xf32, #tpu.memory_space<vmem>>
    tpu.wait_dma2 semaphore(%dma_wait3A_589 : memref<!tpu.dma_semaphore, #tpu.memory_space<semaphore_mem>>) src(%dma_wait3A_594 : memref<8x1024xf32, #tpu.memory_space<vmem>>) dst(%dma_wait3A_591 : memref<8x1024xf32, #tpu.memory_space<hbm>>)
    %dma_start3A_595 = arith.constant 2 : i32
    %dma_start3A_596 = arith.constant 160 : i32
    %dma_start3A_597 = tpu.memref_slice %arg6[%dma_start3A_596] : memref<256xi32, #tpu.memory_space<vmem>> -> memref<32xi32, #tpu.memory_space<vmem>>
    %dma_start3A_598 = arith.constant 0 : i32
    %dma_start3A_599 = arith.constant 0 : i32
    %dma_start3A_600 = tpu.memref_slice %arg2[%dma_start3A_598, %dma_start3A_599] : memref<50000x1024xf32, #tpu.memory_space<hbm>> -> memref<50000x1024xf32, #tpu.memory_space<hbm>>
    %dma_start3A_601 = tpu.memref_slice %arg13[%dma_start3A_595] : memref<3x!tpu.dma_semaphore, #tpu.memory_space<semaphore_mem>> -> memref<1x!tpu.dma_semaphore, #tpu.memory_space<semaphore_mem>>
    %dma_start3A_602 = tpu.memref_squeeze %dma_start3A_601 : memref<1x!tpu.dma_semaphore, #tpu.memory_space<semaphore_mem>> -> memref<!tpu.dma_semaphore, #tpu.memory_space<semaphore_mem>>
    tpu.enqueue_indirect_dma source(%dma_start3A_600 : memref<50000x1024xf32, #tpu.memory_space<hbm>>) target(%arg9 : memref<32x1024xf32, #tpu.memory_space<vmem>>) offsets(%dma_start3A_597 : memref<32xi32, #tpu.memory_space<vmem>>) semaphore(%dma_start3A_602 : memref<!tpu.dma_semaphore, #tpu.memory_space<semaphore_mem>>)
    %add3A_603 = arith.constant 40 : i32
    %add3A_604 = arith.addi %mul3A_4, %add3A_603 : i32
    %dma_start3A_605 = arith.constant 2 : i32
    %dma_start3A_606 = arith.constant 0 : i32
    %dma_start3A_607 = tpu.memref_slice %arg4[%add3A_604, %dma_start3A_606] : memref<2048x1024xf32, #tpu.memory_space<hbm>> -> memref<8x1024xf32, #tpu.memory_space<hbm>>
    %dma_start3A_608 = tpu.memref_slice %arg14[%dma_start3A_605] : memref<3x!tpu.dma_semaphore, #tpu.memory_space<semaphore_mem>> -> memref<1x!tpu.dma_semaphore, #tpu.memory_space<semaphore_mem>>
    %dma_start3A_609 = tpu.memref_squeeze %dma_start3A_608 : memref<1x!tpu.dma_semaphore, #tpu.memory_space<semaphore_mem>> -> memref<!tpu.dma_semaphore, #tpu.memory_space<semaphore_mem>>
    %dma_start3A_610 = arith.constant 0 : i32
    %dma_start3A_611 = tpu.memref_slice %arg4[%add3A_604, %dma_start3A_610] : memref<2048x1024xf32, #tpu.memory_space<hbm>> -> memref<8x1024xf32, #tpu.memory_space<hbm>>
    tpu.enqueue_dma source(%dma_start3A_611 : memref<8x1024xf32, #tpu.memory_space<hbm>>) target(%arg12 : memref<8x1024xf32, #tpu.memory_space<vmem>>) target_semaphore(%dma_start3A_609 : memref<!tpu.dma_semaphore, #tpu.memory_space<semaphore_mem>>)
    %dma_wait3A_612 = arith.constant 1 : i32
    %dma_wait3A_613 = arith.constant 128 : i32
    %dma_wait3A_614 = tpu.memref_slice %arg6[%dma_wait3A_613] : memref<256xi32, #tpu.memory_space<vmem>> -> memref<32xi32, #tpu.memory_space<vmem>>
    %dma_wait3A_615 = arith.constant 0 : i32
    %dma_wait3A_616 = arith.constant 0 : i32
    %dma_wait3A_617 = tpu.memref_slice %arg2[%dma_wait3A_615, %dma_wait3A_616] : memref<50000x1024xf32, #tpu.memory_space<hbm>> -> memref<50000x1024xf32, #tpu.memory_space<hbm>>
    %dma_wait3A_618 = tpu.memref_slice %arg13[%dma_wait3A_612] : memref<3x!tpu.dma_semaphore, #tpu.memory_space<semaphore_mem>> -> memref<1x!tpu.dma_semaphore, #tpu.memory_space<semaphore_mem>>
    %dma_wait3A_619 = tpu.memref_squeeze %dma_wait3A_618 : memref<1x!tpu.dma_semaphore, #tpu.memory_space<semaphore_mem>> -> memref<!tpu.dma_semaphore, #tpu.memory_space<semaphore_mem>>
    tpu.wait_indirect_dma semaphore(%dma_wait3A_619 : memref<!tpu.dma_semaphore, #tpu.memory_space<semaphore_mem>>) src(%dma_wait3A_617 : memref<50000x1024xf32, #tpu.memory_space<hbm>>) dst(%arg8 : memref<32x1024xf32, #tpu.memory_space<vmem>>)
    %dma_wait3A_620 = arith.constant 1 : i32
    %dma_wait3A_621 = arith.constant 0 : i32
    %dma_wait3A_622 = tpu.memref_slice %arg4[%add3A_447, %dma_wait3A_621] : memref<2048x1024xf32, #tpu.memory_space<hbm>> -> memref<8x1024xf32, #tpu.memory_space<hbm>>
    %dma_wait3A_623 = tpu.memref_slice %arg14[%dma_wait3A_620] : memref<3x!tpu.dma_semaphore, #tpu.memory_space<semaphore_mem>> -> memref<1x!tpu.dma_semaphore, #tpu.memory_space<semaphore_mem>>
    %dma_wait3A_624 = tpu.memref_squeeze %dma_wait3A_623 : memref<1x!tpu.dma_semaphore, #tpu.memory_space<semaphore_mem>> -> memref<!tpu.dma_semaphore, #tpu.memory_space<semaphore_mem>>
    %dma_wait3A_625 = arith.constant 0 : i32
    %dma_wait3A_626 = tpu.memref_slice %arg4[%add3A_447, %dma_wait3A_625] : memref<2048x1024xf32, #tpu.memory_space<hbm>> -> memref<8x1024xf32, #tpu.memory_space<hbm>>
    tpu.wait_dma2 semaphore(%dma_wait3A_624 : memref<!tpu.dma_semaphore, #tpu.memory_space<semaphore_mem>>) src(%dma_wait3A_626 : memref<8x1024xf32, #tpu.memory_space<hbm>>) dst(%arg11 : memref<8x1024xf32, #tpu.memory_space<vmem>>)
    %scan3A_627 = arith.constant 0 : i32
    %scan3A_628 = arith.constant 8 : i32
    %scan3A_629 = arith.addi %scan3A_627, %scan3A_628 : i32
    %scan3A_630 = arith.constant 1 : i32
    scf.for %scan3A_1206 = %scan3A_627 to %scan3A_629 step %scan3A_630  : i32 {
      %mul3A_1207 = arith.constant 1 : i32
      %mul3A_1208 = arith.muli %scan3A_1206, %mul3A_1207 : i32
      %add3A_1209 = arith.constant 0 : i32
      %add3A_1210 = arith.addi %add3A_1209, %mul3A_1208 : i32
      %parallel_loop3A = arith.constant 0 : i32
      %parallel_loop3A_1211 = arith.constant 1024 : i32
      %parallel_loop3A_1212 = arith.constant 16 : i32
      scf.for %parallel_loop3A_1213 = %parallel_loop3A to %parallel_loop3A_1211 step %parallel_loop3A_1212  : i32 {
        %parallel_loop3A_1214 = arith.index_cast %add3A_1210 : i32 to index
        %parallel_loop3A_1215 = arith.index_cast %parallel_loop3A_1213 : i32 to index
        %parallel_loop3A_1216 = tpu.vector_load %arg11[%parallel_loop3A_1214, %parallel_loop3A_1215] {strides = array<i32>} : memref<8x1024xf32, #tpu.memory_space<vmem>>, vector<1x16xf32>,
        %parallel_loop3A_1217 = vector.shape_cast %parallel_loop3A_1216 : vector<1x16xf32> to vector<16xf32>
        %parallel_loop3A_1218 = arith.constant 0 : i32
        %parallel_loop3A_1219 = arith.addi %parallel_loop3A_1218, %add3A_1210 : i32
        %parallel_loop3A_1220 = arith.index_cast %parallel_loop3A_1219 : i32 to index
        %parallel_loop3A_1221 = arith.index_cast %parallel_loop3A_1213 : i32 to index
        %parallel_loop3A_1222 = tpu.vector_load %arg8[%parallel_loop3A_1220, %parallel_loop3A_1221] {strides = array<i32>} : memref<32x1024xf32, #tpu.memory_space<vmem>>, vector<1x16xf32>,
        %parallel_loop3A_1223 = vector.shape_cast %parallel_loop3A_1222 : vector<1x16xf32> to vector<16xf32>
        %parallel_loop3A_1224 = arith.constant 3.200000e+01 : f32
        %parallel_loop3A_1225 = vector.broadcast %parallel_loop3A_1224 : f32 to vector<16xf32>
        %parallel_loop3A_1226 = arith.mulf %parallel_loop3A_1223, %parallel_loop3A_1225 : vector<16xf32>
        %parallel_loop3A_1227 = arith.addf %parallel_loop3A_1226, %parallel_loop3A_1217 : vector<16xf32>
        %parallel_loop3A_1228 = arith.index_cast %parallel_loop3A_1219 : i32 to index
        %parallel_loop3A_1229 = arith.index_cast %parallel_loop3A_1213 : i32 to index
        %parallel_loop3A_1230 = tpu.vector_load %arg8[%parallel_loop3A_1228, %parallel_loop3A_1229] {strides = array<i32>} : memref<32x1024xf32, #tpu.memory_space<vmem>>, vector<1x16xf32>,
        %parallel_loop3A_1231 = vector.shape_cast %parallel_loop3A_1230 : vector<1x16xf32> to vector<16xf32>
        %parallel_loop3A_1232 = vector.shape_cast %parallel_loop3A_1227 : vector<16xf32> to vector<1x16xf32>
        tpu.vector_store %arg8[%parallel_loop3A_1228, %parallel_loop3A_1229], %parallel_loop3A_1232 {strides = array<i32>} : memref<32x1024xf32, #tpu.memory_space<vmem>>, vector<1x16xf32>,
        %parallel_loop3A_1233 = arith.constant 8 : i32
        %parallel_loop3A_1234 = arith.addi %parallel_loop3A_1233, %add3A_1210 : i32
        %parallel_loop3A_1235 = arith.index_cast %parallel_loop3A_1234 : i32 to index
        %parallel_loop3A_1236 = arith.index_cast %parallel_loop3A_1213 : i32 to index
        %parallel_loop3A_1237 = tpu.vector_load %arg8[%parallel_loop3A_1235, %parallel_loop3A_1236] {strides = array<i32>} : memref<32x1024xf32, #tpu.memory_space<vmem>>, vector<1x16xf32>,
        %parallel_loop3A_1238 = vector.shape_cast %parallel_loop3A_1237 : vector<1x16xf32> to vector<16xf32>
        %parallel_loop3A_1239 = arith.constant 3.200000e+01 : f32
        %parallel_loop3A_1240 = vector.broadcast %parallel_loop3A_1239 : f32 to vector<16xf32>
        %parallel_loop3A_1241 = arith.mulf %parallel_loop3A_1238, %parallel_loop3A_1240 : vector<16xf32>
        %parallel_loop3A_1242 = arith.addf %parallel_loop3A_1241, %parallel_loop3A_1217 : vector<16xf32>
        %parallel_loop3A_1243 = arith.index_cast %parallel_loop3A_1234 : i32 to index
        %parallel_loop3A_1244 = arith.index_cast %parallel_loop3A_1213 : i32 to index
        %parallel_loop3A_1245 = tpu.vector_load %arg8[%parallel_loop3A_1243, %parallel_loop3A_1244] {strides = array<i32>} : memref<32x1024xf32, #tpu.memory_space<vmem>>, vector<1x16xf32>,
        %parallel_loop3A_1246 = vector.shape_cast %parallel_loop3A_1245 : vector<1x16xf32> to vector<16xf32>
        %parallel_loop3A_1247 = vector.shape_cast %parallel_loop3A_1242 : vector<16xf32> to vector<1x16xf32>
        tpu.vector_store %arg8[%parallel_loop3A_1243, %parallel_loop3A_1244], %parallel_loop3A_1247 {strides = array<i32>} : memref<32x1024xf32, #tpu.memory_space<vmem>>, vector<1x16xf32>,
        %parallel_loop3A_1248 = arith.constant 16 : i32
        %parallel_loop3A_1249 = arith.addi %parallel_loop3A_1248, %add3A_1210 : i32
        %parallel_loop3A_1250 = arith.index_cast %parallel_loop3A_1249 : i32 to index
        %parallel_loop3A_1251 = arith.index_cast %parallel_loop3A_1213 : i32 to index
        %parallel_loop3A_1252 = tpu.vector_load %arg8[%parallel_loop3A_1250, %parallel_loop3A_1251] {strides = array<i32>} : memref<32x1024xf32, #tpu.memory_space<vmem>>, vector<1x16xf32>,
        %parallel_loop3A_1253 = vector.shape_cast %parallel_loop3A_1252 : vector<1x16xf32> to vector<16xf32>
        %parallel_loop3A_1254 = arith.constant 3.200000e+01 : f32
        %parallel_loop3A_1255 = vector.broadcast %parallel_loop3A_1254 : f32 to vector<16xf32>
        %parallel_loop3A_1256 = arith.mulf %parallel_loop3A_1253, %parallel_loop3A_1255 : vector<16xf32>
        %parallel_loop3A_1257 = arith.addf %parallel_loop3A_1256, %parallel_loop3A_1217 : vector<16xf32>
        %parallel_loop3A_1258 = arith.index_cast %parallel_loop3A_1249 : i32 to index
        %parallel_loop3A_1259 = arith.index_cast %parallel_loop3A_1213 : i32 to index
        %parallel_loop3A_1260 = tpu.vector_load %arg8[%parallel_loop3A_1258, %parallel_loop3A_1259] {strides = array<i32>} : memref<32x1024xf32, #tpu.memory_space<vmem>>, vector<1x16xf32>,
        %parallel_loop3A_1261 = vector.shape_cast %parallel_loop3A_1260 : vector<1x16xf32> to vector<16xf32>
        %parallel_loop3A_1262 = vector.shape_cast %parallel_loop3A_1257 : vector<16xf32> to vector<1x16xf32>
        tpu.vector_store %arg8[%parallel_loop3A_1258, %parallel_loop3A_1259], %parallel_loop3A_1262 {strides = array<i32>} : memref<32x1024xf32, #tpu.memory_space<vmem>>, vector<1x16xf32>,
        %parallel_loop3A_1263 = arith.constant 24 : i32
        %parallel_loop3A_1264 = arith.addi %parallel_loop3A_1263, %add3A_1210 : i32
        %parallel_loop3A_1265 = arith.index_cast %parallel_loop3A_1264 : i32 to index
        %parallel_loop3A_1266 = arith.index_cast %parallel_loop3A_1213 : i32 to index
        %parallel_loop3A_1267 = tpu.vector_load %arg8[%parallel_loop3A_1265, %parallel_loop3A_1266] {strides = array<i32>} : memref<32x1024xf32, #tpu.memory_space<vmem>>, vector<1x16xf32>,
        %parallel_loop3A_1268 = vector.shape_cast %parallel_loop3A_1267 : vector<1x16xf32> to vector<16xf32>
        %parallel_loop3A_1269 = arith.constant 3.200000e+01 : f32
        %parallel_loop3A_1270 = vector.broadcast %parallel_loop3A_1269 : f32 to vector<16xf32>
        %parallel_loop3A_1271 = arith.mulf %parallel_loop3A_1268, %parallel_loop3A_1270 : vector<16xf32>
        %parallel_loop3A_1272 = arith.addf %parallel_loop3A_1271, %parallel_loop3A_1217 : vector<16xf32>
        %parallel_loop3A_1273 = arith.index_cast %parallel_loop3A_1264 : i32 to index
        %parallel_loop3A_1274 = arith.index_cast %parallel_loop3A_1213 : i32 to index
        %parallel_loop3A_1275 = tpu.vector_load %arg8[%parallel_loop3A_1273, %parallel_loop3A_1274] {strides = array<i32>} : memref<32x1024xf32, #tpu.memory_space<vmem>>, vector<1x16xf32>,
        %parallel_loop3A_1276 = vector.shape_cast %parallel_loop3A_1275 : vector<1x16xf32> to vector<16xf32>
        %parallel_loop3A_1277 = vector.shape_cast %parallel_loop3A_1272 : vector<16xf32> to vector<1x16xf32>
        tpu.vector_store %arg8[%parallel_loop3A_1273, %parallel_loop3A_1274], %parallel_loop3A_1277 {strides = array<i32>} : memref<32x1024xf32, #tpu.memory_space<vmem>>, vector<1x16xf32>,
      } {sc.loop_unroll_factor = 8 : i64, sc.parallel_access}
    }
    %scan3A_631 = arith.constant 8 : i32
    %add3A_632 = arith.constant 0 : i32
    %add3A_633 = arith.addi %add3A_632, %mul3A_4 : i32
    %add3A_634 = arith.constant 32 : i32
    %add3A_635 = arith.addi %add3A_633, %add3A_634 : i32
    %dma_start3A_636 = arith.constant 1 : i32
    %dma_start3A_637 = arith.constant 0 : i32
    %dma_start3A_638 = arith.constant 0 : i32
    %dma_start3A_639 = tpu.memref_slice %arg8[%dma_start3A_637, %dma_start3A_638] : memref<32x1024xf32, #tpu.memory_space<vmem>> -> memref<8x1024xf32, #tpu.memory_space<vmem>>
    %dma_start3A_640 = arith.constant 0 : i32
    %dma_start3A_641 = tpu.memref_slice %arg5[%add3A_635, %dma_start3A_640] : memref<8192x1024xf32, #tpu.memory_space<hbm>> -> memref<8x1024xf32, #tpu.memory_space<hbm>>
    %dma_start3A_642 = tpu.memref_slice %arg15[%dma_start3A_636] : memref<3x!tpu.dma_semaphore, #tpu.memory_space<semaphore_mem>> -> memref<1x!tpu.dma_semaphore, #tpu.memory_space<semaphore_mem>>
    %dma_start3A_643 = tpu.memref_squeeze %dma_start3A_642 : memref<1x!tpu.dma_semaphore, #tpu.memory_space<semaphore_mem>> -> memref<!tpu.dma_semaphore, #tpu.memory_space<semaphore_mem>>
    %dma_start3A_644 = arith.constant 0 : i32
    %dma_start3A_645 = tpu.memref_slice %arg5[%add3A_635, %dma_start3A_644] : memref<8192x1024xf32, #tpu.memory_space<hbm>> -> memref<8x1024xf32, #tpu.memory_space<hbm>>
    %dma_start3A_646 = arith.constant 0 : i32
    %dma_start3A_647 = arith.constant 0 : i32
    %dma_start3A_648 = tpu.memref_slice %arg8[%dma_start3A_646, %dma_start3A_647] : memref<32x1024xf32, #tpu.memory_space<vmem>> -> memref<8x1024xf32, #tpu.memory_space<vmem>>
    tpu.enqueue_dma source(%dma_start3A_648 : memref<8x1024xf32, #tpu.memory_space<vmem>>) target(%dma_start3A_645 : memref<8x1024xf32, #tpu.memory_space<hbm>>) target_semaphore(%dma_start3A_643 : memref<!tpu.dma_semaphore, #tpu.memory_space<semaphore_mem>>)
    %add3A_649 = arith.constant 2048 : i32
    %add3A_650 = arith.addi %add3A_649, %mul3A_4 : i32
    %add3A_651 = arith.constant 32 : i32
    %add3A_652 = arith.addi %add3A_650, %add3A_651 : i32
    %dma_start3A_653 = arith.constant 1 : i32
    %dma_start3A_654 = arith.constant 8 : i32
    %dma_start3A_655 = arith.constant 0 : i32
    %dma_start3A_656 = tpu.memref_slice %arg8[%dma_start3A_654, %dma_start3A_655] : memref<32x1024xf32, #tpu.memory_space<vmem>> -> memref<8x1024xf32, #tpu.memory_space<vmem>>
    %dma_start3A_657 = arith.constant 0 : i32
    %dma_start3A_658 = tpu.memref_slice %arg5[%add3A_652, %dma_start3A_657] : memref<8192x1024xf32, #tpu.memory_space<hbm>> -> memref<8x1024xf32, #tpu.memory_space<hbm>>
    %dma_start3A_659 = tpu.memref_slice %arg15[%dma_start3A_653] : memref<3x!tpu.dma_semaphore, #tpu.memory_space<semaphore_mem>> -> memref<1x!tpu.dma_semaphore, #tpu.memory_space<semaphore_mem>>
    %dma_start3A_660 = tpu.memref_squeeze %dma_start3A_659 : memref<1x!tpu.dma_semaphore, #tpu.memory_space<semaphore_mem>> -> memref<!tpu.dma_semaphore, #tpu.memory_space<semaphore_mem>>
    %dma_start3A_661 = arith.constant 0 : i32
    %dma_start3A_662 = tpu.memref_slice %arg5[%add3A_652, %dma_start3A_661] : memref<8192x1024xf32, #tpu.memory_space<hbm>> -> memref<8x1024xf32, #tpu.memory_space<hbm>>
    %dma_start3A_663 = arith.constant 8 : i32
    %dma_start3A_664 = arith.constant 0 : i32
    %dma_start3A_665 = tpu.memref_slice %arg8[%dma_start3A_663, %dma_start3A_664] : memref<32x1024xf32, #tpu.memory_space<vmem>> -> memref<8x1024xf32, #tpu.memory_space<vmem>>
    tpu.enqueue_dma source(%dma_start3A_665 : memref<8x1024xf32, #tpu.memory_space<vmem>>) target(%dma_start3A_662 : memref<8x1024xf32, #tpu.memory_space<hbm>>) target_semaphore(%dma_start3A_660 : memref<!tpu.dma_semaphore, #tpu.memory_space<semaphore_mem>>)
    %add3A_666 = arith.constant 4096 : i32
    %add3A_667 = arith.addi %add3A_666, %mul3A_4 : i32
    %add3A_668 = arith.constant 32 : i32
    %add3A_669 = arith.addi %add3A_667, %add3A_668 : i32
    %dma_start3A_670 = arith.constant 1 : i32
    %dma_start3A_671 = arith.constant 16 : i32
    %dma_start3A_672 = arith.constant 0 : i32
    %dma_start3A_673 = tpu.memref_slice %arg8[%dma_start3A_671, %dma_start3A_672] : memref<32x1024xf32, #tpu.memory_space<vmem>> -> memref<8x1024xf32, #tpu.memory_space<vmem>>
    %dma_start3A_674 = arith.constant 0 : i32
    %dma_start3A_675 = tpu.memref_slice %arg5[%add3A_669, %dma_start3A_674] : memref<8192x1024xf32, #tpu.memory_space<hbm>> -> memref<8x1024xf32, #tpu.memory_space<hbm>>
    %dma_start3A_676 = tpu.memref_slice %arg15[%dma_start3A_670] : memref<3x!tpu.dma_semaphore, #tpu.memory_space<semaphore_mem>> -> memref<1x!tpu.dma_semaphore, #tpu.memory_space<semaphore_mem>>
    %dma_start3A_677 = tpu.memref_squeeze %dma_start3A_676 : memref<1x!tpu.dma_semaphore, #tpu.memory_space<semaphore_mem>> -> memref<!tpu.dma_semaphore, #tpu.memory_space<semaphore_mem>>
    %dma_start3A_678 = arith.constant 0 : i32
    %dma_start3A_679 = tpu.memref_slice %arg5[%add3A_669, %dma_start3A_678] : memref<8192x1024xf32, #tpu.memory_space<hbm>> -> memref<8x1024xf32, #tpu.memory_space<hbm>>
    %dma_start3A_680 = arith.constant 16 : i32
    %dma_start3A_681 = arith.constant 0 : i32
    %dma_start3A_682 = tpu.memref_slice %arg8[%dma_start3A_680, %dma_start3A_681] : memref<32x1024xf32, #tpu.memory_space<vmem>> -> memref<8x1024xf32, #tpu.memory_space<vmem>>
    tpu.enqueue_dma source(%dma_start3A_682 : memref<8x1024xf32, #tpu.memory_space<vmem>>) target(%dma_start3A_679 : memref<8x1024xf32, #tpu.memory_space<hbm>>) target_semaphore(%dma_start3A_677 : memref<!tpu.dma_semaphore, #tpu.memory_space<semaphore_mem>>)
    %add3A_683 = arith.constant 6144 : i32
    %add3A_684 = arith.addi %add3A_683, %mul3A_4 : i32
    %add3A_685 = arith.constant 32 : i32
    %add3A_686 = arith.addi %add3A_684, %add3A_685 : i32
    %dma_start3A_687 = arith.constant 1 : i32
    %dma_start3A_688 = arith.constant 24 : i32
    %dma_start3A_689 = arith.constant 0 : i32
    %dma_start3A_690 = tpu.memref_slice %arg8[%dma_start3A_688, %dma_start3A_689] : memref<32x1024xf32, #tpu.memory_space<vmem>> -> memref<8x1024xf32, #tpu.memory_space<vmem>>
    %dma_start3A_691 = arith.constant 0 : i32
    %dma_start3A_692 = tpu.memref_slice %arg5[%add3A_686, %dma_start3A_691] : memref<8192x1024xf32, #tpu.memory_space<hbm>> -> memref<8x1024xf32, #tpu.memory_space<hbm>>
    %dma_start3A_693 = tpu.memref_slice %arg15[%dma_start3A_687] : memref<3x!tpu.dma_semaphore, #tpu.memory_space<semaphore_mem>> -> memref<1x!tpu.dma_semaphore, #tpu.memory_space<semaphore_mem>>
    %dma_start3A_694 = tpu.memref_squeeze %dma_start3A_693 : memref<1x!tpu.dma_semaphore, #tpu.memory_space<semaphore_mem>> -> memref<!tpu.dma_semaphore, #tpu.memory_space<semaphore_mem>>
    %dma_start3A_695 = arith.constant 0 : i32
    %dma_start3A_696 = tpu.memref_slice %arg5[%add3A_686, %dma_start3A_695] : memref<8192x1024xf32, #tpu.memory_space<hbm>> -> memref<8x1024xf32, #tpu.memory_space<hbm>>
    %dma_start3A_697 = arith.constant 24 : i32
    %dma_start3A_698 = arith.constant 0 : i32
    %dma_start3A_699 = tpu.memref_slice %arg8[%dma_start3A_697, %dma_start3A_698] : memref<32x1024xf32, #tpu.memory_space<vmem>> -> memref<8x1024xf32, #tpu.memory_space<vmem>>
    tpu.enqueue_dma source(%dma_start3A_699 : memref<8x1024xf32, #tpu.memory_space<vmem>>) target(%dma_start3A_696 : memref<8x1024xf32, #tpu.memory_space<hbm>>) target_semaphore(%dma_start3A_694 : memref<!tpu.dma_semaphore, #tpu.memory_space<semaphore_mem>>)
    %dma_wait3A_700 = arith.constant 0 : i32
    %dma_wait3A_701 = arith.constant 0 : i32
    %dma_wait3A_702 = arith.constant 0 : i32
    %dma_wait3A_703 = tpu.memref_slice %arg7[%dma_wait3A_701, %dma_wait3A_702] : memref<32x1024xf32, #tpu.memory_space<vmem>> -> memref<8x1024xf32, #tpu.memory_space<vmem>>
    %dma_wait3A_704 = arith.constant 0 : i32
    %dma_wait3A_705 = tpu.memref_slice %arg5[%add3A_478, %dma_wait3A_704] : memref<8192x1024xf32, #tpu.memory_space<hbm>> -> memref<8x1024xf32, #tpu.memory_space<hbm>>
    %dma_wait3A_706 = tpu.memref_slice %arg15[%dma_wait3A_700] : memref<3x!tpu.dma_semaphore, #tpu.memory_space<semaphore_mem>> -> memref<1x!tpu.dma_semaphore, #tpu.memory_space<semaphore_mem>>
    %dma_wait3A_707 = tpu.memref_squeeze %dma_wait3A_706 : memref<1x!tpu.dma_semaphore, #tpu.memory_space<semaphore_mem>> -> memref<!tpu.dma_semaphore, #tpu.memory_space<semaphore_mem>>
    %dma_wait3A_708 = arith.constant 0 : i32
    %dma_wait3A_709 = tpu.memref_slice %arg5[%add3A_478, %dma_wait3A_708] : memref<8192x1024xf32, #tpu.memory_space<hbm>> -> memref<8x1024xf32, #tpu.memory_space<hbm>>
    %dma_wait3A_710 = arith.constant 0 : i32
    %dma_wait3A_711 = arith.constant 0 : i32
    %dma_wait3A_712 = tpu.memref_slice %arg7[%dma_wait3A_710, %dma_wait3A_711] : memref<32x1024xf32, #tpu.memory_space<vmem>> -> memref<8x1024xf32, #tpu.memory_space<vmem>>
    tpu.wait_dma2 semaphore(%dma_wait3A_707 : memref<!tpu.dma_semaphore, #tpu.memory_space<semaphore_mem>>) src(%dma_wait3A_712 : memref<8x1024xf32, #tpu.memory_space<vmem>>) dst(%dma_wait3A_709 : memref<8x1024xf32, #tpu.memory_space<hbm>>)
    %dma_wait3A_713 = arith.constant 0 : i32
    %dma_wait3A_714 = arith.constant 8 : i32
    %dma_wait3A_715 = arith.constant 0 : i32
    %dma_wait3A_716 = tpu.memref_slice %arg7[%dma_wait3A_714, %dma_wait3A_715] : memref<32x1024xf32, #tpu.memory_space<vmem>> -> memref<8x1024xf32, #tpu.memory_space<vmem>>
    %dma_wait3A_717 = arith.constant 0 : i32
    %dma_wait3A_718 = tpu.memref_slice %arg5[%add3A_495, %dma_wait3A_717] : memref<8192x1024xf32, #tpu.memory_space<hbm>> -> memref<8x1024xf32, #tpu.memory_space<hbm>>
    %dma_wait3A_719 = tpu.memref_slice %arg15[%dma_wait3A_713] : memref<3x!tpu.dma_semaphore, #tpu.memory_space<semaphore_mem>> -> memref<1x!tpu.dma_semaphore, #tpu.memory_space<semaphore_mem>>
    %dma_wait3A_720 = tpu.memref_squeeze %dma_wait3A_719 : memref<1x!tpu.dma_semaphore, #tpu.memory_space<semaphore_mem>> -> memref<!tpu.dma_semaphore, #tpu.memory_space<semaphore_mem>>
    %dma_wait3A_721 = arith.constant 0 : i32
    %dma_wait3A_722 = tpu.memref_slice %arg5[%add3A_495, %dma_wait3A_721] : memref<8192x1024xf32, #tpu.memory_space<hbm>> -> memref<8x1024xf32, #tpu.memory_space<hbm>>
    %dma_wait3A_723 = arith.constant 8 : i32
    %dma_wait3A_724 = arith.constant 0 : i32
    %dma_wait3A_725 = tpu.memref_slice %arg7[%dma_wait3A_723, %dma_wait3A_724] : memref<32x1024xf32, #tpu.memory_space<vmem>> -> memref<8x1024xf32, #tpu.memory_space<vmem>>
    tpu.wait_dma2 semaphore(%dma_wait3A_720 : memref<!tpu.dma_semaphore, #tpu.memory_space<semaphore_mem>>) src(%dma_wait3A_725 : memref<8x1024xf32, #tpu.memory_space<vmem>>) dst(%dma_wait3A_722 : memref<8x1024xf32, #tpu.memory_space<hbm>>)
    %dma_wait3A_726 = arith.constant 0 : i32
    %dma_wait3A_727 = arith.constant 16 : i32
    %dma_wait3A_728 = arith.constant 0 : i32
    %dma_wait3A_729 = tpu.memref_slice %arg7[%dma_wait3A_727, %dma_wait3A_728] : memref<32x1024xf32, #tpu.memory_space<vmem>> -> memref<8x1024xf32, #tpu.memory_space<vmem>>
    %dma_wait3A_730 = arith.constant 0 : i32
    %dma_wait3A_731 = tpu.memref_slice %arg5[%add3A_512, %dma_wait3A_730] : memref<8192x1024xf32, #tpu.memory_space<hbm>> -> memref<8x1024xf32, #tpu.memory_space<hbm>>
    %dma_wait3A_732 = tpu.memref_slice %arg15[%dma_wait3A_726] : memref<3x!tpu.dma_semaphore, #tpu.memory_space<semaphore_mem>> -> memref<1x!tpu.dma_semaphore, #tpu.memory_space<semaphore_mem>>
    %dma_wait3A_733 = tpu.memref_squeeze %dma_wait3A_732 : memref<1x!tpu.dma_semaphore, #tpu.memory_space<semaphore_mem>> -> memref<!tpu.dma_semaphore, #tpu.memory_space<semaphore_mem>>
    %dma_wait3A_734 = arith.constant 0 : i32
    %dma_wait3A_735 = tpu.memref_slice %arg5[%add3A_512, %dma_wait3A_734] : memref<8192x1024xf32, #tpu.memory_space<hbm>> -> memref<8x1024xf32, #tpu.memory_space<hbm>>
    %dma_wait3A_736 = arith.constant 16 : i32
    %dma_wait3A_737 = arith.constant 0 : i32
    %dma_wait3A_738 = tpu.memref_slice %arg7[%dma_wait3A_736, %dma_wait3A_737] : memref<32x1024xf32, #tpu.memory_space<vmem>> -> memref<8x1024xf32, #tpu.memory_space<vmem>>
    tpu.wait_dma2 semaphore(%dma_wait3A_733 : memref<!tpu.dma_semaphore, #tpu.memory_space<semaphore_mem>>) src(%dma_wait3A_738 : memref<8x1024xf32, #tpu.memory_space<vmem>>) dst(%dma_wait3A_735 : memref<8x1024xf32, #tpu.memory_space<hbm>>)
    %dma_wait3A_739 = arith.constant 0 : i32
    %dma_wait3A_740 = arith.constant 24 : i32
    %dma_wait3A_741 = arith.constant 0 : i32
    %dma_wait3A_742 = tpu.memref_slice %arg7[%dma_wait3A_740, %dma_wait3A_741] : memref<32x1024xf32, #tpu.memory_space<vmem>> -> memref<8x1024xf32, #tpu.memory_space<vmem>>
    %dma_wait3A_743 = arith.constant 0 : i32
    %dma_wait3A_744 = tpu.memref_slice %arg5[%add3A_529, %dma_wait3A_743] : memref<8192x1024xf32, #tpu.memory_space<hbm>> -> memref<8x1024xf32, #tpu.memory_space<hbm>>
    %dma_wait3A_745 = tpu.memref_slice %arg15[%dma_wait3A_739] : memref<3x!tpu.dma_semaphore, #tpu.memory_space<semaphore_mem>> -> memref<1x!tpu.dma_semaphore, #tpu.memory_space<semaphore_mem>>
    %dma_wait3A_746 = tpu.memref_squeeze %dma_wait3A_745 : memref<1x!tpu.dma_semaphore, #tpu.memory_space<semaphore_mem>> -> memref<!tpu.dma_semaphore, #tpu.memory_space<semaphore_mem>>
    %dma_wait3A_747 = arith.constant 0 : i32
    %dma_wait3A_748 = tpu.memref_slice %arg5[%add3A_529, %dma_wait3A_747] : memref<8192x1024xf32, #tpu.memory_space<hbm>> -> memref<8x1024xf32, #tpu.memory_space<hbm>>
    %dma_wait3A_749 = arith.constant 24 : i32
    %dma_wait3A_750 = arith.constant 0 : i32
    %dma_wait3A_751 = tpu.memref_slice %arg7[%dma_wait3A_749, %dma_wait3A_750] : memref<32x1024xf32, #tpu.memory_space<vmem>> -> memref<8x1024xf32, #tpu.memory_space<vmem>>
    tpu.wait_dma2 semaphore(%dma_wait3A_746 : memref<!tpu.dma_semaphore, #tpu.memory_space<semaphore_mem>>) src(%dma_wait3A_751 : memref<8x1024xf32, #tpu.memory_space<vmem>>) dst(%dma_wait3A_748 : memref<8x1024xf32, #tpu.memory_space<hbm>>)
    %dma_start3A_752 = arith.constant 0 : i32
    %dma_start3A_753 = arith.constant 192 : i32
    %dma_start3A_754 = tpu.memref_slice %arg6[%dma_start3A_753] : memref<256xi32, #tpu.memory_space<vmem>> -> memref<32xi32, #tpu.memory_space<vmem>>
    %dma_start3A_755 = arith.constant 0 : i32
    %dma_start3A_756 = arith.constant 0 : i32
    %dma_start3A_757 = tpu.memref_slice %arg2[%dma_start3A_755, %dma_start3A_756] : memref<50000x1024xf32, #tpu.memory_space<hbm>> -> memref<50000x1024xf32, #tpu.memory_space<hbm>>
    %dma_start3A_758 = tpu.memref_slice %arg13[%dma_start3A_752] : memref<3x!tpu.dma_semaphore, #tpu.memory_space<semaphore_mem>> -> memref<1x!tpu.dma_semaphore, #tpu.memory_space<semaphore_mem>>
    %dma_start3A_759 = tpu.memref_squeeze %dma_start3A_758 : memref<1x!tpu.dma_semaphore, #tpu.memory_space<semaphore_mem>> -> memref<!tpu.dma_semaphore, #tpu.memory_space<semaphore_mem>>
    tpu.enqueue_indirect_dma source(%dma_start3A_757 : memref<50000x1024xf32, #tpu.memory_space<hbm>>) target(%arg7 : memref<32x1024xf32, #tpu.memory_space<vmem>>) offsets(%dma_start3A_754 : memref<32xi32, #tpu.memory_space<vmem>>) semaphore(%dma_start3A_759 : memref<!tpu.dma_semaphore, #tpu.memory_space<semaphore_mem>>)
    %add3A_760 = arith.constant 48 : i32
    %add3A_761 = arith.addi %mul3A_4, %add3A_760 : i32
    %dma_start3A_762 = arith.constant 0 : i32
    %dma_start3A_763 = arith.constant 0 : i32
    %dma_start3A_764 = tpu.memref_slice %arg4[%add3A_761, %dma_start3A_763] : memref<2048x1024xf32, #tpu.memory_space<hbm>> -> memref<8x1024xf32, #tpu.memory_space<hbm>>
    %dma_start3A_765 = tpu.memref_slice %arg14[%dma_start3A_762] : memref<3x!tpu.dma_semaphore, #tpu.memory_space<semaphore_mem>> -> memref<1x!tpu.dma_semaphore, #tpu.memory_space<semaphore_mem>>
    %dma_start3A_766 = tpu.memref_squeeze %dma_start3A_765 : memref<1x!tpu.dma_semaphore, #tpu.memory_space<semaphore_mem>> -> memref<!tpu.dma_semaphore, #tpu.memory_space<semaphore_mem>>
    %dma_start3A_767 = arith.constant 0 : i32
    %dma_start3A_768 = tpu.memref_slice %arg4[%add3A_761, %dma_start3A_767] : memref<2048x1024xf32, #tpu.memory_space<hbm>> -> memref<8x1024xf32, #tpu.memory_space<hbm>>
    tpu.enqueue_dma source(%dma_start3A_768 : memref<8x1024xf32, #tpu.memory_space<hbm>>) target(%arg10 : memref<8x1024xf32, #tpu.memory_space<vmem>>) target_semaphore(%dma_start3A_766 : memref<!tpu.dma_semaphore, #tpu.memory_space<semaphore_mem>>)
    %dma_wait3A_769 = arith.constant 2 : i32
    %dma_wait3A_770 = arith.constant 160 : i32
    %dma_wait3A_771 = tpu.memref_slice %arg6[%dma_wait3A_770] : memref<256xi32, #tpu.memory_space<vmem>> -> memref<32xi32, #tpu.memory_space<vmem>>
    %dma_wait3A_772 = arith.constant 0 : i32
    %dma_wait3A_773 = arith.constant 0 : i32
    %dma_wait3A_774 = tpu.memref_slice %arg2[%dma_wait3A_772, %dma_wait3A_773] : memref<50000x1024xf32, #tpu.memory_space<hbm>> -> memref<50000x1024xf32, #tpu.memory_space<hbm>>
    %dma_wait3A_775 = tpu.memref_slice %arg13[%dma_wait3A_769] : memref<3x!tpu.dma_semaphore, #tpu.memory_space<semaphore_mem>> -> memref<1x!tpu.dma_semaphore, #tpu.memory_space<semaphore_mem>>
    %dma_wait3A_776 = tpu.memref_squeeze %dma_wait3A_775 : memref<1x!tpu.dma_semaphore, #tpu.memory_space<semaphore_mem>> -> memref<!tpu.dma_semaphore, #tpu.memory_space<semaphore_mem>>
    tpu.wait_indirect_dma semaphore(%dma_wait3A_776 : memref<!tpu.dma_semaphore, #tpu.memory_space<semaphore_mem>>) src(%dma_wait3A_774 : memref<50000x1024xf32, #tpu.memory_space<hbm>>) dst(%arg9 : memref<32x1024xf32, #tpu.memory_space<vmem>>)
    %dma_wait3A_777 = arith.constant 2 : i32
    %dma_wait3A_778 = arith.constant 0 : i32
    %dma_wait3A_779 = tpu.memref_slice %arg4[%add3A_604, %dma_wait3A_778] : memref<2048x1024xf32, #tpu.memory_space<hbm>> -> memref<8x1024xf32, #tpu.memory_space<hbm>>
    %dma_wait3A_780 = tpu.memref_slice %arg14[%dma_wait3A_777] : memref<3x!tpu.dma_semaphore, #tpu.memory_space<semaphore_mem>> -> memref<1x!tpu.dma_semaphore, #tpu.memory_space<semaphore_mem>>
    %dma_wait3A_781 = tpu.memref_squeeze %dma_wait3A_780 : memref<1x!tpu.dma_semaphore, #tpu.memory_space<semaphore_mem>> -> memref<!tpu.dma_semaphore, #tpu.memory_space<semaphore_mem>>
    %dma_wait3A_782 = arith.constant 0 : i32
    %dma_wait3A_783 = tpu.memref_slice %arg4[%add3A_604, %dma_wait3A_782] : memref<2048x1024xf32, #tpu.memory_space<hbm>> -> memref<8x1024xf32, #tpu.memory_space<hbm>>
    tpu.wait_dma2 semaphore(%dma_wait3A_781 : memref<!tpu.dma_semaphore, #tpu.memory_space<semaphore_mem>>) src(%dma_wait3A_783 : memref<8x1024xf32, #tpu.memory_space<hbm>>) dst(%arg12 : memref<8x1024xf32, #tpu.memory_space<vmem>>)
    %scan3A_784 = arith.constant 0 : i32
    %scan3A_785 = arith.constant 8 : i32
    %scan3A_786 = arith.addi %scan3A_784, %scan3A_785 : i32
    %scan3A_787 = arith.constant 1 : i32
    scf.for %scan3A_1206 = %scan3A_784 to %scan3A_786 step %scan3A_787  : i32 {
      %mul3A_1207 = arith.constant 1 : i32
      %mul3A_1208 = arith.muli %scan3A_1206, %mul3A_1207 : i32
      %add3A_1209 = arith.constant 0 : i32
      %add3A_1210 = arith.addi %add3A_1209, %mul3A_1208 : i32
      %parallel_loop3A = arith.constant 0 : i32
      %parallel_loop3A_1211 = arith.constant 1024 : i32
      %parallel_loop3A_1212 = arith.constant 16 : i32
      scf.for %parallel_loop3A_1213 = %parallel_loop3A to %parallel_loop3A_1211 step %parallel_loop3A_1212  : i32 {
        %parallel_loop3A_1214 = arith.index_cast %add3A_1210 : i32 to index
        %parallel_loop3A_1215 = arith.index_cast %parallel_loop3A_1213 : i32 to index
        %parallel_loop3A_1216 = tpu.vector_load %arg12[%parallel_loop3A_1214, %parallel_loop3A_1215] {strides = array<i32>} : memref<8x1024xf32, #tpu.memory_space<vmem>>, vector<1x16xf32>,
        %parallel_loop3A_1217 = vector.shape_cast %parallel_loop3A_1216 : vector<1x16xf32> to vector<16xf32>
        %parallel_loop3A_1218 = arith.constant 0 : i32
        %parallel_loop3A_1219 = arith.addi %parallel_loop3A_1218, %add3A_1210 : i32
        %parallel_loop3A_1220 = arith.index_cast %parallel_loop3A_1219 : i32 to index
        %parallel_loop3A_1221 = arith.index_cast %parallel_loop3A_1213 : i32 to index
        %parallel_loop3A_1222 = tpu.vector_load %arg9[%parallel_loop3A_1220, %parallel_loop3A_1221] {strides = array<i32>} : memref<32x1024xf32, #tpu.memory_space<vmem>>, vector<1x16xf32>,
        %parallel_loop3A_1223 = vector.shape_cast %parallel_loop3A_1222 : vector<1x16xf32> to vector<16xf32>
        %parallel_loop3A_1224 = arith.constant 3.200000e+01 : f32
        %parallel_loop3A_1225 = vector.broadcast %parallel_loop3A_1224 : f32 to vector<16xf32>
        %parallel_loop3A_1226 = arith.mulf %parallel_loop3A_1223, %parallel_loop3A_1225 : vector<16xf32>
        %parallel_loop3A_1227 = arith.addf %parallel_loop3A_1226, %parallel_loop3A_1217 : vector<16xf32>
        %parallel_loop3A_1228 = arith.index_cast %parallel_loop3A_1219 : i32 to index
        %parallel_loop3A_1229 = arith.index_cast %parallel_loop3A_1213 : i32 to index
        %parallel_loop3A_1230 = tpu.vector_load %arg9[%parallel_loop3A_1228, %parallel_loop3A_1229] {strides = array<i32>} : memref<32x1024xf32, #tpu.memory_space<vmem>>, vector<1x16xf32>,
        %parallel_loop3A_1231 = vector.shape_cast %parallel_loop3A_1230 : vector<1x16xf32> to vector<16xf32>
        %parallel_loop3A_1232 = vector.shape_cast %parallel_loop3A_1227 : vector<16xf32> to vector<1x16xf32>
        tpu.vector_store %arg9[%parallel_loop3A_1228, %parallel_loop3A_1229], %parallel_loop3A_1232 {strides = array<i32>} : memref<32x1024xf32, #tpu.memory_space<vmem>>, vector<1x16xf32>,
        %parallel_loop3A_1233 = arith.constant 8 : i32
        %parallel_loop3A_1234 = arith.addi %parallel_loop3A_1233, %add3A_1210 : i32
        %parallel_loop3A_1235 = arith.index_cast %parallel_loop3A_1234 : i32 to index
        %parallel_loop3A_1236 = arith.index_cast %parallel_loop3A_1213 : i32 to index
        %parallel_loop3A_1237 = tpu.vector_load %arg9[%parallel_loop3A_1235, %parallel_loop3A_1236] {strides = array<i32>} : memref<32x1024xf32, #tpu.memory_space<vmem>>, vector<1x16xf32>,
        %parallel_loop3A_1238 = vector.shape_cast %parallel_loop3A_1237 : vector<1x16xf32> to vector<16xf32>
        %parallel_loop3A_1239 = arith.constant 3.200000e+01 : f32
        %parallel_loop3A_1240 = vector.broadcast %parallel_loop3A_1239 : f32 to vector<16xf32>
        %parallel_loop3A_1241 = arith.mulf %parallel_loop3A_1238, %parallel_loop3A_1240 : vector<16xf32>
        %parallel_loop3A_1242 = arith.addf %parallel_loop3A_1241, %parallel_loop3A_1217 : vector<16xf32>
        %parallel_loop3A_1243 = arith.index_cast %parallel_loop3A_1234 : i32 to index
        %parallel_loop3A_1244 = arith.index_cast %parallel_loop3A_1213 : i32 to index
        %parallel_loop3A_1245 = tpu.vector_load %arg9[%parallel_loop3A_1243, %parallel_loop3A_1244] {strides = array<i32>} : memref<32x1024xf32, #tpu.memory_space<vmem>>, vector<1x16xf32>,
        %parallel_loop3A_1246 = vector.shape_cast %parallel_loop3A_1245 : vector<1x16xf32> to vector<16xf32>
        %parallel_loop3A_1247 = vector.shape_cast %parallel_loop3A_1242 : vector<16xf32> to vector<1x16xf32>
        tpu.vector_store %arg9[%parallel_loop3A_1243, %parallel_loop3A_1244], %parallel_loop3A_1247 {strides = array<i32>} : memref<32x1024xf32, #tpu.memory_space<vmem>>, vector<1x16xf32>,
        %parallel_loop3A_1248 = arith.constant 16 : i32
        %parallel_loop3A_1249 = arith.addi %parallel_loop3A_1248, %add3A_1210 : i32
        %parallel_loop3A_1250 = arith.index_cast %parallel_loop3A_1249 : i32 to index
        %parallel_loop3A_1251 = arith.index_cast %parallel_loop3A_1213 : i32 to index
        %parallel_loop3A_1252 = tpu.vector_load %arg9[%parallel_loop3A_1250, %parallel_loop3A_1251] {strides = array<i32>} : memref<32x1024xf32, #tpu.memory_space<vmem>>, vector<1x16xf32>,
        %parallel_loop3A_1253 = vector.shape_cast %parallel_loop3A_1252 : vector<1x16xf32> to vector<16xf32>
        %parallel_loop3A_1254 = arith.constant 3.200000e+01 : f32
        %parallel_loop3A_1255 = vector.broadcast %parallel_loop3A_1254 : f32 to vector<16xf32>
        %parallel_loop3A_1256 = arith.mulf %parallel_loop3A_1253, %parallel_loop3A_1255 : vector<16xf32>
        %parallel_loop3A_1257 = arith.addf %parallel_loop3A_1256, %parallel_loop3A_1217 : vector<16xf32>
        %parallel_loop3A_1258 = arith.index_cast %parallel_loop3A_1249 : i32 to index
        %parallel_loop3A_1259 = arith.index_cast %parallel_loop3A_1213 : i32 to index
        %parallel_loop3A_1260 = tpu.vector_load %arg9[%parallel_loop3A_1258, %parallel_loop3A_1259] {strides = array<i32>} : memref<32x1024xf32, #tpu.memory_space<vmem>>, vector<1x16xf32>,
        %parallel_loop3A_1261 = vector.shape_cast %parallel_loop3A_1260 : vector<1x16xf32> to vector<16xf32>
        %parallel_loop3A_1262 = vector.shape_cast %parallel_loop3A_1257 : vector<16xf32> to vector<1x16xf32>
        tpu.vector_store %arg9[%parallel_loop3A_1258, %parallel_loop3A_1259], %parallel_loop3A_1262 {strides = array<i32>} : memref<32x1024xf32, #tpu.memory_space<vmem>>, vector<1x16xf32>,
        %parallel_loop3A_1263 = arith.constant 24 : i32
        %parallel_loop3A_1264 = arith.addi %parallel_loop3A_1263, %add3A_1210 : i32
        %parallel_loop3A_1265 = arith.index_cast %parallel_loop3A_1264 : i32 to index
        %parallel_loop3A_1266 = arith.index_cast %parallel_loop3A_1213 : i32 to index
        %parallel_loop3A_1267 = tpu.vector_load %arg9[%parallel_loop3A_1265, %parallel_loop3A_1266] {strides = array<i32>} : memref<32x1024xf32, #tpu.memory_space<vmem>>, vector<1x16xf32>,
        %parallel_loop3A_1268 = vector.shape_cast %parallel_loop3A_1267 : vector<1x16xf32> to vector<16xf32>
        %parallel_loop3A_1269 = arith.constant 3.200000e+01 : f32
        %parallel_loop3A_1270 = vector.broadcast %parallel_loop3A_1269 : f32 to vector<16xf32>
        %parallel_loop3A_1271 = arith.mulf %parallel_loop3A_1268, %parallel_loop3A_1270 : vector<16xf32>
        %parallel_loop3A_1272 = arith.addf %parallel_loop3A_1271, %parallel_loop3A_1217 : vector<16xf32>
        %parallel_loop3A_1273 = arith.index_cast %parallel_loop3A_1264 : i32 to index
        %parallel_loop3A_1274 = arith.index_cast %parallel_loop3A_1213 : i32 to index
        %parallel_loop3A_1275 = tpu.vector_load %arg9[%parallel_loop3A_1273, %parallel_loop3A_1274] {strides = array<i32>} : memref<32x1024xf32, #tpu.memory_space<vmem>>, vector<1x16xf32>,
        %parallel_loop3A_1276 = vector.shape_cast %parallel_loop3A_1275 : vector<1x16xf32> to vector<16xf32>
        %parallel_loop3A_1277 = vector.shape_cast %parallel_loop3A_1272 : vector<16xf32> to vector<1x16xf32>
        tpu.vector_store %arg9[%parallel_loop3A_1273, %parallel_loop3A_1274], %parallel_loop3A_1277 {strides = array<i32>} : memref<32x1024xf32, #tpu.memory_space<vmem>>, vector<1x16xf32>,
      } {sc.loop_unroll_factor = 8 : i64, sc.parallel_access}
    }
    %scan3A_788 = arith.constant 8 : i32
    %add3A_789 = arith.constant 0 : i32
    %add3A_790 = arith.addi %add3A_789, %mul3A_4 : i32
    %add3A_791 = arith.constant 40 : i32
    %add3A_792 = arith.addi %add3A_790, %add3A_791 : i32
    %dma_start3A_793 = arith.constant 2 : i32
    %dma_start3A_794 = arith.constant 0 : i32
    %dma_start3A_795 = arith.constant 0 : i32
    %dma_start3A_796 = tpu.memref_slice %arg9[%dma_start3A_794, %dma_start3A_795] : memref<32x1024xf32, #tpu.memory_space<vmem>> -> memref<8x1024xf32, #tpu.memory_space<vmem>>
    %dma_start3A_797 = arith.constant 0 : i32
    %dma_start3A_798 = tpu.memref_slice %arg5[%add3A_792, %dma_start3A_797] : memref<8192x1024xf32, #tpu.memory_space<hbm>> -> memref<8x1024xf32, #tpu.memory_space<hbm>>
    %dma_start3A_799 = tpu.memref_slice %arg15[%dma_start3A_793] : memref<3x!tpu.dma_semaphore, #tpu.memory_space<semaphore_mem>> -> memref<1x!tpu.dma_semaphore, #tpu.memory_space<semaphore_mem>>
    %dma_start3A_800 = tpu.memref_squeeze %dma_start3A_799 : memref<1x!tpu.dma_semaphore, #tpu.memory_space<semaphore_mem>> -> memref<!tpu.dma_semaphore, #tpu.memory_space<semaphore_mem>>
    %dma_start3A_801 = arith.constant 0 : i32
    %dma_start3A_802 = tpu.memref_slice %arg5[%add3A_792, %dma_start3A_801] : memref<8192x1024xf32, #tpu.memory_space<hbm>> -> memref<8x1024xf32, #tpu.memory_space<hbm>>
    %dma_start3A_803 = arith.constant 0 : i32
    %dma_start3A_804 = arith.constant 0 : i32
    %dma_start3A_805 = tpu.memref_slice %arg9[%dma_start3A_803, %dma_start3A_804] : memref<32x1024xf32, #tpu.memory_space<vmem>> -> memref<8x1024xf32, #tpu.memory_space<vmem>>
    tpu.enqueue_dma source(%dma_start3A_805 : memref<8x1024xf32, #tpu.memory_space<vmem>>) target(%dma_start3A_802 : memref<8x1024xf32, #tpu.memory_space<hbm>>) target_semaphore(%dma_start3A_800 : memref<!tpu.dma_semaphore, #tpu.memory_space<semaphore_mem>>)
    %add3A_806 = arith.constant 2048 : i32
    %add3A_807 = arith.addi %add3A_806, %mul3A_4 : i32
    %add3A_808 = arith.constant 40 : i32
    %add3A_809 = arith.addi %add3A_807, %add3A_808 : i32
    %dma_start3A_810 = arith.constant 2 : i32
    %dma_start3A_811 = arith.constant 8 : i32
    %dma_start3A_812 = arith.constant 0 : i32
    %dma_start3A_813 = tpu.memref_slice %arg9[%dma_start3A_811, %dma_start3A_812] : memref<32x1024xf32, #tpu.memory_space<vmem>> -> memref<8x1024xf32, #tpu.memory_space<vmem>>
    %dma_start3A_814 = arith.constant 0 : i32
    %dma_start3A_815 = tpu.memref_slice %arg5[%add3A_809, %dma_start3A_814] : memref<8192x1024xf32, #tpu.memory_space<hbm>> -> memref<8x1024xf32, #tpu.memory_space<hbm>>
    %dma_start3A_816 = tpu.memref_slice %arg15[%dma_start3A_810] : memref<3x!tpu.dma_semaphore, #tpu.memory_space<semaphore_mem>> -> memref<1x!tpu.dma_semaphore, #tpu.memory_space<semaphore_mem>>
    %dma_start3A_817 = tpu.memref_squeeze %dma_start3A_816 : memref<1x!tpu.dma_semaphore, #tpu.memory_space<semaphore_mem>> -> memref<!tpu.dma_semaphore, #tpu.memory_space<semaphore_mem>>
    %dma_start3A_818 = arith.constant 0 : i32
    %dma_start3A_819 = tpu.memref_slice %arg5[%add3A_809, %dma_start3A_818] : memref<8192x1024xf32, #tpu.memory_space<hbm>> -> memref<8x1024xf32, #tpu.memory_space<hbm>>
    %dma_start3A_820 = arith.constant 8 : i32
    %dma_start3A_821 = arith.constant 0 : i32
    %dma_start3A_822 = tpu.memref_slice %arg9[%dma_start3A_820, %dma_start3A_821] : memref<32x1024xf32, #tpu.memory_space<vmem>> -> memref<8x1024xf32, #tpu.memory_space<vmem>>
    tpu.enqueue_dma source(%dma_start3A_822 : memref<8x1024xf32, #tpu.memory_space<vmem>>) target(%dma_start3A_819 : memref<8x1024xf32, #tpu.memory_space<hbm>>) target_semaphore(%dma_start3A_817 : memref<!tpu.dma_semaphore, #tpu.memory_space<semaphore_mem>>)
    %add3A_823 = arith.constant 4096 : i32
    %add3A_824 = arith.addi %add3A_823, %mul3A_4 : i32
    %add3A_825 = arith.constant 40 : i32
    %add3A_826 = arith.addi %add3A_824, %add3A_825 : i32
    %dma_start3A_827 = arith.constant 2 : i32
    %dma_start3A_828 = arith.constant 16 : i32
    %dma_start3A_829 = arith.constant 0 : i32
    %dma_start3A_830 = tpu.memref_slice %arg9[%dma_start3A_828, %dma_start3A_829] : memref<32x1024xf32, #tpu.memory_space<vmem>> -> memref<8x1024xf32, #tpu.memory_space<vmem>>
    %dma_start3A_831 = arith.constant 0 : i32
    %dma_start3A_832 = tpu.memref_slice %arg5[%add3A_826, %dma_start3A_831] : memref<8192x1024xf32, #tpu.memory_space<hbm>> -> memref<8x1024xf32, #tpu.memory_space<hbm>>
    %dma_start3A_833 = tpu.memref_slice %arg15[%dma_start3A_827] : memref<3x!tpu.dma_semaphore, #tpu.memory_space<semaphore_mem>> -> memref<1x!tpu.dma_semaphore, #tpu.memory_space<semaphore_mem>>
    %dma_start3A_834 = tpu.memref_squeeze %dma_start3A_833 : memref<1x!tpu.dma_semaphore, #tpu.memory_space<semaphore_mem>> -> memref<!tpu.dma_semaphore, #tpu.memory_space<semaphore_mem>>
    %dma_start3A_835 = arith.constant 0 : i32
    %dma_start3A_836 = tpu.memref_slice %arg5[%add3A_826, %dma_start3A_835] : memref<8192x1024xf32, #tpu.memory_space<hbm>> -> memref<8x1024xf32, #tpu.memory_space<hbm>>
    %dma_start3A_837 = arith.constant 16 : i32
    %dma_start3A_838 = arith.constant 0 : i32
    %dma_start3A_839 = tpu.memref_slice %arg9[%dma_start3A_837, %dma_start3A_838] : memref<32x1024xf32, #tpu.memory_space<vmem>> -> memref<8x1024xf32, #tpu.memory_space<vmem>>
    tpu.enqueue_dma source(%dma_start3A_839 : memref<8x1024xf32, #tpu.memory_space<vmem>>) target(%dma_start3A_836 : memref<8x1024xf32, #tpu.memory_space<hbm>>) target_semaphore(%dma_start3A_834 : memref<!tpu.dma_semaphore, #tpu.memory_space<semaphore_mem>>)
    %add3A_840 = arith.constant 6144 : i32
    %add3A_841 = arith.addi %add3A_840, %mul3A_4 : i32
    %add3A_842 = arith.constant 40 : i32
    %add3A_843 = arith.addi %add3A_841, %add3A_842 : i32
    %dma_start3A_844 = arith.constant 2 : i32
    %dma_start3A_845 = arith.constant 24 : i32
    %dma_start3A_846 = arith.constant 0 : i32
    %dma_start3A_847 = tpu.memref_slice %arg9[%dma_start3A_845, %dma_start3A_846] : memref<32x1024xf32, #tpu.memory_space<vmem>> -> memref<8x1024xf32, #tpu.memory_space<vmem>>
    %dma_start3A_848 = arith.constant 0 : i32
    %dma_start3A_849 = tpu.memref_slice %arg5[%add3A_843, %dma_start3A_848] : memref<8192x1024xf32, #tpu.memory_space<hbm>> -> memref<8x1024xf32, #tpu.memory_space<hbm>>
    %dma_start3A_850 = tpu.memref_slice %arg15[%dma_start3A_844] : memref<3x!tpu.dma_semaphore, #tpu.memory_space<semaphore_mem>> -> memref<1x!tpu.dma_semaphore, #tpu.memory_space<semaphore_mem>>
    %dma_start3A_851 = tpu.memref_squeeze %dma_start3A_850 : memref<1x!tpu.dma_semaphore, #tpu.memory_space<semaphore_mem>> -> memref<!tpu.dma_semaphore, #tpu.memory_space<semaphore_mem>>
    %dma_start3A_852 = arith.constant 0 : i32
    %dma_start3A_853 = tpu.memref_slice %arg5[%add3A_843, %dma_start3A_852] : memref<8192x1024xf32, #tpu.memory_space<hbm>> -> memref<8x1024xf32, #tpu.memory_space<hbm>>
    %dma_start3A_854 = arith.constant 24 : i32
    %dma_start3A_855 = arith.constant 0 : i32
    %dma_start3A_856 = tpu.memref_slice %arg9[%dma_start3A_854, %dma_start3A_855] : memref<32x1024xf32, #tpu.memory_space<vmem>> -> memref<8x1024xf32, #tpu.memory_space<vmem>>
    tpu.enqueue_dma source(%dma_start3A_856 : memref<8x1024xf32, #tpu.memory_space<vmem>>) target(%dma_start3A_853 : memref<8x1024xf32, #tpu.memory_space<hbm>>) target_semaphore(%dma_start3A_851 : memref<!tpu.dma_semaphore, #tpu.memory_space<semaphore_mem>>)
    %dma_wait3A_857 = arith.constant 1 : i32
    %dma_wait3A_858 = arith.constant 0 : i32
    %dma_wait3A_859 = arith.constant 0 : i32
    %dma_wait3A_860 = tpu.memref_slice %arg8[%dma_wait3A_858, %dma_wait3A_859] : memref<32x1024xf32, #tpu.memory_space<vmem>> -> memref<8x1024xf32, #tpu.memory_space<vmem>>
    %dma_wait3A_861 = arith.constant 0 : i32
    %dma_wait3A_862 = tpu.memref_slice %arg5[%add3A_635, %dma_wait3A_861] : memref<8192x1024xf32, #tpu.memory_space<hbm>> -> memref<8x1024xf32, #tpu.memory_space<hbm>>
    %dma_wait3A_863 = tpu.memref_slice %arg15[%dma_wait3A_857] : memref<3x!tpu.dma_semaphore, #tpu.memory_space<semaphore_mem>> -> memref<1x!tpu.dma_semaphore, #tpu.memory_space<semaphore_mem>>
    %dma_wait3A_864 = tpu.memref_squeeze %dma_wait3A_863 : memref<1x!tpu.dma_semaphore, #tpu.memory_space<semaphore_mem>> -> memref<!tpu.dma_semaphore, #tpu.memory_space<semaphore_mem>>
    %dma_wait3A_865 = arith.constant 0 : i32
    %dma_wait3A_866 = tpu.memref_slice %arg5[%add3A_635, %dma_wait3A_865] : memref<8192x1024xf32, #tpu.memory_space<hbm>> -> memref<8x1024xf32, #tpu.memory_space<hbm>>
    %dma_wait3A_867 = arith.constant 0 : i32
    %dma_wait3A_868 = arith.constant 0 : i32
    %dma_wait3A_869 = tpu.memref_slice %arg8[%dma_wait3A_867, %dma_wait3A_868] : memref<32x1024xf32, #tpu.memory_space<vmem>> -> memref<8x1024xf32, #tpu.memory_space<vmem>>
    tpu.wait_dma2 semaphore(%dma_wait3A_864 : memref<!tpu.dma_semaphore, #tpu.memory_space<semaphore_mem>>) src(%dma_wait3A_869 : memref<8x1024xf32, #tpu.memory_space<vmem>>) dst(%dma_wait3A_866 : memref<8x1024xf32, #tpu.memory_space<hbm>>)
    %dma_wait3A_870 = arith.constant 1 : i32
    %dma_wait3A_871 = arith.constant 8 : i32
    %dma_wait3A_872 = arith.constant 0 : i32
    %dma_wait3A_873 = tpu.memref_slice %arg8[%dma_wait3A_871, %dma_wait3A_872] : memref<32x1024xf32, #tpu.memory_space<vmem>> -> memref<8x1024xf32, #tpu.memory_space<vmem>>
    %dma_wait3A_874 = arith.constant 0 : i32
    %dma_wait3A_875 = tpu.memref_slice %arg5[%add3A_652, %dma_wait3A_874] : memref<8192x1024xf32, #tpu.memory_space<hbm>> -> memref<8x1024xf32, #tpu.memory_space<hbm>>
    %dma_wait3A_876 = tpu.memref_slice %arg15[%dma_wait3A_870] : memref<3x!tpu.dma_semaphore, #tpu.memory_space<semaphore_mem>> -> memref<1x!tpu.dma_semaphore, #tpu.memory_space<semaphore_mem>>
    %dma_wait3A_877 = tpu.memref_squeeze %dma_wait3A_876 : memref<1x!tpu.dma_semaphore, #tpu.memory_space<semaphore_mem>> -> memref<!tpu.dma_semaphore, #tpu.memory_space<semaphore_mem>>
    %dma_wait3A_878 = arith.constant 0 : i32
    %dma_wait3A_879 = tpu.memref_slice %arg5[%add3A_652, %dma_wait3A_878] : memref<8192x1024xf32, #tpu.memory_space<hbm>> -> memref<8x1024xf32, #tpu.memory_space<hbm>>
    %dma_wait3A_880 = arith.constant 8 : i32
    %dma_wait3A_881 = arith.constant 0 : i32
    %dma_wait3A_882 = tpu.memref_slice %arg8[%dma_wait3A_880, %dma_wait3A_881] : memref<32x1024xf32, #tpu.memory_space<vmem>> -> memref<8x1024xf32, #tpu.memory_space<vmem>>
    tpu.wait_dma2 semaphore(%dma_wait3A_877 : memref<!tpu.dma_semaphore, #tpu.memory_space<semaphore_mem>>) src(%dma_wait3A_882 : memref<8x1024xf32, #tpu.memory_space<vmem>>) dst(%dma_wait3A_879 : memref<8x1024xf32, #tpu.memory_space<hbm>>)
    %dma_wait3A_883 = arith.constant 1 : i32
    %dma_wait3A_884 = arith.constant 16 : i32
    %dma_wait3A_885 = arith.constant 0 : i32
    %dma_wait3A_886 = tpu.memref_slice %arg8[%dma_wait3A_884, %dma_wait3A_885] : memref<32x1024xf32, #tpu.memory_space<vmem>> -> memref<8x1024xf32, #tpu.memory_space<vmem>>
    %dma_wait3A_887 = arith.constant 0 : i32
    %dma_wait3A_888 = tpu.memref_slice %arg5[%add3A_669, %dma_wait3A_887] : memref<8192x1024xf32, #tpu.memory_space<hbm>> -> memref<8x1024xf32, #tpu.memory_space<hbm>>
    %dma_wait3A_889 = tpu.memref_slice %arg15[%dma_wait3A_883] : memref<3x!tpu.dma_semaphore, #tpu.memory_space<semaphore_mem>> -> memref<1x!tpu.dma_semaphore, #tpu.memory_space<semaphore_mem>>
    %dma_wait3A_890 = tpu.memref_squeeze %dma_wait3A_889 : memref<1x!tpu.dma_semaphore, #tpu.memory_space<semaphore_mem>> -> memref<!tpu.dma_semaphore, #tpu.memory_space<semaphore_mem>>
    %dma_wait3A_891 = arith.constant 0 : i32
    %dma_wait3A_892 = tpu.memref_slice %arg5[%add3A_669, %dma_wait3A_891] : memref<8192x1024xf32, #tpu.memory_space<hbm>> -> memref<8x1024xf32, #tpu.memory_space<hbm>>
    %dma_wait3A_893 = arith.constant 16 : i32
    %dma_wait3A_894 = arith.constant 0 : i32
    %dma_wait3A_895 = tpu.memref_slice %arg8[%dma_wait3A_893, %dma_wait3A_894] : memref<32x1024xf32, #tpu.memory_space<vmem>> -> memref<8x1024xf32, #tpu.memory_space<vmem>>
    tpu.wait_dma2 semaphore(%dma_wait3A_890 : memref<!tpu.dma_semaphore, #tpu.memory_space<semaphore_mem>>) src(%dma_wait3A_895 : memref<8x1024xf32, #tpu.memory_space<vmem>>) dst(%dma_wait3A_892 : memref<8x1024xf32, #tpu.memory_space<hbm>>)
    %dma_wait3A_896 = arith.constant 1 : i32
    %dma_wait3A_897 = arith.constant 24 : i32
    %dma_wait3A_898 = arith.constant 0 : i32
    %dma_wait3A_899 = tpu.memref_slice %arg8[%dma_wait3A_897, %dma_wait3A_898] : memref<32x1024xf32, #tpu.memory_space<vmem>> -> memref<8x1024xf32, #tpu.memory_space<vmem>>
    %dma_wait3A_900 = arith.constant 0 : i32
    %dma_wait3A_901 = tpu.memref_slice %arg5[%add3A_686, %dma_wait3A_900] : memref<8192x1024xf32, #tpu.memory_space<hbm>> -> memref<8x1024xf32, #tpu.memory_space<hbm>>
    %dma_wait3A_902 = tpu.memref_slice %arg15[%dma_wait3A_896] : memref<3x!tpu.dma_semaphore, #tpu.memory_space<semaphore_mem>> -> memref<1x!tpu.dma_semaphore, #tpu.memory_space<semaphore_mem>>
    %dma_wait3A_903 = tpu.memref_squeeze %dma_wait3A_902 : memref<1x!tpu.dma_semaphore, #tpu.memory_space<semaphore_mem>> -> memref<!tpu.dma_semaphore, #tpu.memory_space<semaphore_mem>>
    %dma_wait3A_904 = arith.constant 0 : i32
    %dma_wait3A_905 = tpu.memref_slice %arg5[%add3A_686, %dma_wait3A_904] : memref<8192x1024xf32, #tpu.memory_space<hbm>> -> memref<8x1024xf32, #tpu.memory_space<hbm>>
    %dma_wait3A_906 = arith.constant 24 : i32
    %dma_wait3A_907 = arith.constant 0 : i32
    %dma_wait3A_908 = tpu.memref_slice %arg8[%dma_wait3A_906, %dma_wait3A_907] : memref<32x1024xf32, #tpu.memory_space<vmem>> -> memref<8x1024xf32, #tpu.memory_space<vmem>>
    tpu.wait_dma2 semaphore(%dma_wait3A_903 : memref<!tpu.dma_semaphore, #tpu.memory_space<semaphore_mem>>) src(%dma_wait3A_908 : memref<8x1024xf32, #tpu.memory_space<vmem>>) dst(%dma_wait3A_905 : memref<8x1024xf32, #tpu.memory_space<hbm>>)
    %dma_start3A_909 = arith.constant 1 : i32
    %dma_start3A_910 = arith.constant 224 : i32
    %dma_start3A_911 = tpu.memref_slice %arg6[%dma_start3A_910] : memref<256xi32, #tpu.memory_space<vmem>> -> memref<32xi32, #tpu.memory_space<vmem>>
    %dma_start3A_912 = arith.constant 0 : i32
    %dma_start3A_913 = arith.constant 0 : i32
    %dma_start3A_914 = tpu.memref_slice %arg2[%dma_start3A_912, %dma_start3A_913] : memref<50000x1024xf32, #tpu.memory_space<hbm>> -> memref<50000x1024xf32, #tpu.memory_space<hbm>>
    %dma_start3A_915 = tpu.memref_slice %arg13[%dma_start3A_909] : memref<3x!tpu.dma_semaphore, #tpu.memory_space<semaphore_mem>> -> memref<1x!tpu.dma_semaphore, #tpu.memory_space<semaphore_mem>>
    %dma_start3A_916 = tpu.memref_squeeze %dma_start3A_915 : memref<1x!tpu.dma_semaphore, #tpu.memory_space<semaphore_mem>> -> memref<!tpu.dma_semaphore, #tpu.memory_space<semaphore_mem>>
    tpu.enqueue_indirect_dma source(%dma_start3A_914 : memref<50000x1024xf32, #tpu.memory_space<hbm>>) target(%arg8 : memref<32x1024xf32, #tpu.memory_space<vmem>>) offsets(%dma_start3A_911 : memref<32xi32, #tpu.memory_space<vmem>>) semaphore(%dma_start3A_916 : memref<!tpu.dma_semaphore, #tpu.memory_space<semaphore_mem>>)
    %add3A_917 = arith.constant 56 : i32
    %add3A_918 = arith.addi %mul3A_4, %add3A_917 : i32
    %dma_start3A_919 = arith.constant 1 : i32
    %dma_start3A_920 = arith.constant 0 : i32
    %dma_start3A_921 = tpu.memref_slice %arg4[%add3A_918, %dma_start3A_920] : memref<2048x1024xf32, #tpu.memory_space<hbm>> -> memref<8x1024xf32, #tpu.memory_space<hbm>>
    %dma_start3A_922 = tpu.memref_slice %arg14[%dma_start3A_919] : memref<3x!tpu.dma_semaphore, #tpu.memory_space<semaphore_mem>> -> memref<1x!tpu.dma_semaphore, #tpu.memory_space<semaphore_mem>>
    %dma_start3A_923 = tpu.memref_squeeze %dma_start3A_922 : memref<1x!tpu.dma_semaphore, #tpu.memory_space<semaphore_mem>> -> memref<!tpu.dma_semaphore, #tpu.memory_space<semaphore_mem>>
    %dma_start3A_924 = arith.constant 0 : i32
    %dma_start3A_925 = tpu.memref_slice %arg4[%add3A_918, %dma_start3A_924] : memref<2048x1024xf32, #tpu.memory_space<hbm>> -> memref<8x1024xf32, #tpu.memory_space<hbm>>
    tpu.enqueue_dma source(%dma_start3A_925 : memref<8x1024xf32, #tpu.memory_space<hbm>>) target(%arg11 : memref<8x1024xf32, #tpu.memory_space<vmem>>) target_semaphore(%dma_start3A_923 : memref<!tpu.dma_semaphore, #tpu.memory_space<semaphore_mem>>)
    %dma_wait3A_926 = arith.constant 0 : i32
    %dma_wait3A_927 = arith.constant 192 : i32
    %dma_wait3A_928 = tpu.memref_slice %arg6[%dma_wait3A_927] : memref<256xi32, #tpu.memory_space<vmem>> -> memref<32xi32, #tpu.memory_space<vmem>>
    %dma_wait3A_929 = arith.constant 0 : i32
    %dma_wait3A_930 = arith.constant 0 : i32
    %dma_wait3A_931 = tpu.memref_slice %arg2[%dma_wait3A_929, %dma_wait3A_930] : memref<50000x1024xf32, #tpu.memory_space<hbm>> -> memref<50000x1024xf32, #tpu.memory_space<hbm>>
    %dma_wait3A_932 = tpu.memref_slice %arg13[%dma_wait3A_926] : memref<3x!tpu.dma_semaphore, #tpu.memory_space<semaphore_mem>> -> memref<1x!tpu.dma_semaphore, #tpu.memory_space<semaphore_mem>>
    %dma_wait3A_933 = tpu.memref_squeeze %dma_wait3A_932 : memref<1x!tpu.dma_semaphore, #tpu.memory_space<semaphore_mem>> -> memref<!tpu.dma_semaphore, #tpu.memory_space<semaphore_mem>>
    tpu.wait_indirect_dma semaphore(%dma_wait3A_933 : memref<!tpu.dma_semaphore, #tpu.memory_space<semaphore_mem>>) src(%dma_wait3A_931 : memref<50000x1024xf32, #tpu.memory_space<hbm>>) dst(%arg7 : memref<32x1024xf32, #tpu.memory_space<vmem>>)
    %dma_wait3A_934 = arith.constant 0 : i32
    %dma_wait3A_935 = arith.constant 0 : i32
    %dma_wait3A_936 = tpu.memref_slice %arg4[%add3A_761, %dma_wait3A_935] : memref<2048x1024xf32, #tpu.memory_space<hbm>> -> memref<8x1024xf32, #tpu.memory_space<hbm>>
    %dma_wait3A_937 = tpu.memref_slice %arg14[%dma_wait3A_934] : memref<3x!tpu.dma_semaphore, #tpu.memory_space<semaphore_mem>> -> memref<1x!tpu.dma_semaphore, #tpu.memory_space<semaphore_mem>>
    %dma_wait3A_938 = tpu.memref_squeeze %dma_wait3A_937 : memref<1x!tpu.dma_semaphore, #tpu.memory_space<semaphore_mem>> -> memref<!tpu.dma_semaphore, #tpu.memory_space<semaphore_mem>>
    %dma_wait3A_939 = arith.constant 0 : i32
    %dma_wait3A_940 = tpu.memref_slice %arg4[%add3A_761, %dma_wait3A_939] : memref<2048x1024xf32, #tpu.memory_space<hbm>> -> memref<8x1024xf32, #tpu.memory_space<hbm>>
    tpu.wait_dma2 semaphore(%dma_wait3A_938 : memref<!tpu.dma_semaphore, #tpu.memory_space<semaphore_mem>>) src(%dma_wait3A_940 : memref<8x1024xf32, #tpu.memory_space<hbm>>) dst(%arg10 : memref<8x1024xf32, #tpu.memory_space<vmem>>)
    %scan3A_941 = arith.constant 0 : i32
    %scan3A_942 = arith.constant 8 : i32
    %scan3A_943 = arith.addi %scan3A_941, %scan3A_942 : i32
    %scan3A_944 = arith.constant 1 : i32
    scf.for %scan3A_1206 = %scan3A_941 to %scan3A_943 step %scan3A_944  : i32 {
      %mul3A_1207 = arith.constant 1 : i32
      %mul3A_1208 = arith.muli %scan3A_1206, %mul3A_1207 : i32
      %add3A_1209 = arith.constant 0 : i32
      %add3A_1210 = arith.addi %add3A_1209, %mul3A_1208 : i32
      %parallel_loop3A = arith.constant 0 : i32
      %parallel_loop3A_1211 = arith.constant 1024 : i32
      %parallel_loop3A_1212 = arith.constant 16 : i32
      scf.for %parallel_loop3A_1213 = %parallel_loop3A to %parallel_loop3A_1211 step %parallel_loop3A_1212  : i32 {
        %parallel_loop3A_1214 = arith.index_cast %add3A_1210 : i32 to index
        %parallel_loop3A_1215 = arith.index_cast %parallel_loop3A_1213 : i32 to index
        %parallel_loop3A_1216 = tpu.vector_load %arg10[%parallel_loop3A_1214, %parallel_loop3A_1215] {strides = array<i32>} : memref<8x1024xf32, #tpu.memory_space<vmem>>, vector<1x16xf32>,
        %parallel_loop3A_1217 = vector.shape_cast %parallel_loop3A_1216 : vector<1x16xf32> to vector<16xf32>
        %parallel_loop3A_1218 = arith.constant 0 : i32
        %parallel_loop3A_1219 = arith.addi %parallel_loop3A_1218, %add3A_1210 : i32
        %parallel_loop3A_1220 = arith.index_cast %parallel_loop3A_1219 : i32 to index
        %parallel_loop3A_1221 = arith.index_cast %parallel_loop3A_1213 : i32 to index
        %parallel_loop3A_1222 = tpu.vector_load %arg7[%parallel_loop3A_1220, %parallel_loop3A_1221] {strides = array<i32>} : memref<32x1024xf32, #tpu.memory_space<vmem>>, vector<1x16xf32>,
        %parallel_loop3A_1223 = vector.shape_cast %parallel_loop3A_1222 : vector<1x16xf32> to vector<16xf32>
        %parallel_loop3A_1224 = arith.constant 3.200000e+01 : f32
        %parallel_loop3A_1225 = vector.broadcast %parallel_loop3A_1224 : f32 to vector<16xf32>
        %parallel_loop3A_1226 = arith.mulf %parallel_loop3A_1223, %parallel_loop3A_1225 : vector<16xf32>
        %parallel_loop3A_1227 = arith.addf %parallel_loop3A_1226, %parallel_loop3A_1217 : vector<16xf32>
        %parallel_loop3A_1228 = arith.index_cast %parallel_loop3A_1219 : i32 to index
        %parallel_loop3A_1229 = arith.index_cast %parallel_loop3A_1213 : i32 to index
        %parallel_loop3A_1230 = tpu.vector_load %arg7[%parallel_loop3A_1228, %parallel_loop3A_1229] {strides = array<i32>} : memref<32x1024xf32, #tpu.memory_space<vmem>>, vector<1x16xf32>,
        %parallel_loop3A_1231 = vector.shape_cast %parallel_loop3A_1230 : vector<1x16xf32> to vector<16xf32>
        %parallel_loop3A_1232 = vector.shape_cast %parallel_loop3A_1227 : vector<16xf32> to vector<1x16xf32>
        tpu.vector_store %arg7[%parallel_loop3A_1228, %parallel_loop3A_1229], %parallel_loop3A_1232 {strides = array<i32>} : memref<32x1024xf32, #tpu.memory_space<vmem>>, vector<1x16xf32>,
        %parallel_loop3A_1233 = arith.constant 8 : i32
        %parallel_loop3A_1234 = arith.addi %parallel_loop3A_1233, %add3A_1210 : i32
        %parallel_loop3A_1235 = arith.index_cast %parallel_loop3A_1234 : i32 to index
        %parallel_loop3A_1236 = arith.index_cast %parallel_loop3A_1213 : i32 to index
        %parallel_loop3A_1237 = tpu.vector_load %arg7[%parallel_loop3A_1235, %parallel_loop3A_1236] {strides = array<i32>} : memref<32x1024xf32, #tpu.memory_space<vmem>>, vector<1x16xf32>,
        %parallel_loop3A_1238 = vector.shape_cast %parallel_loop3A_1237 : vector<1x16xf32> to vector<16xf32>
        %parallel_loop3A_1239 = arith.constant 3.200000e+01 : f32
        %parallel_loop3A_1240 = vector.broadcast %parallel_loop3A_1239 : f32 to vector<16xf32>
        %parallel_loop3A_1241 = arith.mulf %parallel_loop3A_1238, %parallel_loop3A_1240 : vector<16xf32>
        %parallel_loop3A_1242 = arith.addf %parallel_loop3A_1241, %parallel_loop3A_1217 : vector<16xf32>
        %parallel_loop3A_1243 = arith.index_cast %parallel_loop3A_1234 : i32 to index
        %parallel_loop3A_1244 = arith.index_cast %parallel_loop3A_1213 : i32 to index
        %parallel_loop3A_1245 = tpu.vector_load %arg7[%parallel_loop3A_1243, %parallel_loop3A_1244] {strides = array<i32>} : memref<32x1024xf32, #tpu.memory_space<vmem>>, vector<1x16xf32>,
        %parallel_loop3A_1246 = vector.shape_cast %parallel_loop3A_1245 : vector<1x16xf32> to vector<16xf32>
        %parallel_loop3A_1247 = vector.shape_cast %parallel_loop3A_1242 : vector<16xf32> to vector<1x16xf32>
        tpu.vector_store %arg7[%parallel_loop3A_1243, %parallel_loop3A_1244], %parallel_loop3A_1247 {strides = array<i32>} : memref<32x1024xf32, #tpu.memory_space<vmem>>, vector<1x16xf32>,
        %parallel_loop3A_1248 = arith.constant 16 : i32
        %parallel_loop3A_1249 = arith.addi %parallel_loop3A_1248, %add3A_1210 : i32
        %parallel_loop3A_1250 = arith.index_cast %parallel_loop3A_1249 : i32 to index
        %parallel_loop3A_1251 = arith.index_cast %parallel_loop3A_1213 : i32 to index
        %parallel_loop3A_1252 = tpu.vector_load %arg7[%parallel_loop3A_1250, %parallel_loop3A_1251] {strides = array<i32>} : memref<32x1024xf32, #tpu.memory_space<vmem>>, vector<1x16xf32>,
        %parallel_loop3A_1253 = vector.shape_cast %parallel_loop3A_1252 : vector<1x16xf32> to vector<16xf32>
        %parallel_loop3A_1254 = arith.constant 3.200000e+01 : f32
        %parallel_loop3A_1255 = vector.broadcast %parallel_loop3A_1254 : f32 to vector<16xf32>
        %parallel_loop3A_1256 = arith.mulf %parallel_loop3A_1253, %parallel_loop3A_1255 : vector<16xf32>
        %parallel_loop3A_1257 = arith.addf %parallel_loop3A_1256, %parallel_loop3A_1217 : vector<16xf32>
        %parallel_loop3A_1258 = arith.index_cast %parallel_loop3A_1249 : i32 to index
        %parallel_loop3A_1259 = arith.index_cast %parallel_loop3A_1213 : i32 to index
        %parallel_loop3A_1260 = tpu.vector_load %arg7[%parallel_loop3A_1258, %parallel_loop3A_1259] {strides = array<i32>} : memref<32x1024xf32, #tpu.memory_space<vmem>>, vector<1x16xf32>,
        %parallel_loop3A_1261 = vector.shape_cast %parallel_loop3A_1260 : vector<1x16xf32> to vector<16xf32>
        %parallel_loop3A_1262 = vector.shape_cast %parallel_loop3A_1257 : vector<16xf32> to vector<1x16xf32>
        tpu.vector_store %arg7[%parallel_loop3A_1258, %parallel_loop3A_1259], %parallel_loop3A_1262 {strides = array<i32>} : memref<32x1024xf32, #tpu.memory_space<vmem>>, vector<1x16xf32>,
        %parallel_loop3A_1263 = arith.constant 24 : i32
        %parallel_loop3A_1264 = arith.addi %parallel_loop3A_1263, %add3A_1210 : i32
        %parallel_loop3A_1265 = arith.index_cast %parallel_loop3A_1264 : i32 to index
        %parallel_loop3A_1266 = arith.index_cast %parallel_loop3A_1213 : i32 to index
        %parallel_loop3A_1267 = tpu.vector_load %arg7[%parallel_loop3A_1265, %parallel_loop3A_1266] {strides = array<i32>} : memref<32x1024xf32, #tpu.memory_space<vmem>>, vector<1x16xf32>,
        %parallel_loop3A_1268 = vector.shape_cast %parallel_loop3A_1267 : vector<1x16xf32> to vector<16xf32>
        %parallel_loop3A_1269 = arith.constant 3.200000e+01 : f32
        %parallel_loop3A_1270 = vector.broadcast %parallel_loop3A_1269 : f32 to vector<16xf32>
        %parallel_loop3A_1271 = arith.mulf %parallel_loop3A_1268, %parallel_loop3A_1270 : vector<16xf32>
        %parallel_loop3A_1272 = arith.addf %parallel_loop3A_1271, %parallel_loop3A_1217 : vector<16xf32>
        %parallel_loop3A_1273 = arith.index_cast %parallel_loop3A_1264 : i32 to index
        %parallel_loop3A_1274 = arith.index_cast %parallel_loop3A_1213 : i32 to index
        %parallel_loop3A_1275 = tpu.vector_load %arg7[%parallel_loop3A_1273, %parallel_loop3A_1274] {strides = array<i32>} : memref<32x1024xf32, #tpu.memory_space<vmem>>, vector<1x16xf32>,
        %parallel_loop3A_1276 = vector.shape_cast %parallel_loop3A_1275 : vector<1x16xf32> to vector<16xf32>
        %parallel_loop3A_1277 = vector.shape_cast %parallel_loop3A_1272 : vector<16xf32> to vector<1x16xf32>
        tpu.vector_store %arg7[%parallel_loop3A_1273, %parallel_loop3A_1274], %parallel_loop3A_1277 {strides = array<i32>} : memref<32x1024xf32, #tpu.memory_space<vmem>>, vector<1x16xf32>,
      } {sc.loop_unroll_factor = 8 : i64, sc.parallel_access}
    }
    %scan3A_945 = arith.constant 8 : i32
    %add3A_946 = arith.constant 0 : i32
    %add3A_947 = arith.addi %add3A_946, %mul3A_4 : i32
    %add3A_948 = arith.constant 48 : i32
    %add3A_949 = arith.addi %add3A_947, %add3A_948 : i32
    %dma_start3A_950 = arith.constant 0 : i32
    %dma_start3A_951 = arith.constant 0 : i32
    %dma_start3A_952 = arith.constant 0 : i32
    %dma_start3A_953 = tpu.memref_slice %arg7[%dma_start3A_951, %dma_start3A_952] : memref<32x1024xf32, #tpu.memory_space<vmem>> -> memref<8x1024xf32, #tpu.memory_space<vmem>>
    %dma_start3A_954 = arith.constant 0 : i32
    %dma_start3A_955 = tpu.memref_slice %arg5[%add3A_949, %dma_start3A_954] : memref<8192x1024xf32, #tpu.memory_space<hbm>> -> memref<8x1024xf32, #tpu.memory_space<hbm>>
    %dma_start3A_956 = tpu.memref_slice %arg15[%dma_start3A_950] : memref<3x!tpu.dma_semaphore, #tpu.memory_space<semaphore_mem>> -> memref<1x!tpu.dma_semaphore, #tpu.memory_space<semaphore_mem>>
    %dma_start3A_957 = tpu.memref_squeeze %dma_start3A_956 : memref<1x!tpu.dma_semaphore, #tpu.memory_space<semaphore_mem>> -> memref<!tpu.dma_semaphore, #tpu.memory_space<semaphore_mem>>
    %dma_start3A_958 = arith.constant 0 : i32
    %dma_start3A_959 = tpu.memref_slice %arg5[%add3A_949, %dma_start3A_958] : memref<8192x1024xf32, #tpu.memory_space<hbm>> -> memref<8x1024xf32, #tpu.memory_space<hbm>>
    %dma_start3A_960 = arith.constant 0 : i32
    %dma_start3A_961 = arith.constant 0 : i32
    %dma_start3A_962 = tpu.memref_slice %arg7[%dma_start3A_960, %dma_start3A_961] : memref<32x1024xf32, #tpu.memory_space<vmem>> -> memref<8x1024xf32, #tpu.memory_space<vmem>>
    tpu.enqueue_dma source(%dma_start3A_962 : memref<8x1024xf32, #tpu.memory_space<vmem>>) target(%dma_start3A_959 : memref<8x1024xf32, #tpu.memory_space<hbm>>) target_semaphore(%dma_start3A_957 : memref<!tpu.dma_semaphore, #tpu.memory_space<semaphore_mem>>)
    %add3A_963 = arith.constant 2048 : i32
    %add3A_964 = arith.addi %add3A_963, %mul3A_4 : i32
    %add3A_965 = arith.constant 48 : i32
    %add3A_966 = arith.addi %add3A_964, %add3A_965 : i32
    %dma_start3A_967 = arith.constant 0 : i32
    %dma_start3A_968 = arith.constant 8 : i32
    %dma_start3A_969 = arith.constant 0 : i32
    %dma_start3A_970 = tpu.memref_slice %arg7[%dma_start3A_968, %dma_start3A_969] : memref<32x1024xf32, #tpu.memory_space<vmem>> -> memref<8x1024xf32, #tpu.memory_space<vmem>>
    %dma_start3A_971 = arith.constant 0 : i32
    %dma_start3A_972 = tpu.memref_slice %arg5[%add3A_966, %dma_start3A_971] : memref<8192x1024xf32, #tpu.memory_space<hbm>> -> memref<8x1024xf32, #tpu.memory_space<hbm>>
    %dma_start3A_973 = tpu.memref_slice %arg15[%dma_start3A_967] : memref<3x!tpu.dma_semaphore, #tpu.memory_space<semaphore_mem>> -> memref<1x!tpu.dma_semaphore, #tpu.memory_space<semaphore_mem>>
    %dma_start3A_974 = tpu.memref_squeeze %dma_start3A_973 : memref<1x!tpu.dma_semaphore, #tpu.memory_space<semaphore_mem>> -> memref<!tpu.dma_semaphore, #tpu.memory_space<semaphore_mem>>
    %dma_start3A_975 = arith.constant 0 : i32
    %dma_start3A_976 = tpu.memref_slice %arg5[%add3A_966, %dma_start3A_975] : memref<8192x1024xf32, #tpu.memory_space<hbm>> -> memref<8x1024xf32, #tpu.memory_space<hbm>>
    %dma_start3A_977 = arith.constant 8 : i32
    %dma_start3A_978 = arith.constant 0 : i32
    %dma_start3A_979 = tpu.memref_slice %arg7[%dma_start3A_977, %dma_start3A_978] : memref<32x1024xf32, #tpu.memory_space<vmem>> -> memref<8x1024xf32, #tpu.memory_space<vmem>>
    tpu.enqueue_dma source(%dma_start3A_979 : memref<8x1024xf32, #tpu.memory_space<vmem>>) target(%dma_start3A_976 : memref<8x1024xf32, #tpu.memory_space<hbm>>) target_semaphore(%dma_start3A_974 : memref<!tpu.dma_semaphore, #tpu.memory_space<semaphore_mem>>)
    %add3A_980 = arith.constant 4096 : i32
    %add3A_981 = arith.addi %add3A_980, %mul3A_4 : i32
    %add3A_982 = arith.constant 48 : i32
    %add3A_983 = arith.addi %add3A_981, %add3A_982 : i32
    %dma_start3A_984 = arith.constant 0 : i32
    %dma_start3A_985 = arith.constant 16 : i32
    %dma_start3A_986 = arith.constant 0 : i32
    %dma_start3A_987 = tpu.memref_slice %arg7[%dma_start3A_985, %dma_start3A_986] : memref<32x1024xf32, #tpu.memory_space<vmem>> -> memref<8x1024xf32, #tpu.memory_space<vmem>>
    %dma_start3A_988 = arith.constant 0 : i32
    %dma_start3A_989 = tpu.memref_slice %arg5[%add3A_983, %dma_start3A_988] : memref<8192x1024xf32, #tpu.memory_space<hbm>> -> memref<8x1024xf32, #tpu.memory_space<hbm>>
    %dma_start3A_990 = tpu.memref_slice %arg15[%dma_start3A_984] : memref<3x!tpu.dma_semaphore, #tpu.memory_space<semaphore_mem>> -> memref<1x!tpu.dma_semaphore, #tpu.memory_space<semaphore_mem>>
    %dma_start3A_991 = tpu.memref_squeeze %dma_start3A_990 : memref<1x!tpu.dma_semaphore, #tpu.memory_space<semaphore_mem>> -> memref<!tpu.dma_semaphore, #tpu.memory_space<semaphore_mem>>
    %dma_start3A_992 = arith.constant 0 : i32
    %dma_start3A_993 = tpu.memref_slice %arg5[%add3A_983, %dma_start3A_992] : memref<8192x1024xf32, #tpu.memory_space<hbm>> -> memref<8x1024xf32, #tpu.memory_space<hbm>>
    %dma_start3A_994 = arith.constant 16 : i32
    %dma_start3A_995 = arith.constant 0 : i32
    %dma_start3A_996 = tpu.memref_slice %arg7[%dma_start3A_994, %dma_start3A_995] : memref<32x1024xf32, #tpu.memory_space<vmem>> -> memref<8x1024xf32, #tpu.memory_space<vmem>>
    tpu.enqueue_dma source(%dma_start3A_996 : memref<8x1024xf32, #tpu.memory_space<vmem>>) target(%dma_start3A_993 : memref<8x1024xf32, #tpu.memory_space<hbm>>) target_semaphore(%dma_start3A_991 : memref<!tpu.dma_semaphore, #tpu.memory_space<semaphore_mem>>)
    %add3A_997 = arith.constant 6144 : i32
    %add3A_998 = arith.addi %add3A_997, %mul3A_4 : i32
    %add3A_999 = arith.constant 48 : i32
    %add3A_1000 = arith.addi %add3A_998, %add3A_999 : i32
    %dma_start3A_1001 = arith.constant 0 : i32
    %dma_start3A_1002 = arith.constant 24 : i32
    %dma_start3A_1003 = arith.constant 0 : i32
    %dma_start3A_1004 = tpu.memref_slice %arg7[%dma_start3A_1002, %dma_start3A_1003] : memref<32x1024xf32, #tpu.memory_space<vmem>> -> memref<8x1024xf32, #tpu.memory_space<vmem>>
    %dma_start3A_1005 = arith.constant 0 : i32
    %dma_start3A_1006 = tpu.memref_slice %arg5[%add3A_1000, %dma_start3A_1005] : memref<8192x1024xf32, #tpu.memory_space<hbm>> -> memref<8x1024xf32, #tpu.memory_space<hbm>>
    %dma_start3A_1007 = tpu.memref_slice %arg15[%dma_start3A_1001] : memref<3x!tpu.dma_semaphore, #tpu.memory_space<semaphore_mem>> -> memref<1x!tpu.dma_semaphore, #tpu.memory_space<semaphore_mem>>
    %dma_start3A_1008 = tpu.memref_squeeze %dma_start3A_1007 : memref<1x!tpu.dma_semaphore, #tpu.memory_space<semaphore_mem>> -> memref<!tpu.dma_semaphore, #tpu.memory_space<semaphore_mem>>
    %dma_start3A_1009 = arith.constant 0 : i32
    %dma_start3A_1010 = tpu.memref_slice %arg5[%add3A_1000, %dma_start3A_1009] : memref<8192x1024xf32, #tpu.memory_space<hbm>> -> memref<8x1024xf32, #tpu.memory_space<hbm>>
    %dma_start3A_1011 = arith.constant 24 : i32
    %dma_start3A_1012 = arith.constant 0 : i32
    %dma_start3A_1013 = tpu.memref_slice %arg7[%dma_start3A_1011, %dma_start3A_1012] : memref<32x1024xf32, #tpu.memory_space<vmem>> -> memref<8x1024xf32, #tpu.memory_space<vmem>>
    tpu.enqueue_dma source(%dma_start3A_1013 : memref<8x1024xf32, #tpu.memory_space<vmem>>) target(%dma_start3A_1010 : memref<8x1024xf32, #tpu.memory_space<hbm>>) target_semaphore(%dma_start3A_1008 : memref<!tpu.dma_semaphore, #tpu.memory_space<semaphore_mem>>)
    %dma_wait3A_1014 = arith.constant 1 : i32
    %dma_wait3A_1015 = arith.constant 224 : i32
    %dma_wait3A_1016 = tpu.memref_slice %arg6[%dma_wait3A_1015] : memref<256xi32, #tpu.memory_space<vmem>> -> memref<32xi32, #tpu.memory_space<vmem>>
    %dma_wait3A_1017 = arith.constant 0 : i32
    %dma_wait3A_1018 = arith.constant 0 : i32
    %dma_wait3A_1019 = tpu.memref_slice %arg2[%dma_wait3A_1017, %dma_wait3A_1018] : memref<50000x1024xf32, #tpu.memory_space<hbm>> -> memref<50000x1024xf32, #tpu.memory_space<hbm>>
    %dma_wait3A_1020 = tpu.memref_slice %arg13[%dma_wait3A_1014] : memref<3x!tpu.dma_semaphore, #tpu.memory_space<semaphore_mem>> -> memref<1x!tpu.dma_semaphore, #tpu.memory_space<semaphore_mem>>
    %dma_wait3A_1021 = tpu.memref_squeeze %dma_wait3A_1020 : memref<1x!tpu.dma_semaphore, #tpu.memory_space<semaphore_mem>> -> memref<!tpu.dma_semaphore, #tpu.memory_space<semaphore_mem>>
    tpu.wait_indirect_dma semaphore(%dma_wait3A_1021 : memref<!tpu.dma_semaphore, #tpu.memory_space<semaphore_mem>>) src(%dma_wait3A_1019 : memref<50000x1024xf32, #tpu.memory_space<hbm>>) dst(%arg8 : memref<32x1024xf32, #tpu.memory_space<vmem>>)
    %dma_wait3A_1022 = arith.constant 1 : i32
    %dma_wait3A_1023 = arith.constant 0 : i32
    %dma_wait3A_1024 = tpu.memref_slice %arg4[%add3A_918, %dma_wait3A_1023] : memref<2048x1024xf32, #tpu.memory_space<hbm>> -> memref<8x1024xf32, #tpu.memory_space<hbm>>
    %dma_wait3A_1025 = tpu.memref_slice %arg14[%dma_wait3A_1022] : memref<3x!tpu.dma_semaphore, #tpu.memory_space<semaphore_mem>> -> memref<1x!tpu.dma_semaphore, #tpu.memory_space<semaphore_mem>>
    %dma_wait3A_1026 = tpu.memref_squeeze %dma_wait3A_1025 : memref<1x!tpu.dma_semaphore, #tpu.memory_space<semaphore_mem>> -> memref<!tpu.dma_semaphore, #tpu.memory_space<semaphore_mem>>
    %dma_wait3A_1027 = arith.constant 0 : i32
    %dma_wait3A_1028 = tpu.memref_slice %arg4[%add3A_918, %dma_wait3A_1027] : memref<2048x1024xf32, #tpu.memory_space<hbm>> -> memref<8x1024xf32, #tpu.memory_space<hbm>>
    tpu.wait_dma2 semaphore(%dma_wait3A_1026 : memref<!tpu.dma_semaphore, #tpu.memory_space<semaphore_mem>>) src(%dma_wait3A_1028 : memref<8x1024xf32, #tpu.memory_space<hbm>>) dst(%arg11 : memref<8x1024xf32, #tpu.memory_space<vmem>>)
    %scan3A_1029 = arith.constant 0 : i32
    %scan3A_1030 = arith.constant 8 : i32
    %scan3A_1031 = arith.addi %scan3A_1029, %scan3A_1030 : i32
    %scan3A_1032 = arith.constant 1 : i32
    scf.for %scan3A_1206 = %scan3A_1029 to %scan3A_1031 step %scan3A_1032  : i32 {
      %mul3A_1207 = arith.constant 1 : i32
      %mul3A_1208 = arith.muli %scan3A_1206, %mul3A_1207 : i32
      %add3A_1209 = arith.constant 0 : i32
      %add3A_1210 = arith.addi %add3A_1209, %mul3A_1208 : i32
      %parallel_loop3A = arith.constant 0 : i32
      %parallel_loop3A_1211 = arith.constant 1024 : i32
      %parallel_loop3A_1212 = arith.constant 16 : i32
      scf.for %parallel_loop3A_1213 = %parallel_loop3A to %parallel_loop3A_1211 step %parallel_loop3A_1212  : i32 {
        %parallel_loop3A_1214 = arith.index_cast %add3A_1210 : i32 to index
        %parallel_loop3A_1215 = arith.index_cast %parallel_loop3A_1213 : i32 to index
        %parallel_loop3A_1216 = tpu.vector_load %arg11[%parallel_loop3A_1214, %parallel_loop3A_1215] {strides = array<i32>} : memref<8x1024xf32, #tpu.memory_space<vmem>>, vector<1x16xf32>,
        %parallel_loop3A_1217 = vector.shape_cast %parallel_loop3A_1216 : vector<1x16xf32> to vector<16xf32>
        %parallel_loop3A_1218 = arith.constant 0 : i32
        %parallel_loop3A_1219 = arith.addi %parallel_loop3A_1218, %add3A_1210 : i32
        %parallel_loop3A_1220 = arith.index_cast %parallel_loop3A_1219 : i32 to index
        %parallel_loop3A_1221 = arith.index_cast %parallel_loop3A_1213 : i32 to index
        %parallel_loop3A_1222 = tpu.vector_load %arg8[%parallel_loop3A_1220, %parallel_loop3A_1221] {strides = array<i32>} : memref<32x1024xf32, #tpu.memory_space<vmem>>, vector<1x16xf32>,
        %parallel_loop3A_1223 = vector.shape_cast %parallel_loop3A_1222 : vector<1x16xf32> to vector<16xf32>
        %parallel_loop3A_1224 = arith.constant 3.200000e+01 : f32
        %parallel_loop3A_1225 = vector.broadcast %parallel_loop3A_1224 : f32 to vector<16xf32>
        %parallel_loop3A_1226 = arith.mulf %parallel_loop3A_1223, %parallel_loop3A_1225 : vector<16xf32>
        %parallel_loop3A_1227 = arith.addf %parallel_loop3A_1226, %parallel_loop3A_1217 : vector<16xf32>
        %parallel_loop3A_1228 = arith.index_cast %parallel_loop3A_1219 : i32 to index
        %parallel_loop3A_1229 = arith.index_cast %parallel_loop3A_1213 : i32 to index
        %parallel_loop3A_1230 = tpu.vector_load %arg8[%parallel_loop3A_1228, %parallel_loop3A_1229] {strides = array<i32>} : memref<32x1024xf32, #tpu.memory_space<vmem>>, vector<1x16xf32>,
        %parallel_loop3A_1231 = vector.shape_cast %parallel_loop3A_1230 : vector<1x16xf32> to vector<16xf32>
        %parallel_loop3A_1232 = vector.shape_cast %parallel_loop3A_1227 : vector<16xf32> to vector<1x16xf32>
        tpu.vector_store %arg8[%parallel_loop3A_1228, %parallel_loop3A_1229], %parallel_loop3A_1232 {strides = array<i32>} : memref<32x1024xf32, #tpu.memory_space<vmem>>, vector<1x16xf32>,
        %parallel_loop3A_1233 = arith.constant 8 : i32
        %parallel_loop3A_1234 = arith.addi %parallel_loop3A_1233, %add3A_1210 : i32
        %parallel_loop3A_1235 = arith.index_cast %parallel_loop3A_1234 : i32 to index
        %parallel_loop3A_1236 = arith.index_cast %parallel_loop3A_1213 : i32 to index
        %parallel_loop3A_1237 = tpu.vector_load %arg8[%parallel_loop3A_1235, %parallel_loop3A_1236] {strides = array<i32>} : memref<32x1024xf32, #tpu.memory_space<vmem>>, vector<1x16xf32>,
        %parallel_loop3A_1238 = vector.shape_cast %parallel_loop3A_1237 : vector<1x16xf32> to vector<16xf32>
        %parallel_loop3A_1239 = arith.constant 3.200000e+01 : f32
        %parallel_loop3A_1240 = vector.broadcast %parallel_loop3A_1239 : f32 to vector<16xf32>
        %parallel_loop3A_1241 = arith.mulf %parallel_loop3A_1238, %parallel_loop3A_1240 : vector<16xf32>
        %parallel_loop3A_1242 = arith.addf %parallel_loop3A_1241, %parallel_loop3A_1217 : vector<16xf32>
        %parallel_loop3A_1243 = arith.index_cast %parallel_loop3A_1234 : i32 to index
        %parallel_loop3A_1244 = arith.index_cast %parallel_loop3A_1213 : i32 to index
        %parallel_loop3A_1245 = tpu.vector_load %arg8[%parallel_loop3A_1243, %parallel_loop3A_1244] {strides = array<i32>} : memref<32x1024xf32, #tpu.memory_space<vmem>>, vector<1x16xf32>,
        %parallel_loop3A_1246 = vector.shape_cast %parallel_loop3A_1245 : vector<1x16xf32> to vector<16xf32>
        %parallel_loop3A_1247 = vector.shape_cast %parallel_loop3A_1242 : vector<16xf32> to vector<1x16xf32>
        tpu.vector_store %arg8[%parallel_loop3A_1243, %parallel_loop3A_1244], %parallel_loop3A_1247 {strides = array<i32>} : memref<32x1024xf32, #tpu.memory_space<vmem>>, vector<1x16xf32>,
        %parallel_loop3A_1248 = arith.constant 16 : i32
        %parallel_loop3A_1249 = arith.addi %parallel_loop3A_1248, %add3A_1210 : i32
        %parallel_loop3A_1250 = arith.index_cast %parallel_loop3A_1249 : i32 to index
        %parallel_loop3A_1251 = arith.index_cast %parallel_loop3A_1213 : i32 to index
        %parallel_loop3A_1252 = tpu.vector_load %arg8[%parallel_loop3A_1250, %parallel_loop3A_1251] {strides = array<i32>} : memref<32x1024xf32, #tpu.memory_space<vmem>>, vector<1x16xf32>,
        %parallel_loop3A_1253 = vector.shape_cast %parallel_loop3A_1252 : vector<1x16xf32> to vector<16xf32>
        %parallel_loop3A_1254 = arith.constant 3.200000e+01 : f32
        %parallel_loop3A_1255 = vector.broadcast %parallel_loop3A_1254 : f32 to vector<16xf32>
        %parallel_loop3A_1256 = arith.mulf %parallel_loop3A_1253, %parallel_loop3A_1255 : vector<16xf32>
        %parallel_loop3A_1257 = arith.addf %parallel_loop3A_1256, %parallel_loop3A_1217 : vector<16xf32>
        %parallel_loop3A_1258 = arith.index_cast %parallel_loop3A_1249 : i32 to index
        %parallel_loop3A_1259 = arith.index_cast %parallel_loop3A_1213 : i32 to index
        %parallel_loop3A_1260 = tpu.vector_load %arg8[%parallel_loop3A_1258, %parallel_loop3A_1259] {strides = array<i32>} : memref<32x1024xf32, #tpu.memory_space<vmem>>, vector<1x16xf32>,
        %parallel_loop3A_1261 = vector.shape_cast %parallel_loop3A_1260 : vector<1x16xf32> to vector<16xf32>
        %parallel_loop3A_1262 = vector.shape_cast %parallel_loop3A_1257 : vector<16xf32> to vector<1x16xf32>
        tpu.vector_store %arg8[%parallel_loop3A_1258, %parallel_loop3A_1259], %parallel_loop3A_1262 {strides = array<i32>} : memref<32x1024xf32, #tpu.memory_space<vmem>>, vector<1x16xf32>,
        %parallel_loop3A_1263 = arith.constant 24 : i32
        %parallel_loop3A_1264 = arith.addi %parallel_loop3A_1263, %add3A_1210 : i32
        %parallel_loop3A_1265 = arith.index_cast %parallel_loop3A_1264 : i32 to index
        %parallel_loop3A_1266 = arith.index_cast %parallel_loop3A_1213 : i32 to index
        %parallel_loop3A_1267 = tpu.vector_load %arg8[%parallel_loop3A_1265, %parallel_loop3A_1266] {strides = array<i32>} : memref<32x1024xf32, #tpu.memory_space<vmem>>, vector<1x16xf32>,
        %parallel_loop3A_1268 = vector.shape_cast %parallel_loop3A_1267 : vector<1x16xf32> to vector<16xf32>
        %parallel_loop3A_1269 = arith.constant 3.200000e+01 : f32
        %parallel_loop3A_1270 = vector.broadcast %parallel_loop3A_1269 : f32 to vector<16xf32>
        %parallel_loop3A_1271 = arith.mulf %parallel_loop3A_1268, %parallel_loop3A_1270 : vector<16xf32>
        %parallel_loop3A_1272 = arith.addf %parallel_loop3A_1271, %parallel_loop3A_1217 : vector<16xf32>
        %parallel_loop3A_1273 = arith.index_cast %parallel_loop3A_1264 : i32 to index
        %parallel_loop3A_1274 = arith.index_cast %parallel_loop3A_1213 : i32 to index
        %parallel_loop3A_1275 = tpu.vector_load %arg8[%parallel_loop3A_1273, %parallel_loop3A_1274] {strides = array<i32>} : memref<32x1024xf32, #tpu.memory_space<vmem>>, vector<1x16xf32>,
        %parallel_loop3A_1276 = vector.shape_cast %parallel_loop3A_1275 : vector<1x16xf32> to vector<16xf32>
        %parallel_loop3A_1277 = vector.shape_cast %parallel_loop3A_1272 : vector<16xf32> to vector<1x16xf32>
        tpu.vector_store %arg8[%parallel_loop3A_1273, %parallel_loop3A_1274], %parallel_loop3A_1277 {strides = array<i32>} : memref<32x1024xf32, #tpu.memory_space<vmem>>, vector<1x16xf32>,
      } {sc.loop_unroll_factor = 8 : i64, sc.parallel_access}
    }
    %scan3A_1033 = arith.constant 8 : i32
    %add3A_1034 = arith.constant 0 : i32
    %add3A_1035 = arith.addi %add3A_1034, %mul3A_4 : i32
    %add3A_1036 = arith.constant 56 : i32
    %add3A_1037 = arith.addi %add3A_1035, %add3A_1036 : i32
    %dma_start3A_1038 = arith.constant 1 : i32
    %dma_start3A_1039 = arith.constant 0 : i32
    %dma_start3A_1040 = arith.constant 0 : i32
    %dma_start3A_1041 = tpu.memref_slice %arg8[%dma_start3A_1039, %dma_start3A_1040] : memref<32x1024xf32, #tpu.memory_space<vmem>> -> memref<8x1024xf32, #tpu.memory_space<vmem>>
    %dma_start3A_1042 = arith.constant 0 : i32
    %dma_start3A_1043 = tpu.memref_slice %arg5[%add3A_1037, %dma_start3A_1042] : memref<8192x1024xf32, #tpu.memory_space<hbm>> -> memref<8x1024xf32, #tpu.memory_space<hbm>>
    %dma_start3A_1044 = tpu.memref_slice %arg15[%dma_start3A_1038] : memref<3x!tpu.dma_semaphore, #tpu.memory_space<semaphore_mem>> -> memref<1x!tpu.dma_semaphore, #tpu.memory_space<semaphore_mem>>
    %dma_start3A_1045 = tpu.memref_squeeze %dma_start3A_1044 : memref<1x!tpu.dma_semaphore, #tpu.memory_space<semaphore_mem>> -> memref<!tpu.dma_semaphore, #tpu.memory_space<semaphore_mem>>
    %dma_start3A_1046 = arith.constant 0 : i32
    %dma_start3A_1047 = tpu.memref_slice %arg5[%add3A_1037, %dma_start3A_1046] : memref<8192x1024xf32, #tpu.memory_space<hbm>> -> memref<8x1024xf32, #tpu.memory_space<hbm>>
    %dma_start3A_1048 = arith.constant 0 : i32
    %dma_start3A_1049 = arith.constant 0 : i32
    %dma_start3A_1050 = tpu.memref_slice %arg8[%dma_start3A_1048, %dma_start3A_1049] : memref<32x1024xf32, #tpu.memory_space<vmem>> -> memref<8x1024xf32, #tpu.memory_space<vmem>>
    tpu.enqueue_dma source(%dma_start3A_1050 : memref<8x1024xf32, #tpu.memory_space<vmem>>) target(%dma_start3A_1047 : memref<8x1024xf32, #tpu.memory_space<hbm>>) target_semaphore(%dma_start3A_1045 : memref<!tpu.dma_semaphore, #tpu.memory_space<semaphore_mem>>)
    %add3A_1051 = arith.constant 2048 : i32
    %add3A_1052 = arith.addi %add3A_1051, %mul3A_4 : i32
    %add3A_1053 = arith.constant 56 : i32
    %add3A_1054 = arith.addi %add3A_1052, %add3A_1053 : i32
    %dma_start3A_1055 = arith.constant 1 : i32
    %dma_start3A_1056 = arith.constant 8 : i32
    %dma_start3A_1057 = arith.constant 0 : i32
    %dma_start3A_1058 = tpu.memref_slice %arg8[%dma_start3A_1056, %dma_start3A_1057] : memref<32x1024xf32, #tpu.memory_space<vmem>> -> memref<8x1024xf32, #tpu.memory_space<vmem>>
    %dma_start3A_1059 = arith.constant 0 : i32
    %dma_start3A_1060 = tpu.memref_slice %arg5[%add3A_1054, %dma_start3A_1059] : memref<8192x1024xf32, #tpu.memory_space<hbm>> -> memref<8x1024xf32, #tpu.memory_space<hbm>>
    %dma_start3A_1061 = tpu.memref_slice %arg15[%dma_start3A_1055] : memref<3x!tpu.dma_semaphore, #tpu.memory_space<semaphore_mem>> -> memref<1x!tpu.dma_semaphore, #tpu.memory_space<semaphore_mem>>
    %dma_start3A_1062 = tpu.memref_squeeze %dma_start3A_1061 : memref<1x!tpu.dma_semaphore, #tpu.memory_space<semaphore_mem>> -> memref<!tpu.dma_semaphore, #tpu.memory_space<semaphore_mem>>
    %dma_start3A_1063 = arith.constant 0 : i32
    %dma_start3A_1064 = tpu.memref_slice %arg5[%add3A_1054, %dma_start3A_1063] : memref<8192x1024xf32, #tpu.memory_space<hbm>> -> memref<8x1024xf32, #tpu.memory_space<hbm>>
    %dma_start3A_1065 = arith.constant 8 : i32
    %dma_start3A_1066 = arith.constant 0 : i32
    %dma_start3A_1067 = tpu.memref_slice %arg8[%dma_start3A_1065, %dma_start3A_1066] : memref<32x1024xf32, #tpu.memory_space<vmem>> -> memref<8x1024xf32, #tpu.memory_space<vmem>>
    tpu.enqueue_dma source(%dma_start3A_1067 : memref<8x1024xf32, #tpu.memory_space<vmem>>) target(%dma_start3A_1064 : memref<8x1024xf32, #tpu.memory_space<hbm>>) target_semaphore(%dma_start3A_1062 : memref<!tpu.dma_semaphore, #tpu.memory_space<semaphore_mem>>)
    %add3A_1068 = arith.constant 4096 : i32
    %add3A_1069 = arith.addi %add3A_1068, %mul3A_4 : i32
    %add3A_1070 = arith.constant 56 : i32
    %add3A_1071 = arith.addi %add3A_1069, %add3A_1070 : i32
    %dma_start3A_1072 = arith.constant 1 : i32
    %dma_start3A_1073 = arith.constant 16 : i32
    %dma_start3A_1074 = arith.constant 0 : i32
    %dma_start3A_1075 = tpu.memref_slice %arg8[%dma_start3A_1073, %dma_start3A_1074] : memref<32x1024xf32, #tpu.memory_space<vmem>> -> memref<8x1024xf32, #tpu.memory_space<vmem>>
    %dma_start3A_1076 = arith.constant 0 : i32
    %dma_start3A_1077 = tpu.memref_slice %arg5[%add3A_1071, %dma_start3A_1076] : memref<8192x1024xf32, #tpu.memory_space<hbm>> -> memref<8x1024xf32, #tpu.memory_space<hbm>>
    %dma_start3A_1078 = tpu.memref_slice %arg15[%dma_start3A_1072] : memref<3x!tpu.dma_semaphore, #tpu.memory_space<semaphore_mem>> -> memref<1x!tpu.dma_semaphore, #tpu.memory_space<semaphore_mem>>
    %dma_start3A_1079 = tpu.memref_squeeze %dma_start3A_1078 : memref<1x!tpu.dma_semaphore, #tpu.memory_space<semaphore_mem>> -> memref<!tpu.dma_semaphore, #tpu.memory_space<semaphore_mem>>
    %dma_start3A_1080 = arith.constant 0 : i32
    %dma_start3A_1081 = tpu.memref_slice %arg5[%add3A_1071, %dma_start3A_1080] : memref<8192x1024xf32, #tpu.memory_space<hbm>> -> memref<8x1024xf32, #tpu.memory_space<hbm>>
    %dma_start3A_1082 = arith.constant 16 : i32
    %dma_start3A_1083 = arith.constant 0 : i32
    %dma_start3A_1084 = tpu.memref_slice %arg8[%dma_start3A_1082, %dma_start3A_1083] : memref<32x1024xf32, #tpu.memory_space<vmem>> -> memref<8x1024xf32, #tpu.memory_space<vmem>>
    tpu.enqueue_dma source(%dma_start3A_1084 : memref<8x1024xf32, #tpu.memory_space<vmem>>) target(%dma_start3A_1081 : memref<8x1024xf32, #tpu.memory_space<hbm>>) target_semaphore(%dma_start3A_1079 : memref<!tpu.dma_semaphore, #tpu.memory_space<semaphore_mem>>)
    %add3A_1085 = arith.constant 6144 : i32
    %add3A_1086 = arith.addi %add3A_1085, %mul3A_4 : i32
    %add3A_1087 = arith.constant 56 : i32
    %add3A_1088 = arith.addi %add3A_1086, %add3A_1087 : i32
    %dma_start3A_1089 = arith.constant 1 : i32
    %dma_start3A_1090 = arith.constant 24 : i32
    %dma_start3A_1091 = arith.constant 0 : i32
    %dma_start3A_1092 = tpu.memref_slice %arg8[%dma_start3A_1090, %dma_start3A_1091] : memref<32x1024xf32, #tpu.memory_space<vmem>> -> memref<8x1024xf32, #tpu.memory_space<vmem>>
    %dma_start3A_1093 = arith.constant 0 : i32
    %dma_start3A_1094 = tpu.memref_slice %arg5[%add3A_1088, %dma_start3A_1093] : memref<8192x1024xf32, #tpu.memory_space<hbm>> -> memref<8x1024xf32, #tpu.memory_space<hbm>>
    %dma_start3A_1095 = tpu.memref_slice %arg15[%dma_start3A_1089] : memref<3x!tpu.dma_semaphore, #tpu.memory_space<semaphore_mem>> -> memref<1x!tpu.dma_semaphore, #tpu.memory_space<semaphore_mem>>
    %dma_start3A_1096 = tpu.memref_squeeze %dma_start3A_1095 : memref<1x!tpu.dma_semaphore, #tpu.memory_space<semaphore_mem>> -> memref<!tpu.dma_semaphore, #tpu.memory_space<semaphore_mem>>
    %dma_start3A_1097 = arith.constant 0 : i32
    %dma_start3A_1098 = tpu.memref_slice %arg5[%add3A_1088, %dma_start3A_1097] : memref<8192x1024xf32, #tpu.memory_space<hbm>> -> memref<8x1024xf32, #tpu.memory_space<hbm>>
    %dma_start3A_1099 = arith.constant 24 : i32
    %dma_start3A_1100 = arith.constant 0 : i32
    %dma_start3A_1101 = tpu.memref_slice %arg8[%dma_start3A_1099, %dma_start3A_1100] : memref<32x1024xf32, #tpu.memory_space<vmem>> -> memref<8x1024xf32, #tpu.memory_space<vmem>>
    tpu.enqueue_dma source(%dma_start3A_1101 : memref<8x1024xf32, #tpu.memory_space<vmem>>) target(%dma_start3A_1098 : memref<8x1024xf32, #tpu.memory_space<hbm>>) target_semaphore(%dma_start3A_1096 : memref<!tpu.dma_semaphore, #tpu.memory_space<semaphore_mem>>)
    %dma_wait3A_1102 = arith.constant 0 : i32
    %dma_wait3A_1103 = arith.constant 0 : i32
    %dma_wait3A_1104 = arith.constant 0 : i32
    %dma_wait3A_1105 = tpu.memref_slice %arg7[%dma_wait3A_1103, %dma_wait3A_1104] : memref<32x1024xf32, #tpu.memory_space<vmem>> -> memref<8x1024xf32, #tpu.memory_space<vmem>>
    %dma_wait3A_1106 = arith.constant 0 : i32
    %dma_wait3A_1107 = tpu.memref_slice %arg5[%add3A_949, %dma_wait3A_1106] : memref<8192x1024xf32, #tpu.memory_space<hbm>> -> memref<8x1024xf32, #tpu.memory_space<hbm>>
    %dma_wait3A_1108 = tpu.memref_slice %arg15[%dma_wait3A_1102] : memref<3x!tpu.dma_semaphore, #tpu.memory_space<semaphore_mem>> -> memref<1x!tpu.dma_semaphore, #tpu.memory_space<semaphore_mem>>
    %dma_wait3A_1109 = tpu.memref_squeeze %dma_wait3A_1108 : memref<1x!tpu.dma_semaphore, #tpu.memory_space<semaphore_mem>> -> memref<!tpu.dma_semaphore, #tpu.memory_space<semaphore_mem>>
    %dma_wait3A_1110 = arith.constant 0 : i32
    %dma_wait3A_1111 = tpu.memref_slice %arg5[%add3A_949, %dma_wait3A_1110] : memref<8192x1024xf32, #tpu.memory_space<hbm>> -> memref<8x1024xf32, #tpu.memory_space<hbm>>
    %dma_wait3A_1112 = arith.constant 0 : i32
    %dma_wait3A_1113 = arith.constant 0 : i32
    %dma_wait3A_1114 = tpu.memref_slice %arg7[%dma_wait3A_1112, %dma_wait3A_1113] : memref<32x1024xf32, #tpu.memory_space<vmem>> -> memref<8x1024xf32, #tpu.memory_space<vmem>>
    tpu.wait_dma2 semaphore(%dma_wait3A_1109 : memref<!tpu.dma_semaphore, #tpu.memory_space<semaphore_mem>>) src(%dma_wait3A_1114 : memref<8x1024xf32, #tpu.memory_space<vmem>>) dst(%dma_wait3A_1111 : memref<8x1024xf32, #tpu.memory_space<hbm>>)
    %dma_wait3A_1115 = arith.constant 0 : i32
    %dma_wait3A_1116 = arith.constant 8 : i32
    %dma_wait3A_1117 = arith.constant 0 : i32
    %dma_wait3A_1118 = tpu.memref_slice %arg7[%dma_wait3A_1116, %dma_wait3A_1117] : memref<32x1024xf32, #tpu.memory_space<vmem>> -> memref<8x1024xf32, #tpu.memory_space<vmem>>
    %dma_wait3A_1119 = arith.constant 0 : i32
    %dma_wait3A_1120 = tpu.memref_slice %arg5[%add3A_966, %dma_wait3A_1119] : memref<8192x1024xf32, #tpu.memory_space<hbm>> -> memref<8x1024xf32, #tpu.memory_space<hbm>>
    %dma_wait3A_1121 = tpu.memref_slice %arg15[%dma_wait3A_1115] : memref<3x!tpu.dma_semaphore, #tpu.memory_space<semaphore_mem>> -> memref<1x!tpu.dma_semaphore, #tpu.memory_space<semaphore_mem>>
    %dma_wait3A_1122 = tpu.memref_squeeze %dma_wait3A_1121 : memref<1x!tpu.dma_semaphore, #tpu.memory_space<semaphore_mem>> -> memref<!tpu.dma_semaphore, #tpu.memory_space<semaphore_mem>>
    %dma_wait3A_1123 = arith.constant 0 : i32
    %dma_wait3A_1124 = tpu.memref_slice %arg5[%add3A_966, %dma_wait3A_1123] : memref<8192x1024xf32, #tpu.memory_space<hbm>> -> memref<8x1024xf32, #tpu.memory_space<hbm>>
    %dma_wait3A_1125 = arith.constant 8 : i32
    %dma_wait3A_1126 = arith.constant 0 : i32
    %dma_wait3A_1127 = tpu.memref_slice %arg7[%dma_wait3A_1125, %dma_wait3A_1126] : memref<32x1024xf32, #tpu.memory_space<vmem>> -> memref<8x1024xf32, #tpu.memory_space<vmem>>
    tpu.wait_dma2 semaphore(%dma_wait3A_1122 : memref<!tpu.dma_semaphore, #tpu.memory_space<semaphore_mem>>) src(%dma_wait3A_1127 : memref<8x1024xf32, #tpu.memory_space<vmem>>) dst(%dma_wait3A_1124 : memref<8x1024xf32, #tpu.memory_space<hbm>>)
    %dma_wait3A_1128 = arith.constant 0 : i32
    %dma_wait3A_1129 = arith.constant 16 : i32
    %dma_wait3A_1130 = arith.constant 0 : i32
    %dma_wait3A_1131 = tpu.memref_slice %arg7[%dma_wait3A_1129, %dma_wait3A_1130] : memref<32x1024xf32, #tpu.memory_space<vmem>> -> memref<8x1024xf32, #tpu.memory_space<vmem>>
    %dma_wait3A_1132 = arith.constant 0 : i32
    %dma_wait3A_1133 = tpu.memref_slice %arg5[%add3A_983, %dma_wait3A_1132] : memref<8192x1024xf32, #tpu.memory_space<hbm>> -> memref<8x1024xf32, #tpu.memory_space<hbm>>
    %dma_wait3A_1134 = tpu.memref_slice %arg15[%dma_wait3A_1128] : memref<3x!tpu.dma_semaphore, #tpu.memory_space<semaphore_mem>> -> memref<1x!tpu.dma_semaphore, #tpu.memory_space<semaphore_mem>>
    %dma_wait3A_1135 = tpu.memref_squeeze %dma_wait3A_1134 : memref<1x!tpu.dma_semaphore, #tpu.memory_space<semaphore_mem>> -> memref<!tpu.dma_semaphore, #tpu.memory_space<semaphore_mem>>
    %dma_wait3A_1136 = arith.constant 0 : i32
    %dma_wait3A_1137 = tpu.memref_slice %arg5[%add3A_983, %dma_wait3A_1136] : memref<8192x1024xf32, #tpu.memory_space<hbm>> -> memref<8x1024xf32, #tpu.memory_space<hbm>>
    %dma_wait3A_1138 = arith.constant 16 : i32
    %dma_wait3A_1139 = arith.constant 0 : i32
    %dma_wait3A_1140 = tpu.memref_slice %arg7[%dma_wait3A_1138, %dma_wait3A_1139] : memref<32x1024xf32, #tpu.memory_space<vmem>> -> memref<8x1024xf32, #tpu.memory_space<vmem>>
    tpu.wait_dma2 semaphore(%dma_wait3A_1135 : memref<!tpu.dma_semaphore, #tpu.memory_space<semaphore_mem>>) src(%dma_wait3A_1140 : memref<8x1024xf32, #tpu.memory_space<vmem>>) dst(%dma_wait3A_1137 : memref<8x1024xf32, #tpu.memory_space<hbm>>)
    %dma_wait3A_1141 = arith.constant 0 : i32
    %dma_wait3A_1142 = arith.constant 24 : i32
    %dma_wait3A_1143 = arith.constant 0 : i32
    %dma_wait3A_1144 = tpu.memref_slice %arg7[%dma_wait3A_1142, %dma_wait3A_1143] : memref<32x1024xf32, #tpu.memory_space<vmem>> -> memref<8x1024xf32, #tpu.memory_space<vmem>>
    %dma_wait3A_1145 = arith.constant 0 : i32
    %dma_wait3A_1146 = tpu.memref_slice %arg5[%add3A_1000, %dma_wait3A_1145] : memref<8192x1024xf32, #tpu.memory_space<hbm>> -> memref<8x1024xf32, #tpu.memory_space<hbm>>
    %dma_wait3A_1147 = tpu.memref_slice %arg15[%dma_wait3A_1141] : memref<3x!tpu.dma_semaphore, #tpu.memory_space<semaphore_mem>> -> memref<1x!tpu.dma_semaphore, #tpu.memory_space<semaphore_mem>>
    %dma_wait3A_1148 = tpu.memref_squeeze %dma_wait3A_1147 : memref<1x!tpu.dma_semaphore, #tpu.memory_space<semaphore_mem>> -> memref<!tpu.dma_semaphore, #tpu.memory_space<semaphore_mem>>
    %dma_wait3A_1149 = arith.constant 0 : i32
    %dma_wait3A_1150 = tpu.memref_slice %arg5[%add3A_1000, %dma_wait3A_1149] : memref<8192x1024xf32, #tpu.memory_space<hbm>> -> memref<8x1024xf32, #tpu.memory_space<hbm>>
    %dma_wait3A_1151 = arith.constant 24 : i32
    %dma_wait3A_1152 = arith.constant 0 : i32
    %dma_wait3A_1153 = tpu.memref_slice %arg7[%dma_wait3A_1151, %dma_wait3A_1152] : memref<32x1024xf32, #tpu.memory_space<vmem>> -> memref<8x1024xf32, #tpu.memory_space<vmem>>
    tpu.wait_dma2 semaphore(%dma_wait3A_1148 : memref<!tpu.dma_semaphore, #tpu.memory_space<semaphore_mem>>) src(%dma_wait3A_1153 : memref<8x1024xf32, #tpu.memory_space<vmem>>) dst(%dma_wait3A_1150 : memref<8x1024xf32, #tpu.memory_space<hbm>>)
    %dma_wait3A_1154 = arith.constant 1 : i32
    %dma_wait3A_1155 = arith.constant 0 : i32
    %dma_wait3A_1156 = arith.constant 0 : i32
    %dma_wait3A_1157 = tpu.memref_slice %arg8[%dma_wait3A_1155, %dma_wait3A_1156] : memref<32x1024xf32, #tpu.memory_space<vmem>> -> memref<8x1024xf32, #tpu.memory_space<vmem>>
    %dma_wait3A_1158 = arith.constant 0 : i32
    %dma_wait3A_1159 = tpu.memref_slice %arg5[%add3A_1037, %dma_wait3A_1158] : memref<8192x1024xf32, #tpu.memory_space<hbm>> -> memref<8x1024xf32, #tpu.memory_space<hbm>>
    %dma_wait3A_1160 = tpu.memref_slice %arg15[%dma_wait3A_1154] : memref<3x!tpu.dma_semaphore, #tpu.memory_space<semaphore_mem>> -> memref<1x!tpu.dma_semaphore, #tpu.memory_space<semaphore_mem>>
    %dma_wait3A_1161 = tpu.memref_squeeze %dma_wait3A_1160 : memref<1x!tpu.dma_semaphore, #tpu.memory_space<semaphore_mem>> -> memref<!tpu.dma_semaphore, #tpu.memory_space<semaphore_mem>>
    %dma_wait3A_1162 = arith.constant 0 : i32
    %dma_wait3A_1163 = tpu.memref_slice %arg5[%add3A_1037, %dma_wait3A_1162] : memref<8192x1024xf32, #tpu.memory_space<hbm>> -> memref<8x1024xf32, #tpu.memory_space<hbm>>
    %dma_wait3A_1164 = arith.constant 0 : i32
    %dma_wait3A_1165 = arith.constant 0 : i32
    %dma_wait3A_1166 = tpu.memref_slice %arg8[%dma_wait3A_1164, %dma_wait3A_1165] : memref<32x1024xf32, #tpu.memory_space<vmem>> -> memref<8x1024xf32, #tpu.memory_space<vmem>>
    tpu.wait_dma2 semaphore(%dma_wait3A_1161 : memref<!tpu.dma_semaphore, #tpu.memory_space<semaphore_mem>>) src(%dma_wait3A_1166 : memref<8x1024xf32, #tpu.memory_space<vmem>>) dst(%dma_wait3A_1163 : memref<8x1024xf32, #tpu.memory_space<hbm>>)
    %dma_wait3A_1167 = arith.constant 1 : i32
    %dma_wait3A_1168 = arith.constant 8 : i32
    %dma_wait3A_1169 = arith.constant 0 : i32
    %dma_wait3A_1170 = tpu.memref_slice %arg8[%dma_wait3A_1168, %dma_wait3A_1169] : memref<32x1024xf32, #tpu.memory_space<vmem>> -> memref<8x1024xf32, #tpu.memory_space<vmem>>
    %dma_wait3A_1171 = arith.constant 0 : i32
    %dma_wait3A_1172 = tpu.memref_slice %arg5[%add3A_1054, %dma_wait3A_1171] : memref<8192x1024xf32, #tpu.memory_space<hbm>> -> memref<8x1024xf32, #tpu.memory_space<hbm>>
    %dma_wait3A_1173 = tpu.memref_slice %arg15[%dma_wait3A_1167] : memref<3x!tpu.dma_semaphore, #tpu.memory_space<semaphore_mem>> -> memref<1x!tpu.dma_semaphore, #tpu.memory_space<semaphore_mem>>
    %dma_wait3A_1174 = tpu.memref_squeeze %dma_wait3A_1173 : memref<1x!tpu.dma_semaphore, #tpu.memory_space<semaphore_mem>> -> memref<!tpu.dma_semaphore, #tpu.memory_space<semaphore_mem>>
    %dma_wait3A_1175 = arith.constant 0 : i32
    %dma_wait3A_1176 = tpu.memref_slice %arg5[%add3A_1054, %dma_wait3A_1175] : memref<8192x1024xf32, #tpu.memory_space<hbm>> -> memref<8x1024xf32, #tpu.memory_space<hbm>>
    %dma_wait3A_1177 = arith.constant 8 : i32
    %dma_wait3A_1178 = arith.constant 0 : i32
    %dma_wait3A_1179 = tpu.memref_slice %arg8[%dma_wait3A_1177, %dma_wait3A_1178] : memref<32x1024xf32, #tpu.memory_space<vmem>> -> memref<8x1024xf32, #tpu.memory_space<vmem>>
    tpu.wait_dma2 semaphore(%dma_wait3A_1174 : memref<!tpu.dma_semaphore, #tpu.memory_space<semaphore_mem>>) src(%dma_wait3A_1179 : memref<8x1024xf32, #tpu.memory_space<vmem>>) dst(%dma_wait3A_1176 : memref<8x1024xf32, #tpu.memory_space<hbm>>)
    %dma_wait3A_1180 = arith.constant 1 : i32
    %dma_wait3A_1181 = arith.constant 16 : i32
    %dma_wait3A_1182 = arith.constant 0 : i32
    %dma_wait3A_1183 = tpu.memref_slice %arg8[%dma_wait3A_1181, %dma_wait3A_1182] : memref<32x1024xf32, #tpu.memory_space<vmem>> -> memref<8x1024xf32, #tpu.memory_space<vmem>>
    %dma_wait3A_1184 = arith.constant 0 : i32
    %dma_wait3A_1185 = tpu.memref_slice %arg5[%add3A_1071, %dma_wait3A_1184] : memref<8192x1024xf32, #tpu.memory_space<hbm>> -> memref<8x1024xf32, #tpu.memory_space<hbm>>
    %dma_wait3A_1186 = tpu.memref_slice %arg15[%dma_wait3A_1180] : memref<3x!tpu.dma_semaphore, #tpu.memory_space<semaphore_mem>> -> memref<1x!tpu.dma_semaphore, #tpu.memory_space<semaphore_mem>>
    %dma_wait3A_1187 = tpu.memref_squeeze %dma_wait3A_1186 : memref<1x!tpu.dma_semaphore, #tpu.memory_space<semaphore_mem>> -> memref<!tpu.dma_semaphore, #tpu.memory_space<semaphore_mem>>
    %dma_wait3A_1188 = arith.constant 0 : i32
    %dma_wait3A_1189 = tpu.memref_slice %arg5[%add3A_1071, %dma_wait3A_1188] : memref<8192x1024xf32, #tpu.memory_space<hbm>> -> memref<8x1024xf32, #tpu.memory_space<hbm>>
    %dma_wait3A_1190 = arith.constant 16 : i32
    %dma_wait3A_1191 = arith.constant 0 : i32
    %dma_wait3A_1192 = tpu.memref_slice %arg8[%dma_wait3A_1190, %dma_wait3A_1191] : memref<32x1024xf32, #tpu.memory_space<vmem>> -> memref<8x1024xf32, #tpu.memory_space<vmem>>
    tpu.wait_dma2 semaphore(%dma_wait3A_1187 : memref<!tpu.dma_semaphore, #tpu.memory_space<semaphore_mem>>) src(%dma_wait3A_1192 : memref<8x1024xf32, #tpu.memory_space<vmem>>) dst(%dma_wait3A_1189 : memref<8x1024xf32, #tpu.memory_space<hbm>>)
    %dma_wait3A_1193 = arith.constant 1 : i32
    %dma_wait3A_1194 = arith.constant 24 : i32
    %dma_wait3A_1195 = arith.constant 0 : i32
    %dma_wait3A_1196 = tpu.memref_slice %arg8[%dma_wait3A_1194, %dma_wait3A_1195] : memref<32x1024xf32, #tpu.memory_space<vmem>> -> memref<8x1024xf32, #tpu.memory_space<vmem>>
    %dma_wait3A_1197 = arith.constant 0 : i32
    %dma_wait3A_1198 = tpu.memref_slice %arg5[%add3A_1088, %dma_wait3A_1197] : memref<8192x1024xf32, #tpu.memory_space<hbm>> -> memref<8x1024xf32, #tpu.memory_space<hbm>>
    %dma_wait3A_1199 = tpu.memref_slice %arg15[%dma_wait3A_1193] : memref<3x!tpu.dma_semaphore, #tpu.memory_space<semaphore_mem>> -> memref<1x!tpu.dma_semaphore, #tpu.memory_space<semaphore_mem>>
    %dma_wait3A_1200 = tpu.memref_squeeze %dma_wait3A_1199 : memref<1x!tpu.dma_semaphore, #tpu.memory_space<semaphore_mem>> -> memref<!tpu.dma_semaphore, #tpu.memory_space<semaphore_mem>>
    %dma_wait3A_1201 = arith.constant 0 : i32
    %dma_wait3A_1202 = tpu.memref_slice %arg5[%add3A_1088, %dma_wait3A_1201] : memref<8192x1024xf32, #tpu.memory_space<hbm>> -> memref<8x1024xf32, #tpu.memory_space<hbm>>
    %dma_wait3A_1203 = arith.constant 24 : i32
    %dma_wait3A_1204 = arith.constant 0 : i32
    %dma_wait3A_1205 = tpu.memref_slice %arg8[%dma_wait3A_1203, %dma_wait3A_1204] : memref<32x1024xf32, #tpu.memory_space<vmem>> -> memref<8x1024xf32, #tpu.memory_space<vmem>>
    tpu.wait_dma2 semaphore(%dma_wait3A_1200 : memref<!tpu.dma_semaphore, #tpu.memory_space<semaphore_mem>>) src(%dma_wait3A_1205 : memref<8x1024xf32, #tpu.memory_space<vmem>>) dst(%dma_wait3A_1202 : memref<8x1024xf32, #tpu.memory_space<hbm>>)
    return
  }
}

</mosaic_0001>

<sc_bundles>
// kernel: kernel.3.cloned.1.call-start
scs
__scs_entry_jumppad:
0x0: {  	(pc) =	sbr.rel $0x88, $3  }
0x1: {  	(tag) =	ssettag $0x0;
	lr =	simm.s32 $0x1  }
0x2: {  	[smem:$0x3F9E] =	sst lr;
	_ =	strace $0xD0000000  }
0x3: {  	_ = 	snop  }
0x4: {  	_ = 	snop  }
0x5: {  	_ = 	snop  }
0x6: {  	_ = 	snop  }
0x7: {  	_ = 	snop  }
__scs_overlays_trampoline_lowered:
0x8: {  	[smem:$0x3FAD] =	sst s0  }
0x9: {  	[smem:$0x3FAE] =	sst s1  }
0xa: {  	[smem:$0x3FAF] =	sst s2  }
0xb: {  	[smem:$0x3FB0] =	sst s3  }
0xc: {  	[smem:$0x3FB1] =	sst s4  }
0xd: {  	[smem:$0x3FB2] =	sst s5  }
0xe: {  	[smem:$0x3FB3] =	sst s6  }
0xf: {  	[smem:$0x3FB4] =	sst s7  }
0x10: {  	[smem:$0x3FB5] =	sst s8  }
0x11: {  	[smem:$0x3FB6] =	sst s9;
	s0 =	simm.s32 @!p0 $0x0  }
0x12: {  	s1 =	sld [smem:$0x3F9C];
	s0 =	simm.s32 @p0 $0x1  }
0x13: {  	[smem:$0x3FB7] =	sst s0;
	s0 =	simm.s32 @!p1 $0x0  }
0x14: {  	s2 =	sld [smem:$0x3F9B];
	s0 =	simm.s32 @p1 $0x1  }
0x15: {  	[smem:$0x3FB8] =	sst s0;
	s0 =	simm.s32 @!p2 $0x0  }
0x16: {  	s3 =	sld [smem:$0x3FDB];
	s0 =	simm.s32 @p2 $0x1  }
0x17: {  	s4 =	simm.s32 $0x1BF5;
	[smem:$0x3FBA] =	sst s0  }
0x18: {  	s0 =	sld [smem:$0x3F9D];
	_ =	swait.ge [sflag:s4], $0x0  }
0x19: {  	s7 =	sld [smem:$0x3F9E]  }
0x1a: {  	s8 =	sadd.s32 $0xFFFFE003, lr  }
0x1b: {  	s9 =	sadd.s32 $0xFFFFFEF7, lr;
	s5 =	simm.s32 $0xFFFFFFFF;
	p2 =	slt.u32 s8, $0xFFFFF086  }
0x1c: {  	p1 =	slt.u32 s9, $0xF7A;
	s5 =	simm.s32 @!p2 $0x0  }
0x1d: {  	s5 =	simm.s32 @p1 $0x1;
	p0 =	seq.s32 s7, s2  }
0x1e: {  	s7 =	smul.u32 @!p0 $0xF7A, s2;
	p2 =	seq.s32 @!p0 s5, $0x0  }
0x1f: {  	s9 =	smul.u32 $0xF7A, s1;
	s8 =	simm.s32 @!p0 $0x1BF5;
	p2 =	por !p2, p0  }
0x20: {  	[sflag:s8] =	ssyncset.s32 @!p0 $0xFFFFF086;
	s6 =	sadd.s32 @!p0 s3, s7;
	s7 =	simm.s32 @!p0 $0x108  }
0x21: {  	s3 =	sadd.s32 s3, s9;
	s6 =	sadd.s32 @!p0 $0x88, s6;
	s7 =	simm.s32 @p2 $0x1082  }
0x22: {  	[simem:s7], [sflag:s8] =	dma.local @!p0 [hbm:s6], $0xF7A  }
0x23: {  	s9 =	sor.u32 $0xD0000000, s2;
	s6 =	simm.s32 $0x108;
	_ =	swait.ge @!p0 [sflag:s8], $0x0  }
0x24: {  	s3 =	sadd.s32 $0x88, s3;
	s6 =	simm.s32 @!p1 $0x1082;
	[sflag:s4] =	ssyncset.s32 $0xFFFFF086  }
0x25: {  	[simem:s6], [sflag:s4] =	dma.local [hbm:s3], $0xF7A  }
0x26: {  	[smem:$0x3F9E] =	sst s1;
	(tag) =	ssettag s2;
	_ =	strace s9  }
0x27: {  	s1 =	sld [smem:$0x3FAE]  }
0x28: {  	s2 =	sld [smem:$0x3FAF]  }
0x29: {  	s4 =	sld [smem:$0x3FB1]  }
0x2a: {  	p0 =	seq.s32 s5, $0x0;
	s5 =	sld [smem:$0x3FB2]  }
0x2b: {  	s6 =	sld [smem:$0x3FB3]  }
0x2c: {  	s7 =	sld [smem:$0x3FB4]  }
0x2d: {  	s3 =	simm.s32 $0x108;
	s8 =	sld [smem:$0x3FB5]  }
0x2e: {  	s3 =	simm.s32 @!p0 $0x1082;
	s9 =	sld [smem:$0x3FB6]  }
0x2f: {  	lr =	sadd.s32 s0, s3;
	s0 =	sld [smem:$0x3FAD]  }
0x30: {  	s3 =	sld [smem:$0x3FB0]  }
0x31: {  	[smem:$0x3FB9] =	sst s10  }
0x32: {  	s10 =	sld [smem:$0x3FB7];
	_ =	sdelay $0x3  }
0x33: {  	p0 =	seq.s32 s10, $0x1;
	s10 =	sld [smem:$0x3FB9];
	_ =	sdelay $0x3  }
0x34: {  	[smem:$0x3FB9] =	sst s10  }
0x35: {  	s10 =	sld [smem:$0x3FB8];
	_ =	sdelay $0x3  }
0x36: {  	p1 =	seq.s32 s10, $0x1;
	s10 =	sld [smem:$0x3FB9];
	_ =	sdelay $0x3  }
0x37: {  	[smem:$0x3FB9] =	sst s10  }
0x38: {  	s10 =	sld [smem:$0x3FBA]  }
0x39: {  	_ = 	snop;
	(pc) =	sbr.ind lr, $3  }
0x3a: {  	_ = 	snop  }
0x3b: {  	_ = 	snop  }
0x3c: {  	p2 =	seq.s32 s10, $0x1;
	s10 =	sld [smem:$0x3FB9]  }
0x3d: {  	_ =	shalt  }
0x3e: {  	_ =	shalt  }
0x3f: {  	_ =	shalt  }
0x40: {  	_ =	shalt  }
0x41: {  	_ =	shalt  }
0x42: {  	_ =	shalt  }
0x43: {  	_ =	shalt  }
0x44: {  	_ =	shalt  }
0x45: {  	_ =	shalt  }
0x46: {  	_ =	shalt  }
0x47: {  	_ =	shalt  }
0x48: {  	_ =	shalt  }
0x49: {  	_ =	shalt  }
0x4a: {  	_ =	shalt  }
0x4b: {  	_ =	shalt  }
0x4c: {  	_ =	shalt  }
0x4d: {  	_ =	shalt  }
0x4e: {  	_ =	shalt  }
0x4f: {  	_ =	shalt  }
0x50: {  	_ =	shalt  }
0x51: {  	_ =	shalt  }
0x52: {  	_ =	shalt  }
0x53: {  	_ =	shalt  }
0x54: {  	_ =	shalt  }
0x55: {  	_ =	shalt  }
0x56: {  	_ =	shalt  }
0x57: {  	_ =	shalt  }
0x58: {  	_ =	shalt  }
0x59: {  	_ =	shalt  }
0x5a: {  	_ =	shalt  }
0x5b: {  	_ =	shalt  }
0x5c: {  	_ =	shalt  }
0x5d: {  	_ =	shalt  }
0x5e: {  	_ =	shalt  }
0x5f: {  	_ =	shalt  }
0x60: {  	_ =	shalt  }
0x61: {  	_ =	shalt  }
0x62: {  	_ =	shalt  }
0x63: {  	_ =	shalt  }
0x64: {  	_ =	shalt  }
0x65: {  	_ =	shalt  }
0x66: {  	_ =	shalt  }
0x67: {  	_ =	shalt  }
0x68: {  	_ =	shalt  }
0x69: {  	_ =	shalt  }
0x6a: {  	_ =	shalt  }
0x6b: {  	_ =	shalt  }
0x6c: {  	_ =	shalt  }
0x6d: {  	_ =	shalt  }
0x6e: {  	_ =	shalt  }
0x6f: {  	_ =	shalt  }
0x70: {  	_ =	shalt  }
0x71: {  	_ =	shalt  }
0x72: {  	_ =	shalt  }
0x73: {  	_ =	shalt  }
0x74: {  	_ =	shalt  }
0x75: {  	_ =	shalt  }
0x76: {  	_ =	shalt  }
0x77: {  	_ =	shalt  }
0x78: {  	_ =	shalt  }
0x79: {  	_ =	shalt  }
0x7a: {  	_ =	shalt  }
0x7b: {  	_ =	shalt  }
0x7c: {  	_ =	shalt  }
0x7d: {  	_ =	shalt  }
0x7e: {  	_ =	shalt  }
0x7f: {  	_ =	shalt  }
0x80: {  	_ =	shalt  }
0x81: {  	_ =	shalt  }
0x82: {  	_ =	shalt  }
0x83: {  	_ =	shalt  }
0x84: {  	_ =	shalt  }
0x85: {  	_ =	shalt  }
0x86: {  	_ =	shalt  }
0x87: {  	_ =	shalt  }
.Lfunc_end0:
.L_simem_size_0:
called_computation_lowered:
.L_overlay_start_0:
0x88: {  	s2 =	sld [smem:$0x3FD9]  }
0x89: {  	s3 =	sld [smem:$0x3FFE];
	_ =	sdelay $0x1  }
0x8a: {  	s1 =	srdreg.scid  }
0x8b: {  	s0 =	sand.u32 $0x1, s1  }
0x8c: {  	s17 =	sshll.u32 s0, $0xA;
	s2 =	sadd.s32 s3, s2  }
0x8d: {  	s2 =	sadd.s32 s2, s17  }
0x8e: {  	[smem:$0x3FC5] =	sst s2  }
0x8f: {  	_ = 	snop  }
0x90: {  	s2 =	sld [smem:$0x3FC8]  }
0x91: {  	s18 =	sld [smem:$0x3FC7]  }
0x92: {  	s4 =	sld [smem:$0x3FD0];
	(tm) =	ssettm $0x1  }
0x93: {  	s5 =	sld [smem:$0x3FFB];
	_ =	sdelay $0x3  }
0x94: {  	_ =	strace s5  }
0x95: {  	s5 =	sld [smem:$0x3FFC];
	_ =	sdelay $0x3  }
0x96: {  	_ =	strace s5  }
0x97: {  	s5 =	sld [smem:$0x3FFD];
	_ =	sdelay $0x3  }
0x98: {  	_ =	strace s5  }
0x99: {  	_ =	strace $0x8FFFFFFF  }
0x9a: {  	s19 =	sld [smem:$0x3FDB];
	_ =	sdelay $0x1  }
0x9b: {  	s6 =	simm.s32 $_scs_section_size  }
0x9c: {  	s7 =	simm.s32 $_size__tile_overlayer_lowered;
	s8 =	simm.s32 $_tile_overlayer_lowered  }
0x9d: {  	s22 =	simm.s32 $0x1BFF;
	s21 =	sshll.u32 s8, $0x1;
	s5 =	sadd.s32 s6, s19  }
0x9e: {  	s9 =	simm.s32 $0x0;
	s20 =	sshll.u32 s7, $0x1;
	s7 =	sadd.s32 s21, s5  }
0x9f: {  	[timem:s9], [sflag:s22] =	dma.local [hbm:s7], s20  }
0xa0: {  	_ =	swait.ge [sflag:s22], s20  }
0xa1: {  	s6 =	ssub.s32 $0x0, s20;
	[sflag:s22] =	ssyncset.done $0x0  }
0xa2: {  	[sflag:s22] =	ssyncadd.s32 s6;
	_ =	sdelay $0x1  }
0xa3: {  	s23 =	simm.s32 $0x1B8B  }
0xa4: {  	_ =	swait.ge [sflag:s23], $0x1  }
0xa5: {  	[sflag:s23] =	ssyncset.done $0x0  }
0xa6: {  	s25 =	simm.s32 $0x1B8E;
	s24 =	sld [smem:$0x3FFE];
	[sflag:s23] =	ssyncadd.s32 $0xFFFFFFFF  }
0xa7: {  	s26 =	simm.s32 $execute0_lowered;
	[smem:$0x3FD2] =	sst s25  }
0xa8: {  	s7 =	sshll.u32 s26, $0x1;
	_ =	strace $0x80000046;
	[dreg:$0x1] =	wrdreg $0xFFFFFFFF  }
0xa9: {  	s28 =	simm.s32 $_size_execute0_lowered;
	s5 =	sadd.s32 s5, s7;
	[dreg:$0x0] =	wrdreg $0x0  }
0xaa: {  	s7 =	sshll.u32 s28, $0x1;
	[dreg:$0x2] =	wrdreg s5  }
0xab: {  	[dreg:$0x3] =	wrdreg s7  }
0xac: {  	[dreg:$0x4] =	wrdreg $0xC0  }
0xad: {  	_ =	task [dreg:s9], $0x5FFFF  }
0xae: {  	[dreg:$0x1] =	wrdreg $0xFFFFFFFF  }
0xaf: {  	[dreg:$0x0] =	wrdreg $0x60  }
0xb0: {  	[dreg:$0x2] =	wrdreg s2  }
0xb1: {  	[dreg:$0x3] =	wrdreg s24  }
0xb2: {  	[dreg:$0x4] =	wrdreg s18  }
0xb3: {  	[dreg:$0x5] =	wrdreg s4  }
0xb4: {  	[dreg:$0x6] =	wrdreg $0x9  }
0xb5: {  	_ =	task.clear_ibuf [dreg:s9], $0x7FFFF;
	_ =	strace $0x90000046  }
0xb6: {  	s29 =	simm.s32 $0x9;
	_ =	strace $0x80000048  }
0xb7: {  	_ =	swait.ge [sflag:s29], $0x1  }
0xb8: {  	[sflag:s29] =	ssyncadd.s32 $0xFFFFFFFF  }
0xb9: {  	_ =	strace $0x90000048  }
0xba: {  	_ =	sfence  }
0xbb: {  	s30 =	sld [smem:$0x0];
	_ =	sdelay $0x2  }
0xbc: {  	s31 =	sshll.u32 s1, $0xD;
	s1 =	sshrl.u32 s1, $0x2  }
0xbd: {  	s3 =	sand.u32 $0x4000, s31;
	s1 =	sadd.s32 s1, s30  }
0xbe: {  	s0 =	sor.u32 s3, s0;
	s1 =	sshll.u32 s1, $0x11  }
0xbf: {  	s0 =	sor.u32 s1, s0  }
0xc0: {  	s0 =	sadd.s32 $0x8F2B, s0  }
0xc1: {  	[sflag:s0] =	ssyncadd.remote.s32 $0x1  }
0xc2: {  	_ =	sfence.sel $0xFFFF  }
0xc3: {  	[dreg:$0x0] =	wrdreg $0xFFFFFFFF;
	(pc) =	sbr.abs _section_cstart, $3  }
0xc4: {  	[dreg:$0x1] =	wrdreg $0xFFFFFFFF  }
0xc5: {  	_ =	task.clear_ibuf [dreg:s9], $0x2FFFF;
	_ =	strace $0x9FFFFFFF  }
0xc6: {  	(tm) =	ssettm $0x7FFFFFFF  }
0xc7: {  	_ =	shalt  }
tec
execute0_lowered:
.L_overlay_start_1:
0x0: {  	(tag) =	ssettag $0x1  }
0x1: {  	s1 =	rddreg [dreg:$0x0];
	s3 =	srdreg.scid  }
0x2: {  	s0 =	rddreg [dreg:$0x1];
	s5 =	sand.u32 $0x1, s3  }
0x3: {  	s2 =	rddreg [dreg:$0x2];
	s7 =	stileid.u32;
	s6 =	sshll.u32 s5, $0x4  }
0x4: {  	s4 =	rddreg [dreg:$0x3];
	s3 =	simm.s32 $0x0;
	s6 =	sor.u32 s7, s6  }
0x5: {  	[smem:$0x7FF] =	sst s3;
	s9 =	sshll.u32 s6, $0xD  }
0x6: {  	_ =	strace $0x80000047;
	s7 =	sshll.u32 s6, $0x5;
	s23 =	sadd.s32 s2, s9  }
0x7: {  	s0 =	sadd.s32 s7, s0;
	s11 =	sadd.s32 s4, s9;
	[dreg:$0x6] =	wrdreg s23  }
0x8: {  	s24 =	sor.u32 $0x400, s9;
	s0 =	sadd.s32 $0x400, s0;
	[dreg:$0x8] =	wrdreg s11  }
0x9: {  	s25 =	sor.u32 $0x800, s9;
	s10 =	sadd.s32 s2, s24;
	[dreg:$0x5] =	wrdreg s0  }
0xa: {  	s26 =	sor.u32 $0xC00, s9;
	s12 =	sadd.s32 s2, s25;
	[dreg:$0x7] =	wrdreg s10  }
0xb: {  	s14 =	sor.u32 $0x1000, s9;
	s13 =	sadd.s32 s2, s26;
	[dreg:$0x9] =	wrdreg s12  }
0xc: {  	s16 =	sor.u32 $0x1400, s9;
	s15 =	sadd.s32 s2, s14;
	[dreg:$0xb] =	wrdreg s13  }
0xd: {  	s18 =	sor.u32 $0x1800, s9;
	s17 =	sadd.s32 s2, s16;
	[dreg:$0xd] =	wrdreg s15  }
0xe: {  	s20 =	sor.u32 $0x1C00, s9;
	s19 =	sadd.s32 s2, s18;
	[dreg:$0xf] =	wrdreg s17  }
0xf: {  	s5 =	ssub.s32 $0x2, s5;
	s2 =	sadd.s32 s2, s20;
	[dreg:$0x11] =	wrdreg s19  }
0x10: {  	s8 =	sshrl.u32 s5, $0x1;
	s21 =	sadd.s32 s4, s18;
	[dreg:$0x13] =	wrdreg s2  }
0x11: {  	s8 =	ssub.s32 s5, s8;
	s22 =	sadd.s32 $0x40000, s11;
	[dreg:$0x14] =	wrdreg s21  }
0x12: {  	s23 =	smax.u32 s8, $0x1;
	[dreg:$0x16] =	wrdreg s22  }
0x13: {  	s8 =	sadd.s32 $0x40800, s11;
	[dreg:$0x17] =	wrdreg s23  }
0x14: {  	s9 =	sadd.s32 $0x80800, s11;
	[dreg:$0x1d] =	wrdreg s8  }
0x15: {  	s18 =	sadd.s32 $0x41400, s11;
	[dreg:$0x1e] =	wrdreg s9  }
0x16: {  	s0 =	sadd.s32 s4, s24;
	[smem:$0x7F5] =	sst s18  }
0x17: {  	s10 =	sadd.s32 s4, s25;
	[dreg:$0xa] =	wrdreg s0  }
0x18: {  	s24 =	sadd.s32 $0x80000, s11;
	[dreg:$0xc] =	wrdreg s10  }
0x19: {  	s25 =	sadd.s32 $0xC0000, s11;
	[dreg:$0x18] =	wrdreg s24  }
0x1a: {  	s2 =	sadd.s32 $0x80400, s11;
	[dreg:$0x19] =	wrdreg s25  }
0x1b: {  	s12 =	sadd.s32 $0x40C00, s11;
	[dreg:$0x1b] =	wrdreg s2  }
0x1c: {  	s13 =	sadd.s32 $0x80C00, s11;
	[smem:$0x7EF] =	sst s12  }
0x1d: {  	s15 =	sadd.s32 $0x41000, s11;
	[smem:$0x7F0] =	sst s13  }
0x1e: {  	s30 =	simm.s32 $0x2100;
	s17 =	sadd.s32 $0xC1000, s11;
	[smem:$0x7F2] =	sst s15  }
0x1f: {  	s28 =	simm.s32 $0x6;
	s19 =	sadd.s32 $0x81400, s11;
	[smem:$0x7F4] =	sst s17  }
0x20: {  	s29 =	simm.s32 $0x8;
	s21 =	sadd.s32 $0x41800, s11;
	[smem:$0x7F6] =	sst s19  }
0x21: {  	s31 =	simm.s32 $0x9;
	s22 =	sadd.s32 $0x81800, s11;
	[smem:$0x7F8] =	sst s21  }
0x22: {  	s5 =	sadd.s32 $0x100, s1;
	s23 =	sadd.s32 $0xC1800, s11;
	[smem:$0x7F9] =	sst s22  }
0x23: {  	s6 =	sadd.s32 $0x200, s1;
	s0 =	sadd.s32 s4, s26;
	[smem:$0x7FA] =	sst s23  }
0x24: {  	s7 =	sadd.s32 $0x300, s1;
	s10 =	sadd.s32 s4, s14;
	[dreg:$0xe] =	wrdreg s0  }
0x25: {  	s18 =	simm.s32 $0x14100;
	s26 =	sadd.s32 $0x40400, s11;
	[dreg:$0x10] =	wrdreg s10  }
0x26: {  	s14 =	sadd.s32 $0xC0C00, s11;
	s24 =	sadd.s32 $0x41C00, s11;
	[dreg:$0x1a] =	wrdreg s26  }
0x27: {  	s25 =	sadd.s32 $0x81C00, s11;
	s12 =	simm.s32 $0x6100;
	[smem:$0x7F1] =	sst s14  }
0x28: {  	s17 =	simm.s32 $0x8100;
	s21 =	simm.s32 $0xA100;
	[smem:$0x7FB] =	sst s24  }
0x29: {  	s13 =	simm.s32 $0x1;
	s0 =	sadd.s32 s4, s16;
	[smem:$0x7FC] =	sst s25  }
0x2a: {  	s19 =	simm.s32 $0x16100;
	s10 =	sadd.s32 $0xC0800, s11;
	[dreg:$0x12] =	wrdreg s0  }
0x2b: {  	s22 =	simm.s32 $0x5;
	s16 =	sadd.s32 $0x81000, s11;
	[dreg:$0x1f] =	wrdreg s10  }
0x2c: {  	s23 =	simm.s32 $0x7;
	s26 =	sadd.s32 $0xC1C00, s11;
	[smem:$0x7F3] =	sst s16  }
0x2d: {  	s2 =	simm.s32 $0x0;
	s0 =	sadd.s32 s4, s20;
	[smem:$0x7FD] =	sst s26  }
0x2e: {  	s25 =	simm.s32 $0x100;
	s4 =	sadd.s32 $0xC0400, s11;
	[dreg:$0x15] =	wrdreg s0  }
0x2f: {  	v2 =	vlaneseq.u32;
	s14 =	simm.s32 $0x4;
	s20 =	sadd.s32 $0xC1400, s11;
	[dreg:$0x1c] =	wrdreg s4  }
0x30: {  	vm0 =	vmmov $0xffff;
	v1 =	vshrl.u32 v2, $0x3;
	s24 =	simm.s32 $0x3;
	s26 =	simm.s32 $0xC100;
	[smem:$0x7F7] =	sst s20  }
0x31: {  	v0 =	vand.u32 $0x7, v2;
	v2 =	vor.u32 $0x8, v2;
	v1 =	vmul.u32 $0x8, v1;
	s4 =	simm.s32 $0x4100;
	s0 =	simm.s32 $0xE100;
	s20 =	simm.s32 $0x2  }
.LBB2_1:
0x32: {  	s8 =	rddreg [dreg:$0x5];
	s10 =	simm.s32 $0xA  }
0x33: {  	[tilespmem:s3], [sflag:$0xA] =	stream.linear.gather [hbm4b:s8+s3], $0x100, $0x38;
	[tilespmem:$0x1E100] =	vst v63  }
0x34: {  	_ =	swait.ge [sflag:s10], $0x100  }
0x35: {  	[sflag:s10] =	ssyncset.done $0x0  }
0x36: {  	[sflag:s10] =	ssyncadd.s32 $0xFFFFFF00  }
0x37: {  	v3 =	vld [tilespmem:$0x0];
	_ =	sdelay $0x4  }
0x38: {  	v4 =	vshll.u32 v3, $0x3  }
0x39: {  	v3 =	vand.u32 $0x7, v3;
	v4 =	vand.u32 $0xFFFFFFC0, v4  }
0x3a: {  	v3 =	vor.u32 v3, v4  }
0x3b: {  	v4 =	vperm.xlane v3, v0;
	_ =	sdelay $0x1  }
0x3c: {  	v4 =	vadd.s32 v1, v4;
	_ =	sdelay $0x4  }
0x3d: {  	[tilespmem:s25], [sflag:$0x1] =	stream.indirect_vreg.gather [hbm4b:s1+s3], $0x80, v4, vm0, $0xb8;
	[tilespmem:$0x1E100] =	vst v63  }
0x3e: {  	s11 =	simm.s32 $0x900;
	v3 =	vperm.xlane v3, v2  }
0x3f: {  	[tilespmem:s11], [sflag:$0x1] =	stream.indirect_vreg.gather [hbm4b:s5+s3], $0x80, v4, vm0, $0xb8;
	[tilespmem:$0x1E100] =	vst v63  }
0x40: {  	s15 =	simm.s32 $0x1100;
	v3 =	vadd.s32 v1, v3  }
0x41: {  	[tilespmem:s15], [sflag:$0x1] =	stream.indirect_vreg.gather [hbm4b:s6+s3], $0x80, v4, vm0, $0xb8;
	[tilespmem:$0x1E100] =	vst v63  }
0x42: {  	s16 =	simm.s32 $0x1900  }
0x43: {  	[tilespmem:s16], [sflag:$0x1] =	stream.indirect_vreg.gather [hbm4b:s7+s3], $0x80, v4, vm0, $0xb8;
	[tilespmem:$0x1E100] =	vst v63  }
0x44: {  	_ = 	snop  }
0x45: {  	[tilespmem:s30], [sflag:$0x1] =	stream.indirect_vreg.gather [hbm4b:s1+s3], $0x80, v3, vm0, $0xb8;
	[tilespmem:$0x1E100] =	vst v63  }
0x46: {  	s9 =	simm.s32 $0x2900  }
0x47: {  	[tilespmem:s9], [sflag:$0x1] =	stream.indirect_vreg.gather [hbm4b:s5+s3], $0x80, v3, vm0, $0xb8;
	[tilespmem:$0x1E100] =	vst v63  }
0x48: {  	s10 =	simm.s32 $0x3100  }
0x49: {  	[tilespmem:s10], [sflag:$0x1] =	stream.indirect_vreg.gather [hbm4b:s6+s3], $0x80, v3, vm0, $0xb8;
	[tilespmem:$0x1E100] =	vst v63  }
0x4a: {  	s11 =	simm.s32 $0x3900  }
0x4b: {  	[tilespmem:s11], [sflag:$0x1] =	stream.indirect_vreg.gather [hbm4b:s7+s3], $0x80, v3, vm0, $0xb8;
	[tilespmem:$0x1E100] =	vst v63  }
0x4c: {  	v3 =	vld [tilespmem:$0x10];
	_ =	sdelay $0x4  }
0x4d: {  	v61 =	vshll.u32 v3, $0x3  }
0x4e: {  	v3 =	vand.u32 $0x7, v3;
	v4 =	vand.u32 $0xFFFFFFC0, v61  }
0x4f: {  	v3 =	vor.u32 v3, v4  }
0x50: {  	v4 =	vperm.xlane v3, v0;
	_ =	sdelay $0x1  }
0x51: {  	v4 =	vadd.s32 v1, v4;
	_ =	sdelay $0x4  }
0x52: {  	[tilespmem:s4], [sflag:$0x1] =	stream.indirect_vreg.gather [hbm4b:s1+s3], $0x80, v4, vm0, $0xb8;
	[tilespmem:$0x1E100] =	vst v63  }
0x53: {  	s15 =	simm.s32 $0x4900;
	v3 =	vperm.xlane v3, v2  }
0x54: {  	[tilespmem:s15], [sflag:$0x1] =	stream.indirect_vreg.gather [hbm4b:s5+s3], $0x80, v4, vm0, $0xb8;
	[tilespmem:$0x1E100] =	vst v63  }
0x55: {  	s16 =	simm.s32 $0x5100;
	v3 =	vadd.s32 v1, v3  }
0x56: {  	[tilespmem:s16], [sflag:$0x1] =	stream.indirect_vreg.gather [hbm4b:s6+s3], $0x80, v4, vm0, $0xb8;
	[tilespmem:$0x1E100] =	vst v63  }
0x57: {  	s9 =	simm.s32 $0x5900  }
0x58: {  	[tilespmem:s9], [sflag:$0x1] =	stream.indirect_vreg.gather [hbm4b:s7+s3], $0x80, v4, vm0, $0xb8;
	[tilespmem:$0x1E100] =	vst v63  }
0x59: {  	_ = 	snop  }
0x5a: {  	[tilespmem:s12], [sflag:$0x1] =	stream.indirect_vreg.gather [hbm4b:s1+s3], $0x80, v3, vm0, $0xb8;
	[tilespmem:$0x1E100] =	vst v63  }
0x5b: {  	s10 =	simm.s32 $0x6900  }
0x5c: {  	[tilespmem:s10], [sflag:$0x1] =	stream.indirect_vreg.gather [hbm4b:s5+s3], $0x80, v3, vm0, $0xb8;
	[tilespmem:$0x1E100] =	vst v63  }
0x5d: {  	s11 =	simm.s32 $0x7100  }
0x5e: {  	[tilespmem:s11], [sflag:$0x1] =	stream.indirect_vreg.gather [hbm4b:s6+s3], $0x80, v3, vm0, $0xb8;
	[tilespmem:$0x1E100] =	vst v63  }
0x5f: {  	s15 =	simm.s32 $0x7900  }
0x60: {  	[tilespmem:s15], [sflag:$0x1] =	stream.indirect_vreg.gather [hbm4b:s7+s3], $0x80, v3, vm0, $0xb8;
	[tilespmem:$0x1E100] =	vst v63  }
0x61: {  	s16 =	rddreg [dreg:$0x6];
	s9 =	simm.s32 $0x18100  }
0x62: {  	[tilespmem:s9], [sflag:$0x4] =	stream.linear.gather [hbm4b:s16+s3], $0x2000, $0x38;
	[tilespmem:$0x1E100] =	vst v63  }
0x63: {  	v3 =	vld [tilespmem:$0x20];
	_ =	sdelay $0x4  }
0x64: {  	v62 =	vshll.u32 v3, $0x3  }
0x65: {  	v3 =	vand.u32 $0x7, v3;
	v4 =	vand.u32 $0xFFFFFFC0, v62  }
0x66: {  	v3 =	vor.u32 v3, v4  }
0x67: {  	v4 =	vperm.xlane v3, v0;
	_ =	sdelay $0x1  }
0x68: {  	v4 =	vadd.s32 v1, v4;
	_ =	sdelay $0x4  }
0x69: {  	[tilespmem:s17], [sflag:$0x2] =	stream.indirect_vreg.gather [hbm4b:s1+s3], $0x80, v4, vm0, $0xb8;
	[tilespmem:$0x1E100] =	vst v63  }
0x6a: {  	s10 =	simm.s32 $0x8900;
	v3 =	vperm.xlane v3, v2  }
0x6b: {  	[tilespmem:s10], [sflag:$0x2] =	stream.indirect_vreg.gather [hbm4b:s5+s3], $0x80, v4, vm0, $0xb8;
	[tilespmem:$0x1E100] =	vst v63  }
0x6c: {  	s11 =	simm.s32 $0x9100;
	v3 =	vadd.s32 v1, v3  }
0x6d: {  	[tilespmem:s11], [sflag:$0x2] =	stream.indirect_vreg.gather [hbm4b:s6+s3], $0x80, v4, vm0, $0xb8;
	[tilespmem:$0x1E100] =	vst v63  }
0x6e: {  	s15 =	simm.s32 $0x9900  }
0x6f: {  	[tilespmem:s15], [sflag:$0x2] =	stream.indirect_vreg.gather [hbm4b:s7+s3], $0x80, v4, vm0, $0xb8;
	[tilespmem:$0x1E100] =	vst v63  }
0x70: {  	_ = 	snop  }
0x71: {  	[tilespmem:s21], [sflag:$0x2] =	stream.indirect_vreg.gather [hbm4b:s1+s3], $0x80, v3, vm0, $0xb8;
	[tilespmem:$0x1E100] =	vst v63  }
0x72: {  	s16 =	simm.s32 $0xA900  }
0x73: {  	[tilespmem:s16], [sflag:$0x2] =	stream.indirect_vreg.gather [hbm4b:s5+s3], $0x80, v3, vm0, $0xb8;
	[tilespmem:$0x1E100] =	vst v63  }
0x74: {  	s9 =	simm.s32 $0xB100  }
0x75: {  	[tilespmem:s9], [sflag:$0x2] =	stream.indirect_vreg.gather [hbm4b:s6+s3], $0x80, v3, vm0, $0xb8;
	[tilespmem:$0x1E100] =	vst v63  }
0x76: {  	s10 =	simm.s32 $0xB900  }
0x77: {  	[tilespmem:s10], [sflag:$0x2] =	stream.indirect_vreg.gather [hbm4b:s7+s3], $0x80, v3, vm0, $0xb8;
	[tilespmem:$0x1E100] =	vst v63  }
0x78: {  	v3 =	vld [tilespmem:$0x30];
	_ =	sdelay $0x4  }
0x79: {  	v63 =	vshll.u32 v3, $0x3  }
0x7a: {  	v3 =	vand.u32 $0x7, v3;
	v4 =	vand.u32 $0xFFFFFFC0, v63  }
0x7b: {  	v3 =	vor.u32 v3, v4  }
0x7c: {  	v4 =	vperm.xlane v3, v0;
	_ =	sdelay $0x1  }
0x7d: {  	v4 =	vadd.s32 v1, v4;
	_ =	sdelay $0x4  }
0x7e: {  	[tilespmem:s26], [sflag:$0x2] =	stream.indirect_vreg.gather [hbm4b:s1+s3], $0x80, v4, vm0, $0xb8;
	[tilespmem:$0x1E100] =	vst v63  }
0x7f: {  	s11 =	simm.s32 $0xC900;
	v3 =	vperm.xlane v3, v2  }
0x80: {  	[tilespmem:s11], [sflag:$0x2] =	stream.indirect_vreg.gather [hbm4b:s5+s3], $0x80, v4, vm0, $0xb8;
	[tilespmem:$0x1E100] =	vst v63  }
0x81: {  	s15 =	simm.s32 $0xD100;
	v3 =	vadd.s32 v1, v3  }
0x82: {  	[tilespmem:s15], [sflag:$0x2] =	stream.indirect_vreg.gather [hbm4b:s6+s3], $0x80, v4, vm0, $0xb8;
	[tilespmem:$0x1E100] =	vst v63  }
0x83: {  	s16 =	simm.s32 $0xD900  }
0x84: {  	[tilespmem:s16], [sflag:$0x2] =	stream.indirect_vreg.gather [hbm4b:s7+s3], $0x80, v4, vm0, $0xb8;
	[tilespmem:$0x1E100] =	vst v63  }
0x85: {  	_ = 	snop  }
0x86: {  	[tilespmem:s0], [sflag:$0x2] =	stream.indirect_vreg.gather [hbm4b:s1+s3], $0x80, v3, vm0, $0xb8;
	[tilespmem:$0x1E100] =	vst v63  }
0x87: {  	s9 =	simm.s32 $0xE900  }
0x88: {  	[tilespmem:s9], [sflag:$0x2] =	stream.indirect_vreg.gather [hbm4b:s5+s3], $0x80, v3, vm0, $0xb8;
	[tilespmem:$0x1E100] =	vst v63  }
0x89: {  	s10 =	simm.s32 $0xF100  }
0x8a: {  	[tilespmem:s10], [sflag:$0x2] =	stream.indirect_vreg.gather [hbm4b:s6+s3], $0x80, v3, vm0, $0xb8;
	[tilespmem:$0x1E100] =	vst v63  }
0x8b: {  	s11 =	simm.s32 $0xF900  }
0x8c: {  	[tilespmem:s11], [sflag:$0x2] =	stream.indirect_vreg.gather [hbm4b:s7+s3], $0x80, v3, vm0, $0xb8;
	[tilespmem:$0x1E100] =	vst v63  }
0x8d: {  	s15 =	rddreg [dreg:$0x7];
	s16 =	simm.s32 $0x1A100  }
0x8e: {  	[tilespmem:s16], [sflag:$0x5] =	stream.linear.gather [hbm4b:s15+s3], $0x2000, $0x38;
	[tilespmem:$0x1E100] =	vst v63  }
0x8f: {  	_ =	swait.ge [sflag:s13], $0x8000  }
0x90: {  	[sflag:s13] =	ssyncset.done $0x0  }
0x91: {  	[sflag:s13] =	ssyncadd.s32 $0xFFFF8000  }
0x92: {  	_ =	swait.ge [sflag:s14], $0x2000  }
0x93: {  	[sflag:s14] =	ssyncset.done $0x0  }
0x94: {  	s8 =	simm.s32 $0x0;
	s9 =	simm.s32 $0x0;
	[sflag:s14] =	ssyncadd.s32 $0xFFFFE000  }
.LBB2_2:
0x95: {  	s11 =	sshra.s32 s8, $0x2  }
0x96: {  	v4 =	vld [tilespmem:s11+$0x6170]  }
0x97: {  	v5 =	vld [tilespmem:s11+$0x100]  }
0x98: {  	v3 =	vld [tilespmem:s11+$0x18170]  }
0x99: {  	v6 =	vld [tilespmem:s11+$0x2100]  }
0x9a: {  	v7 =	vld [tilespmem:s11+$0x4100]  }
0x9b: {  	v8 =	vld [tilespmem:s11+$0x6100]  }
0x9c: {  	v9 =	vld [tilespmem:s11+$0x110]  }
0x9d: {  	v10 =	vld [tilespmem:s11+$0x2110]  }
0x9e: {  	v11 =	vld [tilespmem:s11+$0x4110]  }
0x9f: {  	v12 =	vld [tilespmem:s11+$0x6110]  }
0xa0: {  	v13 =	vld [tilespmem:s11+$0x120]  }
0xa1: {  	v14 =	vld [tilespmem:s11+$0x2120]  }
0xa2: {  	v15 =	vld [tilespmem:s11+$0x4120]  }
0xa3: {  	v16 =	vld [tilespmem:s11+$0x6120]  }
0xa4: {  	v17 =	vld [tilespmem:s11+$0x130]  }
0xa5: {  	v18 =	vld [tilespmem:s11+$0x2130]  }
0xa6: {  	v19 =	vld [tilespmem:s11+$0x4130]  }
0xa7: {  	v20 =	vld [tilespmem:s11+$0x6130]  }
0xa8: {  	v22 =	vld [tilespmem:s11+$0x140]  }
0xa9: {  	v23 =	vld [tilespmem:s11+$0x2140]  }
0xaa: {  	v25 =	vld [tilespmem:s11+$0x4140]  }
0xab: {  	v26 =	vld [tilespmem:s11+$0x6140]  }
0xac: {  	v27 =	vld [tilespmem:s11+$0x150]  }
0xad: {  	v28 =	vld [tilespmem:s11+$0x2150];
	v21 =	vmul.f32 $3.200000000e+01, v4;
	v32 =	vmul.f32 $3.200000000e+01, v5  }
0xae: {  	v29 =	vld [tilespmem:s11+$0x4150];
	v33 =	vmul.f32 $3.200000000e+01, v6;
	v4 =	vmul.f32 $3.200000000e+01, v7  }
0xaf: {  	v30 =	vld [tilespmem:s11+$0x6150];
	v6 =	vmul.f32 $3.200000000e+01, v8;
	v5 =	vmul.f32 $3.200000000e+01, v9  }
0xb0: {  	v31 =	vld [tilespmem:s11+$0x160];
	v7 =	vmul.f32 $3.200000000e+01, v10;
	v8 =	vmul.f32 $3.200000000e+01, v11  }
0xb1: {  	v34 =	vld [tilespmem:s11+$0x2160];
	v9 =	vmul.f32 $3.200000000e+01, v12;
	v10 =	vmul.f32 $3.200000000e+01, v13  }
0xb2: {  	v35 =	vld [tilespmem:s11+$0x4160];
	v11 =	vmul.f32 $3.200000000e+01, v14;
	v12 =	vmul.f32 $3.200000000e+01, v15  }
0xb3: {  	v40 =	vld [tilespmem:s11+$0x170];
	v13 =	vmul.f32 $3.200000000e+01, v16;
	v14 =	vmul.f32 $3.200000000e+01, v17  }
0xb4: {  	v39 =	vld [tilespmem:s11+$0x6160];
	v18 =	vmul.f32 $3.200000000e+01, v18;
	v16 =	vmul.f32 $3.200000000e+01, v19  }
0xb5: {  	v42 =	vld [tilespmem:s11+$0x4170];
	v19 =	vmul.f32 $3.200000000e+01, v22;
	v24 =	vmul.f32 $3.200000000e+01, v23  }
0xb6: {  	v38 =	vld [tilespmem:s11+$0x18100];
	v22 =	vmul.f32 $3.200000000e+01, v25;
	v15 =	vmul.f32 $3.200000000e+01, v26  }
0xb7: {  	v41 =	vld [tilespmem:s11+$0x2170];
	v23 =	vmul.f32 $3.200000000e+01, v27;
	v17 =	vmul.f32 $3.200000000e+01, v28  }
0xb8: {  	v37 =	vld [tilespmem:s11+$0x18110];
	v28 =	vmul.f32 $3.200000000e+01, v31;
	v31 =	vmul.f32 $3.200000000e+01, v40  }
0xb9: {  	v36 =	vld [tilespmem:s11+$0x18120];
	v25 =	vmul.f32 $3.200000000e+01, v29;
	v26 =	vmul.f32 $3.200000000e+01, v34;
	v21 =	vadd.f32 v21, v3  }
0xba: {  	v29 =	vmul.f32 $3.200000000e+01, v35;
	v35 =	vld [tilespmem:s11+$0x18130];
	v27 =	vmul.f32 $3.200000000e+01, v39;
	v39 =	vadd.f32 v31, v3  }
0xbb: {  	v34 =	vld [tilespmem:s11+$0x18140];
	v31 =	vmul.f32 $3.200000000e+01, v42;
	v40 =	vadd.f32 v32, v38;
	[tilespmem:s11+$0x6170] =	vst v21;
	v21 =	vmul.f32 $3.200000000e+01, v20  }
0xbc: {  	s10 =	simm.s32 $0x0;
	s15 =	sadd.s32 $0x1000, s8;
	v32 =	vadd.f32 v33, v38;
	v33 =	vld [tilespmem:s11+$0x18150];
	v20 =	vmul.f32 $3.200000000e+01, v30;
	v30 =	vmul.f32 $3.200000000e+01, v41  }
.LBB2_3:
0xbd: {  	s16 =	sshra.s32 s15, $0x2;
	s10 =	sadd.s32 $0x80, s10;
	v4 =	vadd.f32 v4, v38;
	v6 =	vadd.f32 v6, v38;
	v38 =	vld [tilespmem:s11+$0x18160];
	[tilespmem:s11+$0x170] =	vst v39  }
0xbe: {  	v5 =	vadd.f32 v5, v37;
	v7 =	vadd.f32 v7, v37;
	v39 =	vld [tilespmem:s16+$0x6170];
	p0 =	slt.u32 s10, $0x380;
	[tilespmem:s11+$0x100] =	vst v40  }
0xbf: {  	v8 =	vadd.f32 v8, v37;
	v9 =	vadd.f32 v9, v37;
	v40 =	vld [tilespmem:s16+$0x100];
	[tilespmem:s11+$0x2100] =	vst v32  }
0xc0: {  	v37 =	vld [tilespmem:s16+$0x18170];
	[tilespmem:s11+$0x4100] =	vst v4;
	v4 =	vadd.f32 v10, v36;
	v10 =	vadd.f32 v11, v36  }
0xc1: {  	v12 =	vadd.f32 v12, v36;
	v13 =	vadd.f32 v13, v36;
	v11 =	vld [tilespmem:s16+$0x2100];
	[tilespmem:s11+$0x6100] =	vst v6  }
0xc2: {  	v14 =	vadd.f32 v14, v35;
	v18 =	vadd.f32 v18, v35;
	v6 =	vld [tilespmem:s16+$0x4100];
	[tilespmem:s11+$0x110] =	vst v5  }
0xc3: {  	v16 =	vadd.f32 v16, v35;
	v21 =	vadd.f32 v21, v35;
	v5 =	vld [tilespmem:s16+$0x6100];
	v36 =	vmul.f32 $3.200000000e+01, v39;
	[tilespmem:s11+$0x2110] =	vst v7  }
0xc4: {  	v19 =	vadd.f32 v19, v34;
	v24 =	vadd.f32 v24, v34;
	v32 =	vmul.f32 $3.200000000e+01, v40;
	v7 =	vld [tilespmem:s16+$0x110];
	[tilespmem:s11+$0x4110] =	vst v8  }
0xc5: {  	v22 =	vadd.f32 v22, v34;
	v8 =	vld [tilespmem:s16+$0x2110];
	v35 =	vadd.f32 v36, v37;
	[tilespmem:s11+$0x6110] =	vst v9  }
0xc6: {  	v15 =	vadd.f32 v15, v34;
	v23 =	vadd.f32 v23, v33;
	v41 =	vmul.f32 $3.200000000e+01, v11;
	v9 =	vld [tilespmem:s16+$0x4110];
	[tilespmem:s11+$0x120] =	vst v4  }
0xc7: {  	v17 =	vadd.f32 v17, v33;
	v25 =	vadd.f32 v25, v33;
	v4 =	vmul.f32 $3.200000000e+01, v6;
	v11 =	vld [tilespmem:s16+$0x6110];
	[tilespmem:s16+$0x6170] =	vst v35  }
0xc8: {  	v20 =	vadd.f32 v20, v33;
	v28 =	vadd.f32 v28, v38;
	v6 =	vmul.f32 $3.200000000e+01, v5;
	v34 =	vld [tilespmem:s16+$0x120];
	[tilespmem:s11+$0x2120] =	vst v10  }
0xc9: {  	v26 =	vadd.f32 v26, v38;
	v29 =	vadd.f32 v29, v38;
	v5 =	vmul.f32 $3.200000000e+01, v7;
	v33 =	vld [tilespmem:s16+$0x2120];
	[tilespmem:s11+$0x4120] =	vst v12  }
0xca: {  	v30 =	vadd.f32 v30, v3;
	v27 =	vadd.f32 v27, v38;
	v7 =	vmul.f32 $3.200000000e+01, v8;
	v12 =	vld [tilespmem:s16+$0x4120];
	[tilespmem:s11+$0x6120] =	vst v13  }
0xcb: {  	v31 =	vadd.f32 v31, v3;
	v3 =	vmov v37;
	v8 =	vmul.f32 $3.200000000e+01, v9;
	v13 =	vld [tilespmem:s16+$0x6120];
	[tilespmem:s11+$0x130] =	vst v14  }
0xcc: {  	v9 =	vmul.f32 $3.200000000e+01, v11;
	v14 =	vld [tilespmem:s16+$0x130];
	[tilespmem:s11+$0x2130] =	vst v18  }
0xcd: {  	v10 =	vmul.f32 $3.200000000e+01, v34;
	v18 =	vld [tilespmem:s16+$0x2130];
	[tilespmem:s11+$0x4130] =	vst v16  }
0xce: {  	v11 =	vmul.f32 $3.200000000e+01, v33;
	v16 =	vld [tilespmem:s16+$0x4130];
	[tilespmem:s11+$0x6130] =	vst v21  }
0xcf: {  	v12 =	vmul.f32 $3.200000000e+01, v12;
	v21 =	vld [tilespmem:s16+$0x6130];
	[tilespmem:s11+$0x140] =	vst v19  }
0xd0: {  	v13 =	vmul.f32 $3.200000000e+01, v13;
	v19 =	vld [tilespmem:s16+$0x140];
	[tilespmem:s11+$0x2140] =	vst v24  }
0xd1: {  	v14 =	vmul.f32 $3.200000000e+01, v14;
	v24 =	vld [tilespmem:s16+$0x2140];
	[tilespmem:s11+$0x4140] =	vst v22  }
0xd2: {  	v18 =	vmul.f32 $3.200000000e+01, v18;
	v22 =	vld [tilespmem:s16+$0x4140];
	[tilespmem:s11+$0x6140] =	vst v15  }
0xd3: {  	v16 =	vmul.f32 $3.200000000e+01, v16;
	v15 =	vld [tilespmem:s16+$0x6140];
	[tilespmem:s11+$0x150] =	vst v23  }
0xd4: {  	v21 =	vmul.f32 $3.200000000e+01, v21;
	v23 =	vld [tilespmem:s16+$0x150];
	[tilespmem:s11+$0x2150] =	vst v17  }
0xd5: {  	v19 =	vmul.f32 $3.200000000e+01, v19;
	v17 =	vld [tilespmem:s16+$0x2150];
	[tilespmem:s11+$0x4150] =	vst v25  }
0xd6: {  	v24 =	vmul.f32 $3.200000000e+01, v24;
	v25 =	vld [tilespmem:s16+$0x4150];
	[tilespmem:s11+$0x6150] =	vst v20  }
0xd7: {  	v22 =	vmul.f32 $3.200000000e+01, v22;
	v20 =	vld [tilespmem:s16+$0x6150];
	[tilespmem:s11+$0x160] =	vst v28  }
0xd8: {  	v15 =	vmul.f32 $3.200000000e+01, v15;
	v28 =	vld [tilespmem:s16+$0x160];
	[tilespmem:s11+$0x2160] =	vst v26  }
0xd9: {  	v23 =	vmul.f32 $3.200000000e+01, v23;
	v26 =	vld [tilespmem:s16+$0x2160];
	[tilespmem:s11+$0x4160] =	vst v29  }
0xda: {  	v17 =	vmul.f32 $3.200000000e+01, v17;
	v29 =	vld [tilespmem:s16+$0x4160];
	[tilespmem:s11+$0x6160] =	vst v27  }
0xdb: {  	v25 =	vmul.f32 $3.200000000e+01, v25;
	v27 =	vld [tilespmem:s16+$0x6160];
	[tilespmem:s11+$0x2170] =	vst v30  }
0xdc: {  	v20 =	vmul.f32 $3.200000000e+01, v20;
	v30 =	vld [tilespmem:s16+$0x170];
	[tilespmem:s11+$0x4170] =	vst v31;
	s11 =	smov.u32 s16  }
0xdd: {  	v28 =	vmul.f32 $3.200000000e+01, v28;
	v31 =	vld [tilespmem:s11+$0x2170]  }
0xde: {  	v26 =	vmul.f32 $3.200000000e+01, v26;
	v33 =	vld [tilespmem:s11+$0x4170]  }
0xdf: {  	v38 =	vld [tilespmem:s11+$0x18100];
	v29 =	vmul.f32 $3.200000000e+01, v29  }
.Ltmp0:
0xe0: {  	v37 =	vld [tilespmem:s11+$0x18110];
	v27 =	vmul.f32 $3.200000000e+01, v27;
	(pc) =	sbr.rel @p0 .LBB2_3-.Ltmp0, $4  }
0xe1: {  	v36 =	vld [tilespmem:s11+$0x18120];
	v39 =	vmul.f32 $3.200000000e+01, v30  }
0xe2: {  	v35 =	vld [tilespmem:s11+$0x18130];
	v30 =	vmul.f32 $3.200000000e+01, v31  }
0xe3: {  	v34 =	vld [tilespmem:s11+$0x18140];
	v39 =	vadd.f32 v39, v3;
	v31 =	vmul.f32 $3.200000000e+01, v33  }
0xe4: {  	s15 =	sadd.s32 $0x1000, s15;
	v40 =	vadd.f32 v32, v38;
	v32 =	vadd.f32 v41, v38;
	v33 =	vld [tilespmem:s11+$0x18150]  }
0xe5: {  	[tilespmem:s11+$0x170] =	vst v39  }
0xe6: {  	v4 =	vadd.f32 v4, v38;
	[tilespmem:s11+$0x100] =	vst v40  }
0xe7: {  	v6 =	vadd.f32 v6, v38;
	[tilespmem:s11+$0x2100] =	vst v32  }
0xe8: {  	v5 =	vadd.f32 v5, v37;
	[tilespmem:s11+$0x4100] =	vst v4  }
0xe9: {  	v41 =	vadd.f32 v8, v37;
	[tilespmem:s11+$0x6100] =	vst v6  }
0xea: {  	v42 =	vadd.f32 v9, v37;
	[tilespmem:s11+$0x110] =	vst v5  }
0xeb: {  	v63 =	vadd.f32 v30, v3;
	[tilespmem:s11+$0x4110] =	vst v41  }
0xec: {  	v3 =	vadd.f32 v31, v3;
	[tilespmem:s11+$0x6110] =	vst v42  }
0xed: {  	v40 =	vadd.f32 v7, v37;
	[tilespmem:s11+$0x2170] =	vst v63  }
0xee: {  	v43 =	vadd.f32 v10, v36;
	[tilespmem:s11+$0x4170] =	vst v3  }
0xef: {  	v44 =	vadd.f32 v11, v36;
	[tilespmem:s11+$0x2110] =	vst v40  }
0xf0: {  	v45 =	vadd.f32 v12, v36;
	[tilespmem:s11+$0x120] =	vst v43  }
0xf1: {  	v46 =	vadd.f32 v13, v36;
	[tilespmem:s11+$0x2120] =	vst v44  }
0xf2: {  	v47 =	vadd.f32 v14, v35;
	[tilespmem:s11+$0x4120] =	vst v45  }
0xf3: {  	v48 =	vadd.f32 v18, v35;
	[tilespmem:s11+$0x6120] =	vst v46  }
0xf4: {  	v49 =	vadd.f32 v16, v35;
	[tilespmem:s11+$0x130] =	vst v47  }
0xf5: {  	v50 =	vadd.f32 v21, v35;
	[tilespmem:s11+$0x2130] =	vst v48  }
0xf6: {  	v51 =	vadd.f32 v19, v34;
	[tilespmem:s11+$0x4130] =	vst v49  }
0xf7: {  	v52 =	vadd.f32 v24, v34;
	[tilespmem:s11+$0x6130] =	vst v50  }
0xf8: {  	v53 =	vadd.f32 v22, v34;
	[tilespmem:s11+$0x140] =	vst v51  }
0xf9: {  	v54 =	vld [tilespmem:s11+$0x18160];
	v55 =	vadd.f32 v15, v34;
	[tilespmem:s11+$0x2140] =	vst v52  }
0xfa: {  	v56 =	vadd.f32 v23, v33;
	[tilespmem:s11+$0x4140] =	vst v53  }
0xfb: {  	v57 =	vadd.f32 v17, v33;
	[tilespmem:s11+$0x6140] =	vst v55  }
0xfc: {  	v58 =	vadd.f32 v25, v33;
	[tilespmem:s11+$0x150] =	vst v56  }
0xfd: {  	s9 =	sadd.s32 $0x1, s9;
	v59 =	vadd.f32 v20, v33;
	[tilespmem:s11+$0x2150] =	vst v57  }
0xfe: {  	p0 =	sne.s32 s9, $0x8;
	v60 =	vadd.f32 v28, v54;
	[tilespmem:s11+$0x4150] =	vst v58  }
.Ltmp1:
0xff: {  	v61 =	vadd.f32 v26, v54;
	[tilespmem:s11+$0x6150] =	vst v59;
	(pc) =	sbr.rel @p0 .LBB2_2-.Ltmp1, $4  }
0x100: {  	v62 =	vadd.f32 v29, v54;
	[tilespmem:s11+$0x160] =	vst v60  }
0x101: {  	v5 =	vadd.f32 v27, v54;
	[tilespmem:s11+$0x2160] =	vst v61  }
0x102: {  	[tilespmem:s11+$0x4160] =	vst v62  }
0x103: {  	s8 =	sadd.s32 $0x200, s8;
	[tilespmem:s11+$0x6160] =	vst v5  }
0x104: {  	s8 =	simm.s32 $0x0;
	s9 =	rddreg [dreg:$0x8]  }
0x105: {  	[hbm4b:s9+s8] =	stream.linear.scatter [tilespmem:s25], [sflag:$0x7], $0x2000, $0x38;
	[tilespmem:$0x1E100] =	vst v63  }
0x106: {  	s15 =	rddreg [dreg:$0x16]  }
0x107: {  	[hbm4b:s15+s8] =	stream.linear.scatter [tilespmem:s30], [sflag:$0x7], $0x2000, $0x38;
	[tilespmem:$0x1E100] =	vst v63  }
0x108: {  	s16 =	rddreg [dreg:$0x18]  }
0x109: {  	[hbm4b:s16+s8] =	stream.linear.scatter [tilespmem:s4], [sflag:$0x7], $0x2000, $0x38;
	[tilespmem:$0x1E100] =	vst v63  }
0x10a: {  	s10 =	rddreg [dreg:$0x19]  }
0x10b: {  	[hbm4b:s10+s8] =	stream.linear.scatter [tilespmem:s12], [sflag:$0x7], $0x2000, $0x38;
	[tilespmem:$0x1E100] =	vst v63  }
0x10c: {  	v3 =	vld [tilespmem:$0x40];
	_ =	sdelay $0x4  }
0x10d: {  	v4 =	vshll.u32 v3, $0x3  }
0x10e: {  	v3 =	vand.u32 $0x7, v3;
	v4 =	vand.u32 $0xFFFFFFC0, v4  }
0x10f: {  	v3 =	vor.u32 v3, v4  }
0x110: {  	v4 =	vperm.xlane v3, v0;
	_ =	sdelay $0x1  }
0x111: {  	v4 =	vadd.s32 v1, v4;
	_ =	sdelay $0x3  }
0x112: {  	s11 =	simm.s32 $0x10100  }
0x113: {  	[tilespmem:s11], [sflag:$0x3] =	stream.indirect_vreg.gather [hbm4b:s1+s8], $0x80, v4, vm0, $0xb8;
	[tilespmem:$0x1E100] =	vst v63  }
0x114: {  	s15 =	simm.s32 $0x10900;
	v3 =	vperm.xlane v3, v2  }
0x115: {  	[tilespmem:s15], [sflag:$0x3] =	stream.indirect_vreg.gather [hbm4b:s5+s8], $0x80, v4, vm0, $0xb8;
	[tilespmem:$0x1E100] =	vst v63  }
0x116: {  	s16 =	simm.s32 $0x11100;
	v3 =	vadd.s32 v1, v3  }
0x117: {  	[tilespmem:s16], [sflag:$0x3] =	stream.indirect_vreg.gather [hbm4b:s6+s8], $0x80, v4, vm0, $0xb8;
	[tilespmem:$0x1E100] =	vst v63  }
0x118: {  	s10 =	simm.s32 $0x11900  }
0x119: {  	[tilespmem:s10], [sflag:$0x3] =	stream.indirect_vreg.gather [hbm4b:s7+s8], $0x80, v4, vm0, $0xb8;
	[tilespmem:$0x1E100] =	vst v63  }
0x11a: {  	s11 =	simm.s32 $0x12100  }
0x11b: {  	[tilespmem:s11], [sflag:$0x3] =	stream.indirect_vreg.gather [hbm4b:s1+s8], $0x80, v3, vm0, $0xb8;
	[tilespmem:$0x1E100] =	vst v63  }
0x11c: {  	s15 =	simm.s32 $0x12900  }
0x11d: {  	[tilespmem:s15], [sflag:$0x3] =	stream.indirect_vreg.gather [hbm4b:s5+s8], $0x80, v3, vm0, $0xb8;
	[tilespmem:$0x1E100] =	vst v63  }
0x11e: {  	s16 =	simm.s32 $0x13100  }
0x11f: {  	[tilespmem:s16], [sflag:$0x3] =	stream.indirect_vreg.gather [hbm4b:s6+s8], $0x80, v3, vm0, $0xb8;
	[tilespmem:$0x1E100] =	vst v63  }
0x120: {  	s10 =	simm.s32 $0x13900  }
0x121: {  	[tilespmem:s10], [sflag:$0x3] =	stream.indirect_vreg.gather [hbm4b:s7+s8], $0x80, v3, vm0, $0xb8;
	[tilespmem:$0x1E100] =	vst v63  }
0x122: {  	v3 =	vld [tilespmem:$0x50];
	_ =	sdelay $0x4  }
0x123: {  	v63 =	vshll.u32 v3, $0x3  }
0x124: {  	v3 =	vand.u32 $0x7, v3;
	v4 =	vand.u32 $0xFFFFFFC0, v63  }
0x125: {  	v3 =	vor.u32 v3, v4  }
0x126: {  	v4 =	vperm.xlane v3, v0;
	_ =	sdelay $0x1  }
0x127: {  	v4 =	vadd.s32 v1, v4;
	_ =	sdelay $0x4  }
0x128: {  	[tilespmem:s18], [sflag:$0x3] =	stream.indirect_vreg.gather [hbm4b:s1+s8], $0x80, v4, vm0, $0xb8;
	[tilespmem:$0x1E100] =	vst v63  }
0x129: {  	s11 =	simm.s32 $0x14900;
	v3 =	vperm.xlane v3, v2  }
0x12a: {  	[tilespmem:s11], [sflag:$0x3] =	stream.indirect_vreg.gather [hbm4b:s5+s8], $0x80, v4, vm0, $0xb8;
	[tilespmem:$0x1E100] =	vst v63  }
0x12b: {  	s15 =	simm.s32 $0x15100;
	v3 =	vadd.s32 v1, v3  }
0x12c: {  	[tilespmem:s15], [sflag:$0x3] =	stream.indirect_vreg.gather [hbm4b:s6+s8], $0x80, v4, vm0, $0xb8;
	[tilespmem:$0x1E100] =	vst v63  }
0x12d: {  	s16 =	simm.s32 $0x15900  }
0x12e: {  	[tilespmem:s16], [sflag:$0x3] =	stream.indirect_vreg.gather [hbm4b:s7+s8], $0x80, v4, vm0, $0xb8;
	[tilespmem:$0x1E100] =	vst v63  }
0x12f: {  	_ = 	snop  }
0x130: {  	[tilespmem:s19], [sflag:$0x3] =	stream.indirect_vreg.gather [hbm4b:s1+s8], $0x80, v3, vm0, $0xb8;
	[tilespmem:$0x1E100] =	vst v63  }
0x131: {  	s10 =	simm.s32 $0x16900  }
0x132: {  	[tilespmem:s10], [sflag:$0x3] =	stream.indirect_vreg.gather [hbm4b:s5+s8], $0x80, v3, vm0, $0xb8;
	[tilespmem:$0x1E100] =	vst v63  }
0x133: {  	s11 =	simm.s32 $0x17100  }
0x134: {  	[tilespmem:s11], [sflag:$0x3] =	stream.indirect_vreg.gather [hbm4b:s6+s8], $0x80, v3, vm0, $0xb8;
	[tilespmem:$0x1E100] =	vst v63  }
0x135: {  	s15 =	simm.s32 $0x17900  }
0x136: {  	[tilespmem:s15], [sflag:$0x3] =	stream.indirect_vreg.gather [hbm4b:s7+s8], $0x80, v3, vm0, $0xb8;
	[tilespmem:$0x1E100] =	vst v63  }
0x137: {  	s16 =	rddreg [dreg:$0x9];
	s10 =	simm.s32 $0x1C100  }
0x138: {  	[tilespmem:s10], [sflag:$0x6] =	stream.linear.gather [hbm4b:s16+s8], $0x2000, $0x38;
	[tilespmem:$0x1E100] =	vst v63  }
0x139: {  	_ =	swait.ge [sflag:s20], $0x8000  }
0x13a: {  	[sflag:s20] =	ssyncset.done $0x0  }
0x13b: {  	[sflag:s20] =	ssyncadd.s32 $0xFFFF8000  }
0x13c: {  	_ =	swait.ge [sflag:s22], $0x2000  }
0x13d: {  	[sflag:s22] =	ssyncset.done $0x0  }
0x13e: {  	s9 =	simm.s32 $0x0;
	[sflag:s22] =	ssyncadd.s32 $0xFFFFE000  }
.LBB2_6:
0x13f: {  	s11 =	sshra.s32 s8, $0x2  }
0x140: {  	v4 =	vld [tilespmem:s11+$0xE170]  }
0x141: {  	v5 =	vld [tilespmem:s11+$0x8100]  }
0x142: {  	v3 =	vld [tilespmem:s11+$0x1A170]  }
0x143: {  	v6 =	vld [tilespmem:s11+$0xA100]  }
0x144: {  	v7 =	vld [tilespmem:s11+$0xC100]  }
0x145: {  	v8 =	vld [tilespmem:s11+$0xE100]  }
0x146: {  	v9 =	vld [tilespmem:s11+$0x8110]  }
0x147: {  	v10 =	vld [tilespmem:s11+$0xA110]  }
0x148: {  	v11 =	vld [tilespmem:s11+$0xC110]  }
0x149: {  	v12 =	vld [tilespmem:s11+$0xE110]  }
0x14a: {  	v13 =	vld [tilespmem:s11+$0x8120]  }
0x14b: {  	v14 =	vld [tilespmem:s11+$0xA120]  }
0x14c: {  	v15 =	vld [tilespmem:s11+$0xC120]  }
0x14d: {  	v16 =	vld [tilespmem:s11+$0xE120]  }
0x14e: {  	v17 =	vld [tilespmem:s11+$0x8130]  }
0x14f: {  	v18 =	vld [tilespmem:s11+$0xA130]  }
0x150: {  	v19 =	vld [tilespmem:s11+$0xC130]  }
0x151: {  	v20 =	vld [tilespmem:s11+$0xE130]  }
0x152: {  	v22 =	vld [tilespmem:s11+$0x8140]  }
0x153: {  	v23 =	vld [tilespmem:s11+$0xA140]  }
0x154: {  	v25 =	vld [tilespmem:s11+$0xC140]  }
0x155: {  	v26 =	vld [tilespmem:s11+$0xE140]  }
0x156: {  	v27 =	vld [tilespmem:s11+$0x8150]  }
0x157: {  	v28 =	vld [tilespmem:s11+$0xA150];
	v21 =	vmul.f32 $3.200000000e+01, v4;
	v32 =	vmul.f32 $3.200000000e+01, v5  }
0x158: {  	v29 =	vld [tilespmem:s11+$0xC150];
	v33 =	vmul.f32 $3.200000000e+01, v6;
	v4 =	vmul.f32 $3.200000000e+01, v7  }
0x159: {  	v30 =	vld [tilespmem:s11+$0xE150];
	v6 =	vmul.f32 $3.200000000e+01, v8;
	v5 =	vmul.f32 $3.200000000e+01, v9  }
0x15a: {  	v31 =	vld [tilespmem:s11+$0x8160];
	v7 =	vmul.f32 $3.200000000e+01, v10;
	v8 =	vmul.f32 $3.200000000e+01, v11  }
0x15b: {  	v34 =	vld [tilespmem:s11+$0xA160];
	v9 =	vmul.f32 $3.200000000e+01, v12;
	v10 =	vmul.f32 $3.200000000e+01, v13  }
0x15c: {  	v35 =	vld [tilespmem:s11+$0xC160];
	v11 =	vmul.f32 $3.200000000e+01, v14;
	v12 =	vmul.f32 $3.200000000e+01, v15  }
0x15d: {  	v40 =	vld [tilespmem:s11+$0x8170];
	v13 =	vmul.f32 $3.200000000e+01, v16;
	v14 =	vmul.f32 $3.200000000e+01, v17  }
0x15e: {  	v39 =	vld [tilespmem:s11+$0xE160];
	v18 =	vmul.f32 $3.200000000e+01, v18;
	v16 =	vmul.f32 $3.200000000e+01, v19  }
0x15f: {  	v42 =	vld [tilespmem:s11+$0xC170];
	v19 =	vmul.f32 $3.200000000e+01, v22;
	v24 =	vmul.f32 $3.200000000e+01, v23  }
0x160: {  	v38 =	vld [tilespmem:s11+$0x1A100];
	v22 =	vmul.f32 $3.200000000e+01, v25;
	v15 =	vmul.f32 $3.200000000e+01, v26  }
0x161: {  	v41 =	vld [tilespmem:s11+$0xA170];
	v23 =	vmul.f32 $3.200000000e+01, v27;
	v17 =	vmul.f32 $3.200000000e+01, v28  }
0x162: {  	v37 =	vld [tilespmem:s11+$0x1A110];
	v28 =	vmul.f32 $3.200000000e+01, v31;
	v31 =	vmul.f32 $3.200000000e+01, v40  }
0x163: {  	v36 =	vld [tilespmem:s11+$0x1A120];
	v25 =	vmul.f32 $3.200000000e+01, v29;
	v26 =	vmul.f32 $3.200000000e+01, v34;
	v21 =	vadd.f32 v21, v3  }
0x164: {  	v29 =	vmul.f32 $3.200000000e+01, v35;
	v35 =	vld [tilespmem:s11+$0x1A130];
	v27 =	vmul.f32 $3.200000000e+01, v39;
	v39 =	vadd.f32 v31, v3  }
0x165: {  	v34 =	vld [tilespmem:s11+$0x1A140];
	v31 =	vmul.f32 $3.200000000e+01, v42;
	v40 =	vadd.f32 v32, v38;
	[tilespmem:s11+$0xE170] =	vst v21;
	v21 =	vmul.f32 $3.200000000e+01, v20  }
0x166: {  	s10 =	simm.s32 $0x0;
	s15 =	sadd.s32 $0x1000, s8;
	v32 =	vadd.f32 v33, v38;
	v33 =	vld [tilespmem:s11+$0x1A150];
	v20 =	vmul.f32 $3.200000000e+01, v30;
	v30 =	vmul.f32 $3.200000000e+01, v41  }
.LBB2_7:
0x167: {  	s16 =	sshra.s32 s15, $0x2;
	s10 =	sadd.s32 $0x80, s10;
	v4 =	vadd.f32 v4, v38;
	v6 =	vadd.f32 v6, v38;
	v38 =	vld [tilespmem:s11+$0x1A160];
	[tilespmem:s11+$0x8170] =	vst v39  }
0x168: {  	v5 =	vadd.f32 v5, v37;
	v7 =	vadd.f32 v7, v37;
	v39 =	vld [tilespmem:s16+$0xE170];
	p0 =	slt.u32 s10, $0x380;
	[tilespmem:s11+$0x8100] =	vst v40  }
0x169: {  	v8 =	vadd.f32 v8, v37;
	v9 =	vadd.f32 v9, v37;
	v40 =	vld [tilespmem:s16+$0x8100];
	[tilespmem:s11+$0xA100] =	vst v32  }
0x16a: {  	v37 =	vld [tilespmem:s16+$0x1A170];
	[tilespmem:s11+$0xC100] =	vst v4;
	v4 =	vadd.f32 v10, v36;
	v10 =	vadd.f32 v11, v36  }
0x16b: {  	v12 =	vadd.f32 v12, v36;
	v13 =	vadd.f32 v13, v36;
	v11 =	vld [tilespmem:s16+$0xA100];
	[tilespmem:s11+$0xE100] =	vst v6  }
0x16c: {  	v14 =	vadd.f32 v14, v35;
	v18 =	vadd.f32 v18, v35;
	v6 =	vld [tilespmem:s16+$0xC100];
	[tilespmem:s11+$0x8110] =	vst v5  }
0x16d: {  	v16 =	vadd.f32 v16, v35;
	v21 =	vadd.f32 v21, v35;
	v5 =	vld [tilespmem:s16+$0xE100];
	v36 =	vmul.f32 $3.200000000e+01, v39;
	[tilespmem:s11+$0xA110] =	vst v7  }
0x16e: {  	v19 =	vadd.f32 v19, v34;
	v24 =	vadd.f32 v24, v34;
	v32 =	vmul.f32 $3.200000000e+01, v40;
	v7 =	vld [tilespmem:s16+$0x8110];
	[tilespmem:s11+$0xC110] =	vst v8  }
0x16f: {  	v22 =	vadd.f32 v22, v34;
	v8 =	vld [tilespmem:s16+$0xA110];
	v35 =	vadd.f32 v36, v37;
	[tilespmem:s11+$0xE110] =	vst v9  }
0x170: {  	v15 =	vadd.f32 v15, v34;
	v23 =	vadd.f32 v23, v33;
	v41 =	vmul.f32 $3.200000000e+01, v11;
	v9 =	vld [tilespmem:s16+$0xC110];
	[tilespmem:s11+$0x8120] =	vst v4  }
0x171: {  	v17 =	vadd.f32 v17, v33;
	v25 =	vadd.f32 v25, v33;
	v4 =	vmul.f32 $3.200000000e+01, v6;
	v11 =	vld [tilespmem:s16+$0xE110];
	[tilespmem:s16+$0xE170] =	vst v35  }
0x172: {  	v20 =	vadd.f32 v20, v33;
	v28 =	vadd.f32 v28, v38;
	v6 =	vmul.f32 $3.200000000e+01, v5;
	v34 =	vld [tilespmem:s16+$0x8120];
	[tilespmem:s11+$0xA120] =	vst v10  }
0x173: {  	v26 =	vadd.f32 v26, v38;
	v29 =	vadd.f32 v29, v38;
	v5 =	vmul.f32 $3.200000000e+01, v7;
	v33 =	vld [tilespmem:s16+$0xA120];
	[tilespmem:s11+$0xC120] =	vst v12  }
0x174: {  	v30 =	vadd.f32 v30, v3;
	v27 =	vadd.f32 v27, v38;
	v7 =	vmul.f32 $3.200000000e+01, v8;
	v12 =	vld [tilespmem:s16+$0xC120];
	[tilespmem:s11+$0xE120] =	vst v13  }
0x175: {  	v31 =	vadd.f32 v31, v3;
	v3 =	vmov v37;
	v8 =	vmul.f32 $3.200000000e+01, v9;
	v13 =	vld [tilespmem:s16+$0xE120];
	[tilespmem:s11+$0x8130] =	vst v14  }
0x176: {  	v9 =	vmul.f32 $3.200000000e+01, v11;
	v14 =	vld [tilespmem:s16+$0x8130];
	[tilespmem:s11+$0xA130] =	vst v18  }
0x177: {  	v10 =	vmul.f32 $3.200000000e+01, v34;
	v18 =	vld [tilespmem:s16+$0xA130];
	[tilespmem:s11+$0xC130] =	vst v16  }
0x178: {  	v11 =	vmul.f32 $3.200000000e+01, v33;
	v16 =	vld [tilespmem:s16+$0xC130];
	[tilespmem:s11+$0xE130] =	vst v21  }
0x179: {  	v12 =	vmul.f32 $3.200000000e+01, v12;
	v21 =	vld [tilespmem:s16+$0xE130];
	[tilespmem:s11+$0x8140] =	vst v19  }
0x17a: {  	v13 =	vmul.f32 $3.200000000e+01, v13;
	v19 =	vld [tilespmem:s16+$0x8140];
	[tilespmem:s11+$0xA140] =	vst v24  }
0x17b: {  	v14 =	vmul.f32 $3.200000000e+01, v14;
	v24 =	vld [tilespmem:s16+$0xA140];
	[tilespmem:s11+$0xC140] =	vst v22  }
0x17c: {  	v18 =	vmul.f32 $3.200000000e+01, v18;
	v22 =	vld [tilespmem:s16+$0xC140];
	[tilespmem:s11+$0xE140] =	vst v15  }
0x17d: {  	v16 =	vmul.f32 $3.200000000e+01, v16;
	v15 =	vld [tilespmem:s16+$0xE140];
	[tilespmem:s11+$0x8150] =	vst v23  }
0x17e: {  	v21 =	vmul.f32 $3.200000000e+01, v21;
	v23 =	vld [tilespmem:s16+$0x8150];
	[tilespmem:s11+$0xA150] =	vst v17  }
0x17f: {  	v19 =	vmul.f32 $3.200000000e+01, v19;
	v17 =	vld [tilespmem:s16+$0xA150];
	[tilespmem:s11+$0xC150] =	vst v25  }
0x180: {  	v24 =	vmul.f32 $3.200000000e+01, v24;
	v25 =	vld [tilespmem:s16+$0xC150];
	[tilespmem:s11+$0xE150] =	vst v20  }
0x181: {  	v22 =	vmul.f32 $3.200000000e+01, v22;
	v20 =	vld [tilespmem:s16+$0xE150];
	[tilespmem:s11+$0x8160] =	vst v28  }
0x182: {  	v15 =	vmul.f32 $3.200000000e+01, v15;
	v28 =	vld [tilespmem:s16+$0x8160];
	[tilespmem:s11+$0xA160] =	vst v26  }
0x183: {  	v23 =	vmul.f32 $3.200000000e+01, v23;
	v26 =	vld [tilespmem:s16+$0xA160];
	[tilespmem:s11+$0xC160] =	vst v29  }
0x184: {  	v17 =	vmul.f32 $3.200000000e+01, v17;
	v29 =	vld [tilespmem:s16+$0xC160];
	[tilespmem:s11+$0xE160] =	vst v27  }
0x185: {  	v25 =	vmul.f32 $3.200000000e+01, v25;
	v27 =	vld [tilespmem:s16+$0xE160];
	[tilespmem:s11+$0xA170] =	vst v30  }
0x186: {  	v20 =	vmul.f32 $3.200000000e+01, v20;
	v30 =	vld [tilespmem:s16+$0x8170];
	[tilespmem:s11+$0xC170] =	vst v31;
	s11 =	smov.u32 s16  }
0x187: {  	v28 =	vmul.f32 $3.200000000e+01, v28;
	v31 =	vld [tilespmem:s11+$0xA170]  }
0x188: {  	v26 =	vmul.f32 $3.200000000e+01, v26;
	v33 =	vld [tilespmem:s11+$0xC170]  }
0x189: {  	v38 =	vld [tilespmem:s11+$0x1A100];
	v29 =	vmul.f32 $3.200000000e+01, v29  }
.Ltmp2:
0x18a: {  	v37 =	vld [tilespmem:s11+$0x1A110];
	v27 =	vmul.f32 $3.200000000e+01, v27;
	(pc) =	sbr.rel @p0 .LBB2_7-.Ltmp2, $4  }
0x18b: {  	v36 =	vld [tilespmem:s11+$0x1A120];
	v39 =	vmul.f32 $3.200000000e+01, v30  }
0x18c: {  	v35 =	vld [tilespmem:s11+$0x1A130];
	v30 =	vmul.f32 $3.200000000e+01, v31  }
0x18d: {  	v34 =	vld [tilespmem:s11+$0x1A140];
	v39 =	vadd.f32 v39, v3;
	v31 =	vmul.f32 $3.200000000e+01, v33  }
0x18e: {  	s15 =	sadd.s32 $0x1000, s15;
	v40 =	vadd.f32 v32, v38;
	v32 =	vadd.f32 v41, v38;
	v33 =	vld [tilespmem:s11+$0x1A150]  }
0x18f: {  	[tilespmem:s11+$0x8170] =	vst v39  }
0x190: {  	v4 =	vadd.f32 v4, v38;
	[tilespmem:s11+$0x8100] =	vst v40  }
0x191: {  	v6 =	vadd.f32 v6, v38;
	[tilespmem:s11+$0xA100] =	vst v32  }
0x192: {  	v5 =	vadd.f32 v5, v37;
	[tilespmem:s11+$0xC100] =	vst v4  }
0x193: {  	v41 =	vadd.f32 v8, v37;
	[tilespmem:s11+$0xE100] =	vst v6  }
0x194: {  	v42 =	vadd.f32 v9, v37;
	[tilespmem:s11+$0x8110] =	vst v5  }
0x195: {  	v63 =	vadd.f32 v30, v3;
	[tilespmem:s11+$0xC110] =	vst v41  }
0x196: {  	v3 =	vadd.f32 v31, v3;
	[tilespmem:s11+$0xE110] =	vst v42  }
0x197: {  	v40 =	vadd.f32 v7, v37;
	[tilespmem:s11+$0xA170] =	vst v63  }
0x198: {  	v43 =	vadd.f32 v10, v36;
	[tilespmem:s11+$0xC170] =	vst v3  }
0x199: {  	v44 =	vadd.f32 v11, v36;
	[tilespmem:s11+$0xA110] =	vst v40  }
0x19a: {  	v45 =	vadd.f32 v12, v36;
	[tilespmem:s11+$0x8120] =	vst v43  }
0x19b: {  	v46 =	vadd.f32 v13, v36;
	[tilespmem:s11+$0xA120] =	vst v44  }
0x19c: {  	v47 =	vadd.f32 v14, v35;
	[tilespmem:s11+$0xC120] =	vst v45  }
0x19d: {  	v48 =	vadd.f32 v18, v35;
	[tilespmem:s11+$0xE120] =	vst v46  }
0x19e: {  	v49 =	vadd.f32 v16, v35;
	[tilespmem:s11+$0x8130] =	vst v47  }
0x19f: {  	v50 =	vadd.f32 v21, v35;
	[tilespmem:s11+$0xA130] =	vst v48  }
0x1a0: {  	v51 =	vadd.f32 v19, v34;
	[tilespmem:s11+$0xC130] =	vst v49  }
0x1a1: {  	v52 =	vadd.f32 v24, v34;
	[tilespmem:s11+$0xE130] =	vst v50  }
0x1a2: {  	v53 =	vadd.f32 v22, v34;
	[tilespmem:s11+$0x8140] =	vst v51  }
0x1a3: {  	v54 =	vld [tilespmem:s11+$0x1A160];
	v55 =	vadd.f32 v15, v34;
	[tilespmem:s11+$0xA140] =	vst v52  }
0x1a4: {  	v56 =	vadd.f32 v23, v33;
	[tilespmem:s11+$0xC140] =	vst v53  }
0x1a5: {  	v57 =	vadd.f32 v17, v33;
	[tilespmem:s11+$0xE140] =	vst v55  }
0x1a6: {  	v58 =	vadd.f32 v25, v33;
	[tilespmem:s11+$0x8150] =	vst v56  }
0x1a7: {  	s9 =	sadd.s32 $0x1, s9;
	v59 =	vadd.f32 v20, v33;
	[tilespmem:s11+$0xA150] =	vst v57  }
0x1a8: {  	p0 =	sne.s32 s9, $0x8;
	v60 =	vadd.f32 v28, v54;
	[tilespmem:s11+$0xC150] =	vst v58  }
.Ltmp3:
0x1a9: {  	v61 =	vadd.f32 v26, v54;
	[tilespmem:s11+$0xE150] =	vst v59;
	(pc) =	sbr.rel @p0 .LBB2_6-.Ltmp3, $4  }
0x1aa: {  	v62 =	vadd.f32 v29, v54;
	[tilespmem:s11+$0x8160] =	vst v60  }
0x1ab: {  	v5 =	vadd.f32 v27, v54;
	[tilespmem:s11+$0xA160] =	vst v61  }
0x1ac: {  	[tilespmem:s11+$0xC160] =	vst v62  }
0x1ad: {  	s8 =	sadd.s32 $0x200, s8;
	[tilespmem:s11+$0xE160] =	vst v5  }
0x1ae: {  	s8 =	simm.s32 $0x0;
	s9 =	rddreg [dreg:$0xa]  }
0x1af: {  	[hbm4b:s9+s8] =	stream.linear.scatter [tilespmem:s17], [sflag:$0x8], $0x2000, $0x38;
	[tilespmem:$0x1E100] =	vst v63  }
0x1b0: {  	s10 =	rddreg [dreg:$0x1a]  }
0x1b1: {  	[hbm4b:s10+s8] =	stream.linear.scatter [tilespmem:s21], [sflag:$0x8], $0x2000, $0x38;
	[tilespmem:$0x1E100] =	vst v63  }
0x1b2: {  	s11 =	rddreg [dreg:$0x1b]  }
0x1b3: {  	[hbm4b:s11+s8] =	stream.linear.scatter [tilespmem:s26], [sflag:$0x8], $0x2000, $0x38;
	[tilespmem:$0x1E100] =	vst v63  }
0x1b4: {  	s15 =	rddreg [dreg:$0x1c]  }
0x1b5: {  	[hbm4b:s15+s8] =	stream.linear.scatter [tilespmem:s0], [sflag:$0x8], $0x2000, $0x38;
	[tilespmem:$0x1E100] =	vst v63  }
0x1b6: {  	_ =	swait.ge [sflag:s23], $0x2000  }
0x1b7: {  	[sflag:s23] =	ssyncset.done $0x0  }
0x1b8: {  	[sflag:s23] =	ssyncadd.s32 $0xFFFFE000  }
0x1b9: {  	_ =	swait.ge [sflag:s23], $0x2000  }
0x1ba: {  	[sflag:s23] =	ssyncset.done $0x0  }
0x1bb: {  	[sflag:s23] =	ssyncadd.s32 $0xFFFFE000  }
0x1bc: {  	_ =	swait.ge [sflag:s23], $0x2000  }
0x1bd: {  	[sflag:s23] =	ssyncset.done $0x0  }
0x1be: {  	[sflag:s23] =	ssyncadd.s32 $0xFFFFE000  }
0x1bf: {  	_ =	swait.ge [sflag:s23], $0x2000  }
0x1c0: {  	[sflag:s23] =	ssyncset.done $0x0  }
0x1c1: {  	[sflag:s23] =	ssyncadd.s32 $0xFFFFE000  }
0x1c2: {  	v3 =	vld [tilespmem:$0x60];
	_ =	sdelay $0x4  }
0x1c3: {  	v4 =	vshll.u32 v3, $0x3  }
0x1c4: {  	v3 =	vand.u32 $0x7, v3;
	v4 =	vand.u32 $0xFFFFFFC0, v4  }
0x1c5: {  	v3 =	vor.u32 v3, v4  }
0x1c6: {  	v4 =	vperm.xlane v3, v0;
	_ =	sdelay $0x1  }
0x1c7: {  	v4 =	vadd.s32 v1, v4;
	_ =	sdelay $0x4  }
0x1c8: {  	[tilespmem:s25], [sflag:$0x1] =	stream.indirect_vreg.gather [hbm4b:s1+s8], $0x80, v4, vm0, $0xb8;
	[tilespmem:$0x1E100] =	vst v63  }
0x1c9: {  	s16 =	simm.s32 $0x900;
	v3 =	vperm.xlane v3, v2  }
0x1ca: {  	[tilespmem:s16], [sflag:$0x1] =	stream.indirect_vreg.gather [hbm4b:s5+s8], $0x80, v4, vm0, $0xb8;
	[tilespmem:$0x1E100] =	vst v63  }
0x1cb: {  	s10 =	simm.s32 $0x1100;
	v3 =	vadd.s32 v1, v3  }
0x1cc: {  	[tilespmem:s10], [sflag:$0x1] =	stream.indirect_vreg.gather [hbm4b:s6+s8], $0x80, v4, vm0, $0xb8;
	[tilespmem:$0x1E100] =	vst v63  }
0x1cd: {  	s11 =	simm.s32 $0x1900  }
0x1ce: {  	[tilespmem:s11], [sflag:$0x1] =	stream.indirect_vreg.gather [hbm4b:s7+s8], $0x80, v4, vm0, $0xb8;
	[tilespmem:$0x1E100] =	vst v63  }
0x1cf: {  	_ = 	snop  }
0x1d0: {  	[tilespmem:s30], [sflag:$0x1] =	stream.indirect_vreg.gather [hbm4b:s1+s8], $0x80, v3, vm0, $0xb8;
	[tilespmem:$0x1E100] =	vst v63  }
0x1d1: {  	s15 =	simm.s32 $0x2900  }
0x1d2: {  	[tilespmem:s15], [sflag:$0x1] =	stream.indirect_vreg.gather [hbm4b:s5+s8], $0x80, v3, vm0, $0xb8;
	[tilespmem:$0x1E100] =	vst v63  }
0x1d3: {  	s16 =	simm.s32 $0x3100  }
0x1d4: {  	[tilespmem:s16], [sflag:$0x1] =	stream.indirect_vreg.gather [hbm4b:s6+s8], $0x80, v3, vm0, $0xb8;
	[tilespmem:$0x1E100] =	vst v63  }
0x1d5: {  	s10 =	simm.s32 $0x3900  }
0x1d6: {  	[tilespmem:s10], [sflag:$0x1] =	stream.indirect_vreg.gather [hbm4b:s7+s8], $0x80, v3, vm0, $0xb8;
	[tilespmem:$0x1E100] =	vst v63  }
0x1d7: {  	v3 =	vld [tilespmem:$0x70];
	_ =	sdelay $0x4  }
0x1d8: {  	v63 =	vshll.u32 v3, $0x3  }
0x1d9: {  	v3 =	vand.u32 $0x7, v3;
	v4 =	vand.u32 $0xFFFFFFC0, v63  }
0x1da: {  	v3 =	vor.u32 v3, v4  }
0x1db: {  	v4 =	vperm.xlane v3, v0;
	_ =	sdelay $0x1  }
0x1dc: {  	v4 =	vadd.s32 v1, v4;
	_ =	sdelay $0x4  }
0x1dd: {  	[tilespmem:s4], [sflag:$0x1] =	stream.indirect_vreg.gather [hbm4b:s1+s8], $0x80, v4, vm0, $0xb8;
	[tilespmem:$0x1E100] =	vst v63  }
0x1de: {  	s11 =	simm.s32 $0x4900;
	v3 =	vperm.xlane v3, v2  }
0x1df: {  	[tilespmem:s11], [sflag:$0x1] =	stream.indirect_vreg.gather [hbm4b:s5+s8], $0x80, v4, vm0, $0xb8;
	[tilespmem:$0x1E100] =	vst v63  }
0x1e0: {  	s15 =	simm.s32 $0x5100;
	v3 =	vadd.s32 v1, v3  }
0x1e1: {  	[tilespmem:s15], [sflag:$0x1] =	stream.indirect_vreg.gather [hbm4b:s6+s8], $0x80, v4, vm0, $0xb8;
	[tilespmem:$0x1E100] =	vst v63  }
0x1e2: {  	s16 =	simm.s32 $0x5900  }
0x1e3: {  	[tilespmem:s16], [sflag:$0x1] =	stream.indirect_vreg.gather [hbm4b:s7+s8], $0x80, v4, vm0, $0xb8;
	[tilespmem:$0x1E100] =	vst v63  }
0x1e4: {  	_ = 	snop  }
0x1e5: {  	[tilespmem:s12], [sflag:$0x1] =	stream.indirect_vreg.gather [hbm4b:s1+s8], $0x80, v3, vm0, $0xb8;
	[tilespmem:$0x1E100] =	vst v63  }
0x1e6: {  	s10 =	simm.s32 $0x6900  }
0x1e7: {  	[tilespmem:s10], [sflag:$0x1] =	stream.indirect_vreg.gather [hbm4b:s5+s8], $0x80, v3, vm0, $0xb8;
	[tilespmem:$0x1E100] =	vst v63  }
0x1e8: {  	s11 =	simm.s32 $0x7100  }
0x1e9: {  	[tilespmem:s11], [sflag:$0x1] =	stream.indirect_vreg.gather [hbm4b:s6+s8], $0x80, v3, vm0, $0xb8;
	[tilespmem:$0x1E100] =	vst v63  }
0x1ea: {  	s15 =	simm.s32 $0x7900  }
0x1eb: {  	[tilespmem:s15], [sflag:$0x1] =	stream.indirect_vreg.gather [hbm4b:s7+s8], $0x80, v3, vm0, $0xb8;
	[tilespmem:$0x1E100] =	vst v63  }
0x1ec: {  	s16 =	rddreg [dreg:$0xb];
	s10 =	simm.s32 $0x18100  }
0x1ed: {  	[tilespmem:s10], [sflag:$0x4] =	stream.linear.gather [hbm4b:s16+s8], $0x2000, $0x38;
	[tilespmem:$0x1E100] =	vst v63  }
0x1ee: {  	_ =	swait.ge [sflag:s24], $0x8000  }
0x1ef: {  	[sflag:s24] =	ssyncset.done $0x0  }
0x1f0: {  	[sflag:s24] =	ssyncadd.s32 $0xFFFF8000  }
0x1f1: {  	_ =	swait.ge [sflag:s28], $0x2000  }
0x1f2: {  	[sflag:s28] =	ssyncset.done $0x0  }
0x1f3: {  	s9 =	simm.s32 $0x0;
	[sflag:s28] =	ssyncadd.s32 $0xFFFFE000  }
.LBB2_10:
0x1f4: {  	s11 =	sshra.s32 s8, $0x2  }
0x1f5: {  	v4 =	vld [tilespmem:s11+$0x16170]  }
0x1f6: {  	v5 =	vld [tilespmem:s11+$0x10100]  }
0x1f7: {  	v3 =	vld [tilespmem:s11+$0x1C170]  }
0x1f8: {  	v6 =	vld [tilespmem:s11+$0x12100]  }
0x1f9: {  	v7 =	vld [tilespmem:s11+$0x14100]  }
0x1fa: {  	v8 =	vld [tilespmem:s11+$0x16100]  }
0x1fb: {  	v9 =	vld [tilespmem:s11+$0x10110]  }
0x1fc: {  	v10 =	vld [tilespmem:s11+$0x12110]  }
0x1fd: {  	v11 =	vld [tilespmem:s11+$0x14110]  }
0x1fe: {  	v12 =	vld [tilespmem:s11+$0x16110]  }
0x1ff: {  	v13 =	vld [tilespmem:s11+$0x10120]  }
0x200: {  	v14 =	vld [tilespmem:s11+$0x12120]  }
0x201: {  	v15 =	vld [tilespmem:s11+$0x14120]  }
0x202: {  	v16 =	vld [tilespmem:s11+$0x16120]  }
0x203: {  	v17 =	vld [tilespmem:s11+$0x10130]  }
0x204: {  	v18 =	vld [tilespmem:s11+$0x12130]  }
0x205: {  	v19 =	vld [tilespmem:s11+$0x14130]  }
0x206: {  	v20 =	vld [tilespmem:s11+$0x16130]  }
0x207: {  	v22 =	vld [tilespmem:s11+$0x10140]  }
0x208: {  	v23 =	vld [tilespmem:s11+$0x12140]  }
0x209: {  	v25 =	vld [tilespmem:s11+$0x14140]  }
0x20a: {  	v26 =	vld [tilespmem:s11+$0x16140]  }
0x20b: {  	v27 =	vld [tilespmem:s11+$0x10150]  }
0x20c: {  	v28 =	vld [tilespmem:s11+$0x12150];
	v21 =	vmul.f32 $3.200000000e+01, v4;
	v32 =	vmul.f32 $3.200000000e+01, v5  }
0x20d: {  	v29 =	vld [tilespmem:s11+$0x14150];
	v33 =	vmul.f32 $3.200000000e+01, v6;
	v4 =	vmul.f32 $3.200000000e+01, v7  }
0x20e: {  	v30 =	vld [tilespmem:s11+$0x16150];
	v6 =	vmul.f32 $3.200000000e+01, v8;
	v5 =	vmul.f32 $3.200000000e+01, v9  }
0x20f: {  	v31 =	vld [tilespmem:s11+$0x10160];
	v7 =	vmul.f32 $3.200000000e+01, v10;
	v8 =	vmul.f32 $3.200000000e+01, v11  }
0x210: {  	v34 =	vld [tilespmem:s11+$0x12160];
	v9 =	vmul.f32 $3.200000000e+01, v12;
	v10 =	vmul.f32 $3.200000000e+01, v13  }
0x211: {  	v35 =	vld [tilespmem:s11+$0x14160];
	v11 =	vmul.f32 $3.200000000e+01, v14;
	v12 =	vmul.f32 $3.200000000e+01, v15  }
0x212: {  	v40 =	vld [tilespmem:s11+$0x10170];
	v13 =	vmul.f32 $3.200000000e+01, v16;
	v14 =	vmul.f32 $3.200000000e+01, v17  }
0x213: {  	v39 =	vld [tilespmem:s11+$0x16160];
	v18 =	vmul.f32 $3.200000000e+01, v18;
	v16 =	vmul.f32 $3.200000000e+01, v19  }
0x214: {  	v42 =	vld [tilespmem:s11+$0x14170];
	v19 =	vmul.f32 $3.200000000e+01, v22;
	v24 =	vmul.f32 $3.200000000e+01, v23  }
0x215: {  	v38 =	vld [tilespmem:s11+$0x1C100];
	v22 =	vmul.f32 $3.200000000e+01, v25;
	v15 =	vmul.f32 $3.200000000e+01, v26  }
0x216: {  	v41 =	vld [tilespmem:s11+$0x12170];
	v23 =	vmul.f32 $3.200000000e+01, v27;
	v17 =	vmul.f32 $3.200000000e+01, v28  }
0x217: {  	v37 =	vld [tilespmem:s11+$0x1C110];
	v28 =	vmul.f32 $3.200000000e+01, v31;
	v31 =	vmul.f32 $3.200000000e+01, v40  }
0x218: {  	v36 =	vld [tilespmem:s11+$0x1C120];
	v25 =	vmul.f32 $3.200000000e+01, v29;
	v26 =	vmul.f32 $3.200000000e+01, v34;
	v21 =	vadd.f32 v21, v3  }
0x219: {  	v29 =	vmul.f32 $3.200000000e+01, v35;
	v35 =	vld [tilespmem:s11+$0x1C130];
	v27 =	vmul.f32 $3.200000000e+01, v39;
	v39 =	vadd.f32 v31, v3  }
0x21a: {  	v34 =	vld [tilespmem:s11+$0x1C140];
	v31 =	vmul.f32 $3.200000000e+01, v42;
	v40 =	vadd.f32 v32, v38;
	[tilespmem:s11+$0x16170] =	vst v21;
	v21 =	vmul.f32 $3.200000000e+01, v20  }
0x21b: {  	s10 =	simm.s32 $0x0;
	s15 =	sadd.s32 $0x1000, s8;
	v32 =	vadd.f32 v33, v38;
	v33 =	vld [tilespmem:s11+$0x1C150];
	v20 =	vmul.f32 $3.200000000e+01, v30;
	v30 =	vmul.f32 $3.200000000e+01, v41  }
.LBB2_11:
0x21c: {  	s16 =	sshra.s32 s15, $0x2;
	s10 =	sadd.s32 $0x80, s10;
	v4 =	vadd.f32 v4, v38;
	v6 =	vadd.f32 v6, v38;
	v38 =	vld [tilespmem:s11+$0x1C160];
	[tilespmem:s11+$0x10170] =	vst v39  }
0x21d: {  	v5 =	vadd.f32 v5, v37;
	v7 =	vadd.f32 v7, v37;
	v39 =	vld [tilespmem:s16+$0x16170];
	p0 =	slt.u32 s10, $0x380;
	[tilespmem:s11+$0x10100] =	vst v40  }
0x21e: {  	v8 =	vadd.f32 v8, v37;
	v9 =	vadd.f32 v9, v37;
	v40 =	vld [tilespmem:s16+$0x10100];
	[tilespmem:s11+$0x12100] =	vst v32  }
0x21f: {  	v37 =	vld [tilespmem:s16+$0x1C170];
	[tilespmem:s11+$0x14100] =	vst v4;
	v4 =	vadd.f32 v10, v36;
	v10 =	vadd.f32 v11, v36  }
0x220: {  	v12 =	vadd.f32 v12, v36;
	v13 =	vadd.f32 v13, v36;
	v11 =	vld [tilespmem:s16+$0x12100];
	[tilespmem:s11+$0x16100] =	vst v6  }
0x221: {  	v14 =	vadd.f32 v14, v35;
	v18 =	vadd.f32 v18, v35;
	v6 =	vld [tilespmem:s16+$0x14100];
	[tilespmem:s11+$0x10110] =	vst v5  }
0x222: {  	v16 =	vadd.f32 v16, v35;
	v21 =	vadd.f32 v21, v35;
	v5 =	vld [tilespmem:s16+$0x16100];
	v36 =	vmul.f32 $3.200000000e+01, v39;
	[tilespmem:s11+$0x12110] =	vst v7  }
0x223: {  	v19 =	vadd.f32 v19, v34;
	v24 =	vadd.f32 v24, v34;
	v32 =	vmul.f32 $3.200000000e+01, v40;
	v7 =	vld [tilespmem:s16+$0x10110];
	[tilespmem:s11+$0x14110] =	vst v8  }
0x224: {  	v22 =	vadd.f32 v22, v34;
	v8 =	vld [tilespmem:s16+$0x12110];
	v35 =	vadd.f32 v36, v37;
	[tilespmem:s11+$0x16110] =	vst v9  }
0x225: {  	v15 =	vadd.f32 v15, v34;
	v23 =	vadd.f32 v23, v33;
	v41 =	vmul.f32 $3.200000000e+01, v11;
	v9 =	vld [tilespmem:s16+$0x14110];
	[tilespmem:s11+$0x10120] =	vst v4  }
0x226: {  	v17 =	vadd.f32 v17, v33;
	v25 =	vadd.f32 v25, v33;
	v4 =	vmul.f32 $3.200000000e+01, v6;
	v11 =	vld [tilespmem:s16+$0x16110];
	[tilespmem:s16+$0x16170] =	vst v35  }
0x227: {  	v20 =	vadd.f32 v20, v33;
	v28 =	vadd.f32 v28, v38;
	v6 =	vmul.f32 $3.200000000e+01, v5;
	v34 =	vld [tilespmem:s16+$0x10120];
	[tilespmem:s11+$0x12120] =	vst v10  }
0x228: {  	v26 =	vadd.f32 v26, v38;
	v29 =	vadd.f32 v29, v38;
	v5 =	vmul.f32 $3.200000000e+01, v7;
	v33 =	vld [tilespmem:s16+$0x12120];
	[tilespmem:s11+$0x14120] =	vst v12  }
0x229: {  	v30 =	vadd.f32 v30, v3;
	v27 =	vadd.f32 v27, v38;
	v7 =	vmul.f32 $3.200000000e+01, v8;
	v12 =	vld [tilespmem:s16+$0x14120];
	[tilespmem:s11+$0x16120] =	vst v13  }
0x22a: {  	v31 =	vadd.f32 v31, v3;
	v3 =	vmov v37;
	v8 =	vmul.f32 $3.200000000e+01, v9;
	v13 =	vld [tilespmem:s16+$0x16120];
	[tilespmem:s11+$0x10130] =	vst v14  }
0x22b: {  	v9 =	vmul.f32 $3.200000000e+01, v11;
	v14 =	vld [tilespmem:s16+$0x10130];
	[tilespmem:s11+$0x12130] =	vst v18  }
0x22c: {  	v10 =	vmul.f32 $3.200000000e+01, v34;
	v18 =	vld [tilespmem:s16+$0x12130];
	[tilespmem:s11+$0x14130] =	vst v16  }
0x22d: {  	v11 =	vmul.f32 $3.200000000e+01, v33;
	v16 =	vld [tilespmem:s16+$0x14130];
	[tilespmem:s11+$0x16130] =	vst v21  }
0x22e: {  	v12 =	vmul.f32 $3.200000000e+01, v12;
	v21 =	vld [tilespmem:s16+$0x16130];
	[tilespmem:s11+$0x10140] =	vst v19  }
0x22f: {  	v13 =	vmul.f32 $3.200000000e+01, v13;
	v19 =	vld [tilespmem:s16+$0x10140];
	[tilespmem:s11+$0x12140] =	vst v24  }
0x230: {  	v14 =	vmul.f32 $3.200000000e+01, v14;
	v24 =	vld [tilespmem:s16+$0x12140];
	[tilespmem:s11+$0x14140] =	vst v22  }
0x231: {  	v18 =	vmul.f32 $3.200000000e+01, v18;
	v22 =	vld [tilespmem:s16+$0x14140];
	[tilespmem:s11+$0x16140] =	vst v15  }
0x232: {  	v16 =	vmul.f32 $3.200000000e+01, v16;
	v15 =	vld [tilespmem:s16+$0x16140];
	[tilespmem:s11+$0x10150] =	vst v23  }
0x233: {  	v21 =	vmul.f32 $3.200000000e+01, v21;
	v23 =	vld [tilespmem:s16+$0x10150];
	[tilespmem:s11+$0x12150] =	vst v17  }
0x234: {  	v19 =	vmul.f32 $3.200000000e+01, v19;
	v17 =	vld [tilespmem:s16+$0x12150];
	[tilespmem:s11+$0x14150] =	vst v25  }
0x235: {  	v24 =	vmul.f32 $3.200000000e+01, v24;
	v25 =	vld [tilespmem:s16+$0x14150];
	[tilespmem:s11+$0x16150] =	vst v20  }
0x236: {  	v22 =	vmul.f32 $3.200000000e+01, v22;
	v20 =	vld [tilespmem:s16+$0x16150];
	[tilespmem:s11+$0x10160] =	vst v28  }
0x237: {  	v15 =	vmul.f32 $3.200000000e+01, v15;
	v28 =	vld [tilespmem:s16+$0x10160];
	[tilespmem:s11+$0x12160] =	vst v26  }
0x238: {  	v23 =	vmul.f32 $3.200000000e+01, v23;
	v26 =	vld [tilespmem:s16+$0x12160];
	[tilespmem:s11+$0x14160] =	vst v29  }
0x239: {  	v17 =	vmul.f32 $3.200000000e+01, v17;
	v29 =	vld [tilespmem:s16+$0x14160];
	[tilespmem:s11+$0x16160] =	vst v27  }
0x23a: {  	v25 =	vmul.f32 $3.200000000e+01, v25;
	v27 =	vld [tilespmem:s16+$0x16160];
	[tilespmem:s11+$0x12170] =	vst v30  }
0x23b: {  	v20 =	vmul.f32 $3.200000000e+01, v20;
	v30 =	vld [tilespmem:s16+$0x10170];
	[tilespmem:s11+$0x14170] =	vst v31;
	s11 =	smov.u32 s16  }
0x23c: {  	v28 =	vmul.f32 $3.200000000e+01, v28;
	v31 =	vld [tilespmem:s11+$0x12170]  }
0x23d: {  	v26 =	vmul.f32 $3.200000000e+01, v26;
	v33 =	vld [tilespmem:s11+$0x14170]  }
0x23e: {  	v38 =	vld [tilespmem:s11+$0x1C100];
	v29 =	vmul.f32 $3.200000000e+01, v29  }
.Ltmp4:
0x23f: {  	v37 =	vld [tilespmem:s11+$0x1C110];
	v27 =	vmul.f32 $3.200000000e+01, v27;
	(pc) =	sbr.rel @p0 .LBB2_11-.Ltmp4, $4  }
0x240: {  	v36 =	vld [tilespmem:s11+$0x1C120];
	v39 =	vmul.f32 $3.200000000e+01, v30  }
0x241: {  	v35 =	vld [tilespmem:s11+$0x1C130];
	v30 =	vmul.f32 $3.200000000e+01, v31  }
0x242: {  	v34 =	vld [tilespmem:s11+$0x1C140];
	v39 =	vadd.f32 v39, v3;
	v31 =	vmul.f32 $3.200000000e+01, v33  }
0x243: {  	s15 =	sadd.s32 $0x1000, s15;
	v40 =	vadd.f32 v32, v38;
	v32 =	vadd.f32 v41, v38;
	v33 =	vld [tilespmem:s11+$0x1C150]  }
0x244: {  	[tilespmem:s11+$0x10170] =	vst v39  }
0x245: {  	v4 =	vadd.f32 v4, v38;
	[tilespmem:s11+$0x10100] =	vst v40  }
0x246: {  	v6 =	vadd.f32 v6, v38;
	[tilespmem:s11+$0x12100] =	vst v32  }
0x247: {  	v5 =	vadd.f32 v5, v37;
	[tilespmem:s11+$0x14100] =	vst v4  }
0x248: {  	v41 =	vadd.f32 v8, v37;
	[tilespmem:s11+$0x16100] =	vst v6  }
0x249: {  	v42 =	vadd.f32 v9, v37;
	[tilespmem:s11+$0x10110] =	vst v5  }
0x24a: {  	v63 =	vadd.f32 v30, v3;
	[tilespmem:s11+$0x14110] =	vst v41  }
0x24b: {  	v3 =	vadd.f32 v31, v3;
	[tilespmem:s11+$0x16110] =	vst v42  }
0x24c: {  	v40 =	vadd.f32 v7, v37;
	[tilespmem:s11+$0x12170] =	vst v63  }
0x24d: {  	v43 =	vadd.f32 v10, v36;
	[tilespmem:s11+$0x14170] =	vst v3  }
0x24e: {  	v44 =	vadd.f32 v11, v36;
	[tilespmem:s11+$0x12110] =	vst v40  }
0x24f: {  	v45 =	vadd.f32 v12, v36;
	[tilespmem:s11+$0x10120] =	vst v43  }
0x250: {  	v46 =	vadd.f32 v13, v36;
	[tilespmem:s11+$0x12120] =	vst v44  }
0x251: {  	v47 =	vadd.f32 v14, v35;
	[tilespmem:s11+$0x14120] =	vst v45  }
0x252: {  	v48 =	vadd.f32 v18, v35;
	[tilespmem:s11+$0x16120] =	vst v46  }
0x253: {  	v49 =	vadd.f32 v16, v35;
	[tilespmem:s11+$0x10130] =	vst v47  }
0x254: {  	v50 =	vadd.f32 v21, v35;
	[tilespmem:s11+$0x12130] =	vst v48  }
0x255: {  	v51 =	vadd.f32 v19, v34;
	[tilespmem:s11+$0x14130] =	vst v49  }
0x256: {  	v52 =	vadd.f32 v24, v34;
	[tilespmem:s11+$0x16130] =	vst v50  }
0x257: {  	v53 =	vadd.f32 v22, v34;
	[tilespmem:s11+$0x10140] =	vst v51  }
0x258: {  	v54 =	vld [tilespmem:s11+$0x1C160];
	v55 =	vadd.f32 v15, v34;
	[tilespmem:s11+$0x12140] =	vst v52  }
0x259: {  	v56 =	vadd.f32 v23, v33;
	[tilespmem:s11+$0x14140] =	vst v53  }
0x25a: {  	v57 =	vadd.f32 v17, v33;
	[tilespmem:s11+$0x16140] =	vst v55  }
0x25b: {  	v58 =	vadd.f32 v25, v33;
	[tilespmem:s11+$0x10150] =	vst v56  }
0x25c: {  	s9 =	sadd.s32 $0x1, s9;
	v59 =	vadd.f32 v20, v33;
	[tilespmem:s11+$0x12150] =	vst v57  }
0x25d: {  	p0 =	sne.s32 s9, $0x8;
	v60 =	vadd.f32 v28, v54;
	[tilespmem:s11+$0x14150] =	vst v58  }
.Ltmp5:
0x25e: {  	v61 =	vadd.f32 v26, v54;
	[tilespmem:s11+$0x16150] =	vst v59;
	(pc) =	sbr.rel @p0 .LBB2_10-.Ltmp5, $4  }
0x25f: {  	v62 =	vadd.f32 v29, v54;
	[tilespmem:s11+$0x10160] =	vst v60  }
0x260: {  	v5 =	vadd.f32 v27, v54;
	[tilespmem:s11+$0x12160] =	vst v61  }
0x261: {  	[tilespmem:s11+$0x14160] =	vst v62  }
0x262: {  	s8 =	sadd.s32 $0x200, s8;
	[tilespmem:s11+$0x16160] =	vst v5  }
0x263: {  	s8 =	simm.s32 $0x0;
	s9 =	rddreg [dreg:$0xc];
	s10 =	simm.s32 $0x10100  }
0x264: {  	[hbm4b:s9+s8] =	stream.linear.scatter [tilespmem:s10], [sflag:$0x9], $0x2000, $0x38;
	[tilespmem:$0x1E100] =	vst v63  }
0x265: {  	s15 =	rddreg [dreg:$0x1d];
	s16 =	simm.s32 $0x12100  }
0x266: {  	[hbm4b:s15+s8] =	stream.linear.scatter [tilespmem:s16], [sflag:$0x9], $0x2000, $0x38;
	[tilespmem:$0x1E100] =	vst v63  }
0x267: {  	s10 =	rddreg [dreg:$0x1e]  }
0x268: {  	[hbm4b:s10+s8] =	stream.linear.scatter [tilespmem:s18], [sflag:$0x9], $0x2000, $0x38;
	[tilespmem:$0x1E100] =	vst v63  }
0x269: {  	s11 =	rddreg [dreg:$0x1f]  }
0x26a: {  	[hbm4b:s11+s8] =	stream.linear.scatter [tilespmem:s19], [sflag:$0x9], $0x2000, $0x38;
	[tilespmem:$0x1E100] =	vst v63  }
0x26b: {  	_ =	swait.ge [sflag:s29], $0x2000  }
0x26c: {  	[sflag:s29] =	ssyncset.done $0x0  }
0x26d: {  	[sflag:s29] =	ssyncadd.s32 $0xFFFFE000  }
0x26e: {  	_ =	swait.ge [sflag:s29], $0x2000  }
0x26f: {  	[sflag:s29] =	ssyncset.done $0x0  }
0x270: {  	[sflag:s29] =	ssyncadd.s32 $0xFFFFE000  }
0x271: {  	_ =	swait.ge [sflag:s29], $0x2000  }
0x272: {  	[sflag:s29] =	ssyncset.done $0x0  }
0x273: {  	[sflag:s29] =	ssyncadd.s32 $0xFFFFE000  }
0x274: {  	_ =	swait.ge [sflag:s29], $0x2000  }
0x275: {  	[sflag:s29] =	ssyncset.done $0x0  }
0x276: {  	[sflag:s29] =	ssyncadd.s32 $0xFFFFE000  }
0x277: {  	v3 =	vld [tilespmem:$0x80];
	_ =	sdelay $0x4  }
0x278: {  	v4 =	vshll.u32 v3, $0x3  }
0x279: {  	v3 =	vand.u32 $0x7, v3;
	v4 =	vand.u32 $0xFFFFFFC0, v4  }
0x27a: {  	v3 =	vor.u32 v3, v4  }
0x27b: {  	v4 =	vperm.xlane v3, v0;
	_ =	sdelay $0x1  }
0x27c: {  	v4 =	vadd.s32 v1, v4;
	_ =	sdelay $0x4  }
0x27d: {  	[tilespmem:s17], [sflag:$0x2] =	stream.indirect_vreg.gather [hbm4b:s1+s8], $0x80, v4, vm0, $0xb8;
	[tilespmem:$0x1E100] =	vst v63  }
0x27e: {  	s15 =	simm.s32 $0x8900;
	v3 =	vperm.xlane v3, v2  }
0x27f: {  	[tilespmem:s15], [sflag:$0x2] =	stream.indirect_vreg.gather [hbm4b:s5+s8], $0x80, v4, vm0, $0xb8;
	[tilespmem:$0x1E100] =	vst v63  }
0x280: {  	s16 =	simm.s32 $0x9100;
	v3 =	vadd.s32 v1, v3  }
0x281: {  	[tilespmem:s16], [sflag:$0x2] =	stream.indirect_vreg.gather [hbm4b:s6+s8], $0x80, v4, vm0, $0xb8;
	[tilespmem:$0x1E100] =	vst v63  }
0x282: {  	s10 =	simm.s32 $0x9900  }
0x283: {  	[tilespmem:s10], [sflag:$0x2] =	stream.indirect_vreg.gather [hbm4b:s7+s8], $0x80, v4, vm0, $0xb8;
	[tilespmem:$0x1E100] =	vst v63  }
0x284: {  	_ = 	snop  }
0x285: {  	[tilespmem:s21], [sflag:$0x2] =	stream.indirect_vreg.gather [hbm4b:s1+s8], $0x80, v3, vm0, $0xb8;
	[tilespmem:$0x1E100] =	vst v63  }
0x286: {  	s11 =	simm.s32 $0xA900  }
0x287: {  	[tilespmem:s11], [sflag:$0x2] =	stream.indirect_vreg.gather [hbm4b:s5+s8], $0x80, v3, vm0, $0xb8;
	[tilespmem:$0x1E100] =	vst v63  }
0x288: {  	s15 =	simm.s32 $0xB100  }
0x289: {  	[tilespmem:s15], [sflag:$0x2] =	stream.indirect_vreg.gather [hbm4b:s6+s8], $0x80, v3, vm0, $0xb8;
	[tilespmem:$0x1E100] =	vst v63  }
0x28a: {  	s16 =	simm.s32 $0xB900  }
0x28b: {  	[tilespmem:s16], [sflag:$0x2] =	stream.indirect_vreg.gather [hbm4b:s7+s8], $0x80, v3, vm0, $0xb8;
	[tilespmem:$0x1E100] =	vst v63  }
0x28c: {  	v3 =	vld [tilespmem:$0x90];
	_ =	sdelay $0x4  }
0x28d: {  	v63 =	vshll.u32 v3, $0x3  }
0x28e: {  	v3 =	vand.u32 $0x7, v3;
	v4 =	vand.u32 $0xFFFFFFC0, v63  }
0x28f: {  	v3 =	vor.u32 v3, v4  }
0x290: {  	v4 =	vperm.xlane v3, v0;
	_ =	sdelay $0x1  }
0x291: {  	v4 =	vadd.s32 v1, v4;
	_ =	sdelay $0x4  }
0x292: {  	[tilespmem:s26], [sflag:$0x2] =	stream.indirect_vreg.gather [hbm4b:s1+s8], $0x80, v4, vm0, $0xb8;
	[tilespmem:$0x1E100] =	vst v63  }
0x293: {  	s10 =	simm.s32 $0xC900;
	v3 =	vperm.xlane v3, v2  }
0x294: {  	[tilespmem:s10], [sflag:$0x2] =	stream.indirect_vreg.gather [hbm4b:s5+s8], $0x80, v4, vm0, $0xb8;
	[tilespmem:$0x1E100] =	vst v63  }
0x295: {  	s11 =	simm.s32 $0xD100;
	v3 =	vadd.s32 v1, v3  }
0x296: {  	[tilespmem:s11], [sflag:$0x2] =	stream.indirect_vreg.gather [hbm4b:s6+s8], $0x80, v4, vm0, $0xb8;
	[tilespmem:$0x1E100] =	vst v63  }
0x297: {  	s15 =	simm.s32 $0xD900  }
0x298: {  	[tilespmem:s15], [sflag:$0x2] =	stream.indirect_vreg.gather [hbm4b:s7+s8], $0x80, v4, vm0, $0xb8;
	[tilespmem:$0x1E100] =	vst v63  }
0x299: {  	_ = 	snop  }
0x29a: {  	[tilespmem:s0], [sflag:$0x2] =	stream.indirect_vreg.gather [hbm4b:s1+s8], $0x80, v3, vm0, $0xb8;
	[tilespmem:$0x1E100] =	vst v63  }
0x29b: {  	s16 =	simm.s32 $0xE900  }
0x29c: {  	[tilespmem:s16], [sflag:$0x2] =	stream.indirect_vreg.gather [hbm4b:s5+s8], $0x80, v3, vm0, $0xb8;
	[tilespmem:$0x1E100] =	vst v63  }
0x29d: {  	s10 =	simm.s32 $0xF100  }
0x29e: {  	[tilespmem:s10], [sflag:$0x2] =	stream.indirect_vreg.gather [hbm4b:s6+s8], $0x80, v3, vm0, $0xb8;
	[tilespmem:$0x1E100] =	vst v63  }
0x29f: {  	s11 =	simm.s32 $0xF900  }
0x2a0: {  	[tilespmem:s11], [sflag:$0x2] =	stream.indirect_vreg.gather [hbm4b:s7+s8], $0x80, v3, vm0, $0xb8;
	[tilespmem:$0x1E100] =	vst v63  }
0x2a1: {  	s15 =	rddreg [dreg:$0xd];
	s16 =	simm.s32 $0x1A100  }
0x2a2: {  	[tilespmem:s16], [sflag:$0x5] =	stream.linear.gather [hbm4b:s15+s8], $0x2000, $0x38;
	[tilespmem:$0x1E100] =	vst v63  }
0x2a3: {  	_ =	swait.ge [sflag:s13], $0x8000  }
0x2a4: {  	[sflag:s13] =	ssyncset.done $0x0  }
0x2a5: {  	[sflag:s13] =	ssyncadd.s32 $0xFFFF8000  }
0x2a6: {  	_ =	swait.ge [sflag:s14], $0x2000  }
0x2a7: {  	[sflag:s14] =	ssyncset.done $0x0  }
0x2a8: {  	s9 =	simm.s32 $0x0;
	[sflag:s14] =	ssyncadd.s32 $0xFFFFE000  }
.LBB2_14:
0x2a9: {  	s11 =	sshra.s32 s8, $0x2  }
0x2aa: {  	v4 =	vld [tilespmem:s11+$0x6170]  }
0x2ab: {  	v5 =	vld [tilespmem:s11+$0x100]  }
0x2ac: {  	v3 =	vld [tilespmem:s11+$0x18170]  }
0x2ad: {  	v6 =	vld [tilespmem:s11+$0x2100]  }
0x2ae: {  	v7 =	vld [tilespmem:s11+$0x4100]  }
0x2af: {  	v8 =	vld [tilespmem:s11+$0x6100]  }
0x2b0: {  	v9 =	vld [tilespmem:s11+$0x110]  }
0x2b1: {  	v10 =	vld [tilespmem:s11+$0x2110]  }
0x2b2: {  	v11 =	vld [tilespmem:s11+$0x4110]  }
0x2b3: {  	v12 =	vld [tilespmem:s11+$0x6110]  }
0x2b4: {  	v13 =	vld [tilespmem:s11+$0x120]  }
0x2b5: {  	v14 =	vld [tilespmem:s11+$0x2120]  }
0x2b6: {  	v15 =	vld [tilespmem:s11+$0x4120]  }
0x2b7: {  	v16 =	vld [tilespmem:s11+$0x6120]  }
0x2b8: {  	v17 =	vld [tilespmem:s11+$0x130]  }
0x2b9: {  	v18 =	vld [tilespmem:s11+$0x2130]  }
0x2ba: {  	v19 =	vld [tilespmem:s11+$0x4130]  }
0x2bb: {  	v20 =	vld [tilespmem:s11+$0x6130]  }
0x2bc: {  	v22 =	vld [tilespmem:s11+$0x140]  }
0x2bd: {  	v23 =	vld [tilespmem:s11+$0x2140]  }
0x2be: {  	v25 =	vld [tilespmem:s11+$0x4140]  }
0x2bf: {  	v26 =	vld [tilespmem:s11+$0x6140]  }
0x2c0: {  	v27 =	vld [tilespmem:s11+$0x150]  }
0x2c1: {  	v28 =	vld [tilespmem:s11+$0x2150];
	v21 =	vmul.f32 $3.200000000e+01, v4;
	v32 =	vmul.f32 $3.200000000e+01, v5  }
0x2c2: {  	v29 =	vld [tilespmem:s11+$0x4150];
	v33 =	vmul.f32 $3.200000000e+01, v6;
	v4 =	vmul.f32 $3.200000000e+01, v7  }
0x2c3: {  	v30 =	vld [tilespmem:s11+$0x6150];
	v6 =	vmul.f32 $3.200000000e+01, v8;
	v5 =	vmul.f32 $3.200000000e+01, v9  }
0x2c4: {  	v31 =	vld [tilespmem:s11+$0x160];
	v7 =	vmul.f32 $3.200000000e+01, v10;
	v8 =	vmul.f32 $3.200000000e+01, v11  }
0x2c5: {  	v34 =	vld [tilespmem:s11+$0x2160];
	v9 =	vmul.f32 $3.200000000e+01, v12;
	v10 =	vmul.f32 $3.200000000e+01, v13  }
0x2c6: {  	v35 =	vld [tilespmem:s11+$0x4160];
	v11 =	vmul.f32 $3.200000000e+01, v14;
	v12 =	vmul.f32 $3.200000000e+01, v15  }
0x2c7: {  	v40 =	vld [tilespmem:s11+$0x170];
	v13 =	vmul.f32 $3.200000000e+01, v16;
	v14 =	vmul.f32 $3.200000000e+01, v17  }
0x2c8: {  	v39 =	vld [tilespmem:s11+$0x6160];
	v18 =	vmul.f32 $3.200000000e+01, v18;
	v16 =	vmul.f32 $3.200000000e+01, v19  }
0x2c9: {  	v42 =	vld [tilespmem:s11+$0x4170];
	v19 =	vmul.f32 $3.200000000e+01, v22;
	v24 =	vmul.f32 $3.200000000e+01, v23  }
0x2ca: {  	v38 =	vld [tilespmem:s11+$0x18100];
	v22 =	vmul.f32 $3.200000000e+01, v25;
	v15 =	vmul.f32 $3.200000000e+01, v26  }
0x2cb: {  	v41 =	vld [tilespmem:s11+$0x2170];
	v23 =	vmul.f32 $3.200000000e+01, v27;
	v17 =	vmul.f32 $3.200000000e+01, v28  }
0x2cc: {  	v37 =	vld [tilespmem:s11+$0x18110];
	v28 =	vmul.f32 $3.200000000e+01, v31;
	v31 =	vmul.f32 $3.200000000e+01, v40  }
0x2cd: {  	v36 =	vld [tilespmem:s11+$0x18120];
	v25 =	vmul.f32 $3.200000000e+01, v29;
	v26 =	vmul.f32 $3.200000000e+01, v34;
	v21 =	vadd.f32 v21, v3  }
0x2ce: {  	v29 =	vmul.f32 $3.200000000e+01, v35;
	v35 =	vld [tilespmem:s11+$0x18130];
	v27 =	vmul.f32 $3.200000000e+01, v39;
	v39 =	vadd.f32 v31, v3  }
0x2cf: {  	v34 =	vld [tilespmem:s11+$0x18140];
	v31 =	vmul.f32 $3.200000000e+01, v42;
	v40 =	vadd.f32 v32, v38;
	[tilespmem:s11+$0x6170] =	vst v21;
	v21 =	vmul.f32 $3.200000000e+01, v20  }
0x2d0: {  	s10 =	simm.s32 $0x0;
	s15 =	sadd.s32 $0x1000, s8;
	v32 =	vadd.f32 v33, v38;
	v33 =	vld [tilespmem:s11+$0x18150];
	v20 =	vmul.f32 $3.200000000e+01, v30;
	v30 =	vmul.f32 $3.200000000e+01, v41  }
.LBB2_15:
0x2d1: {  	s16 =	sshra.s32 s15, $0x2;
	s10 =	sadd.s32 $0x80, s10;
	v4 =	vadd.f32 v4, v38;
	v6 =	vadd.f32 v6, v38;
	v38 =	vld [tilespmem:s11+$0x18160];
	[tilespmem:s11+$0x170] =	vst v39  }
0x2d2: {  	v5 =	vadd.f32 v5, v37;
	v7 =	vadd.f32 v7, v37;
	v39 =	vld [tilespmem:s16+$0x6170];
	p0 =	slt.u32 s10, $0x380;
	[tilespmem:s11+$0x100] =	vst v40  }
0x2d3: {  	v8 =	vadd.f32 v8, v37;
	v9 =	vadd.f32 v9, v37;
	v40 =	vld [tilespmem:s16+$0x100];
	[tilespmem:s11+$0x2100] =	vst v32  }
0x2d4: {  	v37 =	vld [tilespmem:s16+$0x18170];
	[tilespmem:s11+$0x4100] =	vst v4;
	v4 =	vadd.f32 v10, v36;
	v10 =	vadd.f32 v11, v36  }
0x2d5: {  	v12 =	vadd.f32 v12, v36;
	v13 =	vadd.f32 v13, v36;
	v11 =	vld [tilespmem:s16+$0x2100];
	[tilespmem:s11+$0x6100] =	vst v6  }
0x2d6: {  	v14 =	vadd.f32 v14, v35;
	v18 =	vadd.f32 v18, v35;
	v6 =	vld [tilespmem:s16+$0x4100];
	[tilespmem:s11+$0x110] =	vst v5  }
0x2d7: {  	v16 =	vadd.f32 v16, v35;
	v21 =	vadd.f32 v21, v35;
	v5 =	vld [tilespmem:s16+$0x6100];
	v36 =	vmul.f32 $3.200000000e+01, v39;
	[tilespmem:s11+$0x2110] =	vst v7  }
0x2d8: {  	v19 =	vadd.f32 v19, v34;
	v24 =	vadd.f32 v24, v34;
	v32 =	vmul.f32 $3.200000000e+01, v40;
	v7 =	vld [tilespmem:s16+$0x110];
	[tilespmem:s11+$0x4110] =	vst v8  }
0x2d9: {  	v22 =	vadd.f32 v22, v34;
	v8 =	vld [tilespmem:s16+$0x2110];
	v35 =	vadd.f32 v36, v37;
	[tilespmem:s11+$0x6110] =	vst v9  }
0x2da: {  	v15 =	vadd.f32 v15, v34;
	v23 =	vadd.f32 v23, v33;
	v41 =	vmul.f32 $3.200000000e+01, v11;
	v9 =	vld [tilespmem:s16+$0x4110];
	[tilespmem:s11+$0x120] =	vst v4  }
0x2db: {  	v17 =	vadd.f32 v17, v33;
	v25 =	vadd.f32 v25, v33;
	v4 =	vmul.f32 $3.200000000e+01, v6;
	v11 =	vld [tilespmem:s16+$0x6110];
	[tilespmem:s16+$0x6170] =	vst v35  }
0x2dc: {  	v20 =	vadd.f32 v20, v33;
	v28 =	vadd.f32 v28, v38;
	v6 =	vmul.f32 $3.200000000e+01, v5;
	v34 =	vld [tilespmem:s16+$0x120];
	[tilespmem:s11+$0x2120] =	vst v10  }
0x2dd: {  	v26 =	vadd.f32 v26, v38;
	v29 =	vadd.f32 v29, v38;
	v5 =	vmul.f32 $3.200000000e+01, v7;
	v33 =	vld [tilespmem:s16+$0x2120];
	[tilespmem:s11+$0x4120] =	vst v12  }
0x2de: {  	v30 =	vadd.f32 v30, v3;
	v27 =	vadd.f32 v27, v38;
	v7 =	vmul.f32 $3.200000000e+01, v8;
	v12 =	vld [tilespmem:s16+$0x4120];
	[tilespmem:s11+$0x6120] =	vst v13  }
0x2df: {  	v31 =	vadd.f32 v31, v3;
	v3 =	vmov v37;
	v8 =	vmul.f32 $3.200000000e+01, v9;
	v13 =	vld [tilespmem:s16+$0x6120];
	[tilespmem:s11+$0x130] =	vst v14  }
0x2e0: {  	v9 =	vmul.f32 $3.200000000e+01, v11;
	v14 =	vld [tilespmem:s16+$0x130];
	[tilespmem:s11+$0x2130] =	vst v18  }
0x2e1: {  	v10 =	vmul.f32 $3.200000000e+01, v34;
	v18 =	vld [tilespmem:s16+$0x2130];
	[tilespmem:s11+$0x4130] =	vst v16  }
0x2e2: {  	v11 =	vmul.f32 $3.200000000e+01, v33;
	v16 =	vld [tilespmem:s16+$0x4130];
	[tilespmem:s11+$0x6130] =	vst v21  }
0x2e3: {  	v12 =	vmul.f32 $3.200000000e+01, v12;
	v21 =	vld [tilespmem:s16+$0x6130];
	[tilespmem:s11+$0x140] =	vst v19  }
0x2e4: {  	v13 =	vmul.f32 $3.200000000e+01, v13;
	v19 =	vld [tilespmem:s16+$0x140];
	[tilespmem:s11+$0x2140] =	vst v24  }
0x2e5: {  	v14 =	vmul.f32 $3.200000000e+01, v14;
	v24 =	vld [tilespmem:s16+$0x2140];
	[tilespmem:s11+$0x4140] =	vst v22  }
0x2e6: {  	v18 =	vmul.f32 $3.200000000e+01, v18;
	v22 =	vld [tilespmem:s16+$0x4140];
	[tilespmem:s11+$0x6140] =	vst v15  }
0x2e7: {  	v16 =	vmul.f32 $3.200000000e+01, v16;
	v15 =	vld [tilespmem:s16+$0x6140];
	[tilespmem:s11+$0x150] =	vst v23  }
0x2e8: {  	v21 =	vmul.f32 $3.200000000e+01, v21;
	v23 =	vld [tilespmem:s16+$0x150];
	[tilespmem:s11+$0x2150] =	vst v17  }
0x2e9: {  	v19 =	vmul.f32 $3.200000000e+01, v19;
	v17 =	vld [tilespmem:s16+$0x2150];
	[tilespmem:s11+$0x4150] =	vst v25  }
0x2ea: {  	v24 =	vmul.f32 $3.200000000e+01, v24;
	v25 =	vld [tilespmem:s16+$0x4150];
	[tilespmem:s11+$0x6150] =	vst v20  }
0x2eb: {  	v22 =	vmul.f32 $3.200000000e+01, v22;
	v20 =	vld [tilespmem:s16+$0x6150];
	[tilespmem:s11+$0x160] =	vst v28  }
0x2ec: {  	v15 =	vmul.f32 $3.200000000e+01, v15;
	v28 =	vld [tilespmem:s16+$0x160];
	[tilespmem:s11+$0x2160] =	vst v26  }
0x2ed: {  	v23 =	vmul.f32 $3.200000000e+01, v23;
	v26 =	vld [tilespmem:s16+$0x2160];
	[tilespmem:s11+$0x4160] =	vst v29  }
0x2ee: {  	v17 =	vmul.f32 $3.200000000e+01, v17;
	v29 =	vld [tilespmem:s16+$0x4160];
	[tilespmem:s11+$0x6160] =	vst v27  }
0x2ef: {  	v25 =	vmul.f32 $3.200000000e+01, v25;
	v27 =	vld [tilespmem:s16+$0x6160];
	[tilespmem:s11+$0x2170] =	vst v30  }
0x2f0: {  	v20 =	vmul.f32 $3.200000000e+01, v20;
	v30 =	vld [tilespmem:s16+$0x170];
	[tilespmem:s11+$0x4170] =	vst v31;
	s11 =	smov.u32 s16  }
0x2f1: {  	v28 =	vmul.f32 $3.200000000e+01, v28;
	v31 =	vld [tilespmem:s11+$0x2170]  }
0x2f2: {  	v26 =	vmul.f32 $3.200000000e+01, v26;
	v33 =	vld [tilespmem:s11+$0x4170]  }
0x2f3: {  	v38 =	vld [tilespmem:s11+$0x18100];
	v29 =	vmul.f32 $3.200000000e+01, v29  }
.Ltmp6:
0x2f4: {  	v37 =	vld [tilespmem:s11+$0x18110];
	v27 =	vmul.f32 $3.200000000e+01, v27;
	(pc) =	sbr.rel @p0 .LBB2_15-.Ltmp6, $4  }
0x2f5: {  	v36 =	vld [tilespmem:s11+$0x18120];
	v39 =	vmul.f32 $3.200000000e+01, v30  }
0x2f6: {  	v35 =	vld [tilespmem:s11+$0x18130];
	v30 =	vmul.f32 $3.200000000e+01, v31  }
0x2f7: {  	v34 =	vld [tilespmem:s11+$0x18140];
	v39 =	vadd.f32 v39, v3;
	v31 =	vmul.f32 $3.200000000e+01, v33  }
0x2f8: {  	s15 =	sadd.s32 $0x1000, s15;
	v40 =	vadd.f32 v32, v38;
	v32 =	vadd.f32 v41, v38;
	v33 =	vld [tilespmem:s11+$0x18150]  }
0x2f9: {  	[tilespmem:s11+$0x170] =	vst v39  }
0x2fa: {  	v4 =	vadd.f32 v4, v38;
	[tilespmem:s11+$0x100] =	vst v40  }
0x2fb: {  	v6 =	vadd.f32 v6, v38;
	[tilespmem:s11+$0x2100] =	vst v32  }
0x2fc: {  	v5 =	vadd.f32 v5, v37;
	[tilespmem:s11+$0x4100] =	vst v4  }
0x2fd: {  	v41 =	vadd.f32 v8, v37;
	[tilespmem:s11+$0x6100] =	vst v6  }
0x2fe: {  	v42 =	vadd.f32 v9, v37;
	[tilespmem:s11+$0x110] =	vst v5  }
0x2ff: {  	v63 =	vadd.f32 v30, v3;
	[tilespmem:s11+$0x4110] =	vst v41  }
0x300: {  	v3 =	vadd.f32 v31, v3;
	[tilespmem:s11+$0x6110] =	vst v42  }
0x301: {  	v40 =	vadd.f32 v7, v37;
	[tilespmem:s11+$0x2170] =	vst v63  }
0x302: {  	v43 =	vadd.f32 v10, v36;
	[tilespmem:s11+$0x4170] =	vst v3  }
0x303: {  	v44 =	vadd.f32 v11, v36;
	[tilespmem:s11+$0x2110] =	vst v40  }
0x304: {  	v45 =	vadd.f32 v12, v36;
	[tilespmem:s11+$0x120] =	vst v43  }
0x305: {  	v46 =	vadd.f32 v13, v36;
	[tilespmem:s11+$0x2120] =	vst v44  }
0x306: {  	v47 =	vadd.f32 v14, v35;
	[tilespmem:s11+$0x4120] =	vst v45  }
0x307: {  	v48 =	vadd.f32 v18, v35;
	[tilespmem:s11+$0x6120] =	vst v46  }
0x308: {  	v49 =	vadd.f32 v16, v35;
	[tilespmem:s11+$0x130] =	vst v47  }
0x309: {  	v50 =	vadd.f32 v21, v35;
	[tilespmem:s11+$0x2130] =	vst v48  }
0x30a: {  	v51 =	vadd.f32 v19, v34;
	[tilespmem:s11+$0x4130] =	vst v49  }
0x30b: {  	v52 =	vadd.f32 v24, v34;
	[tilespmem:s11+$0x6130] =	vst v50  }
0x30c: {  	v53 =	vadd.f32 v22, v34;
	[tilespmem:s11+$0x140] =	vst v51  }
0x30d: {  	v54 =	vld [tilespmem:s11+$0x18160];
	v55 =	vadd.f32 v15, v34;
	[tilespmem:s11+$0x2140] =	vst v52  }
0x30e: {  	v56 =	vadd.f32 v23, v33;
	[tilespmem:s11+$0x4140] =	vst v53  }
0x30f: {  	v57 =	vadd.f32 v17, v33;
	[tilespmem:s11+$0x6140] =	vst v55  }
0x310: {  	v58 =	vadd.f32 v25, v33;
	[tilespmem:s11+$0x150] =	vst v56  }
0x311: {  	s9 =	sadd.s32 $0x1, s9;
	v59 =	vadd.f32 v20, v33;
	[tilespmem:s11+$0x2150] =	vst v57  }
0x312: {  	p0 =	sne.s32 s9, $0x8;
	v60 =	vadd.f32 v28, v54;
	[tilespmem:s11+$0x4150] =	vst v58  }
.Ltmp7:
0x313: {  	v61 =	vadd.f32 v26, v54;
	[tilespmem:s11+$0x6150] =	vst v59;
	(pc) =	sbr.rel @p0 .LBB2_14-.Ltmp7, $4  }
0x314: {  	v62 =	vadd.f32 v29, v54;
	[tilespmem:s11+$0x160] =	vst v60  }
0x315: {  	v5 =	vadd.f32 v27, v54;
	[tilespmem:s11+$0x2160] =	vst v61  }
0x316: {  	[tilespmem:s11+$0x4160] =	vst v62  }
0x317: {  	s8 =	sadd.s32 $0x200, s8;
	[tilespmem:s11+$0x6160] =	vst v5  }
0x318: {  	s9 =	rddreg [dreg:$0xe]  }
0x319: {  	s8 =	simm.s32 $0x0;
	s15 =	sld [smem:$0x7EF]  }
0x31a: {  	[hbm4b:s9+s8] =	stream.linear.scatter [tilespmem:s25], [sflag:$0x7], $0x2000, $0x38;
	[tilespmem:$0x1E100] =	vst v63  }
0x31b: {  	s16 =	sld [smem:$0x7F0]  }
0x31c: {  	[hbm4b:s15+s8] =	stream.linear.scatter [tilespmem:s30], [sflag:$0x7], $0x2000, $0x38;
	[tilespmem:$0x1E100] =	vst v63  }
0x31d: {  	s10 =	sld [smem:$0x7F1]  }
0x31e: {  	[hbm4b:s16+s8] =	stream.linear.scatter [tilespmem:s4], [sflag:$0x7], $0x2000, $0x38;
	[tilespmem:$0x1E100] =	vst v63  }
0x31f: {  	_ = 	snop  }
0x320: {  	[hbm4b:s10+s8] =	stream.linear.scatter [tilespmem:s12], [sflag:$0x7], $0x2000, $0x38;
	[tilespmem:$0x1E100] =	vst v63  }
0x321: {  	_ =	swait.ge [sflag:s31], $0x2000  }
0x322: {  	[sflag:s31] =	ssyncset.done $0x0  }
0x323: {  	[sflag:s31] =	ssyncadd.s32 $0xFFFFE000  }
0x324: {  	_ =	swait.ge [sflag:s31], $0x2000  }
0x325: {  	[sflag:s31] =	ssyncset.done $0x0  }
0x326: {  	[sflag:s31] =	ssyncadd.s32 $0xFFFFE000  }
0x327: {  	_ =	swait.ge [sflag:s31], $0x2000  }
0x328: {  	[sflag:s31] =	ssyncset.done $0x0  }
0x329: {  	[sflag:s31] =	ssyncadd.s32 $0xFFFFE000  }
0x32a: {  	_ =	swait.ge [sflag:s31], $0x2000  }
0x32b: {  	[sflag:s31] =	ssyncset.done $0x0  }
0x32c: {  	[sflag:s31] =	ssyncadd.s32 $0xFFFFE000  }
0x32d: {  	v3 =	vld [tilespmem:$0xA0];
	_ =	sdelay $0x4  }
0x32e: {  	v4 =	vshll.u32 v3, $0x3  }
0x32f: {  	v3 =	vand.u32 $0x7, v3;
	v4 =	vand.u32 $0xFFFFFFC0, v4  }
0x330: {  	v3 =	vor.u32 v3, v4  }
0x331: {  	v4 =	vperm.xlane v3, v0;
	_ =	sdelay $0x1  }
0x332: {  	v4 =	vadd.s32 v1, v4;
	_ =	sdelay $0x3  }
0x333: {  	s11 =	simm.s32 $0x10100  }
0x334: {  	[tilespmem:s11], [sflag:$0x3] =	stream.indirect_vreg.gather [hbm4b:s1+s8], $0x80, v4, vm0, $0xb8;
	[tilespmem:$0x1E100] =	vst v63  }
0x335: {  	s15 =	simm.s32 $0x10900;
	v3 =	vperm.xlane v3, v2  }
0x336: {  	[tilespmem:s15], [sflag:$0x3] =	stream.indirect_vreg.gather [hbm4b:s5+s8], $0x80, v4, vm0, $0xb8;
	[tilespmem:$0x1E100] =	vst v63  }
0x337: {  	s16 =	simm.s32 $0x11100;
	v3 =	vadd.s32 v1, v3  }
0x338: {  	[tilespmem:s16], [sflag:$0x3] =	stream.indirect_vreg.gather [hbm4b:s6+s8], $0x80, v4, vm0, $0xb8;
	[tilespmem:$0x1E100] =	vst v63  }
0x339: {  	s10 =	simm.s32 $0x11900  }
0x33a: {  	[tilespmem:s10], [sflag:$0x3] =	stream.indirect_vreg.gather [hbm4b:s7+s8], $0x80, v4, vm0, $0xb8;
	[tilespmem:$0x1E100] =	vst v63  }
0x33b: {  	s11 =	simm.s32 $0x12100  }
0x33c: {  	[tilespmem:s11], [sflag:$0x3] =	stream.indirect_vreg.gather [hbm4b:s1+s8], $0x80, v3, vm0, $0xb8;
	[tilespmem:$0x1E100] =	vst v63  }
0x33d: {  	s15 =	simm.s32 $0x12900  }
0x33e: {  	[tilespmem:s15], [sflag:$0x3] =	stream.indirect_vreg.gather [hbm4b:s5+s8], $0x80, v3, vm0, $0xb8;
	[tilespmem:$0x1E100] =	vst v63  }
0x33f: {  	s16 =	simm.s32 $0x13100  }
0x340: {  	[tilespmem:s16], [sflag:$0x3] =	stream.indirect_vreg.gather [hbm4b:s6+s8], $0x80, v3, vm0, $0xb8;
	[tilespmem:$0x1E100] =	vst v63  }
0x341: {  	s10 =	simm.s32 $0x13900  }
0x342: {  	[tilespmem:s10], [sflag:$0x3] =	stream.indirect_vreg.gather [hbm4b:s7+s8], $0x80, v3, vm0, $0xb8;
	[tilespmem:$0x1E100] =	vst v63  }
0x343: {  	v3 =	vld [tilespmem:$0xB0];
	_ =	sdelay $0x4  }
0x344: {  	v63 =	vshll.u32 v3, $0x3  }
0x345: {  	v3 =	vand.u32 $0x7, v3;
	v4 =	vand.u32 $0xFFFFFFC0, v63  }
0x346: {  	v3 =	vor.u32 v3, v4  }
0x347: {  	v4 =	vperm.xlane v3, v0;
	_ =	sdelay $0x1  }
0x348: {  	v4 =	vadd.s32 v1, v4;
	_ =	sdelay $0x4  }
0x349: {  	[tilespmem:s18], [sflag:$0x3] =	stream.indirect_vreg.gather [hbm4b:s1+s8], $0x80, v4, vm0, $0xb8;
	[tilespmem:$0x1E100] =	vst v63  }
0x34a: {  	s11 =	simm.s32 $0x14900;
	v3 =	vperm.xlane v3, v2  }
0x34b: {  	[tilespmem:s11], [sflag:$0x3] =	stream.indirect_vreg.gather [hbm4b:s5+s8], $0x80, v4, vm0, $0xb8;
	[tilespmem:$0x1E100] =	vst v63  }
0x34c: {  	s15 =	simm.s32 $0x15100;
	v3 =	vadd.s32 v1, v3  }
0x34d: {  	[tilespmem:s15], [sflag:$0x3] =	stream.indirect_vreg.gather [hbm4b:s6+s8], $0x80, v4, vm0, $0xb8;
	[tilespmem:$0x1E100] =	vst v63  }
0x34e: {  	s16 =	simm.s32 $0x15900  }
0x34f: {  	[tilespmem:s16], [sflag:$0x3] =	stream.indirect_vreg.gather [hbm4b:s7+s8], $0x80, v4, vm0, $0xb8;
	[tilespmem:$0x1E100] =	vst v63  }
0x350: {  	_ = 	snop  }
0x351: {  	[tilespmem:s19], [sflag:$0x3] =	stream.indirect_vreg.gather [hbm4b:s1+s8], $0x80, v3, vm0, $0xb8;
	[tilespmem:$0x1E100] =	vst v63  }
0x352: {  	s10 =	simm.s32 $0x16900  }
0x353: {  	[tilespmem:s10], [sflag:$0x3] =	stream.indirect_vreg.gather [hbm4b:s5+s8], $0x80, v3, vm0, $0xb8;
	[tilespmem:$0x1E100] =	vst v63  }
0x354: {  	s11 =	simm.s32 $0x17100  }
0x355: {  	[tilespmem:s11], [sflag:$0x3] =	stream.indirect_vreg.gather [hbm4b:s6+s8], $0x80, v3, vm0, $0xb8;
	[tilespmem:$0x1E100] =	vst v63  }
0x356: {  	s15 =	simm.s32 $0x17900  }
0x357: {  	[tilespmem:s15], [sflag:$0x3] =	stream.indirect_vreg.gather [hbm4b:s7+s8], $0x80, v3, vm0, $0xb8;
	[tilespmem:$0x1E100] =	vst v63  }
0x358: {  	s16 =	rddreg [dreg:$0xf];
	s10 =	simm.s32 $0x1C100  }
0x359: {  	[tilespmem:s10], [sflag:$0x6] =	stream.linear.gather [hbm4b:s16+s8], $0x2000, $0x38;
	[tilespmem:$0x1E100] =	vst v63  }
0x35a: {  	_ =	swait.ge [sflag:s20], $0x8000  }
0x35b: {  	[sflag:s20] =	ssyncset.done $0x0  }
0x35c: {  	[sflag:s20] =	ssyncadd.s32 $0xFFFF8000  }
0x35d: {  	_ =	swait.ge [sflag:s22], $0x2000  }
0x35e: {  	[sflag:s22] =	ssyncset.done $0x0  }
0x35f: {  	s9 =	simm.s32 $0x0;
	[sflag:s22] =	ssyncadd.s32 $0xFFFFE000  }
.LBB2_18:
0x360: {  	s11 =	sshra.s32 s8, $0x2  }
0x361: {  	v4 =	vld [tilespmem:s11+$0xE170]  }
0x362: {  	v5 =	vld [tilespmem:s11+$0x8100]  }
0x363: {  	v3 =	vld [tilespmem:s11+$0x1A170]  }
0x364: {  	v6 =	vld [tilespmem:s11+$0xA100]  }
0x365: {  	v7 =	vld [tilespmem:s11+$0xC100]  }
0x366: {  	v8 =	vld [tilespmem:s11+$0xE100]  }
0x367: {  	v9 =	vld [tilespmem:s11+$0x8110]  }
0x368: {  	v10 =	vld [tilespmem:s11+$0xA110]  }
0x369: {  	v11 =	vld [tilespmem:s11+$0xC110]  }
0x36a: {  	v12 =	vld [tilespmem:s11+$0xE110]  }
0x36b: {  	v13 =	vld [tilespmem:s11+$0x8120]  }
0x36c: {  	v14 =	vld [tilespmem:s11+$0xA120]  }
0x36d: {  	v15 =	vld [tilespmem:s11+$0xC120]  }
0x36e: {  	v16 =	vld [tilespmem:s11+$0xE120]  }
0x36f: {  	v17 =	vld [tilespmem:s11+$0x8130]  }
0x370: {  	v18 =	vld [tilespmem:s11+$0xA130]  }
0x371: {  	v19 =	vld [tilespmem:s11+$0xC130]  }
0x372: {  	v20 =	vld [tilespmem:s11+$0xE130]  }
0x373: {  	v22 =	vld [tilespmem:s11+$0x8140]  }
0x374: {  	v23 =	vld [tilespmem:s11+$0xA140]  }
0x375: {  	v25 =	vld [tilespmem:s11+$0xC140]  }
0x376: {  	v26 =	vld [tilespmem:s11+$0xE140]  }
0x377: {  	v27 =	vld [tilespmem:s11+$0x8150]  }
0x378: {  	v28 =	vld [tilespmem:s11+$0xA150];
	v21 =	vmul.f32 $3.200000000e+01, v4;
	v32 =	vmul.f32 $3.200000000e+01, v5  }
0x379: {  	v29 =	vld [tilespmem:s11+$0xC150];
	v33 =	vmul.f32 $3.200000000e+01, v6;
	v4 =	vmul.f32 $3.200000000e+01, v7  }
0x37a: {  	v30 =	vld [tilespmem:s11+$0xE150];
	v6 =	vmul.f32 $3.200000000e+01, v8;
	v5 =	vmul.f32 $3.200000000e+01, v9  }
0x37b: {  	v31 =	vld [tilespmem:s11+$0x8160];
	v7 =	vmul.f32 $3.200000000e+01, v10;
	v8 =	vmul.f32 $3.200000000e+01, v11  }
0x37c: {  	v34 =	vld [tilespmem:s11+$0xA160];
	v9 =	vmul.f32 $3.200000000e+01, v12;
	v10 =	vmul.f32 $3.200000000e+01, v13  }
0x37d: {  	v35 =	vld [tilespmem:s11+$0xC160];
	v11 =	vmul.f32 $3.200000000e+01, v14;
	v12 =	vmul.f32 $3.200000000e+01, v15  }
0x37e: {  	v40 =	vld [tilespmem:s11+$0x8170];
	v13 =	vmul.f32 $3.200000000e+01, v16;
	v14 =	vmul.f32 $3.200000000e+01, v17  }
0x37f: {  	v39 =	vld [tilespmem:s11+$0xE160];
	v18 =	vmul.f32 $3.200000000e+01, v18;
	v16 =	vmul.f32 $3.200000000e+01, v19  }
0x380: {  	v42 =	vld [tilespmem:s11+$0xC170];
	v19 =	vmul.f32 $3.200000000e+01, v22;
	v24 =	vmul.f32 $3.200000000e+01, v23  }
0x381: {  	v38 =	vld [tilespmem:s11+$0x1A100];
	v22 =	vmul.f32 $3.200000000e+01, v25;
	v15 =	vmul.f32 $3.200000000e+01, v26  }
0x382: {  	v41 =	vld [tilespmem:s11+$0xA170];
	v23 =	vmul.f32 $3.200000000e+01, v27;
	v17 =	vmul.f32 $3.200000000e+01, v28  }
0x383: {  	v37 =	vld [tilespmem:s11+$0x1A110];
	v28 =	vmul.f32 $3.200000000e+01, v31;
	v31 =	vmul.f32 $3.200000000e+01, v40  }
0x384: {  	v36 =	vld [tilespmem:s11+$0x1A120];
	v25 =	vmul.f32 $3.200000000e+01, v29;
	v26 =	vmul.f32 $3.200000000e+01, v34;
	v21 =	vadd.f32 v21, v3  }
0x385: {  	v29 =	vmul.f32 $3.200000000e+01, v35;
	v35 =	vld [tilespmem:s11+$0x1A130];
	v27 =	vmul.f32 $3.200000000e+01, v39;
	v39 =	vadd.f32 v31, v3  }
0x386: {  	v34 =	vld [tilespmem:s11+$0x1A140];
	v31 =	vmul.f32 $3.200000000e+01, v42;
	v40 =	vadd.f32 v32, v38;
	[tilespmem:s11+$0xE170] =	vst v21;
	v21 =	vmul.f32 $3.200000000e+01, v20  }
0x387: {  	s10 =	simm.s32 $0x0;
	s15 =	sadd.s32 $0x1000, s8;
	v32 =	vadd.f32 v33, v38;
	v33 =	vld [tilespmem:s11+$0x1A150];
	v20 =	vmul.f32 $3.200000000e+01, v30;
	v30 =	vmul.f32 $3.200000000e+01, v41  }
.LBB2_19:
0x388: {  	s16 =	sshra.s32 s15, $0x2;
	s10 =	sadd.s32 $0x80, s10;
	v4 =	vadd.f32 v4, v38;
	v6 =	vadd.f32 v6, v38;
	v38 =	vld [tilespmem:s11+$0x1A160];
	[tilespmem:s11+$0x8170] =	vst v39  }
0x389: {  	v5 =	vadd.f32 v5, v37;
	v7 =	vadd.f32 v7, v37;
	v39 =	vld [tilespmem:s16+$0xE170];
	p0 =	slt.u32 s10, $0x380;
	[tilespmem:s11+$0x8100] =	vst v40  }
0x38a: {  	v8 =	vadd.f32 v8, v37;
	v9 =	vadd.f32 v9, v37;
	v40 =	vld [tilespmem:s16+$0x8100];
	[tilespmem:s11+$0xA100] =	vst v32  }
0x38b: {  	v37 =	vld [tilespmem:s16+$0x1A170];
	[tilespmem:s11+$0xC100] =	vst v4;
	v4 =	vadd.f32 v10, v36;
	v10 =	vadd.f32 v11, v36  }
0x38c: {  	v12 =	vadd.f32 v12, v36;
	v13 =	vadd.f32 v13, v36;
	v11 =	vld [tilespmem:s16+$0xA100];
	[tilespmem:s11+$0xE100] =	vst v6  }
0x38d: {  	v14 =	vadd.f32 v14, v35;
	v18 =	vadd.f32 v18, v35;
	v6 =	vld [tilespmem:s16+$0xC100];
	[tilespmem:s11+$0x8110] =	vst v5  }
0x38e: {  	v16 =	vadd.f32 v16, v35;
	v21 =	vadd.f32 v21, v35;
	v5 =	vld [tilespmem:s16+$0xE100];
	v36 =	vmul.f32 $3.200000000e+01, v39;
	[tilespmem:s11+$0xA110] =	vst v7  }
0x38f: {  	v19 =	vadd.f32 v19, v34;
	v24 =	vadd.f32 v24, v34;
	v32 =	vmul.f32 $3.200000000e+01, v40;
	v7 =	vld [tilespmem:s16+$0x8110];
	[tilespmem:s11+$0xC110] =	vst v8  }
0x390: {  	v22 =	vadd.f32 v22, v34;
	v8 =	vld [tilespmem:s16+$0xA110];
	v35 =	vadd.f32 v36, v37;
	[tilespmem:s11+$0xE110] =	vst v9  }
0x391: {  	v15 =	vadd.f32 v15, v34;
	v23 =	vadd.f32 v23, v33;
	v41 =	vmul.f32 $3.200000000e+01, v11;
	v9 =	vld [tilespmem:s16+$0xC110];
	[tilespmem:s11+$0x8120] =	vst v4  }
0x392: {  	v17 =	vadd.f32 v17, v33;
	v25 =	vadd.f32 v25, v33;
	v4 =	vmul.f32 $3.200000000e+01, v6;
	v11 =	vld [tilespmem:s16+$0xE110];
	[tilespmem:s16+$0xE170] =	vst v35  }
0x393: {  	v20 =	vadd.f32 v20, v33;
	v28 =	vadd.f32 v28, v38;
	v6 =	vmul.f32 $3.200000000e+01, v5;
	v34 =	vld [tilespmem:s16+$0x8120];
	[tilespmem:s11+$0xA120] =	vst v10  }
0x394: {  	v26 =	vadd.f32 v26, v38;
	v29 =	vadd.f32 v29, v38;
	v5 =	vmul.f32 $3.200000000e+01, v7;
	v33 =	vld [tilespmem:s16+$0xA120];
	[tilespmem:s11+$0xC120] =	vst v12  }
0x395: {  	v30 =	vadd.f32 v30, v3;
	v27 =	vadd.f32 v27, v38;
	v7 =	vmul.f32 $3.200000000e+01, v8;
	v12 =	vld [tilespmem:s16+$0xC120];
	[tilespmem:s11+$0xE120] =	vst v13  }
0x396: {  	v31 =	vadd.f32 v31, v3;
	v3 =	vmov v37;
	v8 =	vmul.f32 $3.200000000e+01, v9;
	v13 =	vld [tilespmem:s16+$0xE120];
	[tilespmem:s11+$0x8130] =	vst v14  }
0x397: {  	v9 =	vmul.f32 $3.200000000e+01, v11;
	v14 =	vld [tilespmem:s16+$0x8130];
	[tilespmem:s11+$0xA130] =	vst v18  }
0x398: {  	v10 =	vmul.f32 $3.200000000e+01, v34;
	v18 =	vld [tilespmem:s16+$0xA130];
	[tilespmem:s11+$0xC130] =	vst v16  }
0x399: {  	v11 =	vmul.f32 $3.200000000e+01, v33;
	v16 =	vld [tilespmem:s16+$0xC130];
	[tilespmem:s11+$0xE130] =	vst v21  }
0x39a: {  	v12 =	vmul.f32 $3.200000000e+01, v12;
	v21 =	vld [tilespmem:s16+$0xE130];
	[tilespmem:s11+$0x8140] =	vst v19  }
0x39b: {  	v13 =	vmul.f32 $3.200000000e+01, v13;
	v19 =	vld [tilespmem:s16+$0x8140];
	[tilespmem:s11+$0xA140] =	vst v24  }
0x39c: {  	v14 =	vmul.f32 $3.200000000e+01, v14;
	v24 =	vld [tilespmem:s16+$0xA140];
	[tilespmem:s11+$0xC140] =	vst v22  }
0x39d: {  	v18 =	vmul.f32 $3.200000000e+01, v18;
	v22 =	vld [tilespmem:s16+$0xC140];
	[tilespmem:s11+$0xE140] =	vst v15  }
0x39e: {  	v16 =	vmul.f32 $3.200000000e+01, v16;
	v15 =	vld [tilespmem:s16+$0xE140];
	[tilespmem:s11+$0x8150] =	vst v23  }
0x39f: {  	v21 =	vmul.f32 $3.200000000e+01, v21;
	v23 =	vld [tilespmem:s16+$0x8150];
	[tilespmem:s11+$0xA150] =	vst v17  }
0x3a0: {  	v19 =	vmul.f32 $3.200000000e+01, v19;
	v17 =	vld [tilespmem:s16+$0xA150];
	[tilespmem:s11+$0xC150] =	vst v25  }
0x3a1: {  	v24 =	vmul.f32 $3.200000000e+01, v24;
	v25 =	vld [tilespmem:s16+$0xC150];
	[tilespmem:s11+$0xE150] =	vst v20  }
0x3a2: {  	v22 =	vmul.f32 $3.200000000e+01, v22;
	v20 =	vld [tilespmem:s16+$0xE150];
	[tilespmem:s11+$0x8160] =	vst v28  }
0x3a3: {  	v15 =	vmul.f32 $3.200000000e+01, v15;
	v28 =	vld [tilespmem:s16+$0x8160];
	[tilespmem:s11+$0xA160] =	vst v26  }
0x3a4: {  	v23 =	vmul.f32 $3.200000000e+01, v23;
	v26 =	vld [tilespmem:s16+$0xA160];
	[tilespmem:s11+$0xC160] =	vst v29  }
0x3a5: {  	v17 =	vmul.f32 $3.200000000e+01, v17;
	v29 =	vld [tilespmem:s16+$0xC160];
	[tilespmem:s11+$0xE160] =	vst v27  }
0x3a6: {  	v25 =	vmul.f32 $3.200000000e+01, v25;
	v27 =	vld [tilespmem:s16+$0xE160];
	[tilespmem:s11+$0xA170] =	vst v30  }
0x3a7: {  	v20 =	vmul.f32 $3.200000000e+01, v20;
	v30 =	vld [tilespmem:s16+$0x8170];
	[tilespmem:s11+$0xC170] =	vst v31;
	s11 =	smov.u32 s16  }
0x3a8: {  	v28 =	vmul.f32 $3.200000000e+01, v28;
	v31 =	vld [tilespmem:s11+$0xA170]  }
0x3a9: {  	v26 =	vmul.f32 $3.200000000e+01, v26;
	v33 =	vld [tilespmem:s11+$0xC170]  }
0x3aa: {  	v38 =	vld [tilespmem:s11+$0x1A100];
	v29 =	vmul.f32 $3.200000000e+01, v29  }
.Ltmp8:
0x3ab: {  	v37 =	vld [tilespmem:s11+$0x1A110];
	v27 =	vmul.f32 $3.200000000e+01, v27;
	(pc) =	sbr.rel @p0 .LBB2_19-.Ltmp8, $4  }
0x3ac: {  	v36 =	vld [tilespmem:s11+$0x1A120];
	v39 =	vmul.f32 $3.200000000e+01, v30  }
0x3ad: {  	v35 =	vld [tilespmem:s11+$0x1A130];
	v30 =	vmul.f32 $3.200000000e+01, v31  }
0x3ae: {  	v34 =	vld [tilespmem:s11+$0x1A140];
	v39 =	vadd.f32 v39, v3;
	v31 =	vmul.f32 $3.200000000e+01, v33  }
0x3af: {  	s15 =	sadd.s32 $0x1000, s15;
	v40 =	vadd.f32 v32, v38;
	v32 =	vadd.f32 v41, v38;
	v33 =	vld [tilespmem:s11+$0x1A150]  }
0x3b0: {  	[tilespmem:s11+$0x8170] =	vst v39  }
0x3b1: {  	v4 =	vadd.f32 v4, v38;
	[tilespmem:s11+$0x8100] =	vst v40  }
0x3b2: {  	v6 =	vadd.f32 v6, v38;
	[tilespmem:s11+$0xA100] =	vst v32  }
0x3b3: {  	v5 =	vadd.f32 v5, v37;
	[tilespmem:s11+$0xC100] =	vst v4  }
0x3b4: {  	v41 =	vadd.f32 v8, v37;
	[tilespmem:s11+$0xE100] =	vst v6  }
0x3b5: {  	v42 =	vadd.f32 v9, v37;
	[tilespmem:s11+$0x8110] =	vst v5  }
0x3b6: {  	v63 =	vadd.f32 v30, v3;
	[tilespmem:s11+$0xC110] =	vst v41  }
0x3b7: {  	v3 =	vadd.f32 v31, v3;
	[tilespmem:s11+$0xE110] =	vst v42  }
0x3b8: {  	v40 =	vadd.f32 v7, v37;
	[tilespmem:s11+$0xA170] =	vst v63  }
0x3b9: {  	v43 =	vadd.f32 v10, v36;
	[tilespmem:s11+$0xC170] =	vst v3  }
0x3ba: {  	v44 =	vadd.f32 v11, v36;
	[tilespmem:s11+$0xA110] =	vst v40  }
0x3bb: {  	v45 =	vadd.f32 v12, v36;
	[tilespmem:s11+$0x8120] =	vst v43  }
0x3bc: {  	v46 =	vadd.f32 v13, v36;
	[tilespmem:s11+$0xA120] =	vst v44  }
0x3bd: {  	v47 =	vadd.f32 v14, v35;
	[tilespmem:s11+$0xC120] =	vst v45  }
0x3be: {  	v48 =	vadd.f32 v18, v35;
	[tilespmem:s11+$0xE120] =	vst v46  }
0x3bf: {  	v49 =	vadd.f32 v16, v35;
	[tilespmem:s11+$0x8130] =	vst v47  }
0x3c0: {  	v50 =	vadd.f32 v21, v35;
	[tilespmem:s11+$0xA130] =	vst v48  }
0x3c1: {  	v51 =	vadd.f32 v19, v34;
	[tilespmem:s11+$0xC130] =	vst v49  }
0x3c2: {  	v52 =	vadd.f32 v24, v34;
	[tilespmem:s11+$0xE130] =	vst v50  }
0x3c3: {  	v53 =	vadd.f32 v22, v34;
	[tilespmem:s11+$0x8140] =	vst v51  }
0x3c4: {  	v54 =	vld [tilespmem:s11+$0x1A160];
	v55 =	vadd.f32 v15, v34;
	[tilespmem:s11+$0xA140] =	vst v52  }
0x3c5: {  	v56 =	vadd.f32 v23, v33;
	[tilespmem:s11+$0xC140] =	vst v53  }
0x3c6: {  	v57 =	vadd.f32 v17, v33;
	[tilespmem:s11+$0xE140] =	vst v55  }
0x3c7: {  	v58 =	vadd.f32 v25, v33;
	[tilespmem:s11+$0x8150] =	vst v56  }
0x3c8: {  	s9 =	sadd.s32 $0x1, s9;
	v59 =	vadd.f32 v20, v33;
	[tilespmem:s11+$0xA150] =	vst v57  }
0x3c9: {  	p0 =	sne.s32 s9, $0x8;
	v60 =	vadd.f32 v28, v54;
	[tilespmem:s11+$0xC150] =	vst v58  }
.Ltmp9:
0x3ca: {  	v61 =	vadd.f32 v26, v54;
	[tilespmem:s11+$0xE150] =	vst v59;
	(pc) =	sbr.rel @p0 .LBB2_18-.Ltmp9, $4  }
0x3cb: {  	v62 =	vadd.f32 v29, v54;
	[tilespmem:s11+$0x8160] =	vst v60  }
0x3cc: {  	v5 =	vadd.f32 v27, v54;
	[tilespmem:s11+$0xA160] =	vst v61  }
0x3cd: {  	[tilespmem:s11+$0xC160] =	vst v62  }
0x3ce: {  	s8 =	sadd.s32 $0x200, s8;
	[tilespmem:s11+$0xE160] =	vst v5  }
0x3cf: {  	s9 =	rddreg [dreg:$0x10]  }
0x3d0: {  	s8 =	simm.s32 $0x0;
	s10 =	sld [smem:$0x7F2]  }
0x3d1: {  	[hbm4b:s9+s8] =	stream.linear.scatter [tilespmem:s17], [sflag:$0x8], $0x2000, $0x38;
	[tilespmem:$0x1E100] =	vst v63  }
0x3d2: {  	s11 =	sld [smem:$0x7F3]  }
0x3d3: {  	[hbm4b:s10+s8] =	stream.linear.scatter [tilespmem:s21], [sflag:$0x8], $0x2000, $0x38;
	[tilespmem:$0x1E100] =	vst v63  }
0x3d4: {  	s15 =	sld [smem:$0x7F4]  }
0x3d5: {  	[hbm4b:s11+s8] =	stream.linear.scatter [tilespmem:s26], [sflag:$0x8], $0x2000, $0x38;
	[tilespmem:$0x1E100] =	vst v63  }
0x3d6: {  	_ = 	snop  }
0x3d7: {  	[hbm4b:s15+s8] =	stream.linear.scatter [tilespmem:s0], [sflag:$0x8], $0x2000, $0x38;
	[tilespmem:$0x1E100] =	vst v63  }
0x3d8: {  	_ =	swait.ge [sflag:s23], $0x2000  }
0x3d9: {  	[sflag:s23] =	ssyncset.done $0x0  }
0x3da: {  	[sflag:s23] =	ssyncadd.s32 $0xFFFFE000  }
0x3db: {  	_ =	swait.ge [sflag:s23], $0x2000  }
0x3dc: {  	[sflag:s23] =	ssyncset.done $0x0  }
0x3dd: {  	[sflag:s23] =	ssyncadd.s32 $0xFFFFE000  }
0x3de: {  	_ =	swait.ge [sflag:s23], $0x2000  }
0x3df: {  	[sflag:s23] =	ssyncset.done $0x0  }
0x3e0: {  	[sflag:s23] =	ssyncadd.s32 $0xFFFFE000  }
0x3e1: {  	_ =	swait.ge [sflag:s23], $0x2000  }
0x3e2: {  	[sflag:s23] =	ssyncset.done $0x0  }
0x3e3: {  	[sflag:s23] =	ssyncadd.s32 $0xFFFFE000  }
0x3e4: {  	v3 =	vld [tilespmem:$0xC0];
	_ =	sdelay $0x4  }
0x3e5: {  	v4 =	vshll.u32 v3, $0x3  }
0x3e6: {  	v3 =	vand.u32 $0x7, v3;
	v4 =	vand.u32 $0xFFFFFFC0, v4  }
0x3e7: {  	v3 =	vor.u32 v3, v4  }
0x3e8: {  	v4 =	vperm.xlane v3, v0;
	_ =	sdelay $0x1  }
0x3e9: {  	v4 =	vadd.s32 v1, v4;
	_ =	sdelay $0x4  }
0x3ea: {  	[tilespmem:s25], [sflag:$0x1] =	stream.indirect_vreg.gather [hbm4b:s1+s8], $0x80, v4, vm0, $0xb8;
	[tilespmem:$0x1E100] =	vst v63  }
0x3eb: {  	s16 =	simm.s32 $0x900;
	v3 =	vperm.xlane v3, v2  }
0x3ec: {  	[tilespmem:s16], [sflag:$0x1] =	stream.indirect_vreg.gather [hbm4b:s5+s8], $0x80, v4, vm0, $0xb8;
	[tilespmem:$0x1E100] =	vst v63  }
0x3ed: {  	s10 =	simm.s32 $0x1100;
	v3 =	vadd.s32 v1, v3  }
0x3ee: {  	[tilespmem:s10], [sflag:$0x1] =	stream.indirect_vreg.gather [hbm4b:s6+s8], $0x80, v4, vm0, $0xb8;
	[tilespmem:$0x1E100] =	vst v63  }
0x3ef: {  	s11 =	simm.s32 $0x1900  }
0x3f0: {  	[tilespmem:s11], [sflag:$0x1] =	stream.indirect_vreg.gather [hbm4b:s7+s8], $0x80, v4, vm0, $0xb8;
	[tilespmem:$0x1E100] =	vst v63  }
0x3f1: {  	_ = 	snop  }
0x3f2: {  	[tilespmem:s30], [sflag:$0x1] =	stream.indirect_vreg.gather [hbm4b:s1+s8], $0x80, v3, vm0, $0xb8;
	[tilespmem:$0x1E100] =	vst v63  }
0x3f3: {  	s15 =	simm.s32 $0x2900  }
0x3f4: {  	[tilespmem:s15], [sflag:$0x1] =	stream.indirect_vreg.gather [hbm4b:s5+s8], $0x80, v3, vm0, $0xb8;
	[tilespmem:$0x1E100] =	vst v63  }
0x3f5: {  	s16 =	simm.s32 $0x3100  }
0x3f6: {  	[tilespmem:s16], [sflag:$0x1] =	stream.indirect_vreg.gather [hbm4b:s6+s8], $0x80, v3, vm0, $0xb8;
	[tilespmem:$0x1E100] =	vst v63  }
0x3f7: {  	s10 =	simm.s32 $0x3900  }
0x3f8: {  	[tilespmem:s10], [sflag:$0x1] =	stream.indirect_vreg.gather [hbm4b:s7+s8], $0x80, v3, vm0, $0xb8;
	[tilespmem:$0x1E100] =	vst v63  }
0x3f9: {  	v3 =	vld [tilespmem:$0xD0];
	_ =	sdelay $0x4  }
0x3fa: {  	v63 =	vshll.u32 v3, $0x3  }
0x3fb: {  	v3 =	vand.u32 $0x7, v3;
	v4 =	vand.u32 $0xFFFFFFC0, v63  }
0x3fc: {  	v3 =	vor.u32 v3, v4  }
0x3fd: {  	v4 =	vperm.xlane v3, v0;
	_ =	sdelay $0x1  }
0x3fe: {  	v4 =	vadd.s32 v1, v4;
	_ =	sdelay $0x4  }
0x3ff: {  	[tilespmem:s4], [sflag:$0x1] =	stream.indirect_vreg.gather [hbm4b:s1+s8], $0x80, v4, vm0, $0xb8;
	[tilespmem:$0x1E100] =	vst v63  }
0x400: {  	s11 =	simm.s32 $0x4900;
	v3 =	vperm.xlane v3, v2  }
0x401: {  	[tilespmem:s11], [sflag:$0x1] =	stream.indirect_vreg.gather [hbm4b:s5+s8], $0x80, v4, vm0, $0xb8;
	[tilespmem:$0x1E100] =	vst v63  }
0x402: {  	s15 =	simm.s32 $0x5100;
	v3 =	vadd.s32 v1, v3  }
0x403: {  	[tilespmem:s15], [sflag:$0x1] =	stream.indirect_vreg.gather [hbm4b:s6+s8], $0x80, v4, vm0, $0xb8;
	[tilespmem:$0x1E100] =	vst v63  }
0x404: {  	s16 =	simm.s32 $0x5900  }
0x405: {  	[tilespmem:s16], [sflag:$0x1] =	stream.indirect_vreg.gather [hbm4b:s7+s8], $0x80, v4, vm0, $0xb8;
	[tilespmem:$0x1E100] =	vst v63  }
0x406: {  	_ = 	snop  }
0x407: {  	[tilespmem:s12], [sflag:$0x1] =	stream.indirect_vreg.gather [hbm4b:s1+s8], $0x80, v3, vm0, $0xb8;
	[tilespmem:$0x1E100] =	vst v63  }
0x408: {  	s10 =	simm.s32 $0x6900  }
0x409: {  	[tilespmem:s10], [sflag:$0x1] =	stream.indirect_vreg.gather [hbm4b:s5+s8], $0x80, v3, vm0, $0xb8;
	[tilespmem:$0x1E100] =	vst v63  }
0x40a: {  	s11 =	simm.s32 $0x7100  }
0x40b: {  	[tilespmem:s11], [sflag:$0x1] =	stream.indirect_vreg.gather [hbm4b:s6+s8], $0x80, v3, vm0, $0xb8;
	[tilespmem:$0x1E100] =	vst v63  }
0x40c: {  	s15 =	simm.s32 $0x7900  }
0x40d: {  	[tilespmem:s15], [sflag:$0x1] =	stream.indirect_vreg.gather [hbm4b:s7+s8], $0x80, v3, vm0, $0xb8;
	[tilespmem:$0x1E100] =	vst v63  }
0x40e: {  	s16 =	rddreg [dreg:$0x11];
	s10 =	simm.s32 $0x18100  }
0x40f: {  	[tilespmem:s10], [sflag:$0x4] =	stream.linear.gather [hbm4b:s16+s8], $0x2000, $0x38;
	[tilespmem:$0x1E100] =	vst v63  }
0x410: {  	_ =	swait.ge [sflag:s24], $0x8000  }
0x411: {  	[sflag:s24] =	ssyncset.done $0x0  }
0x412: {  	[sflag:s24] =	ssyncadd.s32 $0xFFFF8000  }
0x413: {  	_ =	swait.ge [sflag:s28], $0x2000  }
0x414: {  	[sflag:s28] =	ssyncset.done $0x0  }
0x415: {  	s9 =	simm.s32 $0x0;
	[sflag:s28] =	ssyncadd.s32 $0xFFFFE000  }
.LBB2_22:
0x416: {  	s11 =	sshra.s32 s8, $0x2  }
0x417: {  	v4 =	vld [tilespmem:s11+$0x16170]  }
0x418: {  	v5 =	vld [tilespmem:s11+$0x10100]  }
0x419: {  	v3 =	vld [tilespmem:s11+$0x1C170]  }
0x41a: {  	v6 =	vld [tilespmem:s11+$0x12100]  }
0x41b: {  	v7 =	vld [tilespmem:s11+$0x14100]  }
0x41c: {  	v8 =	vld [tilespmem:s11+$0x16100]  }
0x41d: {  	v9 =	vld [tilespmem:s11+$0x10110]  }
0x41e: {  	v10 =	vld [tilespmem:s11+$0x12110]  }
0x41f: {  	v11 =	vld [tilespmem:s11+$0x14110]  }
0x420: {  	v12 =	vld [tilespmem:s11+$0x16110]  }
0x421: {  	v13 =	vld [tilespmem:s11+$0x10120]  }
0x422: {  	v14 =	vld [tilespmem:s11+$0x12120]  }
0x423: {  	v15 =	vld [tilespmem:s11+$0x14120]  }
0x424: {  	v16 =	vld [tilespmem:s11+$0x16120]  }
0x425: {  	v17 =	vld [tilespmem:s11+$0x10130]  }
0x426: {  	v18 =	vld [tilespmem:s11+$0x12130]  }
0x427: {  	v19 =	vld [tilespmem:s11+$0x14130]  }
0x428: {  	v20 =	vld [tilespmem:s11+$0x16130]  }
0x429: {  	v22 =	vld [tilespmem:s11+$0x10140]  }
0x42a: {  	v23 =	vld [tilespmem:s11+$0x12140]  }
0x42b: {  	v25 =	vld [tilespmem:s11+$0x14140]  }
0x42c: {  	v26 =	vld [tilespmem:s11+$0x16140]  }
0x42d: {  	v27 =	vld [tilespmem:s11+$0x10150]  }
0x42e: {  	v28 =	vld [tilespmem:s11+$0x12150];
	v21 =	vmul.f32 $3.200000000e+01, v4;
	v32 =	vmul.f32 $3.200000000e+01, v5  }
0x42f: {  	v29 =	vld [tilespmem:s11+$0x14150];
	v33 =	vmul.f32 $3.200000000e+01, v6;
	v4 =	vmul.f32 $3.200000000e+01, v7  }
0x430: {  	v30 =	vld [tilespmem:s11+$0x16150];
	v6 =	vmul.f32 $3.200000000e+01, v8;
	v5 =	vmul.f32 $3.200000000e+01, v9  }
0x431: {  	v31 =	vld [tilespmem:s11+$0x10160];
	v7 =	vmul.f32 $3.200000000e+01, v10;
	v8 =	vmul.f32 $3.200000000e+01, v11  }
0x432: {  	v34 =	vld [tilespmem:s11+$0x12160];
	v9 =	vmul.f32 $3.200000000e+01, v12;
	v10 =	vmul.f32 $3.200000000e+01, v13  }
0x433: {  	v35 =	vld [tilespmem:s11+$0x14160];
	v11 =	vmul.f32 $3.200000000e+01, v14;
	v12 =	vmul.f32 $3.200000000e+01, v15  }
0x434: {  	v40 =	vld [tilespmem:s11+$0x10170];
	v13 =	vmul.f32 $3.200000000e+01, v16;
	v14 =	vmul.f32 $3.200000000e+01, v17  }
0x435: {  	v39 =	vld [tilespmem:s11+$0x16160];
	v18 =	vmul.f32 $3.200000000e+01, v18;
	v16 =	vmul.f32 $3.200000000e+01, v19  }
0x436: {  	v42 =	vld [tilespmem:s11+$0x14170];
	v19 =	vmul.f32 $3.200000000e+01, v22;
	v24 =	vmul.f32 $3.200000000e+01, v23  }
0x437: {  	v38 =	vld [tilespmem:s11+$0x1C100];
	v22 =	vmul.f32 $3.200000000e+01, v25;
	v15 =	vmul.f32 $3.200000000e+01, v26  }
0x438: {  	v41 =	vld [tilespmem:s11+$0x12170];
	v23 =	vmul.f32 $3.200000000e+01, v27;
	v17 =	vmul.f32 $3.200000000e+01, v28  }
0x439: {  	v37 =	vld [tilespmem:s11+$0x1C110];
	v28 =	vmul.f32 $3.200000000e+01, v31;
	v31 =	vmul.f32 $3.200000000e+01, v40  }
0x43a: {  	v36 =	vld [tilespmem:s11+$0x1C120];
	v25 =	vmul.f32 $3.200000000e+01, v29;
	v26 =	vmul.f32 $3.200000000e+01, v34;
	v21 =	vadd.f32 v21, v3  }
0x43b: {  	v29 =	vmul.f32 $3.200000000e+01, v35;
	v35 =	vld [tilespmem:s11+$0x1C130];
	v27 =	vmul.f32 $3.200000000e+01, v39;
	v39 =	vadd.f32 v31, v3  }
0x43c: {  	v34 =	vld [tilespmem:s11+$0x1C140];
	v31 =	vmul.f32 $3.200000000e+01, v42;
	v40 =	vadd.f32 v32, v38;
	[tilespmem:s11+$0x16170] =	vst v21;
	v21 =	vmul.f32 $3.200000000e+01, v20  }
0x43d: {  	s10 =	simm.s32 $0x0;
	s15 =	sadd.s32 $0x1000, s8;
	v32 =	vadd.f32 v33, v38;
	v33 =	vld [tilespmem:s11+$0x1C150];
	v20 =	vmul.f32 $3.200000000e+01, v30;
	v30 =	vmul.f32 $3.200000000e+01, v41  }
.LBB2_23:
0x43e: {  	s16 =	sshra.s32 s15, $0x2;
	s10 =	sadd.s32 $0x80, s10;
	v4 =	vadd.f32 v4, v38;
	v6 =	vadd.f32 v6, v38;
	v38 =	vld [tilespmem:s11+$0x1C160];
	[tilespmem:s11+$0x10170] =	vst v39  }
0x43f: {  	v5 =	vadd.f32 v5, v37;
	v7 =	vadd.f32 v7, v37;
	v39 =	vld [tilespmem:s16+$0x16170];
	p0 =	slt.u32 s10, $0x380;
	[tilespmem:s11+$0x10100] =	vst v40  }
0x440: {  	v8 =	vadd.f32 v8, v37;
	v9 =	vadd.f32 v9, v37;
	v40 =	vld [tilespmem:s16+$0x10100];
	[tilespmem:s11+$0x12100] =	vst v32  }
0x441: {  	v37 =	vld [tilespmem:s16+$0x1C170];
	[tilespmem:s11+$0x14100] =	vst v4;
	v4 =	vadd.f32 v10, v36;
	v10 =	vadd.f32 v11, v36  }
0x442: {  	v12 =	vadd.f32 v12, v36;
	v13 =	vadd.f32 v13, v36;
	v11 =	vld [tilespmem:s16+$0x12100];
	[tilespmem:s11+$0x16100] =	vst v6  }
0x443: {  	v14 =	vadd.f32 v14, v35;
	v18 =	vadd.f32 v18, v35;
	v6 =	vld [tilespmem:s16+$0x14100];
	[tilespmem:s11+$0x10110] =	vst v5  }
0x444: {  	v16 =	vadd.f32 v16, v35;
	v21 =	vadd.f32 v21, v35;
	v5 =	vld [tilespmem:s16+$0x16100];
	v36 =	vmul.f32 $3.200000000e+01, v39;
	[tilespmem:s11+$0x12110] =	vst v7  }
0x445: {  	v19 =	vadd.f32 v19, v34;
	v24 =	vadd.f32 v24, v34;
	v32 =	vmul.f32 $3.200000000e+01, v40;
	v7 =	vld [tilespmem:s16+$0x10110];
	[tilespmem:s11+$0x14110] =	vst v8  }
0x446: {  	v22 =	vadd.f32 v22, v34;
	v8 =	vld [tilespmem:s16+$0x12110];
	v35 =	vadd.f32 v36, v37;
	[tilespmem:s11+$0x16110] =	vst v9  }
0x447: {  	v15 =	vadd.f32 v15, v34;
	v23 =	vadd.f32 v23, v33;
	v41 =	vmul.f32 $3.200000000e+01, v11;
	v9 =	vld [tilespmem:s16+$0x14110];
	[tilespmem:s11+$0x10120] =	vst v4  }
0x448: {  	v17 =	vadd.f32 v17, v33;
	v25 =	vadd.f32 v25, v33;
	v4 =	vmul.f32 $3.200000000e+01, v6;
	v11 =	vld [tilespmem:s16+$0x16110];
	[tilespmem:s16+$0x16170] =	vst v35  }
0x449: {  	v20 =	vadd.f32 v20, v33;
	v28 =	vadd.f32 v28, v38;
	v6 =	vmul.f32 $3.200000000e+01, v5;
	v34 =	vld [tilespmem:s16+$0x10120];
	[tilespmem:s11+$0x12120] =	vst v10  }
0x44a: {  	v26 =	vadd.f32 v26, v38;
	v29 =	vadd.f32 v29, v38;
	v5 =	vmul.f32 $3.200000000e+01, v7;
	v33 =	vld [tilespmem:s16+$0x12120];
	[tilespmem:s11+$0x14120] =	vst v12  }
0x44b: {  	v30 =	vadd.f32 v30, v3;
	v27 =	vadd.f32 v27, v38;
	v7 =	vmul.f32 $3.200000000e+01, v8;
	v12 =	vld [tilespmem:s16+$0x14120];
	[tilespmem:s11+$0x16120] =	vst v13  }
0x44c: {  	v31 =	vadd.f32 v31, v3;
	v3 =	vmov v37;
	v8 =	vmul.f32 $3.200000000e+01, v9;
	v13 =	vld [tilespmem:s16+$0x16120];
	[tilespmem:s11+$0x10130] =	vst v14  }
0x44d: {  	v9 =	vmul.f32 $3.200000000e+01, v11;
	v14 =	vld [tilespmem:s16+$0x10130];
	[tilespmem:s11+$0x12130] =	vst v18  }
0x44e: {  	v10 =	vmul.f32 $3.200000000e+01, v34;
	v18 =	vld [tilespmem:s16+$0x12130];
	[tilespmem:s11+$0x14130] =	vst v16  }
0x44f: {  	v11 =	vmul.f32 $3.200000000e+01, v33;
	v16 =	vld [tilespmem:s16+$0x14130];
	[tilespmem:s11+$0x16130] =	vst v21  }
0x450: {  	v12 =	vmul.f32 $3.200000000e+01, v12;
	v21 =	vld [tilespmem:s16+$0x16130];
	[tilespmem:s11+$0x10140] =	vst v19  }
0x451: {  	v13 =	vmul.f32 $3.200000000e+01, v13;
	v19 =	vld [tilespmem:s16+$0x10140];
	[tilespmem:s11+$0x12140] =	vst v24  }
0x452: {  	v14 =	vmul.f32 $3.200000000e+01, v14;
	v24 =	vld [tilespmem:s16+$0x12140];
	[tilespmem:s11+$0x14140] =	vst v22  }
0x453: {  	v18 =	vmul.f32 $3.200000000e+01, v18;
	v22 =	vld [tilespmem:s16+$0x14140];
	[tilespmem:s11+$0x16140] =	vst v15  }
0x454: {  	v16 =	vmul.f32 $3.200000000e+01, v16;
	v15 =	vld [tilespmem:s16+$0x16140];
	[tilespmem:s11+$0x10150] =	vst v23  }
0x455: {  	v21 =	vmul.f32 $3.200000000e+01, v21;
	v23 =	vld [tilespmem:s16+$0x10150];
	[tilespmem:s11+$0x12150] =	vst v17  }
0x456: {  	v19 =	vmul.f32 $3.200000000e+01, v19;
	v17 =	vld [tilespmem:s16+$0x12150];
	[tilespmem:s11+$0x14150] =	vst v25  }
0x457: {  	v24 =	vmul.f32 $3.200000000e+01, v24;
	v25 =	vld [tilespmem:s16+$0x14150];
	[tilespmem:s11+$0x16150] =	vst v20  }
0x458: {  	v22 =	vmul.f32 $3.200000000e+01, v22;
	v20 =	vld [tilespmem:s16+$0x16150];
	[tilespmem:s11+$0x10160] =	vst v28  }
0x459: {  	v15 =	vmul.f32 $3.200000000e+01, v15;
	v28 =	vld [tilespmem:s16+$0x10160];
	[tilespmem:s11+$0x12160] =	vst v26  }
0x45a: {  	v23 =	vmul.f32 $3.200000000e+01, v23;
	v26 =	vld [tilespmem:s16+$0x12160];
	[tilespmem:s11+$0x14160] =	vst v29  }
0x45b: {  	v17 =	vmul.f32 $3.200000000e+01, v17;
	v29 =	vld [tilespmem:s16+$0x14160];
	[tilespmem:s11+$0x16160] =	vst v27  }
0x45c: {  	v25 =	vmul.f32 $3.200000000e+01, v25;
	v27 =	vld [tilespmem:s16+$0x16160];
	[tilespmem:s11+$0x12170] =	vst v30  }
0x45d: {  	v20 =	vmul.f32 $3.200000000e+01, v20;
	v30 =	vld [tilespmem:s16+$0x10170];
	[tilespmem:s11+$0x14170] =	vst v31;
	s11 =	smov.u32 s16  }
0x45e: {  	v28 =	vmul.f32 $3.200000000e+01, v28;
	v31 =	vld [tilespmem:s11+$0x12170]  }
0x45f: {  	v26 =	vmul.f32 $3.200000000e+01, v26;
	v33 =	vld [tilespmem:s11+$0x14170]  }
0x460: {  	v38 =	vld [tilespmem:s11+$0x1C100];
	v29 =	vmul.f32 $3.200000000e+01, v29  }
.Ltmp10:
0x461: {  	v37 =	vld [tilespmem:s11+$0x1C110];
	v27 =	vmul.f32 $3.200000000e+01, v27;
	(pc) =	sbr.rel @p0 .LBB2_23-.Ltmp10, $4  }
0x462: {  	v36 =	vld [tilespmem:s11+$0x1C120];
	v39 =	vmul.f32 $3.200000000e+01, v30  }
0x463: {  	v35 =	vld [tilespmem:s11+$0x1C130];
	v30 =	vmul.f32 $3.200000000e+01, v31  }
0x464: {  	v34 =	vld [tilespmem:s11+$0x1C140];
	v39 =	vadd.f32 v39, v3;
	v31 =	vmul.f32 $3.200000000e+01, v33  }
0x465: {  	s15 =	sadd.s32 $0x1000, s15;
	v40 =	vadd.f32 v32, v38;
	v32 =	vadd.f32 v41, v38;
	v33 =	vld [tilespmem:s11+$0x1C150]  }
0x466: {  	[tilespmem:s11+$0x10170] =	vst v39  }
0x467: {  	v4 =	vadd.f32 v4, v38;
	[tilespmem:s11+$0x10100] =	vst v40  }
0x468: {  	v6 =	vadd.f32 v6, v38;
	[tilespmem:s11+$0x12100] =	vst v32  }
0x469: {  	v5 =	vadd.f32 v5, v37;
	[tilespmem:s11+$0x14100] =	vst v4  }
0x46a: {  	v41 =	vadd.f32 v8, v37;
	[tilespmem:s11+$0x16100] =	vst v6  }
0x46b: {  	v42 =	vadd.f32 v9, v37;
	[tilespmem:s11+$0x10110] =	vst v5  }
0x46c: {  	v63 =	vadd.f32 v30, v3;
	[tilespmem:s11+$0x14110] =	vst v41  }
0x46d: {  	v3 =	vadd.f32 v31, v3;
	[tilespmem:s11+$0x16110] =	vst v42  }
0x46e: {  	v40 =	vadd.f32 v7, v37;
	[tilespmem:s11+$0x12170] =	vst v63  }
0x46f: {  	v43 =	vadd.f32 v10, v36;
	[tilespmem:s11+$0x14170] =	vst v3  }
0x470: {  	v44 =	vadd.f32 v11, v36;
	[tilespmem:s11+$0x12110] =	vst v40  }
0x471: {  	v45 =	vadd.f32 v12, v36;
	[tilespmem:s11+$0x10120] =	vst v43  }
0x472: {  	v46 =	vadd.f32 v13, v36;
	[tilespmem:s11+$0x12120] =	vst v44  }
0x473: {  	v47 =	vadd.f32 v14, v35;
	[tilespmem:s11+$0x14120] =	vst v45  }
0x474: {  	v48 =	vadd.f32 v18, v35;
	[tilespmem:s11+$0x16120] =	vst v46  }
0x475: {  	v49 =	vadd.f32 v16, v35;
	[tilespmem:s11+$0x10130] =	vst v47  }
0x476: {  	v50 =	vadd.f32 v21, v35;
	[tilespmem:s11+$0x12130] =	vst v48  }
0x477: {  	v51 =	vadd.f32 v19, v34;
	[tilespmem:s11+$0x14130] =	vst v49  }
0x478: {  	v52 =	vadd.f32 v24, v34;
	[tilespmem:s11+$0x16130] =	vst v50  }
0x479: {  	v53 =	vadd.f32 v22, v34;
	[tilespmem:s11+$0x10140] =	vst v51  }
0x47a: {  	v54 =	vld [tilespmem:s11+$0x1C160];
	v55 =	vadd.f32 v15, v34;
	[tilespmem:s11+$0x12140] =	vst v52  }
0x47b: {  	v56 =	vadd.f32 v23, v33;
	[tilespmem:s11+$0x14140] =	vst v53  }
0x47c: {  	v57 =	vadd.f32 v17, v33;
	[tilespmem:s11+$0x16140] =	vst v55  }
0x47d: {  	v58 =	vadd.f32 v25, v33;
	[tilespmem:s11+$0x10150] =	vst v56  }
0x47e: {  	s9 =	sadd.s32 $0x1, s9;
	v59 =	vadd.f32 v20, v33;
	[tilespmem:s11+$0x12150] =	vst v57  }
0x47f: {  	p0 =	sne.s32 s9, $0x8;
	v60 =	vadd.f32 v28, v54;
	[tilespmem:s11+$0x14150] =	vst v58  }
.Ltmp11:
0x480: {  	v61 =	vadd.f32 v26, v54;
	[tilespmem:s11+$0x16150] =	vst v59;
	(pc) =	sbr.rel @p0 .LBB2_22-.Ltmp11, $4  }
0x481: {  	v62 =	vadd.f32 v29, v54;
	[tilespmem:s11+$0x10160] =	vst v60  }
0x482: {  	v5 =	vadd.f32 v27, v54;
	[tilespmem:s11+$0x12160] =	vst v61  }
0x483: {  	[tilespmem:s11+$0x14160] =	vst v62  }
0x484: {  	s8 =	sadd.s32 $0x200, s8;
	[tilespmem:s11+$0x16160] =	vst v5  }
0x485: {  	s9 =	rddreg [dreg:$0x12]  }
0x486: {  	s8 =	simm.s32 $0x0;
	s10 =	simm.s32 $0x10100;
	s15 =	sld [smem:$0x7F5]  }
0x487: {  	[hbm4b:s9+s8] =	stream.linear.scatter [tilespmem:s10], [sflag:$0x9], $0x2000, $0x38;
	[tilespmem:$0x1E100] =	vst v63  }
0x488: {  	s16 =	simm.s32 $0x12100;
	s10 =	sld [smem:$0x7F6]  }
0x489: {  	[hbm4b:s15+s8] =	stream.linear.scatter [tilespmem:s16], [sflag:$0x9], $0x2000, $0x38;
	[tilespmem:$0x1E100] =	vst v63  }
0x48a: {  	s11 =	sld [smem:$0x7F7]  }
0x48b: {  	[hbm4b:s10+s8] =	stream.linear.scatter [tilespmem:s18], [sflag:$0x9], $0x2000, $0x38;
	[tilespmem:$0x1E100] =	vst v63  }
0x48c: {  	_ = 	snop  }
0x48d: {  	[hbm4b:s11+s8] =	stream.linear.scatter [tilespmem:s19], [sflag:$0x9], $0x2000, $0x38;
	[tilespmem:$0x1E100] =	vst v63  }
0x48e: {  	_ =	swait.ge [sflag:s29], $0x2000  }
0x48f: {  	[sflag:s29] =	ssyncset.done $0x0  }
0x490: {  	[sflag:s29] =	ssyncadd.s32 $0xFFFFE000  }
0x491: {  	_ =	swait.ge [sflag:s29], $0x2000  }
0x492: {  	[sflag:s29] =	ssyncset.done $0x0  }
0x493: {  	[sflag:s29] =	ssyncadd.s32 $0xFFFFE000  }
0x494: {  	_ =	swait.ge [sflag:s29], $0x2000  }
0x495: {  	[sflag:s29] =	ssyncset.done $0x0  }
0x496: {  	[sflag:s29] =	ssyncadd.s32 $0xFFFFE000  }
0x497: {  	_ =	swait.ge [sflag:s29], $0x2000  }
0x498: {  	[sflag:s29] =	ssyncset.done $0x0  }
0x499: {  	[sflag:s29] =	ssyncadd.s32 $0xFFFFE000  }
0x49a: {  	v3 =	vld [tilespmem:$0xE0];
	_ =	sdelay $0x4  }
0x49b: {  	v4 =	vshll.u32 v3, $0x3  }
0x49c: {  	v3 =	vand.u32 $0x7, v3;
	v4 =	vand.u32 $0xFFFFFFC0, v4  }
0x49d: {  	v3 =	vor.u32 v3, v4  }
0x49e: {  	v4 =	vperm.xlane v3, v0;
	_ =	sdelay $0x1  }
0x49f: {  	v4 =	vadd.s32 v1, v4;
	_ =	sdelay $0x4  }
0x4a0: {  	[tilespmem:s17], [sflag:$0x2] =	stream.indirect_vreg.gather [hbm4b:s1+s8], $0x80, v4, vm0, $0xb8;
	[tilespmem:$0x1E100] =	vst v63  }
0x4a1: {  	s15 =	simm.s32 $0x8900;
	v3 =	vperm.xlane v3, v2  }
0x4a2: {  	[tilespmem:s15], [sflag:$0x2] =	stream.indirect_vreg.gather [hbm4b:s5+s8], $0x80, v4, vm0, $0xb8;
	[tilespmem:$0x1E100] =	vst v63  }
0x4a3: {  	s16 =	simm.s32 $0x9100;
	v3 =	vadd.s32 v1, v3  }
0x4a4: {  	[tilespmem:s16], [sflag:$0x2] =	stream.indirect_vreg.gather [hbm4b:s6+s8], $0x80, v4, vm0, $0xb8;
	[tilespmem:$0x1E100] =	vst v63  }
0x4a5: {  	s10 =	simm.s32 $0x9900  }
0x4a6: {  	[tilespmem:s10], [sflag:$0x2] =	stream.indirect_vreg.gather [hbm4b:s7+s8], $0x80, v4, vm0, $0xb8;
	[tilespmem:$0x1E100] =	vst v63  }
0x4a7: {  	_ = 	snop  }
0x4a8: {  	[tilespmem:s21], [sflag:$0x2] =	stream.indirect_vreg.gather [hbm4b:s1+s8], $0x80, v3, vm0, $0xb8;
	[tilespmem:$0x1E100] =	vst v63  }
0x4a9: {  	s11 =	simm.s32 $0xA900  }
0x4aa: {  	[tilespmem:s11], [sflag:$0x2] =	stream.indirect_vreg.gather [hbm4b:s5+s8], $0x80, v3, vm0, $0xb8;
	[tilespmem:$0x1E100] =	vst v63  }
0x4ab: {  	s15 =	simm.s32 $0xB100  }
0x4ac: {  	[tilespmem:s15], [sflag:$0x2] =	stream.indirect_vreg.gather [hbm4b:s6+s8], $0x80, v3, vm0, $0xb8;
	[tilespmem:$0x1E100] =	vst v63  }
0x4ad: {  	s16 =	simm.s32 $0xB900  }
0x4ae: {  	[tilespmem:s16], [sflag:$0x2] =	stream.indirect_vreg.gather [hbm4b:s7+s8], $0x80, v3, vm0, $0xb8;
	[tilespmem:$0x1E100] =	vst v63  }
0x4af: {  	v3 =	vld [tilespmem:$0xF0];
	_ =	sdelay $0x4  }
0x4b0: {  	v63 =	vshll.u32 v3, $0x3  }
0x4b1: {  	v3 =	vand.u32 $0x7, v3;
	v4 =	vand.u32 $0xFFFFFFC0, v63  }
0x4b2: {  	v3 =	vor.u32 v3, v4  }
0x4b3: {  	v4 =	vperm.xlane v3, v0;
	_ =	sdelay $0x1  }
0x4b4: {  	v4 =	vadd.s32 v1, v4;
	_ =	sdelay $0x4  }
0x4b5: {  	[tilespmem:s26], [sflag:$0x2] =	stream.indirect_vreg.gather [hbm4b:s1+s8], $0x80, v4, vm0, $0xb8;
	[tilespmem:$0x1E100] =	vst v63  }
0x4b6: {  	s10 =	simm.s32 $0xC900;
	v3 =	vperm.xlane v3, v2  }
0x4b7: {  	[tilespmem:s10], [sflag:$0x2] =	stream.indirect_vreg.gather [hbm4b:s5+s8], $0x80, v4, vm0, $0xb8;
	[tilespmem:$0x1E100] =	vst v63  }
0x4b8: {  	s11 =	simm.s32 $0xD100;
	v3 =	vadd.s32 v1, v3  }
0x4b9: {  	[tilespmem:s11], [sflag:$0x2] =	stream.indirect_vreg.gather [hbm4b:s6+s8], $0x80, v4, vm0, $0xb8;
	[tilespmem:$0x1E100] =	vst v63  }
0x4ba: {  	s15 =	simm.s32 $0xD900  }
0x4bb: {  	[tilespmem:s15], [sflag:$0x2] =	stream.indirect_vreg.gather [hbm4b:s7+s8], $0x80, v4, vm0, $0xb8;
	[tilespmem:$0x1E100] =	vst v63  }
0x4bc: {  	_ = 	snop  }
0x4bd: {  	[tilespmem:s0], [sflag:$0x2] =	stream.indirect_vreg.gather [hbm4b:s1+s8], $0x80, v3, vm0, $0xb8;
	[tilespmem:$0x1E100] =	vst v63  }
0x4be: {  	s16 =	simm.s32 $0xE900  }
0x4bf: {  	[tilespmem:s16], [sflag:$0x2] =	stream.indirect_vreg.gather [hbm4b:s5+s8], $0x80, v3, vm0, $0xb8;
	[tilespmem:$0x1E100] =	vst v63  }
0x4c0: {  	s10 =	simm.s32 $0xF100  }
0x4c1: {  	[tilespmem:s10], [sflag:$0x2] =	stream.indirect_vreg.gather [hbm4b:s6+s8], $0x80, v3, vm0, $0xb8;
	[tilespmem:$0x1E100] =	vst v63  }
0x4c2: {  	s11 =	simm.s32 $0xF900  }
0x4c3: {  	[tilespmem:s11], [sflag:$0x2] =	stream.indirect_vreg.gather [hbm4b:s7+s8], $0x80, v3, vm0, $0xb8;
	[tilespmem:$0x1E100] =	vst v63  }
0x4c4: {  	s15 =	rddreg [dreg:$0x13];
	s16 =	simm.s32 $0x1A100  }
0x4c5: {  	[tilespmem:s16], [sflag:$0x5] =	stream.linear.gather [hbm4b:s15+s8], $0x2000, $0x38;
	[tilespmem:$0x1E100] =	vst v63  }
0x4c6: {  	_ =	swait.ge [sflag:s13], $0x8000  }
0x4c7: {  	[sflag:s13] =	ssyncset.done $0x0  }
0x4c8: {  	[sflag:s13] =	ssyncadd.s32 $0xFFFF8000  }
0x4c9: {  	_ =	swait.ge [sflag:s14], $0x2000  }
0x4ca: {  	[sflag:s14] =	ssyncset.done $0x0  }
0x4cb: {  	s9 =	simm.s32 $0x0;
	[sflag:s14] =	ssyncadd.s32 $0xFFFFE000  }
.LBB2_26:
0x4cc: {  	s11 =	sshra.s32 s8, $0x2  }
0x4cd: {  	v4 =	vld [tilespmem:s11+$0x6170]  }
0x4ce: {  	v5 =	vld [tilespmem:s11+$0x100]  }
0x4cf: {  	v3 =	vld [tilespmem:s11+$0x18170]  }
0x4d0: {  	v6 =	vld [tilespmem:s11+$0x2100]  }
0x4d1: {  	v7 =	vld [tilespmem:s11+$0x4100]  }
0x4d2: {  	v8 =	vld [tilespmem:s11+$0x6100]  }
0x4d3: {  	v9 =	vld [tilespmem:s11+$0x110]  }
0x4d4: {  	v10 =	vld [tilespmem:s11+$0x2110]  }
0x4d5: {  	v11 =	vld [tilespmem:s11+$0x4110]  }
0x4d6: {  	v12 =	vld [tilespmem:s11+$0x6110]  }
0x4d7: {  	v13 =	vld [tilespmem:s11+$0x120]  }
0x4d8: {  	v14 =	vld [tilespmem:s11+$0x2120]  }
0x4d9: {  	v15 =	vld [tilespmem:s11+$0x4120]  }
0x4da: {  	v16 =	vld [tilespmem:s11+$0x6120]  }
0x4db: {  	v17 =	vld [tilespmem:s11+$0x130]  }
0x4dc: {  	v18 =	vld [tilespmem:s11+$0x2130]  }
0x4dd: {  	v19 =	vld [tilespmem:s11+$0x4130]  }
0x4de: {  	v20 =	vld [tilespmem:s11+$0x6130]  }
0x4df: {  	v22 =	vld [tilespmem:s11+$0x140]  }
0x4e0: {  	v23 =	vld [tilespmem:s11+$0x2140]  }
0x4e1: {  	v25 =	vld [tilespmem:s11+$0x4140]  }
0x4e2: {  	v26 =	vld [tilespmem:s11+$0x6140]  }
0x4e3: {  	v27 =	vld [tilespmem:s11+$0x150]  }
0x4e4: {  	v28 =	vld [tilespmem:s11+$0x2150];
	v21 =	vmul.f32 $3.200000000e+01, v4;
	v32 =	vmul.f32 $3.200000000e+01, v5  }
0x4e5: {  	v29 =	vld [tilespmem:s11+$0x4150];
	v33 =	vmul.f32 $3.200000000e+01, v6;
	v4 =	vmul.f32 $3.200000000e+01, v7  }
0x4e6: {  	v30 =	vld [tilespmem:s11+$0x6150];
	v6 =	vmul.f32 $3.200000000e+01, v8;
	v5 =	vmul.f32 $3.200000000e+01, v9  }
0x4e7: {  	v31 =	vld [tilespmem:s11+$0x160];
	v7 =	vmul.f32 $3.200000000e+01, v10;
	v8 =	vmul.f32 $3.200000000e+01, v11  }
0x4e8: {  	v34 =	vld [tilespmem:s11+$0x2160];
	v9 =	vmul.f32 $3.200000000e+01, v12;
	v10 =	vmul.f32 $3.200000000e+01, v13  }
0x4e9: {  	v35 =	vld [tilespmem:s11+$0x4160];
	v11 =	vmul.f32 $3.200000000e+01, v14;
	v12 =	vmul.f32 $3.200000000e+01, v15  }
0x4ea: {  	v40 =	vld [tilespmem:s11+$0x170];
	v13 =	vmul.f32 $3.200000000e+01, v16;
	v14 =	vmul.f32 $3.200000000e+01, v17  }
0x4eb: {  	v39 =	vld [tilespmem:s11+$0x6160];
	v18 =	vmul.f32 $3.200000000e+01, v18;
	v16 =	vmul.f32 $3.200000000e+01, v19  }
0x4ec: {  	v42 =	vld [tilespmem:s11+$0x4170];
	v19 =	vmul.f32 $3.200000000e+01, v22;
	v24 =	vmul.f32 $3.200000000e+01, v23  }
0x4ed: {  	v38 =	vld [tilespmem:s11+$0x18100];
	v22 =	vmul.f32 $3.200000000e+01, v25;
	v15 =	vmul.f32 $3.200000000e+01, v26  }
0x4ee: {  	v41 =	vld [tilespmem:s11+$0x2170];
	v23 =	vmul.f32 $3.200000000e+01, v27;
	v17 =	vmul.f32 $3.200000000e+01, v28  }
0x4ef: {  	v37 =	vld [tilespmem:s11+$0x18110];
	v28 =	vmul.f32 $3.200000000e+01, v31;
	v31 =	vmul.f32 $3.200000000e+01, v40  }
0x4f0: {  	v36 =	vld [tilespmem:s11+$0x18120];
	v25 =	vmul.f32 $3.200000000e+01, v29;
	v26 =	vmul.f32 $3.200000000e+01, v34;
	v21 =	vadd.f32 v21, v3  }
0x4f1: {  	v29 =	vmul.f32 $3.200000000e+01, v35;
	v35 =	vld [tilespmem:s11+$0x18130];
	v27 =	vmul.f32 $3.200000000e+01, v39;
	v39 =	vadd.f32 v31, v3  }
0x4f2: {  	v34 =	vld [tilespmem:s11+$0x18140];
	v31 =	vmul.f32 $3.200000000e+01, v42;
	v40 =	vadd.f32 v32, v38;
	[tilespmem:s11+$0x6170] =	vst v21;
	v21 =	vmul.f32 $3.200000000e+01, v20  }
0x4f3: {  	s10 =	simm.s32 $0x0;
	s15 =	sadd.s32 $0x1000, s8;
	v32 =	vadd.f32 v33, v38;
	v33 =	vld [tilespmem:s11+$0x18150];
	v20 =	vmul.f32 $3.200000000e+01, v30;
	v30 =	vmul.f32 $3.200000000e+01, v41  }
.LBB2_27:
0x4f4: {  	s16 =	sshra.s32 s15, $0x2;
	s10 =	sadd.s32 $0x80, s10;
	v4 =	vadd.f32 v4, v38;
	v6 =	vadd.f32 v6, v38;
	v38 =	vld [tilespmem:s11+$0x18160];
	[tilespmem:s11+$0x170] =	vst v39  }
0x4f5: {  	v5 =	vadd.f32 v5, v37;
	v7 =	vadd.f32 v7, v37;
	v39 =	vld [tilespmem:s16+$0x6170];
	p0 =	slt.u32 s10, $0x380;
	[tilespmem:s11+$0x100] =	vst v40  }
0x4f6: {  	v8 =	vadd.f32 v8, v37;
	v9 =	vadd.f32 v9, v37;
	v40 =	vld [tilespmem:s16+$0x100];
	[tilespmem:s11+$0x2100] =	vst v32  }
0x4f7: {  	v37 =	vld [tilespmem:s16+$0x18170];
	[tilespmem:s11+$0x4100] =	vst v4;
	v4 =	vadd.f32 v10, v36;
	v10 =	vadd.f32 v11, v36  }
0x4f8: {  	v12 =	vadd.f32 v12, v36;
	v13 =	vadd.f32 v13, v36;
	v11 =	vld [tilespmem:s16+$0x2100];
	[tilespmem:s11+$0x6100] =	vst v6  }
0x4f9: {  	v14 =	vadd.f32 v14, v35;
	v18 =	vadd.f32 v18, v35;
	v6 =	vld [tilespmem:s16+$0x4100];
	[tilespmem:s11+$0x110] =	vst v5  }
0x4fa: {  	v16 =	vadd.f32 v16, v35;
	v21 =	vadd.f32 v21, v35;
	v5 =	vld [tilespmem:s16+$0x6100];
	v36 =	vmul.f32 $3.200000000e+01, v39;
	[tilespmem:s11+$0x2110] =	vst v7  }
0x4fb: {  	v19 =	vadd.f32 v19, v34;
	v24 =	vadd.f32 v24, v34;
	v32 =	vmul.f32 $3.200000000e+01, v40;
	v7 =	vld [tilespmem:s16+$0x110];
	[tilespmem:s11+$0x4110] =	vst v8  }
0x4fc: {  	v22 =	vadd.f32 v22, v34;
	v8 =	vld [tilespmem:s16+$0x2110];
	v35 =	vadd.f32 v36, v37;
	[tilespmem:s11+$0x6110] =	vst v9  }
0x4fd: {  	v15 =	vadd.f32 v15, v34;
	v23 =	vadd.f32 v23, v33;
	v41 =	vmul.f32 $3.200000000e+01, v11;
	v9 =	vld [tilespmem:s16+$0x4110];
	[tilespmem:s11+$0x120] =	vst v4  }
0x4fe: {  	v17 =	vadd.f32 v17, v33;
	v25 =	vadd.f32 v25, v33;
	v4 =	vmul.f32 $3.200000000e+01, v6;
	v11 =	vld [tilespmem:s16+$0x6110];
	[tilespmem:s16+$0x6170] =	vst v35  }
0x4ff: {  	v20 =	vadd.f32 v20, v33;
	v28 =	vadd.f32 v28, v38;
	v6 =	vmul.f32 $3.200000000e+01, v5;
	v34 =	vld [tilespmem:s16+$0x120];
	[tilespmem:s11+$0x2120] =	vst v10  }
0x500: {  	v26 =	vadd.f32 v26, v38;
	v29 =	vadd.f32 v29, v38;
	v5 =	vmul.f32 $3.200000000e+01, v7;
	v33 =	vld [tilespmem:s16+$0x2120];
	[tilespmem:s11+$0x4120] =	vst v12  }
0x501: {  	v30 =	vadd.f32 v30, v3;
	v27 =	vadd.f32 v27, v38;
	v7 =	vmul.f32 $3.200000000e+01, v8;
	v12 =	vld [tilespmem:s16+$0x4120];
	[tilespmem:s11+$0x6120] =	vst v13  }
0x502: {  	v31 =	vadd.f32 v31, v3;
	v3 =	vmov v37;
	v8 =	vmul.f32 $3.200000000e+01, v9;
	v13 =	vld [tilespmem:s16+$0x6120];
	[tilespmem:s11+$0x130] =	vst v14  }
0x503: {  	v9 =	vmul.f32 $3.200000000e+01, v11;
	v14 =	vld [tilespmem:s16+$0x130];
	[tilespmem:s11+$0x2130] =	vst v18  }
0x504: {  	v10 =	vmul.f32 $3.200000000e+01, v34;
	v18 =	vld [tilespmem:s16+$0x2130];
	[tilespmem:s11+$0x4130] =	vst v16  }
0x505: {  	v11 =	vmul.f32 $3.200000000e+01, v33;
	v16 =	vld [tilespmem:s16+$0x4130];
	[tilespmem:s11+$0x6130] =	vst v21  }
0x506: {  	v12 =	vmul.f32 $3.200000000e+01, v12;
	v21 =	vld [tilespmem:s16+$0x6130];
	[tilespmem:s11+$0x140] =	vst v19  }
0x507: {  	v13 =	vmul.f32 $3.200000000e+01, v13;
	v19 =	vld [tilespmem:s16+$0x140];
	[tilespmem:s11+$0x2140] =	vst v24  }
0x508: {  	v14 =	vmul.f32 $3.200000000e+01, v14;
	v24 =	vld [tilespmem:s16+$0x2140];
	[tilespmem:s11+$0x4140] =	vst v22  }
0x509: {  	v18 =	vmul.f32 $3.200000000e+01, v18;
	v22 =	vld [tilespmem:s16+$0x4140];
	[tilespmem:s11+$0x6140] =	vst v15  }
0x50a: {  	v16 =	vmul.f32 $3.200000000e+01, v16;
	v15 =	vld [tilespmem:s16+$0x6140];
	[tilespmem:s11+$0x150] =	vst v23  }
0x50b: {  	v21 =	vmul.f32 $3.200000000e+01, v21;
	v23 =	vld [tilespmem:s16+$0x150];
	[tilespmem:s11+$0x2150] =	vst v17  }
0x50c: {  	v19 =	vmul.f32 $3.200000000e+01, v19;
	v17 =	vld [tilespmem:s16+$0x2150];
	[tilespmem:s11+$0x4150] =	vst v25  }
0x50d: {  	v24 =	vmul.f32 $3.200000000e+01, v24;
	v25 =	vld [tilespmem:s16+$0x4150];
	[tilespmem:s11+$0x6150] =	vst v20  }
0x50e: {  	v22 =	vmul.f32 $3.200000000e+01, v22;
	v20 =	vld [tilespmem:s16+$0x6150];
	[tilespmem:s11+$0x160] =	vst v28  }
0x50f: {  	v15 =	vmul.f32 $3.200000000e+01, v15;
	v28 =	vld [tilespmem:s16+$0x160];
	[tilespmem:s11+$0x2160] =	vst v26  }
0x510: {  	v23 =	vmul.f32 $3.200000000e+01, v23;
	v26 =	vld [tilespmem:s16+$0x2160];
	[tilespmem:s11+$0x4160] =	vst v29  }
0x511: {  	v17 =	vmul.f32 $3.200000000e+01, v17;
	v29 =	vld [tilespmem:s16+$0x4160];
	[tilespmem:s11+$0x6160] =	vst v27  }
0x512: {  	v25 =	vmul.f32 $3.200000000e+01, v25;
	v27 =	vld [tilespmem:s16+$0x6160];
	[tilespmem:s11+$0x2170] =	vst v30  }
0x513: {  	v20 =	vmul.f32 $3.200000000e+01, v20;
	v30 =	vld [tilespmem:s16+$0x170];
	[tilespmem:s11+$0x4170] =	vst v31;
	s11 =	smov.u32 s16  }
0x514: {  	v28 =	vmul.f32 $3.200000000e+01, v28;
	v31 =	vld [tilespmem:s11+$0x2170]  }
0x515: {  	v26 =	vmul.f32 $3.200000000e+01, v26;
	v33 =	vld [tilespmem:s11+$0x4170]  }
0x516: {  	v38 =	vld [tilespmem:s11+$0x18100];
	v29 =	vmul.f32 $3.200000000e+01, v29  }
.Ltmp12:
0x517: {  	v37 =	vld [tilespmem:s11+$0x18110];
	v27 =	vmul.f32 $3.200000000e+01, v27;
	(pc) =	sbr.rel @p0 .LBB2_27-.Ltmp12, $4  }
0x518: {  	v36 =	vld [tilespmem:s11+$0x18120];
	v39 =	vmul.f32 $3.200000000e+01, v30  }
0x519: {  	v35 =	vld [tilespmem:s11+$0x18130];
	v30 =	vmul.f32 $3.200000000e+01, v31  }
0x51a: {  	v34 =	vld [tilespmem:s11+$0x18140];
	v39 =	vadd.f32 v39, v3;
	v31 =	vmul.f32 $3.200000000e+01, v33  }
0x51b: {  	s15 =	sadd.s32 $0x1000, s15;
	v40 =	vadd.f32 v32, v38;
	v32 =	vadd.f32 v41, v38;
	v33 =	vld [tilespmem:s11+$0x18150]  }
0x51c: {  	[tilespmem:s11+$0x170] =	vst v39  }
0x51d: {  	v4 =	vadd.f32 v4, v38;
	[tilespmem:s11+$0x100] =	vst v40  }
0x51e: {  	v6 =	vadd.f32 v6, v38;
	[tilespmem:s11+$0x2100] =	vst v32  }
0x51f: {  	v5 =	vadd.f32 v5, v37;
	[tilespmem:s11+$0x4100] =	vst v4  }
0x520: {  	v41 =	vadd.f32 v8, v37;
	[tilespmem:s11+$0x6100] =	vst v6  }
0x521: {  	v42 =	vadd.f32 v9, v37;
	[tilespmem:s11+$0x110] =	vst v5  }
0x522: {  	v63 =	vadd.f32 v30, v3;
	[tilespmem:s11+$0x4110] =	vst v41  }
0x523: {  	v3 =	vadd.f32 v31, v3;
	[tilespmem:s11+$0x6110] =	vst v42  }
0x524: {  	v40 =	vadd.f32 v7, v37;
	[tilespmem:s11+$0x2170] =	vst v63  }
0x525: {  	v43 =	vadd.f32 v10, v36;
	[tilespmem:s11+$0x4170] =	vst v3  }
0x526: {  	v44 =	vadd.f32 v11, v36;
	[tilespmem:s11+$0x2110] =	vst v40  }
0x527: {  	v45 =	vadd.f32 v12, v36;
	[tilespmem:s11+$0x120] =	vst v43  }
0x528: {  	v46 =	vadd.f32 v13, v36;
	[tilespmem:s11+$0x2120] =	vst v44  }
0x529: {  	v47 =	vadd.f32 v14, v35;
	[tilespmem:s11+$0x4120] =	vst v45  }
0x52a: {  	v48 =	vadd.f32 v18, v35;
	[tilespmem:s11+$0x6120] =	vst v46  }
0x52b: {  	v49 =	vadd.f32 v16, v35;
	[tilespmem:s11+$0x130] =	vst v47  }
0x52c: {  	v50 =	vadd.f32 v21, v35;
	[tilespmem:s11+$0x2130] =	vst v48  }
0x52d: {  	v51 =	vadd.f32 v19, v34;
	[tilespmem:s11+$0x4130] =	vst v49  }
0x52e: {  	v52 =	vadd.f32 v24, v34;
	[tilespmem:s11+$0x6130] =	vst v50  }
0x52f: {  	v53 =	vadd.f32 v22, v34;
	[tilespmem:s11+$0x140] =	vst v51  }
0x530: {  	v54 =	vld [tilespmem:s11+$0x18160];
	v55 =	vadd.f32 v15, v34;
	[tilespmem:s11+$0x2140] =	vst v52  }
0x531: {  	v56 =	vadd.f32 v23, v33;
	[tilespmem:s11+$0x4140] =	vst v53  }
0x532: {  	v57 =	vadd.f32 v17, v33;
	[tilespmem:s11+$0x6140] =	vst v55  }
0x533: {  	v58 =	vadd.f32 v25, v33;
	[tilespmem:s11+$0x150] =	vst v56  }
0x534: {  	s9 =	sadd.s32 $0x1, s9;
	v59 =	vadd.f32 v20, v33;
	[tilespmem:s11+$0x2150] =	vst v57  }
0x535: {  	p0 =	sne.s32 s9, $0x8;
	v60 =	vadd.f32 v28, v54;
	[tilespmem:s11+$0x4150] =	vst v58  }
.Ltmp13:
0x536: {  	v61 =	vadd.f32 v26, v54;
	[tilespmem:s11+$0x6150] =	vst v59;
	(pc) =	sbr.rel @p0 .LBB2_26-.Ltmp13, $4  }
0x537: {  	v62 =	vadd.f32 v29, v54;
	[tilespmem:s11+$0x160] =	vst v60  }
0x538: {  	v5 =	vadd.f32 v27, v54;
	[tilespmem:s11+$0x2160] =	vst v61  }
0x539: {  	[tilespmem:s11+$0x4160] =	vst v62  }
0x53a: {  	s8 =	sadd.s32 $0x200, s8;
	[tilespmem:s11+$0x6160] =	vst v5  }
0x53b: {  	s9 =	rddreg [dreg:$0x14]  }
0x53c: {  	s8 =	simm.s32 $0x0;
	s11 =	sld [smem:$0x7F8]  }
0x53d: {  	[hbm4b:s9+s8] =	stream.linear.scatter [tilespmem:s25], [sflag:$0x7], $0x2000, $0x38;
	[tilespmem:$0x1E100] =	vst v63  }
0x53e: {  	s15 =	sld [smem:$0x7F9]  }
0x53f: {  	[hbm4b:s11+s8] =	stream.linear.scatter [tilespmem:s30], [sflag:$0x7], $0x2000, $0x38;
	[tilespmem:$0x1E100] =	vst v63  }
0x540: {  	s16 =	sld [smem:$0x7FA]  }
0x541: {  	[hbm4b:s15+s8] =	stream.linear.scatter [tilespmem:s4], [sflag:$0x7], $0x2000, $0x38;
	[tilespmem:$0x1E100] =	vst v63  }
0x542: {  	_ = 	snop  }
0x543: {  	[hbm4b:s16+s8] =	stream.linear.scatter [tilespmem:s12], [sflag:$0x7], $0x2000, $0x38;
	[tilespmem:$0x1E100] =	vst v63  }
0x544: {  	_ =	swait.ge [sflag:s20], $0x8000  }
0x545: {  	[sflag:s20] =	ssyncset.done $0x0  }
0x546: {  	[sflag:s20] =	ssyncadd.s32 $0xFFFF8000  }
0x547: {  	_ =	swait.ge [sflag:s22], $0x2000  }
0x548: {  	[sflag:s22] =	ssyncset.done $0x0  }
0x549: {  	s9 =	simm.s32 $0x0;
	[sflag:s22] =	ssyncadd.s32 $0xFFFFE000  }
.LBB2_30:
0x54a: {  	s11 =	sshra.s32 s8, $0x2  }
0x54b: {  	v4 =	vld [tilespmem:s11+$0xE170]  }
0x54c: {  	v5 =	vld [tilespmem:s11+$0x8100]  }
0x54d: {  	v3 =	vld [tilespmem:s11+$0x1A170]  }
0x54e: {  	v6 =	vld [tilespmem:s11+$0xA100]  }
0x54f: {  	v7 =	vld [tilespmem:s11+$0xC100]  }
0x550: {  	v8 =	vld [tilespmem:s11+$0xE100]  }
0x551: {  	v9 =	vld [tilespmem:s11+$0x8110]  }
0x552: {  	v10 =	vld [tilespmem:s11+$0xA110]  }
0x553: {  	v11 =	vld [tilespmem:s11+$0xC110]  }
0x554: {  	v12 =	vld [tilespmem:s11+$0xE110]  }
0x555: {  	v13 =	vld [tilespmem:s11+$0x8120]  }
0x556: {  	v14 =	vld [tilespmem:s11+$0xA120]  }
0x557: {  	v15 =	vld [tilespmem:s11+$0xC120]  }
0x558: {  	v16 =	vld [tilespmem:s11+$0xE120]  }
0x559: {  	v17 =	vld [tilespmem:s11+$0x8130]  }
0x55a: {  	v18 =	vld [tilespmem:s11+$0xA130]  }
0x55b: {  	v19 =	vld [tilespmem:s11+$0xC130]  }
0x55c: {  	v20 =	vld [tilespmem:s11+$0xE130]  }
0x55d: {  	v22 =	vld [tilespmem:s11+$0x8140]  }
0x55e: {  	v23 =	vld [tilespmem:s11+$0xA140]  }
0x55f: {  	v25 =	vld [tilespmem:s11+$0xC140]  }
0x560: {  	v26 =	vld [tilespmem:s11+$0xE140]  }
0x561: {  	v27 =	vld [tilespmem:s11+$0x8150]  }
0x562: {  	v28 =	vld [tilespmem:s11+$0xA150];
	v21 =	vmul.f32 $3.200000000e+01, v4;
	v32 =	vmul.f32 $3.200000000e+01, v5  }
0x563: {  	v29 =	vld [tilespmem:s11+$0xC150];
	v33 =	vmul.f32 $3.200000000e+01, v6;
	v4 =	vmul.f32 $3.200000000e+01, v7  }
0x564: {  	v30 =	vld [tilespmem:s11+$0xE150];
	v6 =	vmul.f32 $3.200000000e+01, v8;
	v5 =	vmul.f32 $3.200000000e+01, v9  }
0x565: {  	v31 =	vld [tilespmem:s11+$0x8160];
	v7 =	vmul.f32 $3.200000000e+01, v10;
	v8 =	vmul.f32 $3.200000000e+01, v11  }
0x566: {  	v34 =	vld [tilespmem:s11+$0xA160];
	v9 =	vmul.f32 $3.200000000e+01, v12;
	v10 =	vmul.f32 $3.200000000e+01, v13  }
0x567: {  	v35 =	vld [tilespmem:s11+$0xC160];
	v11 =	vmul.f32 $3.200000000e+01, v14;
	v12 =	vmul.f32 $3.200000000e+01, v15  }
0x568: {  	v40 =	vld [tilespmem:s11+$0x8170];
	v13 =	vmul.f32 $3.200000000e+01, v16;
	v14 =	vmul.f32 $3.200000000e+01, v17  }
0x569: {  	v39 =	vld [tilespmem:s11+$0xE160];
	v18 =	vmul.f32 $3.200000000e+01, v18;
	v16 =	vmul.f32 $3.200000000e+01, v19  }
0x56a: {  	v42 =	vld [tilespmem:s11+$0xC170];
	v19 =	vmul.f32 $3.200000000e+01, v22;
	v24 =	vmul.f32 $3.200000000e+01, v23  }
0x56b: {  	v38 =	vld [tilespmem:s11+$0x1A100];
	v22 =	vmul.f32 $3.200000000e+01, v25;
	v15 =	vmul.f32 $3.200000000e+01, v26  }
0x56c: {  	v41 =	vld [tilespmem:s11+$0xA170];
	v23 =	vmul.f32 $3.200000000e+01, v27;
	v17 =	vmul.f32 $3.200000000e+01, v28  }
0x56d: {  	v37 =	vld [tilespmem:s11+$0x1A110];
	v28 =	vmul.f32 $3.200000000e+01, v31;
	v31 =	vmul.f32 $3.200000000e+01, v40  }
0x56e: {  	v36 =	vld [tilespmem:s11+$0x1A120];
	v25 =	vmul.f32 $3.200000000e+01, v29;
	v26 =	vmul.f32 $3.200000000e+01, v34;
	v21 =	vadd.f32 v21, v3  }
0x56f: {  	v29 =	vmul.f32 $3.200000000e+01, v35;
	v35 =	vld [tilespmem:s11+$0x1A130];
	v27 =	vmul.f32 $3.200000000e+01, v39;
	v39 =	vadd.f32 v31, v3  }
0x570: {  	v34 =	vld [tilespmem:s11+$0x1A140];
	v31 =	vmul.f32 $3.200000000e+01, v42;
	v40 =	vadd.f32 v32, v38;
	[tilespmem:s11+$0xE170] =	vst v21;
	v21 =	vmul.f32 $3.200000000e+01, v20  }
0x571: {  	s10 =	simm.s32 $0x0;
	s15 =	sadd.s32 $0x1000, s8;
	v32 =	vadd.f32 v33, v38;
	v33 =	vld [tilespmem:s11+$0x1A150];
	v20 =	vmul.f32 $3.200000000e+01, v30;
	v30 =	vmul.f32 $3.200000000e+01, v41  }
.LBB2_31:
0x572: {  	s16 =	sshra.s32 s15, $0x2;
	s10 =	sadd.s32 $0x80, s10;
	v4 =	vadd.f32 v4, v38;
	v6 =	vadd.f32 v6, v38;
	v38 =	vld [tilespmem:s11+$0x1A160];
	[tilespmem:s11+$0x8170] =	vst v39  }
0x573: {  	v5 =	vadd.f32 v5, v37;
	v7 =	vadd.f32 v7, v37;
	v39 =	vld [tilespmem:s16+$0xE170];
	p0 =	slt.u32 s10, $0x380;
	[tilespmem:s11+$0x8100] =	vst v40  }
0x574: {  	v8 =	vadd.f32 v8, v37;
	v9 =	vadd.f32 v9, v37;
	v40 =	vld [tilespmem:s16+$0x8100];
	[tilespmem:s11+$0xA100] =	vst v32  }
0x575: {  	v37 =	vld [tilespmem:s16+$0x1A170];
	[tilespmem:s11+$0xC100] =	vst v4;
	v4 =	vadd.f32 v10, v36;
	v10 =	vadd.f32 v11, v36  }
0x576: {  	v12 =	vadd.f32 v12, v36;
	v13 =	vadd.f32 v13, v36;
	v11 =	vld [tilespmem:s16+$0xA100];
	[tilespmem:s11+$0xE100] =	vst v6  }
0x577: {  	v14 =	vadd.f32 v14, v35;
	v18 =	vadd.f32 v18, v35;
	v6 =	vld [tilespmem:s16+$0xC100];
	[tilespmem:s11+$0x8110] =	vst v5  }
0x578: {  	v16 =	vadd.f32 v16, v35;
	v21 =	vadd.f32 v21, v35;
	v5 =	vld [tilespmem:s16+$0xE100];
	v36 =	vmul.f32 $3.200000000e+01, v39;
	[tilespmem:s11+$0xA110] =	vst v7  }
0x579: {  	v19 =	vadd.f32 v19, v34;
	v24 =	vadd.f32 v24, v34;
	v32 =	vmul.f32 $3.200000000e+01, v40;
	v7 =	vld [tilespmem:s16+$0x8110];
	[tilespmem:s11+$0xC110] =	vst v8  }
0x57a: {  	v22 =	vadd.f32 v22, v34;
	v8 =	vld [tilespmem:s16+$0xA110];
	v35 =	vadd.f32 v36, v37;
	[tilespmem:s11+$0xE110] =	vst v9  }
0x57b: {  	v15 =	vadd.f32 v15, v34;
	v23 =	vadd.f32 v23, v33;
	v41 =	vmul.f32 $3.200000000e+01, v11;
	v9 =	vld [tilespmem:s16+$0xC110];
	[tilespmem:s11+$0x8120] =	vst v4  }
0x57c: {  	v17 =	vadd.f32 v17, v33;
	v25 =	vadd.f32 v25, v33;
	v4 =	vmul.f32 $3.200000000e+01, v6;
	v11 =	vld [tilespmem:s16+$0xE110];
	[tilespmem:s16+$0xE170] =	vst v35  }
0x57d: {  	v20 =	vadd.f32 v20, v33;
	v28 =	vadd.f32 v28, v38;
	v6 =	vmul.f32 $3.200000000e+01, v5;
	v34 =	vld [tilespmem:s16+$0x8120];
	[tilespmem:s11+$0xA120] =	vst v10  }
0x57e: {  	v26 =	vadd.f32 v26, v38;
	v29 =	vadd.f32 v29, v38;
	v5 =	vmul.f32 $3.200000000e+01, v7;
	v33 =	vld [tilespmem:s16+$0xA120];
	[tilespmem:s11+$0xC120] =	vst v12  }
0x57f: {  	v30 =	vadd.f32 v30, v3;
	v27 =	vadd.f32 v27, v38;
	v7 =	vmul.f32 $3.200000000e+01, v8;
	v12 =	vld [tilespmem:s16+$0xC120];
	[tilespmem:s11+$0xE120] =	vst v13  }
0x580: {  	v31 =	vadd.f32 v31, v3;
	v3 =	vmov v37;
	v8 =	vmul.f32 $3.200000000e+01, v9;
	v13 =	vld [tilespmem:s16+$0xE120];
	[tilespmem:s11+$0x8130] =	vst v14  }
0x581: {  	v9 =	vmul.f32 $3.200000000e+01, v11;
	v14 =	vld [tilespmem:s16+$0x8130];
	[tilespmem:s11+$0xA130] =	vst v18  }
0x582: {  	v10 =	vmul.f32 $3.200000000e+01, v34;
	v18 =	vld [tilespmem:s16+$0xA130];
	[tilespmem:s11+$0xC130] =	vst v16  }
0x583: {  	v11 =	vmul.f32 $3.200000000e+01, v33;
	v16 =	vld [tilespmem:s16+$0xC130];
	[tilespmem:s11+$0xE130] =	vst v21  }
0x584: {  	v12 =	vmul.f32 $3.200000000e+01, v12;
	v21 =	vld [tilespmem:s16+$0xE130];
	[tilespmem:s11+$0x8140] =	vst v19  }
0x585: {  	v13 =	vmul.f32 $3.200000000e+01, v13;
	v19 =	vld [tilespmem:s16+$0x8140];
	[tilespmem:s11+$0xA140] =	vst v24  }
0x586: {  	v14 =	vmul.f32 $3.200000000e+01, v14;
	v24 =	vld [tilespmem:s16+$0xA140];
	[tilespmem:s11+$0xC140] =	vst v22  }
0x587: {  	v18 =	vmul.f32 $3.200000000e+01, v18;
	v22 =	vld [tilespmem:s16+$0xC140];
	[tilespmem:s11+$0xE140] =	vst v15  }
0x588: {  	v16 =	vmul.f32 $3.200000000e+01, v16;
	v15 =	vld [tilespmem:s16+$0xE140];
	[tilespmem:s11+$0x8150] =	vst v23  }
0x589: {  	v21 =	vmul.f32 $3.200000000e+01, v21;
	v23 =	vld [tilespmem:s16+$0x8150];
	[tilespmem:s11+$0xA150] =	vst v17  }
0x58a: {  	v19 =	vmul.f32 $3.200000000e+01, v19;
	v17 =	vld [tilespmem:s16+$0xA150];
	[tilespmem:s11+$0xC150] =	vst v25  }
0x58b: {  	v24 =	vmul.f32 $3.200000000e+01, v24;
	v25 =	vld [tilespmem:s16+$0xC150];
	[tilespmem:s11+$0xE150] =	vst v20  }
0x58c: {  	v22 =	vmul.f32 $3.200000000e+01, v22;
	v20 =	vld [tilespmem:s16+$0xE150];
	[tilespmem:s11+$0x8160] =	vst v28  }
0x58d: {  	v15 =	vmul.f32 $3.200000000e+01, v15;
	v28 =	vld [tilespmem:s16+$0x8160];
	[tilespmem:s11+$0xA160] =	vst v26  }
0x58e: {  	v23 =	vmul.f32 $3.200000000e+01, v23;
	v26 =	vld [tilespmem:s16+$0xA160];
	[tilespmem:s11+$0xC160] =	vst v29  }
0x58f: {  	v17 =	vmul.f32 $3.200000000e+01, v17;
	v29 =	vld [tilespmem:s16+$0xC160];
	[tilespmem:s11+$0xE160] =	vst v27  }
0x590: {  	v25 =	vmul.f32 $3.200000000e+01, v25;
	v27 =	vld [tilespmem:s16+$0xE160];
	[tilespmem:s11+$0xA170] =	vst v30  }
0x591: {  	v20 =	vmul.f32 $3.200000000e+01, v20;
	v30 =	vld [tilespmem:s16+$0x8170];
	[tilespmem:s11+$0xC170] =	vst v31;
	s11 =	smov.u32 s16  }
0x592: {  	v28 =	vmul.f32 $3.200000000e+01, v28;
	v31 =	vld [tilespmem:s11+$0xA170]  }
0x593: {  	v26 =	vmul.f32 $3.200000000e+01, v26;
	v33 =	vld [tilespmem:s11+$0xC170]  }
0x594: {  	v38 =	vld [tilespmem:s11+$0x1A100];
	v29 =	vmul.f32 $3.200000000e+01, v29  }
.Ltmp14:
0x595: {  	v37 =	vld [tilespmem:s11+$0x1A110];
	v27 =	vmul.f32 $3.200000000e+01, v27;
	(pc) =	sbr.rel @p0 .LBB2_31-.Ltmp14, $4  }
0x596: {  	v36 =	vld [tilespmem:s11+$0x1A120];
	v39 =	vmul.f32 $3.200000000e+01, v30  }
0x597: {  	v35 =	vld [tilespmem:s11+$0x1A130];
	v30 =	vmul.f32 $3.200000000e+01, v31  }
0x598: {  	v34 =	vld [tilespmem:s11+$0x1A140];
	v39 =	vadd.f32 v39, v3;
	v31 =	vmul.f32 $3.200000000e+01, v33  }
0x599: {  	s15 =	sadd.s32 $0x1000, s15;
	v40 =	vadd.f32 v32, v38;
	v32 =	vadd.f32 v41, v38;
	v33 =	vld [tilespmem:s11+$0x1A150]  }
0x59a: {  	[tilespmem:s11+$0x8170] =	vst v39  }
0x59b: {  	v4 =	vadd.f32 v4, v38;
	[tilespmem:s11+$0x8100] =	vst v40  }
0x59c: {  	v6 =	vadd.f32 v6, v38;
	[tilespmem:s11+$0xA100] =	vst v32  }
0x59d: {  	v5 =	vadd.f32 v5, v37;
	[tilespmem:s11+$0xC100] =	vst v4  }
0x59e: {  	v41 =	vadd.f32 v8, v37;
	[tilespmem:s11+$0xE100] =	vst v6  }
0x59f: {  	v42 =	vadd.f32 v9, v37;
	[tilespmem:s11+$0x8110] =	vst v5  }
0x5a0: {  	v63 =	vadd.f32 v30, v3;
	[tilespmem:s11+$0xC110] =	vst v41  }
0x5a1: {  	v3 =	vadd.f32 v31, v3;
	[tilespmem:s11+$0xE110] =	vst v42  }
0x5a2: {  	v40 =	vadd.f32 v7, v37;
	[tilespmem:s11+$0xA170] =	vst v63  }
0x5a3: {  	v43 =	vadd.f32 v10, v36;
	[tilespmem:s11+$0xC170] =	vst v3  }
0x5a4: {  	v44 =	vadd.f32 v11, v36;
	[tilespmem:s11+$0xA110] =	vst v40  }
0x5a5: {  	v45 =	vadd.f32 v12, v36;
	[tilespmem:s11+$0x8120] =	vst v43  }
0x5a6: {  	v46 =	vadd.f32 v13, v36;
	[tilespmem:s11+$0xA120] =	vst v44  }
0x5a7: {  	v47 =	vadd.f32 v14, v35;
	[tilespmem:s11+$0xC120] =	vst v45  }
0x5a8: {  	v48 =	vadd.f32 v18, v35;
	[tilespmem:s11+$0xE120] =	vst v46  }
0x5a9: {  	v49 =	vadd.f32 v16, v35;
	[tilespmem:s11+$0x8130] =	vst v47  }
0x5aa: {  	v50 =	vadd.f32 v21, v35;
	[tilespmem:s11+$0xA130] =	vst v48  }
0x5ab: {  	v51 =	vadd.f32 v19, v34;
	[tilespmem:s11+$0xC130] =	vst v49  }
0x5ac: {  	v52 =	vadd.f32 v24, v34;
	[tilespmem:s11+$0xE130] =	vst v50  }
0x5ad: {  	v53 =	vadd.f32 v22, v34;
	[tilespmem:s11+$0x8140] =	vst v51  }
0x5ae: {  	v54 =	vld [tilespmem:s11+$0x1A160];
	v55 =	vadd.f32 v15, v34;
	[tilespmem:s11+$0xA140] =	vst v52  }
0x5af: {  	v56 =	vadd.f32 v23, v33;
	[tilespmem:s11+$0xC140] =	vst v53  }
0x5b0: {  	v57 =	vadd.f32 v17, v33;
	[tilespmem:s11+$0xE140] =	vst v55  }
0x5b1: {  	v58 =	vadd.f32 v25, v33;
	[tilespmem:s11+$0x8150] =	vst v56  }
0x5b2: {  	s9 =	sadd.s32 $0x1, s9;
	v59 =	vadd.f32 v20, v33;
	[tilespmem:s11+$0xA150] =	vst v57  }
0x5b3: {  	p0 =	sne.s32 s9, $0x8;
	v60 =	vadd.f32 v28, v54;
	[tilespmem:s11+$0xC150] =	vst v58  }
.Ltmp15:
0x5b4: {  	v61 =	vadd.f32 v26, v54;
	[tilespmem:s11+$0xE150] =	vst v59;
	(pc) =	sbr.rel @p0 .LBB2_30-.Ltmp15, $4  }
0x5b5: {  	v62 =	vadd.f32 v29, v54;
	[tilespmem:s11+$0x8160] =	vst v60  }
0x5b6: {  	v5 =	vadd.f32 v27, v54;
	[tilespmem:s11+$0xA160] =	vst v61  }
0x5b7: {  	[tilespmem:s11+$0xC160] =	vst v62  }
0x5b8: {  	s8 =	sadd.s32 $0x200, s8;
	[tilespmem:s11+$0xE160] =	vst v5  }
0x5b9: {  	s8 =	rddreg [dreg:$0x15]  }
0x5ba: {  	s10 =	sld [smem:$0x7FB]  }
0x5bb: {  	[hbm4b:s8+s3] =	stream.linear.scatter [tilespmem:s17], [sflag:$0x8], $0x2000, $0x38;
	[tilespmem:$0x1E100] =	vst v63  }
0x5bc: {  	s11 =	sld [smem:$0x7FC]  }
0x5bd: {  	[hbm4b:s10+s3] =	stream.linear.scatter [tilespmem:s21], [sflag:$0x8], $0x2000, $0x38;
	[tilespmem:$0x1E100] =	vst v63  }
0x5be: {  	s15 =	sld [smem:$0x7FD]  }
0x5bf: {  	[hbm4b:s11+s3] =	stream.linear.scatter [tilespmem:s26], [sflag:$0x8], $0x2000, $0x38;
	[tilespmem:$0x1E100] =	vst v63  }
0x5c0: {  	_ = 	snop  }
0x5c1: {  	[hbm4b:s15+s3] =	stream.linear.scatter [tilespmem:s0], [sflag:$0x8], $0x2000, $0x38;
	[tilespmem:$0x1E100] =	vst v63  }
0x5c2: {  	_ =	swait.ge [sflag:s23], $0x2000  }
0x5c3: {  	[sflag:s23] =	ssyncset.done $0x0  }
0x5c4: {  	[sflag:s23] =	ssyncadd.s32 $0xFFFFE000  }
0x5c5: {  	_ =	swait.ge [sflag:s23], $0x2000  }
0x5c6: {  	[sflag:s23] =	ssyncset.done $0x0  }
0x5c7: {  	[sflag:s23] =	ssyncadd.s32 $0xFFFFE000  }
0x5c8: {  	_ =	swait.ge [sflag:s23], $0x2000  }
0x5c9: {  	[sflag:s23] =	ssyncset.done $0x0  }
0x5ca: {  	[sflag:s23] =	ssyncadd.s32 $0xFFFFE000  }
0x5cb: {  	_ =	swait.ge [sflag:s23], $0x2000  }
0x5cc: {  	[sflag:s23] =	ssyncset.done $0x0  }
0x5cd: {  	[sflag:s23] =	ssyncadd.s32 $0xFFFFE000  }
0x5ce: {  	_ =	swait.ge [sflag:s29], $0x2000  }
0x5cf: {  	[sflag:s29] =	ssyncset.done $0x0  }
0x5d0: {  	[sflag:s29] =	ssyncadd.s32 $0xFFFFE000  }
0x5d1: {  	_ =	swait.ge [sflag:s29], $0x2000  }
0x5d2: {  	[sflag:s29] =	ssyncset.done $0x0  }
0x5d3: {  	[sflag:s29] =	ssyncadd.s32 $0xFFFFE000  }
0x5d4: {  	_ =	swait.ge [sflag:s29], $0x2000  }
0x5d5: {  	[sflag:s29] =	ssyncset.done $0x0  }
0x5d6: {  	[sflag:s29] =	ssyncadd.s32 $0xFFFFE000  }
0x5d7: {  	_ =	swait.ge [sflag:s29], $0x2000  }
0x5d8: {  	s2 =	sadd.s32 $0x1, s2;
	s16 =	rddreg [dreg:$0x17]  }
0x5d9: {  	p0 =	sne.s32 s2, s16  }
.Ltmp16:
0x5da: {  	_ = 	snop;
	(pc) =	sbr.rel @p0 .LBB2_1-.Ltmp16, $3  }
0x5db: {  	_ =	sdelay $0x1  }
0x5dc: {  	[sflag:s29] =	ssyncset.done $0x0  }
0x5dd: {  	[sflag:s29] =	ssyncadd.s32 $0xFFFFE000  }
0x5de: {  	_ =	sfence.sel $0x180000  }
0x5df: {  	[bflag:$0x0] =	sbarrier.arrive $0xFFFF  }
0x5e0: {  	_ =	strace $0x90000047  }
0x5e1: {  	s0 =	stileid.u32;
	[bflag:$0x2] =	sbarrier.arrive $0xFFFF  }
0x5e2: {  	p0 =	sne.s32 s0, $0x0;
	s0 =	rddreg [dreg:$0x4]  }
0x5e3: {  	s0 =	sadd.s32 @!p0 $0x100000, s0  }
0x5e4: {  	[sflag:s0] =	ssyncadd.tile.s32 @!p0 $0x1;
	_ =	shalt  }
.Lfunc_end2:
_tile_overlayer_lowered:
.L_overlay_start_2:
0x5e5: {  	(tag) =	ssettag $0x2  }
0x5e6: {  	s0 =	rddreg [dreg:$0x0];
	s2 =	stileid.u32  }
0x5e7: {  	s1 =	rddreg [dreg:$0x1];
	p0 =	sne.s32 s2, $0x0  }
0x5e8: {  	s3 =	rddreg [dreg:$0x2];
	[bflag:$0x3] =	sbarrier.arrive $0xFFFF;
	s2 =	simm.s32 @!p0 $0x1C0A  }
0x5e9: {  	[timem:s3], [sflag:s2] =	dma.local @!p0 [hbm:s0], s1  }
0x5ea: {  	s0 =	simm.s32 @!p0 $0xA  }
0x5eb: {  	_ =	swait.ge @!p0 [sflag:s0], s1  }
0x5ec: {  	s1 =	ssub.s32 @!p0 $0x0, s1;
	[sflag:s0] =	ssyncset.done @!p0 $0x0  }
0x5ed: {  	[sflag:s0] =	ssyncadd.s32 @!p0 s1  }
0x5ee: {  	[bflag:$0x3] =	sbarrier.arrive $0xFFFF  }
0x5ef: {  	_ =	shalt  }

</sc_bundles>
